<compile_context>
chip_gen: v7x
topology: tpu7x:2x2x1
jax: 0.10.2.dev20260603
libtpu: 0.0.44.dev20260713+nightly
codegen_flags: <defaults>
</compile_context>

<pallas_src>
import functools

import jax
import jax.numpy as jnp
from jax import lax
from jax.experimental import pallas as pl
from jax.experimental.pallas import tpu as pltpu
from jax.experimental.pallas import tpu_sc as plsc

K = 16
RB = 128
TC_CB = 256
SC_SCH = 128
SC_CHANNELS = 512


def _bitonic_merge(vals, desc):
    n = len(vals)
    if n == 1:
        return vals
    half = n // 2
    out = list(vals)
    for i in range(half):
        hi = jnp.maximum(vals[i], vals[i + half])
        lo = jnp.minimum(vals[i], vals[i + half])
        if desc:
            out[i], out[i + half] = hi, lo
        else:
            out[i], out[i + half] = lo, hi
    return _bitonic_merge(out[:half], desc) + _bitonic_merge(out[half:], desc)


def _oe_merge(a, b, desc):
    if len(a) == 1 and len(b) == 1:
        hi = jnp.maximum(a[0], b[0])
        lo = jnp.minimum(a[0], b[0])
        return [hi, lo] if desc else [lo, hi]
    even = _oe_merge(a[0::2], b[0::2], desc)
    odd = _oe_merge(a[1::2], b[1::2], desc)
    out = [even[0]]
    for i in range(len(odd) - 1):
        hi = jnp.maximum(odd[i], even[i + 1])
        lo = jnp.minimum(odd[i], even[i + 1])
        if desc:
            out.extend([hi, lo])
        else:
            out.extend([lo, hi])
    out.append(odd[-1])
    return out


def _oe_sort(vals, desc):
    n = len(vals)
    if n == 1:
        return vals
    half = n // 2
    return _oe_merge(_oe_sort(vals[:half], desc), _oe_sort(vals[half:], desc), desc)


def _merge_topk(acc, vals):
    merged = [jnp.maximum(acc[j], vals[K - 1 - j]) for j in range(K)]
    return _bitonic_merge(merged, True)



def _tc_body(x_ref, o_ref):
    s = x_ref.shape[1]
    cb = x_ref.shape[2]
    n_chunks = s // RB

    def body(i, acc):
        chunk = x_ref[0, pl.ds(i * RB, RB), :]
        c3 = chunk.reshape(K, 8, cb)
        vals = _oe_sort([c3[j] for j in range(K)], True)
        return tuple(_merge_topk(acc, vals))

    acc0 = tuple(jnp.full((8, cb), -jnp.inf, jnp.float32) for _ in range(K))
    acc = lax.fori_loop(0, n_chunks, body, acc0, unroll=4)

    lists = list(acc)
    w = 8
    while w > 1:
        half = w // 2
        a = [v[:half] for v in lists]
        b = [v[half:] for v in lists]
        merged = [jnp.maximum(a[j], b[K - 1 - j]) for j in range(K)]
        lists = _bitonic_merge(merged, True)
        w = half
    o_ref[0] = jnp.concatenate(lists, axis=0)


def _tc_topk(inputs, c_lo, c_hi, s_lo=0):
    b, s, c = inputs.shape
    cb = min(c_hi - c_lo, TC_CB)
    off = c_lo // cb
    sb = s - s_lo
    soff = s_lo // sb
    grid = (b, (c_hi - c_lo) // cb)
    return pl.pallas_call(
        _tc_body,
        grid=grid,
        in_specs=[pl.BlockSpec((1, sb, cb), lambda i, j: (i, soff, j + off))],
        out_specs=pl.BlockSpec((1, K, cb), lambda i, j: (i, 0, j)),
        out_shape=jax.ShapeDtypeStruct((b, K, c_hi - c_lo), jnp.float32),
    )(inputs)



def _make_sc_topk(B, S_sc, C, c_base, c_span):
    NW = 32
    n_slices = c_span // 128
    sh = NW // (B * n_slices)
    rows = S_sc // sh
    n_chunks = rows // SC_SCH
    mesh = plsc.VectorSubcoreMesh(core_axis_name="c", subcore_axis_name="s",
                                  num_cores=2, num_subcores=16)

    @functools.partial(
        pl.kernel,
        out_type=jax.ShapeDtypeStruct((B, n_slices, sh, K, 128), jnp.float32),
        mesh=mesh,
        scratch_types=[
            pltpu.VMEM((2, SC_SCH, 128), jnp.float32),
            pltpu.VMEM((K, 128), jnp.float32),
            pltpu.SemaphoreType.DMA,
            pltpu.SemaphoreType.DMA,
        ],
    )
    def sc_topk(x_hbm, out_hbm, bufs, accb, sem0, sem1):
        wid = lax.axis_index("s") * 2 + lax.axis_index("c")
        sid = wid // sh
        half = wid % sh
        b = sid // n_slices
        sl = sid % n_slices
        c0 = c_base + sl * 128
        r0 = half * rows

        def src(chunk):
            return x_hbm.at[b, pl.ds(r0 + chunk * SC_SCH, SC_SCH),
                            pl.ds(c0, 128)]

        pltpu.async_copy(src(0), bufs.at[0], sem0)

        neg = jnp.full((16,), -jnp.inf, dtype=jnp.float32)

        def init_g(g, _):
            for j in range(K):
                accb[j, pl.ds(g * 16, 16)] = neg
            return 0

        lax.fori_loop(0, 128 // 16, init_g, 0)

        sems = (sem0, sem1)

        def compute(buf):
            def g_body(g, _):
                gs = g * 16
                acc = tuple(accb[j, pl.ds(gs, 16)] for j in range(K))

                def s_body(sub, acc):
                    base = sub * 16
                    vals = [buf[base + r, pl.ds(gs, 16)] for r in range(K)]
                    return tuple(_merge_topk(acc, _oe_sort(vals, True)))

                acc = lax.fori_loop(0, SC_SCH // 16, s_body, acc)
                for j in range(K):
                    accb[j, pl.ds(gs, 16)] = acc[j]
                return 0

            lax.fori_loop(0, 128 // 16, g_body, 0)

        def outer(i2, _):
            for parity in range(2):
                chunk = i2 * 2 + parity
                pltpu.make_async_copy(src(chunk), bufs.at[parity],
                                      sems[parity]).wait()

                @pl.when(chunk + 1 < n_chunks)
                def _start_next():
                    pltpu.async_copy(src(chunk + 1), bufs.at[1 - parity],
                                     sems[1 - parity])

                compute(bufs.at[parity])
            return 0

        lax.fori_loop(0, n_chunks // 2, outer, 0)
        pltpu.sync_copy(accb, out_hbm.at[b, sl, half])

    return sc_topk


def _sc_merge_body(p_ref, o_ref):
    n_slices, sh = p_ref.shape[1], p_ref.shape[2]
    for sl in range(n_slices):
        lists = [p_ref[0, sl, 0, i, :] for i in range(K)]
        for h in range(1, sh):
            bv = [p_ref[0, sl, h, i, :] for i in range(K)]
            merged = [jnp.maximum(lists[i], bv[K - 1 - i]) for i in range(K)]
            lists = _bitonic_merge(merged, True)
        o_ref[0, :, pl.ds(sl * 128, 128)] = jnp.stack(lists, axis=0)


def _sc_merge(partials):
    b, n_slices, sh, k, w = partials.shape
    return pl.pallas_call(
        _sc_merge_body,
        grid=(b,),
        in_specs=[
            pl.BlockSpec((1, n_slices, sh, k, w), lambda i: (i, 0, 0, 0, 0)),
        ],
        out_specs=pl.BlockSpec((1, k, n_slices * w), lambda i: (i, 0, 0)),
        out_shape=jax.ShapeDtypeStruct((b, k, n_slices * w), jnp.float32),
    )(partials)



def kernel(inputs):
    b, s, c = inputs.shape
    c_tc = c - SC_CHANNELS
    parts = []
    if c_tc > 0:
        parts.append(_tc_topk(inputs, 0, c_tc))
    if c_tc < c:
        partials = _make_sc_topk(b, s, c, c_tc, c - c_tc)(inputs)
        parts.append(_sc_merge(partials))
    out = parts[0] if len(parts) == 1 else jnp.concatenate(parts, axis=2)
    return jnp.transpose(out, (0, 2, 1)).reshape(b, c * K)

# --- scband reference (transcript-rebuilt; emitter-appended) ---
"""Pipeline reference for scband-kmax-pooling-12790412607943 (READ-ONLY COPY).

The authoritative reference and input builder live on the scoring server;
editing this copy changes nothing except your own understanding.
"""

import jax, jax.numpy as jnp
import numpy as np

K_TOP = 16

def setup_inputs(seed: int = 0) -> dict:
    key = jax.random.key(seed)
    inputs = jax.random.normal(key, (4, 8192, 2048), dtype=jnp.float32)
    return {"inputs": inputs}

def reference(inputs):
    # KMaxPooling: transpose to [B, C, S], take top-k along last dim (sorted), flatten
    shifted_input = jnp.transpose(inputs, (0, 2, 1))  # [B, C, S]
    top_k_vals, _ = jax.lax.top_k(shifted_input, K_TOP)  # [B, C, k], sorted descending
    out = top_k_vals.reshape(top_k_vals.shape[0], -1)  # [B, C*k]
    return out

if __name__ == "__main__":
    import jax
    _d = setup_inputs()
    print(jax.jit(kernel)(*tuple(_d.values())))

</pallas_src>

<mosaic_0001>
#map = affine_map<(d0, d1) -> (0, 0, 0)>
#map1 = affine_map<(d0, d1) -> (0, 0, 0, 0, 0)>
module attributes {stable_mosaic.version = 14 : i64} {
  func.func @sc_topk(%arg0: i32, %arg1: i32, %arg2: memref<4x8192x2048xf32, #tpu.memory_space<hbm>>, %arg3: memref<4x4x2x16x128xf32, #tpu.memory_space<hbm>>, %arg4: memref<2x128x128xf32, #tpu.memory_space<vmem>>, %arg5: memref<16x128xf32, #tpu.memory_space<vmem>>, %arg6: memref<!tpu.dma_semaphore, #tpu.memory_space<semaphore_mem>>, %arg7: memref<!tpu.dma_semaphore, #tpu.memory_space<semaphore_mem>>) attributes {dimension_semantics = [#tpu.dimension_semantics<core_parallel>, #tpu.dimension_semantics<subcore_parallel>], iteration_bounds = array<i64: 2, 16>, scalar_prefetch = 0 : i64, scratch_operands = 4 : i64, tpu.core_type = #tpu.core_type<sc_vector_subcore>, window_params = [{transform_indices = #map}, {transform_indices = #map1}]} {
    %mul3A = arith.constant 2 : i32
    %mul3A_0 = arith.muli %arg1, %mul3A : i32
    %add3A = arith.addi %mul3A_0, %arg0 : i32
    %jit3A = arith.constant 2 : i32
    %div3A = arith.divsi %add3A, %jit3A : i32
    %sign3A = arith.constant 0 : i32
    %sign3A_1 = arith.cmpi sgt, %add3A, %sign3A : i32
    %sign3A_2 = arith.extui %sign3A_1 : i1 to i32
    %sign3A_3 = arith.constant 0 : i32
    %sign3A_4 = arith.cmpi slt, %add3A, %sign3A_3 : i32
    %sign3A_5 = arith.extui %sign3A_4 : i1 to i32
    %sign3A_6 = arith.subi %sign3A_2, %sign3A_5 : i32
    %sign3A_7 = arith.constant 0 : i32
    %sign3A_8 = arith.cmpi sgt, %jit3A, %sign3A_7 : i32
    %sign3A_9 = arith.extui %sign3A_8 : i1 to i32
    %sign3A_10 = arith.constant 0 : i32
    %sign3A_11 = arith.cmpi slt, %jit3A, %sign3A_10 : i32
    %sign3A_12 = arith.extui %sign3A_11 : i1 to i32
    %sign3A_13 = arith.subi %sign3A_9, %sign3A_12 : i32
    %ne3A = arith.cmpi ne, %sign3A_6, %sign3A_13 : i32
    %rem3A = arith.remsi %add3A, %jit3A : i32
    %ne3A_14 = arith.constant 0 : i32
    %ne3A_15 = arith.cmpi ne, %rem3A, %ne3A_14 : i32
    %and3A = arith.andi %ne3A, %ne3A_15 : i1
    %sub3A = arith.constant 1 : i32
    %sub3A_16 = arith.subi %div3A, %sub3A : i32
    %select_n3A = arith.select %and3A, %sub3A_16, %div3A : i32
    %jit3A_17 = arith.constant 2 : i32
    %eq3A = arith.constant 0 : i32
    %eq3A_18 = arith.cmpi eq, %jit3A_17, %eq3A : i32
    %jit3A_19 = arith.constant 1 : i32
    %select_n3A_20 = arith.select %eq3A_18, %jit3A_19, %jit3A_17 : i32
    %rem3A_21 = arith.remsi %add3A, %select_n3A_20 : i32
    %ne3A_22 = arith.constant 0 : i32
    %ne3A_23 = arith.cmpi ne, %rem3A_21, %ne3A_22 : i32
    %lt3A = arith.constant 0 : i32
    %lt3A_24 = arith.cmpi slt, %rem3A_21, %lt3A : i32
    %lt3A_25 = arith.constant 0 : i32
    %lt3A_26 = arith.cmpi slt, %select_n3A_20, %lt3A_25 : i32
    %ne3A_27 = arith.xori %lt3A_24, %lt3A_26 : i1
    %and3A_28 = arith.andi %ne3A_27, %ne3A_23 : i1
    %add3A_29 = arith.addi %rem3A_21, %select_n3A_20 : i32
    %select_n3A_30 = arith.select %and3A_28, %add3A_29, %rem3A_21 : i32
    %jit3A_31 = arith.constant 4 : i32
    %div3A_32 = arith.divsi %select_n3A, %jit3A_31 : i32
    %sign3A_33 = arith.constant 0 : i32
    %sign3A_34 = arith.cmpi sgt, %select_n3A, %sign3A_33 : i32
    %sign3A_35 = arith.extui %sign3A_34 : i1 to i32
    %sign3A_36 = arith.constant 0 : i32
    %sign3A_37 = arith.cmpi slt, %select_n3A, %sign3A_36 : i32
    %sign3A_38 = arith.extui %sign3A_37 : i1 to i32
    %sign3A_39 = arith.subi %sign3A_35, %sign3A_38 : i32
    %sign3A_40 = arith.constant 0 : i32
    %sign3A_41 = arith.cmpi sgt, %jit3A_31, %sign3A_40 : i32
    %sign3A_42 = arith.extui %sign3A_41 : i1 to i32
    %sign3A_43 = arith.constant 0 : i32
    %sign3A_44 = arith.cmpi slt, %jit3A_31, %sign3A_43 : i32
    %sign3A_45 = arith.extui %sign3A_44 : i1 to i32
    %sign3A_46 = arith.subi %sign3A_42, %sign3A_45 : i32
    %ne3A_47 = arith.cmpi ne, %sign3A_39, %sign3A_46 : i32
    %rem3A_48 = arith.remsi %select_n3A, %jit3A_31 : i32
    %ne3A_49 = arith.constant 0 : i32
    %ne3A_50 = arith.cmpi ne, %rem3A_48, %ne3A_49 : i32
    %and3A_51 = arith.andi %ne3A_47, %ne3A_50 : i1
    %sub3A_52 = arith.constant 1 : i32
    %sub3A_53 = arith.subi %div3A_32, %sub3A_52 : i32
    %select_n3A_54 = arith.select %and3A_51, %sub3A_53, %div3A_32 : i32
    %jit3A_55 = arith.constant 4 : i32
    %eq3A_56 = arith.constant 0 : i32
    %eq3A_57 = arith.cmpi eq, %jit3A_55, %eq3A_56 : i32
    %jit3A_58 = arith.constant 1 : i32
    %select_n3A_59 = arith.select %eq3A_57, %jit3A_58, %jit3A_55 : i32
    %rem3A_60 = arith.remsi %select_n3A, %select_n3A_59 : i32
    %ne3A_61 = arith.constant 0 : i32
    %ne3A_62 = arith.cmpi ne, %rem3A_60, %ne3A_61 : i32
    %lt3A_63 = arith.constant 0 : i32
    %lt3A_64 = arith.cmpi slt, %rem3A_60, %lt3A_63 : i32
    %lt3A_65 = arith.constant 0 : i32
    %lt3A_66 = arith.cmpi slt, %select_n3A_59, %lt3A_65 : i32
    %ne3A_67 = arith.xori %lt3A_64, %lt3A_66 : i1
    %and3A_68 = arith.andi %ne3A_67, %ne3A_62 : i1
    %add3A_69 = arith.addi %rem3A_60, %select_n3A_59 : i32
    %select_n3A_70 = arith.select %and3A_68, %add3A_69, %rem3A_60 : i32
    %mul3A_71 = arith.constant 128 : i32
    %mul3A_72 = arith.muli %select_n3A_70, %mul3A_71 : i32
    %add3A_73 = arith.constant 1536 : i32
    %add3A_74 = arith.addi %add3A_73, %mul3A_72 : i32
    %mul3A_75 = arith.constant 4096 : i32
    %mul3A_76 = arith.muli %select_n3A_30, %mul3A_75 : i32
    %add3A_77 = arith.constant 0 : i32
    %add3A_78 = arith.addi %mul3A_76, %add3A_77 : i32
    %dma_start3A = arith.constant 0 : i32
    %dma_start3A_79 = arith.constant 0 : i32
    %dma_start3A_80 = arith.constant 0 : i32
    %dma_start3A_81 = tpu.memref_slice %arg4[%dma_start3A, %dma_start3A_79, %dma_start3A_80] : memref<2x128x128xf32, #tpu.memory_space<vmem>> -> memref<1x128x128xf32, #tpu.memory_space<vmem>>
    %dma_start3A_82 = tpu.memref_squeeze %dma_start3A_81 : memref<1x128x128xf32, #tpu.memory_space<vmem>> -> memref<128x128xf32, #tpu.memory_space<vmem>>
    %dma_start3A_83 = tpu.memref_slice %arg2[%select_n3A_54, %add3A_78, %add3A_74] : memref<4x8192x2048xf32, #tpu.memory_space<hbm>> -> memref<1x128x128xf32, #tpu.memory_space<hbm>>
    %dma_start3A_84 = tpu.memref_squeeze %dma_start3A_83 : memref<1x128x128xf32, #tpu.memory_space<hbm>> -> memref<128x128xf32, #tpu.memory_space<hbm>>
    %dma_start3A_85 = arith.constant 0 : i32
    %dma_start3A_86 = arith.constant 0 : i32
    %dma_start3A_87 = tpu.memref_slice %arg4[%dma_start3A, %dma_start3A_85, %dma_start3A_86] : memref<2x128x128xf32, #tpu.memory_space<vmem>> -> memref<1x128x128xf32, #tpu.memory_space<vmem>>
    %dma_start3A_88 = tpu.memref_squeeze %dma_start3A_87 : memref<1x128x128xf32, #tpu.memory_space<vmem>> -> memref<128x128xf32, #tpu.memory_space<vmem>>
    %dma_start3A_89 = tpu.memref_slice %arg2[%select_n3A_54, %add3A_78, %add3A_74] : memref<4x8192x2048xf32, #tpu.memory_space<hbm>> -> memref<1x128x128xf32, #tpu.memory_space<hbm>>
    %dma_start3A_90 = tpu.memref_squeeze %dma_start3A_89 : memref<1x128x128xf32, #tpu.memory_space<hbm>> -> memref<128x128xf32, #tpu.memory_space<hbm>>
    tpu.enqueue_dma source(%dma_start3A_90 : memref<128x128xf32, #tpu.memory_space<hbm>>) target(%dma_start3A_88 : memref<128x128xf32, #tpu.memory_space<vmem>>) target_semaphore(%arg6 : memref<!tpu.dma_semaphore, #tpu.memory_space<semaphore_mem>>)
    %broadcast_in_dim3A = arith.constant 0xFF800000 : f32
    %broadcast_in_dim3A_91 = vector.broadcast %broadcast_in_dim3A : f32 to vector<16xf32>
    %scan3A = arith.constant 0 : i32
    %scan3A_92 = arith.constant 0 : i32
    %scan3A_93 = arith.constant 8 : i32
    %scan3A_94 = arith.addi %scan3A_92, %scan3A_93 : i32
    %scan3A_95 = arith.constant 1 : i32
    %scan3A_96 = scf.for %scan3A_105 = %scan3A_92 to %scan3A_94 step %scan3A_95 iter_args(%scan3A_106 = %scan3A) -> (i32)  : i32 {
      %mul3A_107 = arith.constant 16 : i32
      %mul3A_108 = arith.muli %scan3A_105, %mul3A_107 : i32
      %swap3A = arith.constant 0 : i32
      %swap3A_109 = arith.index_cast %swap3A : i32 to index
      %swap3A_110 = arith.index_cast %mul3A_108 : i32 to index
      %swap3A_111 = tpu.vector_load %arg5[%swap3A_109, %swap3A_110] {strides = array<i32>} : memref<16x128xf32, #tpu.memory_space<vmem>>, vector<1x16xf32>,
      %swap3A_112 = vector.shape_cast %swap3A_111 : vector<1x16xf32> to vector<16xf32>
      %swap3A_113 = vector.shape_cast %broadcast_in_dim3A_91 : vector<16xf32> to vector<1x16xf32>
      tpu.vector_store %arg5[%swap3A_109, %swap3A_110], %swap3A_113 {strides = array<i32>} : memref<16x128xf32, #tpu.memory_space<vmem>>, vector<1x16xf32>,
      %mul3A_114 = arith.constant 16 : i32
      %mul3A_115 = arith.muli %scan3A_105, %mul3A_114 : i32
      %swap3A_116 = arith.constant 1 : i32
      %swap3A_117 = arith.index_cast %swap3A_116 : i32 to index
      %swap3A_118 = arith.index_cast %mul3A_115 : i32 to index
      %swap3A_119 = tpu.vector_load %arg5[%swap3A_117, %swap3A_118] {strides = array<i32>} : memref<16x128xf32, #tpu.memory_space<vmem>>, vector<1x16xf32>,
      %swap3A_120 = vector.shape_cast %swap3A_119 : vector<1x16xf32> to vector<16xf32>
      %swap3A_121 = vector.shape_cast %broadcast_in_dim3A_91 : vector<16xf32> to vector<1x16xf32>
      tpu.vector_store %arg5[%swap3A_117, %swap3A_118], %swap3A_121 {strides = array<i32>} : memref<16x128xf32, #tpu.memory_space<vmem>>, vector<1x16xf32>,
      %mul3A_122 = arith.constant 16 : i32
      %mul3A_123 = arith.muli %scan3A_105, %mul3A_122 : i32
      %swap3A_124 = arith.constant 2 : i32
      %swap3A_125 = arith.index_cast %swap3A_124 : i32 to index
      %swap3A_126 = arith.index_cast %mul3A_123 : i32 to index
      %swap3A_127 = tpu.vector_load %arg5[%swap3A_125, %swap3A_126] {strides = array<i32>} : memref<16x128xf32, #tpu.memory_space<vmem>>, vector<1x16xf32>,
      %swap3A_128 = vector.shape_cast %swap3A_127 : vector<1x16xf32> to vector<16xf32>
      %swap3A_129 = vector.shape_cast %broadcast_in_dim3A_91 : vector<16xf32> to vector<1x16xf32>
      tpu.vector_store %arg5[%swap3A_125, %swap3A_126], %swap3A_129 {strides = array<i32>} : memref<16x128xf32, #tpu.memory_space<vmem>>, vector<1x16xf32>,
      %mul3A_130 = arith.constant 16 : i32
      %mul3A_131 = arith.muli %scan3A_105, %mul3A_130 : i32
      %swap3A_132 = arith.constant 3 : i32
      %swap3A_133 = arith.index_cast %swap3A_132 : i32 to index
      %swap3A_134 = arith.index_cast %mul3A_131 : i32 to index
      %swap3A_135 = tpu.vector_load %arg5[%swap3A_133, %swap3A_134] {strides = array<i32>} : memref<16x128xf32, #tpu.memory_space<vmem>>, vector<1x16xf32>,
      %swap3A_136 = vector.shape_cast %swap3A_135 : vector<1x16xf32> to vector<16xf32>
      %swap3A_137 = vector.shape_cast %broadcast_in_dim3A_91 : vector<16xf32> to vector<1x16xf32>
      tpu.vector_store %arg5[%swap3A_133, %swap3A_134], %swap3A_137 {strides = array<i32>} : memref<16x128xf32, #tpu.memory_space<vmem>>, vector<1x16xf32>,
      %mul3A_138 = arith.constant 16 : i32
      %mul3A_139 = arith.muli %scan3A_105, %mul3A_138 : i32
      %swap3A_140 = arith.constant 4 : i32
      %swap3A_141 = arith.index_cast %swap3A_140 : i32 to index
      %swap3A_142 = arith.index_cast %mul3A_139 : i32 to index
      %swap3A_143 = tpu.vector_load %arg5[%swap3A_141, %swap3A_142] {strides = array<i32>} : memref<16x128xf32, #tpu.memory_space<vmem>>, vector<1x16xf32>,
      %swap3A_144 = vector.shape_cast %swap3A_143 : vector<1x16xf32> to vector<16xf32>
      %swap3A_145 = vector.shape_cast %broadcast_in_dim3A_91 : vector<16xf32> to vector<1x16xf32>
      tpu.vector_store %arg5[%swap3A_141, %swap3A_142], %swap3A_145 {strides = array<i32>} : memref<16x128xf32, #tpu.memory_space<vmem>>, vector<1x16xf32>,
      %mul3A_146 = arith.constant 16 : i32
      %mul3A_147 = arith.muli %scan3A_105, %mul3A_146 : i32
      %swap3A_148 = arith.constant 5 : i32
      %swap3A_149 = arith.index_cast %swap3A_148 : i32 to index
      %swap3A_150 = arith.index_cast %mul3A_147 : i32 to index
      %swap3A_151 = tpu.vector_load %arg5[%swap3A_149, %swap3A_150] {strides = array<i32>} : memref<16x128xf32, #tpu.memory_space<vmem>>, vector<1x16xf32>,
      %swap3A_152 = vector.shape_cast %swap3A_151 : vector<1x16xf32> to vector<16xf32>
      %swap3A_153 = vector.shape_cast %broadcast_in_dim3A_91 : vector<16xf32> to vector<1x16xf32>
      tpu.vector_store %arg5[%swap3A_149, %swap3A_150], %swap3A_153 {strides = array<i32>} : memref<16x128xf32, #tpu.memory_space<vmem>>, vector<1x16xf32>,
      %mul3A_154 = arith.constant 16 : i32
      %mul3A_155 = arith.muli %scan3A_105, %mul3A_154 : i32
      %swap3A_156 = arith.constant 6 : i32
      %swap3A_157 = arith.index_cast %swap3A_156 : i32 to index
      %swap3A_158 = arith.index_cast %mul3A_155 : i32 to index
      %swap3A_159 = tpu.vector_load %arg5[%swap3A_157, %swap3A_158] {strides = array<i32>} : memref<16x128xf32, #tpu.memory_space<vmem>>, vector<1x16xf32>,
      %swap3A_160 = vector.shape_cast %swap3A_159 : vector<1x16xf32> to vector<16xf32>
      %swap3A_161 = vector.shape_cast %broadcast_in_dim3A_91 : vector<16xf32> to vector<1x16xf32>
      tpu.vector_store %arg5[%swap3A_157, %swap3A_158], %swap3A_161 {strides = array<i32>} : memref<16x128xf32, #tpu.memory_space<vmem>>, vector<1x16xf32>,
      %mul3A_162 = arith.constant 16 : i32
      %mul3A_163 = arith.muli %scan3A_105, %mul3A_162 : i32
      %swap3A_164 = arith.constant 7 : i32
      %swap3A_165 = arith.index_cast %swap3A_164 : i32 to index
      %swap3A_166 = arith.index_cast %mul3A_163 : i32 to index
      %swap3A_167 = tpu.vector_load %arg5[%swap3A_165, %swap3A_166] {strides = array<i32>} : memref<16x128xf32, #tpu.memory_space<vmem>>, vector<1x16xf32>,
      %swap3A_168 = vector.shape_cast %swap3A_167 : vector<1x16xf32> to vector<16xf32>
      %swap3A_169 = vector.shape_cast %broadcast_in_dim3A_91 : vector<16xf32> to vector<1x16xf32>
      tpu.vector_store %arg5[%swap3A_165, %swap3A_166], %swap3A_169 {strides = array<i32>} : memref<16x128xf32, #tpu.memory_space<vmem>>, vector<1x16xf32>,
      %mul3A_170 = arith.constant 16 : i32
      %mul3A_171 = arith.muli %scan3A_105, %mul3A_170 : i32
      %swap3A_172 = arith.constant 8 : i32
      %swap3A_173 = arith.index_cast %swap3A_172 : i32 to index
      %swap3A_174 = arith.index_cast %mul3A_171 : i32 to index
      %swap3A_175 = tpu.vector_load %arg5[%swap3A_173, %swap3A_174] {strides = array<i32>} : memref<16x128xf32, #tpu.memory_space<vmem>>, vector<1x16xf32>,
      %swap3A_176 = vector.shape_cast %swap3A_175 : vector<1x16xf32> to vector<16xf32>
      %swap3A_177 = vector.shape_cast %broadcast_in_dim3A_91 : vector<16xf32> to vector<1x16xf32>
      tpu.vector_store %arg5[%swap3A_173, %swap3A_174], %swap3A_177 {strides = array<i32>} : memref<16x128xf32, #tpu.memory_space<vmem>>, vector<1x16xf32>,
      %mul3A_178 = arith.constant 16 : i32
      %mul3A_179 = arith.muli %scan3A_105, %mul3A_178 : i32
      %swap3A_180 = arith.constant 9 : i32
      %swap3A_181 = arith.index_cast %swap3A_180 : i32 to index
      %swap3A_182 = arith.index_cast %mul3A_179 : i32 to index
      %swap3A_183 = tpu.vector_load %arg5[%swap3A_181, %swap3A_182] {strides = array<i32>} : memref<16x128xf32, #tpu.memory_space<vmem>>, vector<1x16xf32>,
      %swap3A_184 = vector.shape_cast %swap3A_183 : vector<1x16xf32> to vector<16xf32>
      %swap3A_185 = vector.shape_cast %broadcast_in_dim3A_91 : vector<16xf32> to vector<1x16xf32>
      tpu.vector_store %arg5[%swap3A_181, %swap3A_182], %swap3A_185 {strides = array<i32>} : memref<16x128xf32, #tpu.memory_space<vmem>>, vector<1x16xf32>,
      %mul3A_186 = arith.constant 16 : i32
      %mul3A_187 = arith.muli %scan3A_105, %mul3A_186 : i32
      %swap3A_188 = arith.constant 10 : i32
      %swap3A_189 = arith.index_cast %swap3A_188 : i32 to index
      %swap3A_190 = arith.index_cast %mul3A_187 : i32 to index
      %swap3A_191 = tpu.vector_load %arg5[%swap3A_189, %swap3A_190] {strides = array<i32>} : memref<16x128xf32, #tpu.memory_space<vmem>>, vector<1x16xf32>,
      %swap3A_192 = vector.shape_cast %swap3A_191 : vector<1x16xf32> to vector<16xf32>
      %swap3A_193 = vector.shape_cast %broadcast_in_dim3A_91 : vector<16xf32> to vector<1x16xf32>
      tpu.vector_store %arg5[%swap3A_189, %swap3A_190], %swap3A_193 {strides = array<i32>} : memref<16x128xf32, #tpu.memory_space<vmem>>, vector<1x16xf32>,
      %mul3A_194 = arith.constant 16 : i32
      %mul3A_195 = arith.muli %scan3A_105, %mul3A_194 : i32
      %swap3A_196 = arith.constant 11 : i32
      %swap3A_197 = arith.index_cast %swap3A_196 : i32 to index
      %swap3A_198 = arith.index_cast %mul3A_195 : i32 to index
      %swap3A_199 = tpu.vector_load %arg5[%swap3A_197, %swap3A_198] {strides = array<i32>} : memref<16x128xf32, #tpu.memory_space<vmem>>, vector<1x16xf32>,
      %swap3A_200 = vector.shape_cast %swap3A_199 : vector<1x16xf32> to vector<16xf32>
      %swap3A_201 = vector.shape_cast %broadcast_in_dim3A_91 : vector<16xf32> to vector<1x16xf32>
      tpu.vector_store %arg5[%swap3A_197, %swap3A_198], %swap3A_201 {strides = array<i32>} : memref<16x128xf32, #tpu.memory_space<vmem>>, vector<1x16xf32>,
      %mul3A_202 = arith.constant 16 : i32
      %mul3A_203 = arith.muli %scan3A_105, %mul3A_202 : i32
      %swap3A_204 = arith.constant 12 : i32
      %swap3A_205 = arith.index_cast %swap3A_204 : i32 to index
      %swap3A_206 = arith.index_cast %mul3A_203 : i32 to index
      %swap3A_207 = tpu.vector_load %arg5[%swap3A_205, %swap3A_206] {strides = array<i32>} : memref<16x128xf32, #tpu.memory_space<vmem>>, vector<1x16xf32>,
      %swap3A_208 = vector.shape_cast %swap3A_207 : vector<1x16xf32> to vector<16xf32>
      %swap3A_209 = vector.shape_cast %broadcast_in_dim3A_91 : vector<16xf32> to vector<1x16xf32>
      tpu.vector_store %arg5[%swap3A_205, %swap3A_206], %swap3A_209 {strides = array<i32>} : memref<16x128xf32, #tpu.memory_space<vmem>>, vector<1x16xf32>,
      %mul3A_210 = arith.constant 16 : i32
      %mul3A_211 = arith.muli %scan3A_105, %mul3A_210 : i32
      %swap3A_212 = arith.constant 13 : i32
      %swap3A_213 = arith.index_cast %swap3A_212 : i32 to index
      %swap3A_214 = arith.index_cast %mul3A_211 : i32 to index
      %swap3A_215 = tpu.vector_load %arg5[%swap3A_213, %swap3A_214] {strides = array<i32>} : memref<16x128xf32, #tpu.memory_space<vmem>>, vector<1x16xf32>,
      %swap3A_216 = vector.shape_cast %swap3A_215 : vector<1x16xf32> to vector<16xf32>
      %swap3A_217 = vector.shape_cast %broadcast_in_dim3A_91 : vector<16xf32> to vector<1x16xf32>
      tpu.vector_store %arg5[%swap3A_213, %swap3A_214], %swap3A_217 {strides = array<i32>} : memref<16x128xf32, #tpu.memory_space<vmem>>, vector<1x16xf32>,
      %mul3A_218 = arith.constant 16 : i32
      %mul3A_219 = arith.muli %scan3A_105, %mul3A_218 : i32
      %swap3A_220 = arith.constant 14 : i32
      %swap3A_221 = arith.index_cast %swap3A_220 : i32 to index
      %swap3A_222 = arith.index_cast %mul3A_219 : i32 to index
      %swap3A_223 = tpu.vector_load %arg5[%swap3A_221, %swap3A_222] {strides = array<i32>} : memref<16x128xf32, #tpu.memory_space<vmem>>, vector<1x16xf32>,
      %swap3A_224 = vector.shape_cast %swap3A_223 : vector<1x16xf32> to vector<16xf32>
      %swap3A_225 = vector.shape_cast %broadcast_in_dim3A_91 : vector<16xf32> to vector<1x16xf32>
      tpu.vector_store %arg5[%swap3A_221, %swap3A_222], %swap3A_225 {strides = array<i32>} : memref<16x128xf32, #tpu.memory_space<vmem>>, vector<1x16xf32>,
      %mul3A_226 = arith.constant 16 : i32
      %mul3A_227 = arith.muli %scan3A_105, %mul3A_226 : i32
      %swap3A_228 = arith.constant 15 : i32
      %swap3A_229 = arith.index_cast %swap3A_228 : i32 to index
      %swap3A_230 = arith.index_cast %mul3A_227 : i32 to index
      %swap3A_231 = tpu.vector_load %arg5[%swap3A_229, %swap3A_230] {strides = array<i32>} : memref<16x128xf32, #tpu.memory_space<vmem>>, vector<1x16xf32>,
      %swap3A_232 = vector.shape_cast %swap3A_231 : vector<1x16xf32> to vector<16xf32>
      %swap3A_233 = vector.shape_cast %broadcast_in_dim3A_91 : vector<16xf32> to vector<1x16xf32>
      tpu.vector_store %arg5[%swap3A_229, %swap3A_230], %swap3A_233 {strides = array<i32>} : memref<16x128xf32, #tpu.memory_space<vmem>>, vector<1x16xf32>,
      %scan3A_234 = arith.constant 0 : i32
      scf.yield %scan3A_234 : i32
    }
    %scan3A_97 = arith.constant 8 : i32
    %scan3A_98 = arith.constant 0 : i32
    %scan3A_99 = arith.constant 0 : i32
    %scan3A_100 = arith.constant 16 : i32
    %scan3A_101 = arith.addi %scan3A_99, %scan3A_100 : i32
    %scan3A_102 = arith.constant 1 : i32
    %scan3A_103 = scf.for %scan3A_105 = %scan3A_99 to %scan3A_101 step %scan3A_102 iter_args(%scan3A_106 = %scan3A_98) -> (i32)  : i32 {
      %mul3A_107 = arith.constant 2 : i32
      %mul3A_108 = arith.muli %scan3A_105, %mul3A_107 : i32
      %add3A_109 = arith.constant 0 : i32
      %add3A_110 = arith.addi %mul3A_108, %add3A_109 : i32
      %mul3A_111 = arith.constant 128 : i32
      %mul3A_112 = arith.muli %add3A_110, %mul3A_111 : i32
      %add3A_113 = arith.addi %mul3A_76, %mul3A_112 : i32
      %dma_wait3A = arith.constant 0 : i32
      %dma_wait3A_114 = arith.constant 0 : i32
      %dma_wait3A_115 = arith.constant 0 : i32
      %dma_wait3A_116 = tpu.memref_slice %arg4[%dma_wait3A, %dma_wait3A_114, %dma_wait3A_115] : memref<2x128x128xf32, #tpu.memory_space<vmem>> -> memref<1x128x128xf32, #tpu.memory_space<vmem>>
      %dma_wait3A_117 = tpu.memref_squeeze %dma_wait3A_116 : memref<1x128x128xf32, #tpu.memory_space<vmem>> -> memref<128x128xf32, #tpu.memory_space<vmem>>
      %dma_wait3A_118 = tpu.memref_slice %arg2[%select_n3A_54, %add3A_113, %add3A_74] : memref<4x8192x2048xf32, #tpu.memory_space<hbm>> -> memref<1x128x128xf32, #tpu.memory_space<hbm>>
      %dma_wait3A_119 = tpu.memref_squeeze %dma_wait3A_118 : memref<1x128x128xf32, #tpu.memory_space<hbm>> -> memref<128x128xf32, #tpu.memory_space<hbm>>
      %dma_wait3A_120 = arith.constant 0 : i32
      %dma_wait3A_121 = arith.constant 0 : i32
      %dma_wait3A_122 = tpu.memref_slice %arg4[%dma_wait3A, %dma_wait3A_120, %dma_wait3A_121] : memref<2x128x128xf32, #tpu.memory_space<vmem>> -> memref<1x128x128xf32, #tpu.memory_space<vmem>>
      %dma_wait3A_123 = tpu.memref_squeeze %dma_wait3A_122 : memref<1x128x128xf32, #tpu.memory_space<vmem>> -> memref<128x128xf32, #tpu.memory_space<vmem>>
      %dma_wait3A_124 = tpu.memref_slice %arg2[%select_n3A_54, %add3A_113, %add3A_74] : memref<4x8192x2048xf32, #tpu.memory_space<hbm>> -> memref<1x128x128xf32, #tpu.memory_space<hbm>>
      %dma_wait3A_125 = tpu.memref_squeeze %dma_wait3A_124 : memref<1x128x128xf32, #tpu.memory_space<hbm>> -> memref<128x128xf32, #tpu.memory_space<hbm>>
      tpu.wait_dma2 semaphore(%arg6 : memref<!tpu.dma_semaphore, #tpu.memory_space<semaphore_mem>>) src(%dma_wait3A_125 : memref<128x128xf32, #tpu.memory_space<hbm>>) dst(%dma_wait3A_123 : memref<128x128xf32, #tpu.memory_space<vmem>>)
      %add3A_126 = arith.constant 1 : i32
      %add3A_127 = arith.addi %add3A_110, %add3A_126 : i32
      %lt3A_128 = arith.constant 32 : i32
      %lt3A_129 = arith.cmpi slt, %add3A_127, %lt3A_128 : i32
      %convert_element_type3A = arith.extui %lt3A_129 : i1 to i32
      %cond3A = arith.constant 0 : i32
      %cond3A_130 = arith.cmpi ne, %convert_element_type3A, %cond3A : i32
      scf.if %cond3A_130 {
        %add3A_175 = arith.constant 1 : i32
        %add3A_176 = arith.addi %add3A_110, %add3A_175 : i32
        %mul3A_177 = arith.constant 128 : i32
        %mul3A_178 = arith.muli %add3A_176, %mul3A_177 : i32
        %add3A_179 = arith.addi %mul3A_76, %mul3A_178 : i32
        %dma_start3A_180 = arith.constant 1 : i32
        %dma_start3A_181 = arith.constant 0 : i32
        %dma_start3A_182 = arith.constant 0 : i32
        %dma_start3A_183 = tpu.memref_slice %arg4[%dma_start3A_180, %dma_start3A_181, %dma_start3A_182] : memref<2x128x128xf32, #tpu.memory_space<vmem>> -> memref<1x128x128xf32, #tpu.memory_space<vmem>>
        %dma_start3A_184 = tpu.memref_squeeze %dma_start3A_183 : memref<1x128x128xf32, #tpu.memory_space<vmem>> -> memref<128x128xf32, #tpu.memory_space<vmem>>
        %dma_start3A_185 = tpu.memref_slice %arg2[%select_n3A_54, %add3A_179, %add3A_74] : memref<4x8192x2048xf32, #tpu.memory_space<hbm>> -> memref<1x128x128xf32, #tpu.memory_space<hbm>>
        %dma_start3A_186 = tpu.memref_squeeze %dma_start3A_185 : memref<1x128x128xf32, #tpu.memory_space<hbm>> -> memref<128x128xf32, #tpu.memory_space<hbm>>
        %dma_start3A_187 = arith.constant 0 : i32
        %dma_start3A_188 = arith.constant 0 : i32
        %dma_start3A_189 = tpu.memref_slice %arg4[%dma_start3A_180, %dma_start3A_187, %dma_start3A_188] : memref<2x128x128xf32, #tpu.memory_space<vmem>> -> memref<1x128x128xf32, #tpu.memory_space<vmem>>
        %dma_start3A_190 = tpu.memref_squeeze %dma_start3A_189 : memref<1x128x128xf32, #tpu.memory_space<vmem>> -> memref<128x128xf32, #tpu.memory_space<vmem>>
        %dma_start3A_191 = tpu.memref_slice %arg2[%select_n3A_54, %add3A_179, %add3A_74] : memref<4x8192x2048xf32, #tpu.memory_space<hbm>> -> memref<1x128x128xf32, #tpu.memory_space<hbm>>
        %dma_start3A_192 = tpu.memref_squeeze %dma_start3A_191 : memref<1x128x128xf32, #tpu.memory_space<hbm>> -> memref<128x128xf32, #tpu.memory_space<hbm>>
        tpu.enqueue_dma source(%dma_start3A_192 : memref<128x128xf32, #tpu.memory_space<hbm>>) target(%dma_start3A_190 : memref<128x128xf32, #tpu.memory_space<vmem>>) target_semaphore(%arg7 : memref<!tpu.dma_semaphore, #tpu.memory_space<semaphore_mem>>)
      } else {
      }
      %scan3A_131 = arith.constant 0 : i32
      %scan3A_132 = arith.constant 0 : i32
      %scan3A_133 = arith.constant 0 : i32
      %scan3A_134 = arith.constant 8 : i32
      %scan3A_135 = arith.addi %scan3A_133, %scan3A_134 : i32
      %scan3A_136 = arith.constant 1 : i32
      %scan3A_137 = scf.for %scan3A_175 = %scan3A_133 to %scan3A_135 step %scan3A_136 iter_args(%scan3A_176 = %scan3A_132) -> (i32)  : i32 {
        %mul3A_177 = arith.constant 16 : i32
        %mul3A_178 = arith.muli %scan3A_175, %mul3A_177 : i32
        %get3A = arith.constant 0 : i32
        %get3A_179 = arith.index_cast %get3A : i32 to index
        %get3A_180 = arith.index_cast %mul3A_178 : i32 to index
        %get3A_181 = tpu.vector_load %arg5[%get3A_179, %get3A_180] {strides = array<i32>} : memref<16x128xf32, #tpu.memory_space<vmem>>, vector<1x16xf32>,
        %get3A_182 = vector.shape_cast %get3A_181 : vector<1x16xf32> to vector<16xf32>
        %get3A_183 = arith.constant 1 : i32
        %get3A_184 = arith.index_cast %get3A_183 : i32 to index
        %get3A_185 = arith.index_cast %mul3A_178 : i32 to index
        %get3A_186 = tpu.vector_load %arg5[%get3A_184, %get3A_185] {strides = array<i32>} : memref<16x128xf32, #tpu.memory_space<vmem>>, vector<1x16xf32>,
        %get3A_187 = vector.shape_cast %get3A_186 : vector<1x16xf32> to vector<16xf32>
        %get3A_188 = arith.constant 2 : i32
        %get3A_189 = arith.index_cast %get3A_188 : i32 to index
        %get3A_190 = arith.index_cast %mul3A_178 : i32 to index
        %get3A_191 = tpu.vector_load %arg5[%get3A_189, %get3A_190] {strides = array<i32>} : memref<16x128xf32, #tpu.memory_space<vmem>>, vector<1x16xf32>,
        %get3A_192 = vector.shape_cast %get3A_191 : vector<1x16xf32> to vector<16xf32>
        %get3A_193 = arith.constant 3 : i32
        %get3A_194 = arith.index_cast %get3A_193 : i32 to index
        %get3A_195 = arith.index_cast %mul3A_178 : i32 to index
        %get3A_196 = tpu.vector_load %arg5[%get3A_194, %get3A_195] {strides = array<i32>} : memref<16x128xf32, #tpu.memory_space<vmem>>, vector<1x16xf32>,
        %get3A_197 = vector.shape_cast %get3A_196 : vector<1x16xf32> to vector<16xf32>
        %get3A_198 = arith.constant 4 : i32
        %get3A_199 = arith.index_cast %get3A_198 : i32 to index
        %get3A_200 = arith.index_cast %mul3A_178 : i32 to index
        %get3A_201 = tpu.vector_load %arg5[%get3A_199, %get3A_200] {strides = array<i32>} : memref<16x128xf32, #tpu.memory_space<vmem>>, vector<1x16xf32>,
        %get3A_202 = vector.shape_cast %get3A_201 : vector<1x16xf32> to vector<16xf32>
        %get3A_203 = arith.constant 5 : i32
        %get3A_204 = arith.index_cast %get3A_203 : i32 to index
        %get3A_205 = arith.index_cast %mul3A_178 : i32 to index
        %get3A_206 = tpu.vector_load %arg5[%get3A_204, %get3A_205] {strides = array<i32>} : memref<16x128xf32, #tpu.memory_space<vmem>>, vector<1x16xf32>,
        %get3A_207 = vector.shape_cast %get3A_206 : vector<1x16xf32> to vector<16xf32>
        %get3A_208 = arith.constant 6 : i32
        %get3A_209 = arith.index_cast %get3A_208 : i32 to index
        %get3A_210 = arith.index_cast %mul3A_178 : i32 to index
        %get3A_211 = tpu.vector_load %arg5[%get3A_209, %get3A_210] {strides = array<i32>} : memref<16x128xf32, #tpu.memory_space<vmem>>, vector<1x16xf32>,
        %get3A_212 = vector.shape_cast %get3A_211 : vector<1x16xf32> to vector<16xf32>
        %get3A_213 = arith.constant 7 : i32
        %get3A_214 = arith.index_cast %get3A_213 : i32 to index
        %get3A_215 = arith.index_cast %mul3A_178 : i32 to index
        %get3A_216 = tpu.vector_load %arg5[%get3A_214, %get3A_215] {strides = array<i32>} : memref<16x128xf32, #tpu.memory_space<vmem>>, vector<1x16xf32>,
        %get3A_217 = vector.shape_cast %get3A_216 : vector<1x16xf32> to vector<16xf32>
        %get3A_218 = arith.constant 8 : i32
        %get3A_219 = arith.index_cast %get3A_218 : i32 to index
        %get3A_220 = arith.index_cast %mul3A_178 : i32 to index
        %get3A_221 = tpu.vector_load %arg5[%get3A_219, %get3A_220] {strides = array<i32>} : memref<16x128xf32, #tpu.memory_space<vmem>>, vector<1x16xf32>,
        %get3A_222 = vector.shape_cast %get3A_221 : vector<1x16xf32> to vector<16xf32>
        %get3A_223 = arith.constant 9 : i32
        %get3A_224 = arith.index_cast %get3A_223 : i32 to index
        %get3A_225 = arith.index_cast %mul3A_178 : i32 to index
        %get3A_226 = tpu.vector_load %arg5[%get3A_224, %get3A_225] {strides = array<i32>} : memref<16x128xf32, #tpu.memory_space<vmem>>, vector<1x16xf32>,
        %get3A_227 = vector.shape_cast %get3A_226 : vector<1x16xf32> to vector<16xf32>
        %get3A_228 = arith.constant 10 : i32
        %get3A_229 = arith.index_cast %get3A_228 : i32 to index
        %get3A_230 = arith.index_cast %mul3A_178 : i32 to index
        %get3A_231 = tpu.vector_load %arg5[%get3A_229, %get3A_230] {strides = array<i32>} : memref<16x128xf32, #tpu.memory_space<vmem>>, vector<1x16xf32>,
        %get3A_232 = vector.shape_cast %get3A_231 : vector<1x16xf32> to vector<16xf32>
        %get3A_233 = arith.constant 11 : i32
        %get3A_234 = arith.index_cast %get3A_233 : i32 to index
        %get3A_235 = arith.index_cast %mul3A_178 : i32 to index
        %get3A_236 = tpu.vector_load %arg5[%get3A_234, %get3A_235] {strides = array<i32>} : memref<16x128xf32, #tpu.memory_space<vmem>>, vector<1x16xf32>,
        %get3A_237 = vector.shape_cast %get3A_236 : vector<1x16xf32> to vector<16xf32>
        %get3A_238 = arith.constant 12 : i32
        %get3A_239 = arith.index_cast %get3A_238 : i32 to index
        %get3A_240 = arith.index_cast %mul3A_178 : i32 to index
        %get3A_241 = tpu.vector_load %arg5[%get3A_239, %get3A_240] {strides = array<i32>} : memref<16x128xf32, #tpu.memory_space<vmem>>, vector<1x16xf32>,
        %get3A_242 = vector.shape_cast %get3A_241 : vector<1x16xf32> to vector<16xf32>
        %get3A_243 = arith.constant 13 : i32
        %get3A_244 = arith.index_cast %get3A_243 : i32 to index
        %get3A_245 = arith.index_cast %mul3A_178 : i32 to index
        %get3A_246 = tpu.vector_load %arg5[%get3A_244, %get3A_245] {strides = array<i32>} : memref<16x128xf32, #tpu.memory_space<vmem>>, vector<1x16xf32>,
        %get3A_247 = vector.shape_cast %get3A_246 : vector<1x16xf32> to vector<16xf32>
        %get3A_248 = arith.constant 14 : i32
        %get3A_249 = arith.index_cast %get3A_248 : i32 to index
        %get3A_250 = arith.index_cast %mul3A_178 : i32 to index
        %get3A_251 = tpu.vector_load %arg5[%get3A_249, %get3A_250] {strides = array<i32>} : memref<16x128xf32, #tpu.memory_space<vmem>>, vector<1x16xf32>,
        %get3A_252 = vector.shape_cast %get3A_251 : vector<1x16xf32> to vector<16xf32>
        %get3A_253 = arith.constant 15 : i32
        %get3A_254 = arith.index_cast %get3A_253 : i32 to index
        %get3A_255 = arith.index_cast %mul3A_178 : i32 to index
        %get3A_256 = tpu.vector_load %arg5[%get3A_254, %get3A_255] {strides = array<i32>} : memref<16x128xf32, #tpu.memory_space<vmem>>, vector<1x16xf32>,
        %get3A_257 = vector.shape_cast %get3A_256 : vector<1x16xf32> to vector<16xf32>
        %scan3A_258 = arith.constant 0 : i32
        %scan3A_259 = arith.constant 8 : i32
        %scan3A_260 = arith.addi %scan3A_258, %scan3A_259 : i32
        %scan3A_261 = arith.constant 1 : i32
        %scan3A_262:16 = scf.for %scan3A_360 = %scan3A_258 to %scan3A_260 step %scan3A_261 iter_args(%scan3A_361 = %get3A_182, %scan3A_362 = %get3A_187, %scan3A_363 = %get3A_192, %scan3A_364 = %get3A_197, %scan3A_365 = %get3A_202, %scan3A_366 = %get3A_207, %scan3A_367 = %get3A_212, %scan3A_368 = %get3A_217, %scan3A_369 = %get3A_222, %scan3A_370 = %get3A_227, %scan3A_371 = %get3A_232, %scan3A_372 = %get3A_237, %scan3A_373 = %get3A_242, %scan3A_374 = %get3A_247, %scan3A_375 = %get3A_252, %scan3A_376 = %get3A_257) -> (vector<16xf32>, vector<16xf32>, vector<16xf32>, vector<16xf32>, vector<16xf32>, vector<16xf32>, vector<16xf32>, vector<16xf32>, vector<16xf32>, vector<16xf32>, vector<16xf32>, vector<16xf32>, vector<16xf32>, vector<16xf32>, vector<16xf32>, vector<16xf32>)  : i32 {
          %mul3A_377 = arith.constant 16 : i32
          %mul3A_378 = arith.muli %scan3A_360, %mul3A_377 : i32
          %add3A_379 = arith.constant 0 : i32
          %add3A_380 = arith.addi %mul3A_378, %add3A_379 : i32
          %get3A_381 = arith.constant 0 : i32
          %get3A_382 = arith.constant 0 : i32
          %get3A_383 = tpu.memref_slice %arg4[%scan3A_131, %get3A_381, %get3A_382] : memref<2x128x128xf32, #tpu.memory_space<vmem>> -> memref<1x128x128xf32, #tpu.memory_space<vmem>>
          %get3A_384 = tpu.memref_squeeze %get3A_383 : memref<1x128x128xf32, #tpu.memory_space<vmem>> -> memref<128x128xf32, #tpu.memory_space<vmem>>
          %get3A_385 = arith.index_cast %add3A_380 : i32 to index
          %get3A_386 = arith.index_cast %mul3A_178 : i32 to index
          %get3A_387 = tpu.vector_load %get3A_384[%get3A_385, %get3A_386] {strides = array<i32>} : memref<128x128xf32, #tpu.memory_space<vmem>>, vector<1x16xf32>,
          %get3A_388 = vector.shape_cast %get3A_387 : vector<1x16xf32> to vector<16xf32>
          %add3A_389 = arith.constant 1 : i32
          %add3A_390 = arith.addi %mul3A_378, %add3A_389 : i32
          %get3A_391 = arith.constant 0 : i32
          %get3A_392 = arith.constant 0 : i32
          %get3A_393 = tpu.memref_slice %arg4[%scan3A_131, %get3A_391, %get3A_392] : memref<2x128x128xf32, #tpu.memory_space<vmem>> -> memref<1x128x128xf32, #tpu.memory_space<vmem>>
          %get3A_394 = tpu.memref_squeeze %get3A_393 : memref<1x128x128xf32, #tpu.memory_space<vmem>> -> memref<128x128xf32, #tpu.memory_space<vmem>>
          %get3A_395 = arith.index_cast %add3A_390 : i32 to index
          %get3A_396 = arith.index_cast %mul3A_178 : i32 to index
          %get3A_397 = tpu.vector_load %get3A_394[%get3A_395, %get3A_396] {strides = array<i32>} : memref<128x128xf32, #tpu.memory_space<vmem>>, vector<1x16xf32>,
          %get3A_398 = vector.shape_cast %get3A_397 : vector<1x16xf32> to vector<16xf32>
          %add3A_399 = arith.constant 2 : i32
          %add3A_400 = arith.addi %mul3A_378, %add3A_399 : i32
          %get3A_401 = arith.constant 0 : i32
          %get3A_402 = arith.constant 0 : i32
          %get3A_403 = tpu.memref_slice %arg4[%scan3A_131, %get3A_401, %get3A_402] : memref<2x128x128xf32, #tpu.memory_space<vmem>> -> memref<1x128x128xf32, #tpu.memory_space<vmem>>
          %get3A_404 = tpu.memref_squeeze %get3A_403 : memref<1x128x128xf32, #tpu.memory_space<vmem>> -> memref<128x128xf32, #tpu.memory_space<vmem>>
          %get3A_405 = arith.index_cast %add3A_400 : i32 to index
          %get3A_406 = arith.index_cast %mul3A_178 : i32 to index
          %get3A_407 = tpu.vector_load %get3A_404[%get3A_405, %get3A_406] {strides = array<i32>} : memref<128x128xf32, #tpu.memory_space<vmem>>, vector<1x16xf32>,
          %get3A_408 = vector.shape_cast %get3A_407 : vector<1x16xf32> to vector<16xf32>
          %add3A_409 = arith.constant 3 : i32
          %add3A_410 = arith.addi %mul3A_378, %add3A_409 : i32
          %get3A_411 = arith.constant 0 : i32
          %get3A_412 = arith.constant 0 : i32
          %get3A_413 = tpu.memref_slice %arg4[%scan3A_131, %get3A_411, %get3A_412] : memref<2x128x128xf32, #tpu.memory_space<vmem>> -> memref<1x128x128xf32, #tpu.memory_space<vmem>>
          %get3A_414 = tpu.memref_squeeze %get3A_413 : memref<1x128x128xf32, #tpu.memory_space<vmem>> -> memref<128x128xf32, #tpu.memory_space<vmem>>
          %get3A_415 = arith.index_cast %add3A_410 : i32 to index
          %get3A_416 = arith.index_cast %mul3A_178 : i32 to index
          %get3A_417 = tpu.vector_load %get3A_414[%get3A_415, %get3A_416] {strides = array<i32>} : memref<128x128xf32, #tpu.memory_space<vmem>>, vector<1x16xf32>,
          %get3A_418 = vector.shape_cast %get3A_417 : vector<1x16xf32> to vector<16xf32>
          %add3A_419 = arith.constant 4 : i32
          %add3A_420 = arith.addi %mul3A_378, %add3A_419 : i32
          %get3A_421 = arith.constant 0 : i32
          %get3A_422 = arith.constant 0 : i32
          %get3A_423 = tpu.memref_slice %arg4[%scan3A_131, %get3A_421, %get3A_422] : memref<2x128x128xf32, #tpu.memory_space<vmem>> -> memref<1x128x128xf32, #tpu.memory_space<vmem>>
          %get3A_424 = tpu.memref_squeeze %get3A_423 : memref<1x128x128xf32, #tpu.memory_space<vmem>> -> memref<128x128xf32, #tpu.memory_space<vmem>>
          %get3A_425 = arith.index_cast %add3A_420 : i32 to index
          %get3A_426 = arith.index_cast %mul3A_178 : i32 to index
          %get3A_427 = tpu.vector_load %get3A_424[%get3A_425, %get3A_426] {strides = array<i32>} : memref<128x128xf32, #tpu.memory_space<vmem>>, vector<1x16xf32>,
          %get3A_428 = vector.shape_cast %get3A_427 : vector<1x16xf32> to vector<16xf32>
          %add3A_429 = arith.constant 5 : i32
          %add3A_430 = arith.addi %mul3A_378, %add3A_429 : i32
          %get3A_431 = arith.constant 0 : i32
          %get3A_432 = arith.constant 0 : i32
          %get3A_433 = tpu.memref_slice %arg4[%scan3A_131, %get3A_431, %get3A_432] : memref<2x128x128xf32, #tpu.memory_space<vmem>> -> memref<1x128x128xf32, #tpu.memory_space<vmem>>
          %get3A_434 = tpu.memref_squeeze %get3A_433 : memref<1x128x128xf32, #tpu.memory_space<vmem>> -> memref<128x128xf32, #tpu.memory_space<vmem>>
          %get3A_435 = arith.index_cast %add3A_430 : i32 to index
          %get3A_436 = arith.index_cast %mul3A_178 : i32 to index
          %get3A_437 = tpu.vector_load %get3A_434[%get3A_435, %get3A_436] {strides = array<i32>} : memref<128x128xf32, #tpu.memory_space<vmem>>, vector<1x16xf32>,
          %get3A_438 = vector.shape_cast %get3A_437 : vector<1x16xf32> to vector<16xf32>
          %add3A_439 = arith.constant 6 : i32
          %add3A_440 = arith.addi %mul3A_378, %add3A_439 : i32
          %get3A_441 = arith.constant 0 : i32
          %get3A_442 = arith.constant 0 : i32
          %get3A_443 = tpu.memref_slice %arg4[%scan3A_131, %get3A_441, %get3A_442] : memref<2x128x128xf32, #tpu.memory_space<vmem>> -> memref<1x128x128xf32, #tpu.memory_space<vmem>>
          %get3A_444 = tpu.memref_squeeze %get3A_443 : memref<1x128x128xf32, #tpu.memory_space<vmem>> -> memref<128x128xf32, #tpu.memory_space<vmem>>
          %get3A_445 = arith.index_cast %add3A_440 : i32 to index
          %get3A_446 = arith.index_cast %mul3A_178 : i32 to index
          %get3A_447 = tpu.vector_load %get3A_444[%get3A_445, %get3A_446] {strides = array<i32>} : memref<128x128xf32, #tpu.memory_space<vmem>>, vector<1x16xf32>,
          %get3A_448 = vector.shape_cast %get3A_447 : vector<1x16xf32> to vector<16xf32>
          %add3A_449 = arith.constant 7 : i32
          %add3A_450 = arith.addi %mul3A_378, %add3A_449 : i32
          %get3A_451 = arith.constant 0 : i32
          %get3A_452 = arith.constant 0 : i32
          %get3A_453 = tpu.memref_slice %arg4[%scan3A_131, %get3A_451, %get3A_452] : memref<2x128x128xf32, #tpu.memory_space<vmem>> -> memref<1x128x128xf32, #tpu.memory_space<vmem>>
          %get3A_454 = tpu.memref_squeeze %get3A_453 : memref<1x128x128xf32, #tpu.memory_space<vmem>> -> memref<128x128xf32, #tpu.memory_space<vmem>>
          %get3A_455 = arith.index_cast %add3A_450 : i32 to index
          %get3A_456 = arith.index_cast %mul3A_178 : i32 to index
          %get3A_457 = tpu.vector_load %get3A_454[%get3A_455, %get3A_456] {strides = array<i32>} : memref<128x128xf32, #tpu.memory_space<vmem>>, vector<1x16xf32>,
          %get3A_458 = vector.shape_cast %get3A_457 : vector<1x16xf32> to vector<16xf32>
          %add3A_459 = arith.constant 8 : i32
          %add3A_460 = arith.addi %mul3A_378, %add3A_459 : i32
          %get3A_461 = arith.constant 0 : i32
          %get3A_462 = arith.constant 0 : i32
          %get3A_463 = tpu.memref_slice %arg4[%scan3A_131, %get3A_461, %get3A_462] : memref<2x128x128xf32, #tpu.memory_space<vmem>> -> memref<1x128x128xf32, #tpu.memory_space<vmem>>
          %get3A_464 = tpu.memref_squeeze %get3A_463 : memref<1x128x128xf32, #tpu.memory_space<vmem>> -> memref<128x128xf32, #tpu.memory_space<vmem>>
          %get3A_465 = arith.index_cast %add3A_460 : i32 to index
          %get3A_466 = arith.index_cast %mul3A_178 : i32 to index
          %get3A_467 = tpu.vector_load %get3A_464[%get3A_465, %get3A_466] {strides = array<i32>} : memref<128x128xf32, #tpu.memory_space<vmem>>, vector<1x16xf32>,
          %get3A_468 = vector.shape_cast %get3A_467 : vector<1x16xf32> to vector<16xf32>
          %add3A_469 = arith.constant 9 : i32
          %add3A_470 = arith.addi %mul3A_378, %add3A_469 : i32
          %get3A_471 = arith.constant 0 : i32
          %get3A_472 = arith.constant 0 : i32
          %get3A_473 = tpu.memref_slice %arg4[%scan3A_131, %get3A_471, %get3A_472] : memref<2x128x128xf32, #tpu.memory_space<vmem>> -> memref<1x128x128xf32, #tpu.memory_space<vmem>>
          %get3A_474 = tpu.memref_squeeze %get3A_473 : memref<1x128x128xf32, #tpu.memory_space<vmem>> -> memref<128x128xf32, #tpu.memory_space<vmem>>
          %get3A_475 = arith.index_cast %add3A_470 : i32 to index
          %get3A_476 = arith.index_cast %mul3A_178 : i32 to index
          %get3A_477 = tpu.vector_load %get3A_474[%get3A_475, %get3A_476] {strides = array<i32>} : memref<128x128xf32, #tpu.memory_space<vmem>>, vector<1x16xf32>,
          %get3A_478 = vector.shape_cast %get3A_477 : vector<1x16xf32> to vector<16xf32>
          %add3A_479 = arith.constant 10 : i32
          %add3A_480 = arith.addi %mul3A_378, %add3A_479 : i32
          %get3A_481 = arith.constant 0 : i32
          %get3A_482 = arith.constant 0 : i32
          %get3A_483 = tpu.memref_slice %arg4[%scan3A_131, %get3A_481, %get3A_482] : memref<2x128x128xf32, #tpu.memory_space<vmem>> -> memref<1x128x128xf32, #tpu.memory_space<vmem>>
          %get3A_484 = tpu.memref_squeeze %get3A_483 : memref<1x128x128xf32, #tpu.memory_space<vmem>> -> memref<128x128xf32, #tpu.memory_space<vmem>>
          %get3A_485 = arith.index_cast %add3A_480 : i32 to index
          %get3A_486 = arith.index_cast %mul3A_178 : i32 to index
          %get3A_487 = tpu.vector_load %get3A_484[%get3A_485, %get3A_486] {strides = array<i32>} : memref<128x128xf32, #tpu.memory_space<vmem>>, vector<1x16xf32>,
          %get3A_488 = vector.shape_cast %get3A_487 : vector<1x16xf32> to vector<16xf32>
          %add3A_489 = arith.constant 11 : i32
          %add3A_490 = arith.addi %mul3A_378, %add3A_489 : i32
          %get3A_491 = arith.constant 0 : i32
          %get3A_492 = arith.constant 0 : i32
          %get3A_493 = tpu.memref_slice %arg4[%scan3A_131, %get3A_491, %get3A_492] : memref<2x128x128xf32, #tpu.memory_space<vmem>> -> memref<1x128x128xf32, #tpu.memory_space<vmem>>
          %get3A_494 = tpu.memref_squeeze %get3A_493 : memref<1x128x128xf32, #tpu.memory_space<vmem>> -> memref<128x128xf32, #tpu.memory_space<vmem>>
          %get3A_495 = arith.index_cast %add3A_490 : i32 to index
          %get3A_496 = arith.index_cast %mul3A_178 : i32 to index
          %get3A_497 = tpu.vector_load %get3A_494[%get3A_495, %get3A_496] {strides = array<i32>} : memref<128x128xf32, #tpu.memory_space<vmem>>, vector<1x16xf32>,
          %get3A_498 = vector.shape_cast %get3A_497 : vector<1x16xf32> to vector<16xf32>
          %add3A_499 = arith.constant 12 : i32
          %add3A_500 = arith.addi %mul3A_378, %add3A_499 : i32
          %get3A_501 = arith.constant 0 : i32
          %get3A_502 = arith.constant 0 : i32
          %get3A_503 = tpu.memref_slice %arg4[%scan3A_131, %get3A_501, %get3A_502] : memref<2x128x128xf32, #tpu.memory_space<vmem>> -> memref<1x128x128xf32, #tpu.memory_space<vmem>>
          %get3A_504 = tpu.memref_squeeze %get3A_503 : memref<1x128x128xf32, #tpu.memory_space<vmem>> -> memref<128x128xf32, #tpu.memory_space<vmem>>
          %get3A_505 = arith.index_cast %add3A_500 : i32 to index
          %get3A_506 = arith.index_cast %mul3A_178 : i32 to index
          %get3A_507 = tpu.vector_load %get3A_504[%get3A_505, %get3A_506] {strides = array<i32>} : memref<128x128xf32, #tpu.memory_space<vmem>>, vector<1x16xf32>,
          %get3A_508 = vector.shape_cast %get3A_507 : vector<1x16xf32> to vector<16xf32>
          %add3A_509 = arith.constant 13 : i32
          %add3A_510 = arith.addi %mul3A_378, %add3A_509 : i32
          %get3A_511 = arith.constant 0 : i32
          %get3A_512 = arith.constant 0 : i32
          %get3A_513 = tpu.memref_slice %arg4[%scan3A_131, %get3A_511, %get3A_512] : memref<2x128x128xf32, #tpu.memory_space<vmem>> -> memref<1x128x128xf32, #tpu.memory_space<vmem>>
          %get3A_514 = tpu.memref_squeeze %get3A_513 : memref<1x128x128xf32, #tpu.memory_space<vmem>> -> memref<128x128xf32, #tpu.memory_space<vmem>>
          %get3A_515 = arith.index_cast %add3A_510 : i32 to index
          %get3A_516 = arith.index_cast %mul3A_178 : i32 to index
          %get3A_517 = tpu.vector_load %get3A_514[%get3A_515, %get3A_516] {strides = array<i32>} : memref<128x128xf32, #tpu.memory_space<vmem>>, vector<1x16xf32>,
          %get3A_518 = vector.shape_cast %get3A_517 : vector<1x16xf32> to vector<16xf32>
          %add3A_519 = arith.constant 14 : i32
          %add3A_520 = arith.addi %mul3A_378, %add3A_519 : i32
          %get3A_521 = arith.constant 0 : i32
          %get3A_522 = arith.constant 0 : i32
          %get3A_523 = tpu.memref_slice %arg4[%scan3A_131, %get3A_521, %get3A_522] : memref<2x128x128xf32, #tpu.memory_space<vmem>> -> memref<1x128x128xf32, #tpu.memory_space<vmem>>
          %get3A_524 = tpu.memref_squeeze %get3A_523 : memref<1x128x128xf32, #tpu.memory_space<vmem>> -> memref<128x128xf32, #tpu.memory_space<vmem>>
          %get3A_525 = arith.index_cast %add3A_520 : i32 to index
          %get3A_526 = arith.index_cast %mul3A_178 : i32 to index
          %get3A_527 = tpu.vector_load %get3A_524[%get3A_525, %get3A_526] {strides = array<i32>} : memref<128x128xf32, #tpu.memory_space<vmem>>, vector<1x16xf32>,
          %get3A_528 = vector.shape_cast %get3A_527 : vector<1x16xf32> to vector<16xf32>
          %add3A_529 = arith.constant 15 : i32
          %add3A_530 = arith.addi %mul3A_378, %add3A_529 : i32
          %get3A_531 = arith.constant 0 : i32
          %get3A_532 = arith.constant 0 : i32
          %get3A_533 = tpu.memref_slice %arg4[%scan3A_131, %get3A_531, %get3A_532] : memref<2x128x128xf32, #tpu.memory_space<vmem>> -> memref<1x128x128xf32, #tpu.memory_space<vmem>>
          %get3A_534 = tpu.memref_squeeze %get3A_533 : memref<1x128x128xf32, #tpu.memory_space<vmem>> -> memref<128x128xf32, #tpu.memory_space<vmem>>
          %get3A_535 = arith.index_cast %add3A_530 : i32 to index
          %get3A_536 = arith.index_cast %mul3A_178 : i32 to index
          %get3A_537 = tpu.vector_load %get3A_534[%get3A_535, %get3A_536] {strides = array<i32>} : memref<128x128xf32, #tpu.memory_space<vmem>>, vector<1x16xf32>,
          %get3A_538 = vector.shape_cast %get3A_537 : vector<1x16xf32> to vector<16xf32>
          %max3A = arith.maximumf %get3A_388, %get3A_398 : vector<16xf32>
          %min3A = arith.minimumf %get3A_388, %get3A_398 : vector<16xf32>
          %max3A_539 = arith.maximumf %get3A_408, %get3A_418 : vector<16xf32>
          %min3A_540 = arith.minimumf %get3A_408, %get3A_418 : vector<16xf32>
          %max3A_541 = arith.maximumf %max3A, %max3A_539 : vector<16xf32>
          %min3A_542 = arith.minimumf %max3A, %max3A_539 : vector<16xf32>
          %max3A_543 = arith.maximumf %min3A, %min3A_540 : vector<16xf32>
          %min3A_544 = arith.minimumf %min3A, %min3A_540 : vector<16xf32>
          %max3A_545 = arith.maximumf %max3A_543, %min3A_542 : vector<16xf32>
          %min3A_546 = arith.minimumf %max3A_543, %min3A_542 : vector<16xf32>
          %max3A_547 = arith.maximumf %get3A_428, %get3A_438 : vector<16xf32>
          %min3A_548 = arith.minimumf %get3A_428, %get3A_438 : vector<16xf32>
          %max3A_549 = arith.maximumf %get3A_448, %get3A_458 : vector<16xf32>
          %min3A_550 = arith.minimumf %get3A_448, %get3A_458 : vector<16xf32>
          %max3A_551 = arith.maximumf %max3A_547, %max3A_549 : vector<16xf32>
          %min3A_552 = arith.minimumf %max3A_547, %max3A_549 : vector<16xf32>
          %max3A_553 = arith.maximumf %min3A_548, %min3A_550 : vector<16xf32>
          %min3A_554 = arith.minimumf %min3A_548, %min3A_550 : vector<16xf32>
          %max3A_555 = arith.maximumf %max3A_553, %min3A_552 : vector<16xf32>
          %min3A_556 = arith.minimumf %max3A_553, %min3A_552 : vector<16xf32>
          %max3A_557 = arith.maximumf %max3A_541, %max3A_551 : vector<16xf32>
          %min3A_558 = arith.minimumf %max3A_541, %max3A_551 : vector<16xf32>
          %max3A_559 = arith.maximumf %min3A_546, %min3A_556 : vector<16xf32>
          %min3A_560 = arith.minimumf %min3A_546, %min3A_556 : vector<16xf32>
          %max3A_561 = arith.maximumf %max3A_559, %min3A_558 : vector<16xf32>
          %min3A_562 = arith.minimumf %max3A_559, %min3A_558 : vector<16xf32>
          %max3A_563 = arith.maximumf %max3A_545, %max3A_555 : vector<16xf32>
          %min3A_564 = arith.minimumf %max3A_545, %max3A_555 : vector<16xf32>
          %max3A_565 = arith.maximumf %min3A_544, %min3A_554 : vector<16xf32>
          %min3A_566 = arith.minimumf %min3A_544, %min3A_554 : vector<16xf32>
          %max3A_567 = arith.maximumf %max3A_565, %min3A_564 : vector<16xf32>
          %min3A_568 = arith.minimumf %max3A_565, %min3A_564 : vector<16xf32>
          %max3A_569 = arith.maximumf %max3A_563, %max3A_561 : vector<16xf32>
          %min3A_570 = arith.minimumf %max3A_563, %max3A_561 : vector<16xf32>
          %max3A_571 = arith.maximumf %max3A_567, %min3A_562 : vector<16xf32>
          %min3A_572 = arith.minimumf %max3A_567, %min3A_562 : vector<16xf32>
          %max3A_573 = arith.maximumf %min3A_568, %min3A_560 : vector<16xf32>
          %min3A_574 = arith.minimumf %min3A_568, %min3A_560 : vector<16xf32>
          %max3A_575 = arith.maximumf %get3A_468, %get3A_478 : vector<16xf32>
          %min3A_576 = arith.minimumf %get3A_468, %get3A_478 : vector<16xf32>
          %max3A_577 = arith.maximumf %get3A_488, %get3A_498 : vector<16xf32>
          %min3A_578 = arith.minimumf %get3A_488, %get3A_498 : vector<16xf32>
          %max3A_579 = arith.maximumf %max3A_575, %max3A_577 : vector<16xf32>
          %min3A_580 = arith.minimumf %max3A_575, %max3A_577 : vector<16xf32>
          %max3A_581 = arith.maximumf %min3A_576, %min3A_578 : vector<16xf32>
          %min3A_582 = arith.minimumf %min3A_576, %min3A_578 : vector<16xf32>
          %max3A_583 = arith.maximumf %max3A_581, %min3A_580 : vector<16xf32>
          %min3A_584 = arith.minimumf %max3A_581, %min3A_580 : vector<16xf32>
          %max3A_585 = arith.maximumf %get3A_508, %get3A_518 : vector<16xf32>
          %min3A_586 = arith.minimumf %get3A_508, %get3A_518 : vector<16xf32>
          %max3A_587 = arith.maximumf %get3A_528, %get3A_538 : vector<16xf32>
          %min3A_588 = arith.minimumf %get3A_528, %get3A_538 : vector<16xf32>
          %max3A_589 = arith.maximumf %max3A_585, %max3A_587 : vector<16xf32>
          %min3A_590 = arith.minimumf %max3A_585, %max3A_587 : vector<16xf32>
          %max3A_591 = arith.maximumf %min3A_586, %min3A_588 : vector<16xf32>
          %min3A_592 = arith.minimumf %min3A_586, %min3A_588 : vector<16xf32>
          %max3A_593 = arith.maximumf %max3A_591, %min3A_590 : vector<16xf32>
          %min3A_594 = arith.minimumf %max3A_591, %min3A_590 : vector<16xf32>
          %max3A_595 = arith.maximumf %max3A_579, %max3A_589 : vector<16xf32>
          %min3A_596 = arith.minimumf %max3A_579, %max3A_589 : vector<16xf32>
          %max3A_597 = arith.maximumf %min3A_584, %min3A_594 : vector<16xf32>
          %min3A_598 = arith.minimumf %min3A_584, %min3A_594 : vector<16xf32>
          %max3A_599 = arith.maximumf %max3A_597, %min3A_596 : vector<16xf32>
          %min3A_600 = arith.minimumf %max3A_597, %min3A_596 : vector<16xf32>
          %max3A_601 = arith.maximumf %max3A_583, %max3A_593 : vector<16xf32>
          %min3A_602 = arith.minimumf %max3A_583, %max3A_593 : vector<16xf32>
          %max3A_603 = arith.maximumf %min3A_582, %min3A_592 : vector<16xf32>
          %min3A_604 = arith.minimumf %min3A_582, %min3A_592 : vector<16xf32>
          %max3A_605 = arith.maximumf %max3A_603, %min3A_602 : vector<16xf32>
          %min3A_606 = arith.minimumf %max3A_603, %min3A_602 : vector<16xf32>
          %max3A_607 = arith.maximumf %max3A_601, %max3A_599 : vector<16xf32>
          %min3A_608 = arith.minimumf %max3A_601, %max3A_599 : vector<16xf32>
          %max3A_609 = arith.maximumf %max3A_605, %min3A_600 : vector<16xf32>
          %min3A_610 = arith.minimumf %max3A_605, %min3A_600 : vector<16xf32>
          %max3A_611 = arith.maximumf %min3A_606, %min3A_598 : vector<16xf32>
          %min3A_612 = arith.minimumf %min3A_606, %min3A_598 : vector<16xf32>
          %max3A_613 = arith.maximumf %max3A_557, %max3A_595 : vector<16xf32>
          %min3A_614 = arith.minimumf %max3A_557, %max3A_595 : vector<16xf32>
          %max3A_615 = arith.maximumf %min3A_572, %min3A_610 : vector<16xf32>
          %min3A_616 = arith.minimumf %min3A_572, %min3A_610 : vector<16xf32>
          %max3A_617 = arith.maximumf %max3A_615, %min3A_614 : vector<16xf32>
          %min3A_618 = arith.minimumf %max3A_615, %min3A_614 : vector<16xf32>
          %max3A_619 = arith.maximumf %min3A_570, %min3A_608 : vector<16xf32>
          %min3A_620 = arith.minimumf %min3A_570, %min3A_608 : vector<16xf32>
          %max3A_621 = arith.maximumf %min3A_574, %min3A_612 : vector<16xf32>
          %min3A_622 = arith.minimumf %min3A_574, %min3A_612 : vector<16xf32>
          %max3A_623 = arith.maximumf %max3A_621, %min3A_620 : vector<16xf32>
          %min3A_624 = arith.minimumf %max3A_621, %min3A_620 : vector<16xf32>
          %max3A_625 = arith.maximumf %max3A_619, %max3A_617 : vector<16xf32>
          %min3A_626 = arith.minimumf %max3A_619, %max3A_617 : vector<16xf32>
          %max3A_627 = arith.maximumf %max3A_623, %min3A_618 : vector<16xf32>
          %min3A_628 = arith.minimumf %max3A_623, %min3A_618 : vector<16xf32>
          %max3A_629 = arith.maximumf %min3A_624, %min3A_616 : vector<16xf32>
          %min3A_630 = arith.minimumf %min3A_624, %min3A_616 : vector<16xf32>
          %max3A_631 = arith.maximumf %max3A_569, %max3A_607 : vector<16xf32>
          %min3A_632 = arith.minimumf %max3A_569, %max3A_607 : vector<16xf32>
          %max3A_633 = arith.maximumf %max3A_573, %max3A_611 : vector<16xf32>
          %min3A_634 = arith.minimumf %max3A_573, %max3A_611 : vector<16xf32>
          %max3A_635 = arith.maximumf %max3A_633, %min3A_632 : vector<16xf32>
          %min3A_636 = arith.minimumf %max3A_633, %min3A_632 : vector<16xf32>
          %max3A_637 = arith.maximumf %max3A_571, %max3A_609 : vector<16xf32>
          %min3A_638 = arith.minimumf %max3A_571, %max3A_609 : vector<16xf32>
          %max3A_639 = arith.maximumf %min3A_566, %min3A_604 : vector<16xf32>
          %min3A_640 = arith.minimumf %min3A_566, %min3A_604 : vector<16xf32>
          %max3A_641 = arith.maximumf %max3A_639, %min3A_638 : vector<16xf32>
          %min3A_642 = arith.minimumf %max3A_639, %min3A_638 : vector<16xf32>
          %max3A_643 = arith.maximumf %max3A_637, %max3A_635 : vector<16xf32>
          %min3A_644 = arith.minimumf %max3A_637, %max3A_635 : vector<16xf32>
          %max3A_645 = arith.maximumf %max3A_641, %min3A_636 : vector<16xf32>
          %min3A_646 = arith.minimumf %max3A_641, %min3A_636 : vector<16xf32>
          %max3A_647 = arith.maximumf %min3A_642, %min3A_634 : vector<16xf32>
          %min3A_648 = arith.minimumf %min3A_642, %min3A_634 : vector<16xf32>
          %max3A_649 = arith.maximumf %max3A_631, %max3A_625 : vector<16xf32>
          %min3A_650 = arith.minimumf %max3A_631, %max3A_625 : vector<16xf32>
          %max3A_651 = arith.maximumf %max3A_643, %min3A_626 : vector<16xf32>
          %min3A_652 = arith.minimumf %max3A_643, %min3A_626 : vector<16xf32>
          %max3A_653 = arith.maximumf %min3A_644, %max3A_627 : vector<16xf32>
          %min3A_654 = arith.minimumf %min3A_644, %max3A_627 : vector<16xf32>
          %max3A_655 = arith.maximumf %max3A_645, %min3A_628 : vector<16xf32>
          %min3A_656 = arith.minimumf %max3A_645, %min3A_628 : vector<16xf32>
          %max3A_657 = arith.maximumf %min3A_646, %max3A_629 : vector<16xf32>
          %min3A_658 = arith.minimumf %min3A_646, %max3A_629 : vector<16xf32>
          %max3A_659 = arith.maximumf %max3A_647, %min3A_630 : vector<16xf32>
          %min3A_660 = arith.minimumf %max3A_647, %min3A_630 : vector<16xf32>
          %max3A_661 = arith.maximumf %min3A_648, %min3A_622 : vector<16xf32>
          %min3A_662 = arith.minimumf %min3A_648, %min3A_622 : vector<16xf32>
          %max3A_663 = arith.maximumf %scan3A_361, %min3A_640 : vector<16xf32>
          %max3A_664 = arith.maximumf %scan3A_362, %min3A_662 : vector<16xf32>
          %max3A_665 = arith.maximumf %scan3A_363, %max3A_661 : vector<16xf32>
          %max3A_666 = arith.maximumf %scan3A_364, %min3A_660 : vector<16xf32>
          %max3A_667 = arith.maximumf %scan3A_365, %max3A_659 : vector<16xf32>
          %max3A_668 = arith.maximumf %scan3A_366, %min3A_658 : vector<16xf32>
          %max3A_669 = arith.maximumf %scan3A_367, %max3A_657 : vector<16xf32>
          %max3A_670 = arith.maximumf %scan3A_368, %min3A_656 : vector<16xf32>
          %max3A_671 = arith.maximumf %scan3A_369, %max3A_655 : vector<16xf32>
          %max3A_672 = arith.maximumf %scan3A_370, %min3A_654 : vector<16xf32>
          %max3A_673 = arith.maximumf %scan3A_371, %max3A_653 : vector<16xf32>
          %max3A_674 = arith.maximumf %scan3A_372, %min3A_652 : vector<16xf32>
          %max3A_675 = arith.maximumf %scan3A_373, %max3A_651 : vector<16xf32>
          %max3A_676 = arith.maximumf %scan3A_374, %min3A_650 : vector<16xf32>
          %max3A_677 = arith.maximumf %scan3A_375, %max3A_649 : vector<16xf32>
          %max3A_678 = arith.maximumf %scan3A_376, %max3A_613 : vector<16xf32>
          %max3A_679 = arith.maximumf %max3A_663, %max3A_671 : vector<16xf32>
          %min3A_680 = arith.minimumf %max3A_663, %max3A_671 : vector<16xf32>
          %max3A_681 = arith.maximumf %max3A_664, %max3A_672 : vector<16xf32>
          %min3A_682 = arith.minimumf %max3A_664, %max3A_672 : vector<16xf32>
          %max3A_683 = arith.maximumf %max3A_665, %max3A_673 : vector<16xf32>
          %min3A_684 = arith.minimumf %max3A_665, %max3A_673 : vector<16xf32>
          %max3A_685 = arith.maximumf %max3A_666, %max3A_674 : vector<16xf32>
          %min3A_686 = arith.minimumf %max3A_666, %max3A_674 : vector<16xf32>
          %max3A_687 = arith.maximumf %max3A_667, %max3A_675 : vector<16xf32>
          %min3A_688 = arith.minimumf %max3A_667, %max3A_675 : vector<16xf32>
          %max3A_689 = arith.maximumf %max3A_668, %max3A_676 : vector<16xf32>
          %min3A_690 = arith.minimumf %max3A_668, %max3A_676 : vector<16xf32>
          %max3A_691 = arith.maximumf %max3A_669, %max3A_677 : vector<16xf32>
          %min3A_692 = arith.minimumf %max3A_669, %max3A_677 : vector<16xf32>
          %max3A_693 = arith.maximumf %max3A_670, %max3A_678 : vector<16xf32>
          %min3A_694 = arith.minimumf %max3A_670, %max3A_678 : vector<16xf32>
          %max3A_695 = arith.maximumf %max3A_679, %max3A_687 : vector<16xf32>
          %min3A_696 = arith.minimumf %max3A_679, %max3A_687 : vector<16xf32>
          %max3A_697 = arith.maximumf %max3A_681, %max3A_689 : vector<16xf32>
          %min3A_698 = arith.minimumf %max3A_681, %max3A_689 : vector<16xf32>
          %max3A_699 = arith.maximumf %max3A_683, %max3A_691 : vector<16xf32>
          %min3A_700 = arith.minimumf %max3A_683, %max3A_691 : vector<16xf32>
          %max3A_701 = arith.maximumf %max3A_685, %max3A_693 : vector<16xf32>
          %min3A_702 = arith.minimumf %max3A_685, %max3A_693 : vector<16xf32>
          %max3A_703 = arith.maximumf %max3A_695, %max3A_699 : vector<16xf32>
          %min3A_704 = arith.minimumf %max3A_695, %max3A_699 : vector<16xf32>
          %max3A_705 = arith.maximumf %max3A_697, %max3A_701 : vector<16xf32>
          %min3A_706 = arith.minimumf %max3A_697, %max3A_701 : vector<16xf32>
          %max3A_707 = arith.maximumf %max3A_703, %max3A_705 : vector<16xf32>
          %min3A_708 = arith.minimumf %max3A_703, %max3A_705 : vector<16xf32>
          %max3A_709 = arith.maximumf %min3A_704, %min3A_706 : vector<16xf32>
          %min3A_710 = arith.minimumf %min3A_704, %min3A_706 : vector<16xf32>
          %max3A_711 = arith.maximumf %min3A_696, %min3A_700 : vector<16xf32>
          %min3A_712 = arith.minimumf %min3A_696, %min3A_700 : vector<16xf32>
          %max3A_713 = arith.maximumf %min3A_698, %min3A_702 : vector<16xf32>
          %min3A_714 = arith.minimumf %min3A_698, %min3A_702 : vector<16xf32>
          %max3A_715 = arith.maximumf %max3A_711, %max3A_713 : vector<16xf32>
          %min3A_716 = arith.minimumf %max3A_711, %max3A_713 : vector<16xf32>
          %max3A_717 = arith.maximumf %min3A_712, %min3A_714 : vector<16xf32>
          %min3A_718 = arith.minimumf %min3A_712, %min3A_714 : vector<16xf32>
          %max3A_719 = arith.maximumf %min3A_680, %min3A_688 : vector<16xf32>
          %min3A_720 = arith.minimumf %min3A_680, %min3A_688 : vector<16xf32>
          %max3A_721 = arith.maximumf %min3A_682, %min3A_690 : vector<16xf32>
          %min3A_722 = arith.minimumf %min3A_682, %min3A_690 : vector<16xf32>
          %max3A_723 = arith.maximumf %min3A_684, %min3A_692 : vector<16xf32>
          %min3A_724 = arith.minimumf %min3A_684, %min3A_692 : vector<16xf32>
          %max3A_725 = arith.maximumf %min3A_686, %min3A_694 : vector<16xf32>
          %min3A_726 = arith.minimumf %min3A_686, %min3A_694 : vector<16xf32>
          %max3A_727 = arith.maximumf %max3A_719, %max3A_723 : vector<16xf32>
          %min3A_728 = arith.minimumf %max3A_719, %max3A_723 : vector<16xf32>
          %max3A_729 = arith.maximumf %max3A_721, %max3A_725 : vector<16xf32>
          %min3A_730 = arith.minimumf %max3A_721, %max3A_725 : vector<16xf32>
          %max3A_731 = arith.maximumf %max3A_727, %max3A_729 : vector<16xf32>
          %min3A_732 = arith.minimumf %max3A_727, %max3A_729 : vector<16xf32>
          %max3A_733 = arith.maximumf %min3A_728, %min3A_730 : vector<16xf32>
          %min3A_734 = arith.minimumf %min3A_728, %min3A_730 : vector<16xf32>
          %max3A_735 = arith.maximumf %min3A_720, %min3A_724 : vector<16xf32>
          %min3A_736 = arith.minimumf %min3A_720, %min3A_724 : vector<16xf32>
          %max3A_737 = arith.maximumf %min3A_722, %min3A_726 : vector<16xf32>
          %min3A_738 = arith.minimumf %min3A_722, %min3A_726 : vector<16xf32>
          %max3A_739 = arith.maximumf %max3A_735, %max3A_737 : vector<16xf32>
          %min3A_740 = arith.minimumf %max3A_735, %max3A_737 : vector<16xf32>
          %max3A_741 = arith.maximumf %min3A_736, %min3A_738 : vector<16xf32>
          %min3A_742 = arith.minimumf %min3A_736, %min3A_738 : vector<16xf32>
          scf.yield %max3A_707, %min3A_708, %max3A_709, %min3A_710, %max3A_715, %min3A_716, %max3A_717, %min3A_718, %max3A_731, %min3A_732, %max3A_733, %min3A_734, %max3A_739, %min3A_740, %max3A_741, %min3A_742 : vector<16xf32>, vector<16xf32>, vector<16xf32>, vector<16xf32>, vector<16xf32>, vector<16xf32>, vector<16xf32>, vector<16xf32>, vector<16xf32>, vector<16xf32>, vector<16xf32>, vector<16xf32>, vector<16xf32>, vector<16xf32>, vector<16xf32>, vector<16xf32>
        }
        %scan3A_263 = arith.constant 8 : i32
        %swap3A = arith.constant 0 : i32
        %swap3A_264 = arith.index_cast %swap3A : i32 to index
        %swap3A_265 = arith.index_cast %mul3A_178 : i32 to index
        %swap3A_266 = tpu.vector_load %arg5[%swap3A_264, %swap3A_265] {strides = array<i32>} : memref<16x128xf32, #tpu.memory_space<vmem>>, vector<1x16xf32>,
        %swap3A_267 = vector.shape_cast %swap3A_266 : vector<1x16xf32> to vector<16xf32>
        %swap3A_268 = vector.shape_cast %scan3A_262#0 : vector<16xf32> to vector<1x16xf32>
        tpu.vector_store %arg5[%swap3A_264, %swap3A_265], %swap3A_268 {strides = array<i32>} : memref<16x128xf32, #tpu.memory_space<vmem>>, vector<1x16xf32>,
        %swap3A_269 = arith.constant 1 : i32
        %swap3A_270 = arith.index_cast %swap3A_269 : i32 to index
        %swap3A_271 = arith.index_cast %mul3A_178 : i32 to index
        %swap3A_272 = tpu.vector_load %arg5[%swap3A_270, %swap3A_271] {strides = array<i32>} : memref<16x128xf32, #tpu.memory_space<vmem>>, vector<1x16xf32>,
        %swap3A_273 = vector.shape_cast %swap3A_272 : vector<1x16xf32> to vector<16xf32>
        %swap3A_274 = vector.shape_cast %scan3A_262#1 : vector<16xf32> to vector<1x16xf32>
        tpu.vector_store %arg5[%swap3A_270, %swap3A_271], %swap3A_274 {strides = array<i32>} : memref<16x128xf32, #tpu.memory_space<vmem>>, vector<1x16xf32>,
        %swap3A_275 = arith.constant 2 : i32
        %swap3A_276 = arith.index_cast %swap3A_275 : i32 to index
        %swap3A_277 = arith.index_cast %mul3A_178 : i32 to index
        %swap3A_278 = tpu.vector_load %arg5[%swap3A_276, %swap3A_277] {strides = array<i32>} : memref<16x128xf32, #tpu.memory_space<vmem>>, vector<1x16xf32>,
        %swap3A_279 = vector.shape_cast %swap3A_278 : vector<1x16xf32> to vector<16xf32>
        %swap3A_280 = vector.shape_cast %scan3A_262#2 : vector<16xf32> to vector<1x16xf32>
        tpu.vector_store %arg5[%swap3A_276, %swap3A_277], %swap3A_280 {strides = array<i32>} : memref<16x128xf32, #tpu.memory_space<vmem>>, vector<1x16xf32>,
        %swap3A_281 = arith.constant 3 : i32
        %swap3A_282 = arith.index_cast %swap3A_281 : i32 to index
        %swap3A_283 = arith.index_cast %mul3A_178 : i32 to index
        %swap3A_284 = tpu.vector_load %arg5[%swap3A_282, %swap3A_283] {strides = array<i32>} : memref<16x128xf32, #tpu.memory_space<vmem>>, vector<1x16xf32>,
        %swap3A_285 = vector.shape_cast %swap3A_284 : vector<1x16xf32> to vector<16xf32>
        %swap3A_286 = vector.shape_cast %scan3A_262#3 : vector<16xf32> to vector<1x16xf32>
        tpu.vector_store %arg5[%swap3A_282, %swap3A_283], %swap3A_286 {strides = array<i32>} : memref<16x128xf32, #tpu.memory_space<vmem>>, vector<1x16xf32>,
        %swap3A_287 = arith.constant 4 : i32
        %swap3A_288 = arith.index_cast %swap3A_287 : i32 to index
        %swap3A_289 = arith.index_cast %mul3A_178 : i32 to index
        %swap3A_290 = tpu.vector_load %arg5[%swap3A_288, %swap3A_289] {strides = array<i32>} : memref<16x128xf32, #tpu.memory_space<vmem>>, vector<1x16xf32>,
        %swap3A_291 = vector.shape_cast %swap3A_290 : vector<1x16xf32> to vector<16xf32>
        %swap3A_292 = vector.shape_cast %scan3A_262#4 : vector<16xf32> to vector<1x16xf32>
        tpu.vector_store %arg5[%swap3A_288, %swap3A_289], %swap3A_292 {strides = array<i32>} : memref<16x128xf32, #tpu.memory_space<vmem>>, vector<1x16xf32>,
        %swap3A_293 = arith.constant 5 : i32
        %swap3A_294 = arith.index_cast %swap3A_293 : i32 to index
        %swap3A_295 = arith.index_cast %mul3A_178 : i32 to index
        %swap3A_296 = tpu.vector_load %arg5[%swap3A_294, %swap3A_295] {strides = array<i32>} : memref<16x128xf32, #tpu.memory_space<vmem>>, vector<1x16xf32>,
        %swap3A_297 = vector.shape_cast %swap3A_296 : vector<1x16xf32> to vector<16xf32>
        %swap3A_298 = vector.shape_cast %scan3A_262#5 : vector<16xf32> to vector<1x16xf32>
        tpu.vector_store %arg5[%swap3A_294, %swap3A_295], %swap3A_298 {strides = array<i32>} : memref<16x128xf32, #tpu.memory_space<vmem>>, vector<1x16xf32>,
        %swap3A_299 = arith.constant 6 : i32
        %swap3A_300 = arith.index_cast %swap3A_299 : i32 to index
        %swap3A_301 = arith.index_cast %mul3A_178 : i32 to index
        %swap3A_302 = tpu.vector_load %arg5[%swap3A_300, %swap3A_301] {strides = array<i32>} : memref<16x128xf32, #tpu.memory_space<vmem>>, vector<1x16xf32>,
        %swap3A_303 = vector.shape_cast %swap3A_302 : vector<1x16xf32> to vector<16xf32>
        %swap3A_304 = vector.shape_cast %scan3A_262#6 : vector<16xf32> to vector<1x16xf32>
        tpu.vector_store %arg5[%swap3A_300, %swap3A_301], %swap3A_304 {strides = array<i32>} : memref<16x128xf32, #tpu.memory_space<vmem>>, vector<1x16xf32>,
        %swap3A_305 = arith.constant 7 : i32
        %swap3A_306 = arith.index_cast %swap3A_305 : i32 to index
        %swap3A_307 = arith.index_cast %mul3A_178 : i32 to index
        %swap3A_308 = tpu.vector_load %arg5[%swap3A_306, %swap3A_307] {strides = array<i32>} : memref<16x128xf32, #tpu.memory_space<vmem>>, vector<1x16xf32>,
        %swap3A_309 = vector.shape_cast %swap3A_308 : vector<1x16xf32> to vector<16xf32>
        %swap3A_310 = vector.shape_cast %scan3A_262#7 : vector<16xf32> to vector<1x16xf32>
        tpu.vector_store %arg5[%swap3A_306, %swap3A_307], %swap3A_310 {strides = array<i32>} : memref<16x128xf32, #tpu.memory_space<vmem>>, vector<1x16xf32>,
        %swap3A_311 = arith.constant 8 : i32
        %swap3A_312 = arith.index_cast %swap3A_311 : i32 to index
        %swap3A_313 = arith.index_cast %mul3A_178 : i32 to index
        %swap3A_314 = tpu.vector_load %arg5[%swap3A_312, %swap3A_313] {strides = array<i32>} : memref<16x128xf32, #tpu.memory_space<vmem>>, vector<1x16xf32>,
        %swap3A_315 = vector.shape_cast %swap3A_314 : vector<1x16xf32> to vector<16xf32>
        %swap3A_316 = vector.shape_cast %scan3A_262#8 : vector<16xf32> to vector<1x16xf32>
        tpu.vector_store %arg5[%swap3A_312, %swap3A_313], %swap3A_316 {strides = array<i32>} : memref<16x128xf32, #tpu.memory_space<vmem>>, vector<1x16xf32>,
        %swap3A_317 = arith.constant 9 : i32
        %swap3A_318 = arith.index_cast %swap3A_317 : i32 to index
        %swap3A_319 = arith.index_cast %mul3A_178 : i32 to index
        %swap3A_320 = tpu.vector_load %arg5[%swap3A_318, %swap3A_319] {strides = array<i32>} : memref<16x128xf32, #tpu.memory_space<vmem>>, vector<1x16xf32>,
        %swap3A_321 = vector.shape_cast %swap3A_320 : vector<1x16xf32> to vector<16xf32>
        %swap3A_322 = vector.shape_cast %scan3A_262#9 : vector<16xf32> to vector<1x16xf32>
        tpu.vector_store %arg5[%swap3A_318, %swap3A_319], %swap3A_322 {strides = array<i32>} : memref<16x128xf32, #tpu.memory_space<vmem>>, vector<1x16xf32>,
        %swap3A_323 = arith.constant 10 : i32
        %swap3A_324 = arith.index_cast %swap3A_323 : i32 to index
        %swap3A_325 = arith.index_cast %mul3A_178 : i32 to index
        %swap3A_326 = tpu.vector_load %arg5[%swap3A_324, %swap3A_325] {strides = array<i32>} : memref<16x128xf32, #tpu.memory_space<vmem>>, vector<1x16xf32>,
        %swap3A_327 = vector.shape_cast %swap3A_326 : vector<1x16xf32> to vector<16xf32>
        %swap3A_328 = vector.shape_cast %scan3A_262#10 : vector<16xf32> to vector<1x16xf32>
        tpu.vector_store %arg5[%swap3A_324, %swap3A_325], %swap3A_328 {strides = array<i32>} : memref<16x128xf32, #tpu.memory_space<vmem>>, vector<1x16xf32>,
        %swap3A_329 = arith.constant 11 : i32
        %swap3A_330 = arith.index_cast %swap3A_329 : i32 to index
        %swap3A_331 = arith.index_cast %mul3A_178 : i32 to index
        %swap3A_332 = tpu.vector_load %arg5[%swap3A_330, %swap3A_331] {strides = array<i32>} : memref<16x128xf32, #tpu.memory_space<vmem>>, vector<1x16xf32>,
        %swap3A_333 = vector.shape_cast %swap3A_332 : vector<1x16xf32> to vector<16xf32>
        %swap3A_334 = vector.shape_cast %scan3A_262#11 : vector<16xf32> to vector<1x16xf32>
        tpu.vector_store %arg5[%swap3A_330, %swap3A_331], %swap3A_334 {strides = array<i32>} : memref<16x128xf32, #tpu.memory_space<vmem>>, vector<1x16xf32>,
        %swap3A_335 = arith.constant 12 : i32
        %swap3A_336 = arith.index_cast %swap3A_335 : i32 to index
        %swap3A_337 = arith.index_cast %mul3A_178 : i32 to index
        %swap3A_338 = tpu.vector_load %arg5[%swap3A_336, %swap3A_337] {strides = array<i32>} : memref<16x128xf32, #tpu.memory_space<vmem>>, vector<1x16xf32>,
        %swap3A_339 = vector.shape_cast %swap3A_338 : vector<1x16xf32> to vector<16xf32>
        %swap3A_340 = vector.shape_cast %scan3A_262#12 : vector<16xf32> to vector<1x16xf32>
        tpu.vector_store %arg5[%swap3A_336, %swap3A_337], %swap3A_340 {strides = array<i32>} : memref<16x128xf32, #tpu.memory_space<vmem>>, vector<1x16xf32>,
        %swap3A_341 = arith.constant 13 : i32
        %swap3A_342 = arith.index_cast %swap3A_341 : i32 to index
        %swap3A_343 = arith.index_cast %mul3A_178 : i32 to index
        %swap3A_344 = tpu.vector_load %arg5[%swap3A_342, %swap3A_343] {strides = array<i32>} : memref<16x128xf32, #tpu.memory_space<vmem>>, vector<1x16xf32>,
        %swap3A_345 = vector.shape_cast %swap3A_344 : vector<1x16xf32> to vector<16xf32>
        %swap3A_346 = vector.shape_cast %scan3A_262#13 : vector<16xf32> to vector<1x16xf32>
        tpu.vector_store %arg5[%swap3A_342, %swap3A_343], %swap3A_346 {strides = array<i32>} : memref<16x128xf32, #tpu.memory_space<vmem>>, vector<1x16xf32>,
        %swap3A_347 = arith.constant 14 : i32
        %swap3A_348 = arith.index_cast %swap3A_347 : i32 to index
        %swap3A_349 = arith.index_cast %mul3A_178 : i32 to index
        %swap3A_350 = tpu.vector_load %arg5[%swap3A_348, %swap3A_349] {strides = array<i32>} : memref<16x128xf32, #tpu.memory_space<vmem>>, vector<1x16xf32>,
        %swap3A_351 = vector.shape_cast %swap3A_350 : vector<1x16xf32> to vector<16xf32>
        %swap3A_352 = vector.shape_cast %scan3A_262#14 : vector<16xf32> to vector<1x16xf32>
        tpu.vector_store %arg5[%swap3A_348, %swap3A_349], %swap3A_352 {strides = array<i32>} : memref<16x128xf32, #tpu.memory_space<vmem>>, vector<1x16xf32>,
        %swap3A_353 = arith.constant 15 : i32
        %swap3A_354 = arith.index_cast %swap3A_353 : i32 to index
        %swap3A_355 = arith.index_cast %mul3A_178 : i32 to index
        %swap3A_356 = tpu.vector_load %arg5[%swap3A_354, %swap3A_355] {strides = array<i32>} : memref<16x128xf32, #tpu.memory_space<vmem>>, vector<1x16xf32>,
        %swap3A_357 = vector.shape_cast %swap3A_356 : vector<1x16xf32> to vector<16xf32>
        %swap3A_358 = vector.shape_cast %scan3A_262#15 : vector<16xf32> to vector<1x16xf32>
        tpu.vector_store %arg5[%swap3A_354, %swap3A_355], %swap3A_358 {strides = array<i32>} : memref<16x128xf32, #tpu.memory_space<vmem>>, vector<1x16xf32>,
        %scan3A_359 = arith.constant 0 : i32
        scf.yield %scan3A_359 : i32
      }
      %scan3A_138 = arith.constant 8 : i32
      %mul3A_139 = arith.constant 2 : i32
      %mul3A_140 = arith.muli %scan3A_105, %mul3A_139 : i32
      %add3A_141 = arith.constant 1 : i32
      %add3A_142 = arith.addi %mul3A_140, %add3A_141 : i32
      %mul3A_143 = arith.constant 128 : i32
      %mul3A_144 = arith.muli %add3A_142, %mul3A_143 : i32
      %add3A_145 = arith.addi %mul3A_76, %mul3A_144 : i32
      %dma_wait3A_146 = arith.constant 1 : i32
      %dma_wait3A_147 = arith.constant 0 : i32
      %dma_wait3A_148 = arith.constant 0 : i32
      %dma_wait3A_149 = tpu.memref_slice %arg4[%dma_wait3A_146, %dma_wait3A_147, %dma_wait3A_148] : memref<2x128x128xf32, #tpu.memory_space<vmem>> -> memref<1x128x128xf32, #tpu.memory_space<vmem>>
      %dma_wait3A_150 = tpu.memref_squeeze %dma_wait3A_149 : memref<1x128x128xf32, #tpu.memory_space<vmem>> -> memref<128x128xf32, #tpu.memory_space<vmem>>
      %dma_wait3A_151 = tpu.memref_slice %arg2[%select_n3A_54, %add3A_145, %add3A_74] : memref<4x8192x2048xf32, #tpu.memory_space<hbm>> -> memref<1x128x128xf32, #tpu.memory_space<hbm>>
      %dma_wait3A_152 = tpu.memref_squeeze %dma_wait3A_151 : memref<1x128x128xf32, #tpu.memory_space<hbm>> -> memref<128x128xf32, #tpu.memory_space<hbm>>
      %dma_wait3A_153 = arith.constant 0 : i32
      %dma_wait3A_154 = arith.constant 0 : i32
      %dma_wait3A_155 = tpu.memref_slice %arg4[%dma_wait3A_146, %dma_wait3A_153, %dma_wait3A_154] : memref<2x128x128xf32, #tpu.memory_space<vmem>> -> memref<1x128x128xf32, #tpu.memory_space<vmem>>
      %dma_wait3A_156 = tpu.memref_squeeze %dma_wait3A_155 : memref<1x128x128xf32, #tpu.memory_space<vmem>> -> memref<128x128xf32, #tpu.memory_space<vmem>>
      %dma_wait3A_157 = tpu.memref_slice %arg2[%select_n3A_54, %add3A_145, %add3A_74] : memref<4x8192x2048xf32, #tpu.memory_space<hbm>> -> memref<1x128x128xf32, #tpu.memory_space<hbm>>
      %dma_wait3A_158 = tpu.memref_squeeze %dma_wait3A_157 : memref<1x128x128xf32, #tpu.memory_space<hbm>> -> memref<128x128xf32, #tpu.memory_space<hbm>>
      tpu.wait_dma2 semaphore(%arg7 : memref<!tpu.dma_semaphore, #tpu.memory_space<semaphore_mem>>) src(%dma_wait3A_158 : memref<128x128xf32, #tpu.memory_space<hbm>>) dst(%dma_wait3A_156 : memref<128x128xf32, #tpu.memory_space<vmem>>)
      %add3A_159 = arith.constant 1 : i32
      %add3A_160 = arith.addi %add3A_142, %add3A_159 : i32
      %lt3A_161 = arith.constant 32 : i32
      %lt3A_162 = arith.cmpi slt, %add3A_160, %lt3A_161 : i32
      %convert_element_type3A_163 = arith.extui %lt3A_162 : i1 to i32
      %cond3A_164 = arith.constant 0 : i32
      %cond3A_165 = arith.cmpi ne, %convert_element_type3A_163, %cond3A_164 : i32
      scf.if %cond3A_165 {
        %add3A_175 = arith.constant 1 : i32
        %add3A_176 = arith.addi %add3A_142, %add3A_175 : i32
        %mul3A_177 = arith.constant 128 : i32
        %mul3A_178 = arith.muli %add3A_176, %mul3A_177 : i32
        %add3A_179 = arith.addi %mul3A_76, %mul3A_178 : i32
        %dma_start3A_180 = arith.constant 0 : i32
        %dma_start3A_181 = arith.constant 0 : i32
        %dma_start3A_182 = arith.constant 0 : i32
        %dma_start3A_183 = tpu.memref_slice %arg4[%dma_start3A_180, %dma_start3A_181, %dma_start3A_182] : memref<2x128x128xf32, #tpu.memory_space<vmem>> -> memref<1x128x128xf32, #tpu.memory_space<vmem>>
        %dma_start3A_184 = tpu.memref_squeeze %dma_start3A_183 : memref<1x128x128xf32, #tpu.memory_space<vmem>> -> memref<128x128xf32, #tpu.memory_space<vmem>>
        %dma_start3A_185 = tpu.memref_slice %arg2[%select_n3A_54, %add3A_179, %add3A_74] : memref<4x8192x2048xf32, #tpu.memory_space<hbm>> -> memref<1x128x128xf32, #tpu.memory_space<hbm>>
        %dma_start3A_186 = tpu.memref_squeeze %dma_start3A_185 : memref<1x128x128xf32, #tpu.memory_space<hbm>> -> memref<128x128xf32, #tpu.memory_space<hbm>>
        %dma_start3A_187 = arith.constant 0 : i32
        %dma_start3A_188 = arith.constant 0 : i32
        %dma_start3A_189 = tpu.memref_slice %arg4[%dma_start3A_180, %dma_start3A_187, %dma_start3A_188] : memref<2x128x128xf32, #tpu.memory_space<vmem>> -> memref<1x128x128xf32, #tpu.memory_space<vmem>>
        %dma_start3A_190 = tpu.memref_squeeze %dma_start3A_189 : memref<1x128x128xf32, #tpu.memory_space<vmem>> -> memref<128x128xf32, #tpu.memory_space<vmem>>
        %dma_start3A_191 = tpu.memref_slice %arg2[%select_n3A_54, %add3A_179, %add3A_74] : memref<4x8192x2048xf32, #tpu.memory_space<hbm>> -> memref<1x128x128xf32, #tpu.memory_space<hbm>>
        %dma_start3A_192 = tpu.memref_squeeze %dma_start3A_191 : memref<1x128x128xf32, #tpu.memory_space<hbm>> -> memref<128x128xf32, #tpu.memory_space<hbm>>
        tpu.enqueue_dma source(%dma_start3A_192 : memref<128x128xf32, #tpu.memory_space<hbm>>) target(%dma_start3A_190 : memref<128x128xf32, #tpu.memory_space<vmem>>) target_semaphore(%arg6 : memref<!tpu.dma_semaphore, #tpu.memory_space<semaphore_mem>>)
      } else {
      }
      %scan3A_166 = arith.constant 1 : i32
      %scan3A_167 = arith.constant 0 : i32
      %scan3A_168 = arith.constant 0 : i32
      %scan3A_169 = arith.constant 8 : i32
      %scan3A_170 = arith.addi %scan3A_168, %scan3A_169 : i32
      %scan3A_171 = arith.constant 1 : i32
      %scan3A_172 = scf.for %scan3A_175 = %scan3A_168 to %scan3A_170 step %scan3A_171 iter_args(%scan3A_176 = %scan3A_167) -> (i32)  : i32 {
        %mul3A_177 = arith.constant 16 : i32
        %mul3A_178 = arith.muli %scan3A_175, %mul3A_177 : i32
        %get3A = arith.constant 0 : i32
        %get3A_179 = arith.index_cast %get3A : i32 to index
        %get3A_180 = arith.index_cast %mul3A_178 : i32 to index
        %get3A_181 = tpu.vector_load %arg5[%get3A_179, %get3A_180] {strides = array<i32>} : memref<16x128xf32, #tpu.memory_space<vmem>>, vector<1x16xf32>,
        %get3A_182 = vector.shape_cast %get3A_181 : vector<1x16xf32> to vector<16xf32>
        %get3A_183 = arith.constant 1 : i32
        %get3A_184 = arith.index_cast %get3A_183 : i32 to index
        %get3A_185 = arith.index_cast %mul3A_178 : i32 to index
        %get3A_186 = tpu.vector_load %arg5[%get3A_184, %get3A_185] {strides = array<i32>} : memref<16x128xf32, #tpu.memory_space<vmem>>, vector<1x16xf32>,
        %get3A_187 = vector.shape_cast %get3A_186 : vector<1x16xf32> to vector<16xf32>
        %get3A_188 = arith.constant 2 : i32
        %get3A_189 = arith.index_cast %get3A_188 : i32 to index
        %get3A_190 = arith.index_cast %mul3A_178 : i32 to index
        %get3A_191 = tpu.vector_load %arg5[%get3A_189, %get3A_190] {strides = array<i32>} : memref<16x128xf32, #tpu.memory_space<vmem>>, vector<1x16xf32>,
        %get3A_192 = vector.shape_cast %get3A_191 : vector<1x16xf32> to vector<16xf32>
        %get3A_193 = arith.constant 3 : i32
        %get3A_194 = arith.index_cast %get3A_193 : i32 to index
        %get3A_195 = arith.index_cast %mul3A_178 : i32 to index
        %get3A_196 = tpu.vector_load %arg5[%get3A_194, %get3A_195] {strides = array<i32>} : memref<16x128xf32, #tpu.memory_space<vmem>>, vector<1x16xf32>,
        %get3A_197 = vector.shape_cast %get3A_196 : vector<1x16xf32> to vector<16xf32>
        %get3A_198 = arith.constant 4 : i32
        %get3A_199 = arith.index_cast %get3A_198 : i32 to index
        %get3A_200 = arith.index_cast %mul3A_178 : i32 to index
        %get3A_201 = tpu.vector_load %arg5[%get3A_199, %get3A_200] {strides = array<i32>} : memref<16x128xf32, #tpu.memory_space<vmem>>, vector<1x16xf32>,
        %get3A_202 = vector.shape_cast %get3A_201 : vector<1x16xf32> to vector<16xf32>
        %get3A_203 = arith.constant 5 : i32
        %get3A_204 = arith.index_cast %get3A_203 : i32 to index
        %get3A_205 = arith.index_cast %mul3A_178 : i32 to index
        %get3A_206 = tpu.vector_load %arg5[%get3A_204, %get3A_205] {strides = array<i32>} : memref<16x128xf32, #tpu.memory_space<vmem>>, vector<1x16xf32>,
        %get3A_207 = vector.shape_cast %get3A_206 : vector<1x16xf32> to vector<16xf32>
        %get3A_208 = arith.constant 6 : i32
        %get3A_209 = arith.index_cast %get3A_208 : i32 to index
        %get3A_210 = arith.index_cast %mul3A_178 : i32 to index
        %get3A_211 = tpu.vector_load %arg5[%get3A_209, %get3A_210] {strides = array<i32>} : memref<16x128xf32, #tpu.memory_space<vmem>>, vector<1x16xf32>,
        %get3A_212 = vector.shape_cast %get3A_211 : vector<1x16xf32> to vector<16xf32>
        %get3A_213 = arith.constant 7 : i32
        %get3A_214 = arith.index_cast %get3A_213 : i32 to index
        %get3A_215 = arith.index_cast %mul3A_178 : i32 to index
        %get3A_216 = tpu.vector_load %arg5[%get3A_214, %get3A_215] {strides = array<i32>} : memref<16x128xf32, #tpu.memory_space<vmem>>, vector<1x16xf32>,
        %get3A_217 = vector.shape_cast %get3A_216 : vector<1x16xf32> to vector<16xf32>
        %get3A_218 = arith.constant 8 : i32
        %get3A_219 = arith.index_cast %get3A_218 : i32 to index
        %get3A_220 = arith.index_cast %mul3A_178 : i32 to index
        %get3A_221 = tpu.vector_load %arg5[%get3A_219, %get3A_220] {strides = array<i32>} : memref<16x128xf32, #tpu.memory_space<vmem>>, vector<1x16xf32>,
        %get3A_222 = vector.shape_cast %get3A_221 : vector<1x16xf32> to vector<16xf32>
        %get3A_223 = arith.constant 9 : i32
        %get3A_224 = arith.index_cast %get3A_223 : i32 to index
        %get3A_225 = arith.index_cast %mul3A_178 : i32 to index
        %get3A_226 = tpu.vector_load %arg5[%get3A_224, %get3A_225] {strides = array<i32>} : memref<16x128xf32, #tpu.memory_space<vmem>>, vector<1x16xf32>,
        %get3A_227 = vector.shape_cast %get3A_226 : vector<1x16xf32> to vector<16xf32>
        %get3A_228 = arith.constant 10 : i32
        %get3A_229 = arith.index_cast %get3A_228 : i32 to index
        %get3A_230 = arith.index_cast %mul3A_178 : i32 to index
        %get3A_231 = tpu.vector_load %arg5[%get3A_229, %get3A_230] {strides = array<i32>} : memref<16x128xf32, #tpu.memory_space<vmem>>, vector<1x16xf32>,
        %get3A_232 = vector.shape_cast %get3A_231 : vector<1x16xf32> to vector<16xf32>
        %get3A_233 = arith.constant 11 : i32
        %get3A_234 = arith.index_cast %get3A_233 : i32 to index
        %get3A_235 = arith.index_cast %mul3A_178 : i32 to index
        %get3A_236 = tpu.vector_load %arg5[%get3A_234, %get3A_235] {strides = array<i32>} : memref<16x128xf32, #tpu.memory_space<vmem>>, vector<1x16xf32>,
        %get3A_237 = vector.shape_cast %get3A_236 : vector<1x16xf32> to vector<16xf32>
        %get3A_238 = arith.constant 12 : i32
        %get3A_239 = arith.index_cast %get3A_238 : i32 to index
        %get3A_240 = arith.index_cast %mul3A_178 : i32 to index
        %get3A_241 = tpu.vector_load %arg5[%get3A_239, %get3A_240] {strides = array<i32>} : memref<16x128xf32, #tpu.memory_space<vmem>>, vector<1x16xf32>,
        %get3A_242 = vector.shape_cast %get3A_241 : vector<1x16xf32> to vector<16xf32>
        %get3A_243 = arith.constant 13 : i32
        %get3A_244 = arith.index_cast %get3A_243 : i32 to index
        %get3A_245 = arith.index_cast %mul3A_178 : i32 to index
        %get3A_246 = tpu.vector_load %arg5[%get3A_244, %get3A_245] {strides = array<i32>} : memref<16x128xf32, #tpu.memory_space<vmem>>, vector<1x16xf32>,
        %get3A_247 = vector.shape_cast %get3A_246 : vector<1x16xf32> to vector<16xf32>
        %get3A_248 = arith.constant 14 : i32
        %get3A_249 = arith.index_cast %get3A_248 : i32 to index
        %get3A_250 = arith.index_cast %mul3A_178 : i32 to index
        %get3A_251 = tpu.vector_load %arg5[%get3A_249, %get3A_250] {strides = array<i32>} : memref<16x128xf32, #tpu.memory_space<vmem>>, vector<1x16xf32>,
        %get3A_252 = vector.shape_cast %get3A_251 : vector<1x16xf32> to vector<16xf32>
        %get3A_253 = arith.constant 15 : i32
        %get3A_254 = arith.index_cast %get3A_253 : i32 to index
        %get3A_255 = arith.index_cast %mul3A_178 : i32 to index
        %get3A_256 = tpu.vector_load %arg5[%get3A_254, %get3A_255] {strides = array<i32>} : memref<16x128xf32, #tpu.memory_space<vmem>>, vector<1x16xf32>,
        %get3A_257 = vector.shape_cast %get3A_256 : vector<1x16xf32> to vector<16xf32>
        %scan3A_258 = arith.constant 0 : i32
        %scan3A_259 = arith.constant 8 : i32
        %scan3A_260 = arith.addi %scan3A_258, %scan3A_259 : i32
        %scan3A_261 = arith.constant 1 : i32
        %scan3A_262:16 = scf.for %scan3A_360 = %scan3A_258 to %scan3A_260 step %scan3A_261 iter_args(%scan3A_361 = %get3A_182, %scan3A_362 = %get3A_187, %scan3A_363 = %get3A_192, %scan3A_364 = %get3A_197, %scan3A_365 = %get3A_202, %scan3A_366 = %get3A_207, %scan3A_367 = %get3A_212, %scan3A_368 = %get3A_217, %scan3A_369 = %get3A_222, %scan3A_370 = %get3A_227, %scan3A_371 = %get3A_232, %scan3A_372 = %get3A_237, %scan3A_373 = %get3A_242, %scan3A_374 = %get3A_247, %scan3A_375 = %get3A_252, %scan3A_376 = %get3A_257) -> (vector<16xf32>, vector<16xf32>, vector<16xf32>, vector<16xf32>, vector<16xf32>, vector<16xf32>, vector<16xf32>, vector<16xf32>, vector<16xf32>, vector<16xf32>, vector<16xf32>, vector<16xf32>, vector<16xf32>, vector<16xf32>, vector<16xf32>, vector<16xf32>)  : i32 {
          %mul3A_377 = arith.constant 16 : i32
          %mul3A_378 = arith.muli %scan3A_360, %mul3A_377 : i32
          %add3A_379 = arith.constant 0 : i32
          %add3A_380 = arith.addi %mul3A_378, %add3A_379 : i32
          %get3A_381 = arith.constant 0 : i32
          %get3A_382 = arith.constant 0 : i32
          %get3A_383 = tpu.memref_slice %arg4[%scan3A_166, %get3A_381, %get3A_382] : memref<2x128x128xf32, #tpu.memory_space<vmem>> -> memref<1x128x128xf32, #tpu.memory_space<vmem>>
          %get3A_384 = tpu.memref_squeeze %get3A_383 : memref<1x128x128xf32, #tpu.memory_space<vmem>> -> memref<128x128xf32, #tpu.memory_space<vmem>>
          %get3A_385 = arith.index_cast %add3A_380 : i32 to index
          %get3A_386 = arith.index_cast %mul3A_178 : i32 to index
          %get3A_387 = tpu.vector_load %get3A_384[%get3A_385, %get3A_386] {strides = array<i32>} : memref<128x128xf32, #tpu.memory_space<vmem>>, vector<1x16xf32>,
          %get3A_388 = vector.shape_cast %get3A_387 : vector<1x16xf32> to vector<16xf32>
          %add3A_389 = arith.constant 1 : i32
          %add3A_390 = arith.addi %mul3A_378, %add3A_389 : i32
          %get3A_391 = arith.constant 0 : i32
          %get3A_392 = arith.constant 0 : i32
          %get3A_393 = tpu.memref_slice %arg4[%scan3A_166, %get3A_391, %get3A_392] : memref<2x128x128xf32, #tpu.memory_space<vmem>> -> memref<1x128x128xf32, #tpu.memory_space<vmem>>
          %get3A_394 = tpu.memref_squeeze %get3A_393 : memref<1x128x128xf32, #tpu.memory_space<vmem>> -> memref<128x128xf32, #tpu.memory_space<vmem>>
          %get3A_395 = arith.index_cast %add3A_390 : i32 to index
          %get3A_396 = arith.index_cast %mul3A_178 : i32 to index
          %get3A_397 = tpu.vector_load %get3A_394[%get3A_395, %get3A_396] {strides = array<i32>} : memref<128x128xf32, #tpu.memory_space<vmem>>, vector<1x16xf32>,
          %get3A_398 = vector.shape_cast %get3A_397 : vector<1x16xf32> to vector<16xf32>
          %add3A_399 = arith.constant 2 : i32
          %add3A_400 = arith.addi %mul3A_378, %add3A_399 : i32
          %get3A_401 = arith.constant 0 : i32
          %get3A_402 = arith.constant 0 : i32
          %get3A_403 = tpu.memref_slice %arg4[%scan3A_166, %get3A_401, %get3A_402] : memref<2x128x128xf32, #tpu.memory_space<vmem>> -> memref<1x128x128xf32, #tpu.memory_space<vmem>>
          %get3A_404 = tpu.memref_squeeze %get3A_403 : memref<1x128x128xf32, #tpu.memory_space<vmem>> -> memref<128x128xf32, #tpu.memory_space<vmem>>
          %get3A_405 = arith.index_cast %add3A_400 : i32 to index
          %get3A_406 = arith.index_cast %mul3A_178 : i32 to index
          %get3A_407 = tpu.vector_load %get3A_404[%get3A_405, %get3A_406] {strides = array<i32>} : memref<128x128xf32, #tpu.memory_space<vmem>>, vector<1x16xf32>,
          %get3A_408 = vector.shape_cast %get3A_407 : vector<1x16xf32> to vector<16xf32>
          %add3A_409 = arith.constant 3 : i32
          %add3A_410 = arith.addi %mul3A_378, %add3A_409 : i32
          %get3A_411 = arith.constant 0 : i32
          %get3A_412 = arith.constant 0 : i32
          %get3A_413 = tpu.memref_slice %arg4[%scan3A_166, %get3A_411, %get3A_412] : memref<2x128x128xf32, #tpu.memory_space<vmem>> -> memref<1x128x128xf32, #tpu.memory_space<vmem>>
          %get3A_414 = tpu.memref_squeeze %get3A_413 : memref<1x128x128xf32, #tpu.memory_space<vmem>> -> memref<128x128xf32, #tpu.memory_space<vmem>>
          %get3A_415 = arith.index_cast %add3A_410 : i32 to index
          %get3A_416 = arith.index_cast %mul3A_178 : i32 to index
          %get3A_417 = tpu.vector_load %get3A_414[%get3A_415, %get3A_416] {strides = array<i32>} : memref<128x128xf32, #tpu.memory_space<vmem>>, vector<1x16xf32>,
          %get3A_418 = vector.shape_cast %get3A_417 : vector<1x16xf32> to vector<16xf32>
          %add3A_419 = arith.constant 4 : i32
          %add3A_420 = arith.addi %mul3A_378, %add3A_419 : i32
          %get3A_421 = arith.constant 0 : i32
          %get3A_422 = arith.constant 0 : i32
          %get3A_423 = tpu.memref_slice %arg4[%scan3A_166, %get3A_421, %get3A_422] : memref<2x128x128xf32, #tpu.memory_space<vmem>> -> memref<1x128x128xf32, #tpu.memory_space<vmem>>
          %get3A_424 = tpu.memref_squeeze %get3A_423 : memref<1x128x128xf32, #tpu.memory_space<vmem>> -> memref<128x128xf32, #tpu.memory_space<vmem>>
          %get3A_425 = arith.index_cast %add3A_420 : i32 to index
          %get3A_426 = arith.index_cast %mul3A_178 : i32 to index
          %get3A_427 = tpu.vector_load %get3A_424[%get3A_425, %get3A_426] {strides = array<i32>} : memref<128x128xf32, #tpu.memory_space<vmem>>, vector<1x16xf32>,
          %get3A_428 = vector.shape_cast %get3A_427 : vector<1x16xf32> to vector<16xf32>
          %add3A_429 = arith.constant 5 : i32
          %add3A_430 = arith.addi %mul3A_378, %add3A_429 : i32
          %get3A_431 = arith.constant 0 : i32
          %get3A_432 = arith.constant 0 : i32
          %get3A_433 = tpu.memref_slice %arg4[%scan3A_166, %get3A_431, %get3A_432] : memref<2x128x128xf32, #tpu.memory_space<vmem>> -> memref<1x128x128xf32, #tpu.memory_space<vmem>>
          %get3A_434 = tpu.memref_squeeze %get3A_433 : memref<1x128x128xf32, #tpu.memory_space<vmem>> -> memref<128x128xf32, #tpu.memory_space<vmem>>
          %get3A_435 = arith.index_cast %add3A_430 : i32 to index
          %get3A_436 = arith.index_cast %mul3A_178 : i32 to index
          %get3A_437 = tpu.vector_load %get3A_434[%get3A_435, %get3A_436] {strides = array<i32>} : memref<128x128xf32, #tpu.memory_space<vmem>>, vector<1x16xf32>,
          %get3A_438 = vector.shape_cast %get3A_437 : vector<1x16xf32> to vector<16xf32>
          %add3A_439 = arith.constant 6 : i32
          %add3A_440 = arith.addi %mul3A_378, %add3A_439 : i32
          %get3A_441 = arith.constant 0 : i32
          %get3A_442 = arith.constant 0 : i32
          %get3A_443 = tpu.memref_slice %arg4[%scan3A_166, %get3A_441, %get3A_442] : memref<2x128x128xf32, #tpu.memory_space<vmem>> -> memref<1x128x128xf32, #tpu.memory_space<vmem>>
          %get3A_444 = tpu.memref_squeeze %get3A_443 : memref<1x128x128xf32, #tpu.memory_space<vmem>> -> memref<128x128xf32, #tpu.memory_space<vmem>>
          %get3A_445 = arith.index_cast %add3A_440 : i32 to index
          %get3A_446 = arith.index_cast %mul3A_178 : i32 to index
          %get3A_447 = tpu.vector_load %get3A_444[%get3A_445, %get3A_446] {strides = array<i32>} : memref<128x128xf32, #tpu.memory_space<vmem>>, vector<1x16xf32>,
          %get3A_448 = vector.shape_cast %get3A_447 : vector<1x16xf32> to vector<16xf32>
          %add3A_449 = arith.constant 7 : i32
          %add3A_450 = arith.addi %mul3A_378, %add3A_449 : i32
          %get3A_451 = arith.constant 0 : i32
          %get3A_452 = arith.constant 0 : i32
          %get3A_453 = tpu.memref_slice %arg4[%scan3A_166, %get3A_451, %get3A_452] : memref<2x128x128xf32, #tpu.memory_space<vmem>> -> memref<1x128x128xf32, #tpu.memory_space<vmem>>
          %get3A_454 = tpu.memref_squeeze %get3A_453 : memref<1x128x128xf32, #tpu.memory_space<vmem>> -> memref<128x128xf32, #tpu.memory_space<vmem>>
          %get3A_455 = arith.index_cast %add3A_450 : i32 to index
          %get3A_456 = arith.index_cast %mul3A_178 : i32 to index
          %get3A_457 = tpu.vector_load %get3A_454[%get3A_455, %get3A_456] {strides = array<i32>} : memref<128x128xf32, #tpu.memory_space<vmem>>, vector<1x16xf32>,
          %get3A_458 = vector.shape_cast %get3A_457 : vector<1x16xf32> to vector<16xf32>
          %add3A_459 = arith.constant 8 : i32
          %add3A_460 = arith.addi %mul3A_378, %add3A_459 : i32
          %get3A_461 = arith.constant 0 : i32
          %get3A_462 = arith.constant 0 : i32
          %get3A_463 = tpu.memref_slice %arg4[%scan3A_166, %get3A_461, %get3A_462] : memref<2x128x128xf32, #tpu.memory_space<vmem>> -> memref<1x128x128xf32, #tpu.memory_space<vmem>>
          %get3A_464 = tpu.memref_squeeze %get3A_463 : memref<1x128x128xf32, #tpu.memory_space<vmem>> -> memref<128x128xf32, #tpu.memory_space<vmem>>
          %get3A_465 = arith.index_cast %add3A_460 : i32 to index
          %get3A_466 = arith.index_cast %mul3A_178 : i32 to index
          %get3A_467 = tpu.vector_load %get3A_464[%get3A_465, %get3A_466] {strides = array<i32>} : memref<128x128xf32, #tpu.memory_space<vmem>>, vector<1x16xf32>,
          %get3A_468 = vector.shape_cast %get3A_467 : vector<1x16xf32> to vector<16xf32>
          %add3A_469 = arith.constant 9 : i32
          %add3A_470 = arith.addi %mul3A_378, %add3A_469 : i32
          %get3A_471 = arith.constant 0 : i32
          %get3A_472 = arith.constant 0 : i32
          %get3A_473 = tpu.memref_slice %arg4[%scan3A_166, %get3A_471, %get3A_472] : memref<2x128x128xf32, #tpu.memory_space<vmem>> -> memref<1x128x128xf32, #tpu.memory_space<vmem>>
          %get3A_474 = tpu.memref_squeeze %get3A_473 : memref<1x128x128xf32, #tpu.memory_space<vmem>> -> memref<128x128xf32, #tpu.memory_space<vmem>>
          %get3A_475 = arith.index_cast %add3A_470 : i32 to index
          %get3A_476 = arith.index_cast %mul3A_178 : i32 to index
          %get3A_477 = tpu.vector_load %get3A_474[%get3A_475, %get3A_476] {strides = array<i32>} : memref<128x128xf32, #tpu.memory_space<vmem>>, vector<1x16xf32>,
          %get3A_478 = vector.shape_cast %get3A_477 : vector<1x16xf32> to vector<16xf32>
          %add3A_479 = arith.constant 10 : i32
          %add3A_480 = arith.addi %mul3A_378, %add3A_479 : i32
          %get3A_481 = arith.constant 0 : i32
          %get3A_482 = arith.constant 0 : i32
          %get3A_483 = tpu.memref_slice %arg4[%scan3A_166, %get3A_481, %get3A_482] : memref<2x128x128xf32, #tpu.memory_space<vmem>> -> memref<1x128x128xf32, #tpu.memory_space<vmem>>
          %get3A_484 = tpu.memref_squeeze %get3A_483 : memref<1x128x128xf32, #tpu.memory_space<vmem>> -> memref<128x128xf32, #tpu.memory_space<vmem>>
          %get3A_485 = arith.index_cast %add3A_480 : i32 to index
          %get3A_486 = arith.index_cast %mul3A_178 : i32 to index
          %get3A_487 = tpu.vector_load %get3A_484[%get3A_485, %get3A_486] {strides = array<i32>} : memref<128x128xf32, #tpu.memory_space<vmem>>, vector<1x16xf32>,
          %get3A_488 = vector.shape_cast %get3A_487 : vector<1x16xf32> to vector<16xf32>
          %add3A_489 = arith.constant 11 : i32
          %add3A_490 = arith.addi %mul3A_378, %add3A_489 : i32
          %get3A_491 = arith.constant 0 : i32
          %get3A_492 = arith.constant 0 : i32
          %get3A_493 = tpu.memref_slice %arg4[%scan3A_166, %get3A_491, %get3A_492] : memref<2x128x128xf32, #tpu.memory_space<vmem>> -> memref<1x128x128xf32, #tpu.memory_space<vmem>>
          %get3A_494 = tpu.memref_squeeze %get3A_493 : memref<1x128x128xf32, #tpu.memory_space<vmem>> -> memref<128x128xf32, #tpu.memory_space<vmem>>
          %get3A_495 = arith.index_cast %add3A_490 : i32 to index
          %get3A_496 = arith.index_cast %mul3A_178 : i32 to index
          %get3A_497 = tpu.vector_load %get3A_494[%get3A_495, %get3A_496] {strides = array<i32>} : memref<128x128xf32, #tpu.memory_space<vmem>>, vector<1x16xf32>,
          %get3A_498 = vector.shape_cast %get3A_497 : vector<1x16xf32> to vector<16xf32>
          %add3A_499 = arith.constant 12 : i32
          %add3A_500 = arith.addi %mul3A_378, %add3A_499 : i32
          %get3A_501 = arith.constant 0 : i32
          %get3A_502 = arith.constant 0 : i32
          %get3A_503 = tpu.memref_slice %arg4[%scan3A_166, %get3A_501, %get3A_502] : memref<2x128x128xf32, #tpu.memory_space<vmem>> -> memref<1x128x128xf32, #tpu.memory_space<vmem>>
          %get3A_504 = tpu.memref_squeeze %get3A_503 : memref<1x128x128xf32, #tpu.memory_space<vmem>> -> memref<128x128xf32, #tpu.memory_space<vmem>>
          %get3A_505 = arith.index_cast %add3A_500 : i32 to index
          %get3A_506 = arith.index_cast %mul3A_178 : i32 to index
          %get3A_507 = tpu.vector_load %get3A_504[%get3A_505, %get3A_506] {strides = array<i32>} : memref<128x128xf32, #tpu.memory_space<vmem>>, vector<1x16xf32>,
          %get3A_508 = vector.shape_cast %get3A_507 : vector<1x16xf32> to vector<16xf32>
          %add3A_509 = arith.constant 13 : i32
          %add3A_510 = arith.addi %mul3A_378, %add3A_509 : i32
          %get3A_511 = arith.constant 0 : i32
          %get3A_512 = arith.constant 0 : i32
          %get3A_513 = tpu.memref_slice %arg4[%scan3A_166, %get3A_511, %get3A_512] : memref<2x128x128xf32, #tpu.memory_space<vmem>> -> memref<1x128x128xf32, #tpu.memory_space<vmem>>
          %get3A_514 = tpu.memref_squeeze %get3A_513 : memref<1x128x128xf32, #tpu.memory_space<vmem>> -> memref<128x128xf32, #tpu.memory_space<vmem>>
          %get3A_515 = arith.index_cast %add3A_510 : i32 to index
          %get3A_516 = arith.index_cast %mul3A_178 : i32 to index
          %get3A_517 = tpu.vector_load %get3A_514[%get3A_515, %get3A_516] {strides = array<i32>} : memref<128x128xf32, #tpu.memory_space<vmem>>, vector<1x16xf32>,
          %get3A_518 = vector.shape_cast %get3A_517 : vector<1x16xf32> to vector<16xf32>
          %add3A_519 = arith.constant 14 : i32
          %add3A_520 = arith.addi %mul3A_378, %add3A_519 : i32
          %get3A_521 = arith.constant 0 : i32
          %get3A_522 = arith.constant 0 : i32
          %get3A_523 = tpu.memref_slice %arg4[%scan3A_166, %get3A_521, %get3A_522] : memref<2x128x128xf32, #tpu.memory_space<vmem>> -> memref<1x128x128xf32, #tpu.memory_space<vmem>>
          %get3A_524 = tpu.memref_squeeze %get3A_523 : memref<1x128x128xf32, #tpu.memory_space<vmem>> -> memref<128x128xf32, #tpu.memory_space<vmem>>
          %get3A_525 = arith.index_cast %add3A_520 : i32 to index
          %get3A_526 = arith.index_cast %mul3A_178 : i32 to index
          %get3A_527 = tpu.vector_load %get3A_524[%get3A_525, %get3A_526] {strides = array<i32>} : memref<128x128xf32, #tpu.memory_space<vmem>>, vector<1x16xf32>,
          %get3A_528 = vector.shape_cast %get3A_527 : vector<1x16xf32> to vector<16xf32>
          %add3A_529 = arith.constant 15 : i32
          %add3A_530 = arith.addi %mul3A_378, %add3A_529 : i32
          %get3A_531 = arith.constant 0 : i32
          %get3A_532 = arith.constant 0 : i32
          %get3A_533 = tpu.memref_slice %arg4[%scan3A_166, %get3A_531, %get3A_532] : memref<2x128x128xf32, #tpu.memory_space<vmem>> -> memref<1x128x128xf32, #tpu.memory_space<vmem>>
          %get3A_534 = tpu.memref_squeeze %get3A_533 : memref<1x128x128xf32, #tpu.memory_space<vmem>> -> memref<128x128xf32, #tpu.memory_space<vmem>>
          %get3A_535 = arith.index_cast %add3A_530 : i32 to index
          %get3A_536 = arith.index_cast %mul3A_178 : i32 to index
          %get3A_537 = tpu.vector_load %get3A_534[%get3A_535, %get3A_536] {strides = array<i32>} : memref<128x128xf32, #tpu.memory_space<vmem>>, vector<1x16xf32>,
          %get3A_538 = vector.shape_cast %get3A_537 : vector<1x16xf32> to vector<16xf32>
          %max3A = arith.maximumf %get3A_388, %get3A_398 : vector<16xf32>
          %min3A = arith.minimumf %get3A_388, %get3A_398 : vector<16xf32>
          %max3A_539 = arith.maximumf %get3A_408, %get3A_418 : vector<16xf32>
          %min3A_540 = arith.minimumf %get3A_408, %get3A_418 : vector<16xf32>
          %max3A_541 = arith.maximumf %max3A, %max3A_539 : vector<16xf32>
          %min3A_542 = arith.minimumf %max3A, %max3A_539 : vector<16xf32>
          %max3A_543 = arith.maximumf %min3A, %min3A_540 : vector<16xf32>
          %min3A_544 = arith.minimumf %min3A, %min3A_540 : vector<16xf32>
          %max3A_545 = arith.maximumf %max3A_543, %min3A_542 : vector<16xf32>
          %min3A_546 = arith.minimumf %max3A_543, %min3A_542 : vector<16xf32>
          %max3A_547 = arith.maximumf %get3A_428, %get3A_438 : vector<16xf32>
          %min3A_548 = arith.minimumf %get3A_428, %get3A_438 : vector<16xf32>
          %max3A_549 = arith.maximumf %get3A_448, %get3A_458 : vector<16xf32>
          %min3A_550 = arith.minimumf %get3A_448, %get3A_458 : vector<16xf32>
          %max3A_551 = arith.maximumf %max3A_547, %max3A_549 : vector<16xf32>
          %min3A_552 = arith.minimumf %max3A_547, %max3A_549 : vector<16xf32>
          %max3A_553 = arith.maximumf %min3A_548, %min3A_550 : vector<16xf32>
          %min3A_554 = arith.minimumf %min3A_548, %min3A_550 : vector<16xf32>
          %max3A_555 = arith.maximumf %max3A_553, %min3A_552 : vector<16xf32>
          %min3A_556 = arith.minimumf %max3A_553, %min3A_552 : vector<16xf32>
          %max3A_557 = arith.maximumf %max3A_541, %max3A_551 : vector<16xf32>
          %min3A_558 = arith.minimumf %max3A_541, %max3A_551 : vector<16xf32>
          %max3A_559 = arith.maximumf %min3A_546, %min3A_556 : vector<16xf32>
          %min3A_560 = arith.minimumf %min3A_546, %min3A_556 : vector<16xf32>
          %max3A_561 = arith.maximumf %max3A_559, %min3A_558 : vector<16xf32>
          %min3A_562 = arith.minimumf %max3A_559, %min3A_558 : vector<16xf32>
          %max3A_563 = arith.maximumf %max3A_545, %max3A_555 : vector<16xf32>
          %min3A_564 = arith.minimumf %max3A_545, %max3A_555 : vector<16xf32>
          %max3A_565 = arith.maximumf %min3A_544, %min3A_554 : vector<16xf32>
          %min3A_566 = arith.minimumf %min3A_544, %min3A_554 : vector<16xf32>
          %max3A_567 = arith.maximumf %max3A_565, %min3A_564 : vector<16xf32>
          %min3A_568 = arith.minimumf %max3A_565, %min3A_564 : vector<16xf32>
          %max3A_569 = arith.maximumf %max3A_563, %max3A_561 : vector<16xf32>
          %min3A_570 = arith.minimumf %max3A_563, %max3A_561 : vector<16xf32>
          %max3A_571 = arith.maximumf %max3A_567, %min3A_562 : vector<16xf32>
          %min3A_572 = arith.minimumf %max3A_567, %min3A_562 : vector<16xf32>
          %max3A_573 = arith.maximumf %min3A_568, %min3A_560 : vector<16xf32>
          %min3A_574 = arith.minimumf %min3A_568, %min3A_560 : vector<16xf32>
          %max3A_575 = arith.maximumf %get3A_468, %get3A_478 : vector<16xf32>
          %min3A_576 = arith.minimumf %get3A_468, %get3A_478 : vector<16xf32>
          %max3A_577 = arith.maximumf %get3A_488, %get3A_498 : vector<16xf32>
          %min3A_578 = arith.minimumf %get3A_488, %get3A_498 : vector<16xf32>
          %max3A_579 = arith.maximumf %max3A_575, %max3A_577 : vector<16xf32>
          %min3A_580 = arith.minimumf %max3A_575, %max3A_577 : vector<16xf32>
          %max3A_581 = arith.maximumf %min3A_576, %min3A_578 : vector<16xf32>
          %min3A_582 = arith.minimumf %min3A_576, %min3A_578 : vector<16xf32>
          %max3A_583 = arith.maximumf %max3A_581, %min3A_580 : vector<16xf32>
          %min3A_584 = arith.minimumf %max3A_581, %min3A_580 : vector<16xf32>
          %max3A_585 = arith.maximumf %get3A_508, %get3A_518 : vector<16xf32>
          %min3A_586 = arith.minimumf %get3A_508, %get3A_518 : vector<16xf32>
          %max3A_587 = arith.maximumf %get3A_528, %get3A_538 : vector<16xf32>
          %min3A_588 = arith.minimumf %get3A_528, %get3A_538 : vector<16xf32>
          %max3A_589 = arith.maximumf %max3A_585, %max3A_587 : vector<16xf32>
          %min3A_590 = arith.minimumf %max3A_585, %max3A_587 : vector<16xf32>
          %max3A_591 = arith.maximumf %min3A_586, %min3A_588 : vector<16xf32>
          %min3A_592 = arith.minimumf %min3A_586, %min3A_588 : vector<16xf32>
          %max3A_593 = arith.maximumf %max3A_591, %min3A_590 : vector<16xf32>
          %min3A_594 = arith.minimumf %max3A_591, %min3A_590 : vector<16xf32>
          %max3A_595 = arith.maximumf %max3A_579, %max3A_589 : vector<16xf32>
          %min3A_596 = arith.minimumf %max3A_579, %max3A_589 : vector<16xf32>
          %max3A_597 = arith.maximumf %min3A_584, %min3A_594 : vector<16xf32>
          %min3A_598 = arith.minimumf %min3A_584, %min3A_594 : vector<16xf32>
          %max3A_599 = arith.maximumf %max3A_597, %min3A_596 : vector<16xf32>
          %min3A_600 = arith.minimumf %max3A_597, %min3A_596 : vector<16xf32>
          %max3A_601 = arith.maximumf %max3A_583, %max3A_593 : vector<16xf32>
          %min3A_602 = arith.minimumf %max3A_583, %max3A_593 : vector<16xf32>
          %max3A_603 = arith.maximumf %min3A_582, %min3A_592 : vector<16xf32>
          %min3A_604 = arith.minimumf %min3A_582, %min3A_592 : vector<16xf32>
          %max3A_605 = arith.maximumf %max3A_603, %min3A_602 : vector<16xf32>
          %min3A_606 = arith.minimumf %max3A_603, %min3A_602 : vector<16xf32>
          %max3A_607 = arith.maximumf %max3A_601, %max3A_599 : vector<16xf32>
          %min3A_608 = arith.minimumf %max3A_601, %max3A_599 : vector<16xf32>
          %max3A_609 = arith.maximumf %max3A_605, %min3A_600 : vector<16xf32>
          %min3A_610 = arith.minimumf %max3A_605, %min3A_600 : vector<16xf32>
          %max3A_611 = arith.maximumf %min3A_606, %min3A_598 : vector<16xf32>
          %min3A_612 = arith.minimumf %min3A_606, %min3A_598 : vector<16xf32>
          %max3A_613 = arith.maximumf %max3A_557, %max3A_595 : vector<16xf32>
          %min3A_614 = arith.minimumf %max3A_557, %max3A_595 : vector<16xf32>
          %max3A_615 = arith.maximumf %min3A_572, %min3A_610 : vector<16xf32>
          %min3A_616 = arith.minimumf %min3A_572, %min3A_610 : vector<16xf32>
          %max3A_617 = arith.maximumf %max3A_615, %min3A_614 : vector<16xf32>
          %min3A_618 = arith.minimumf %max3A_615, %min3A_614 : vector<16xf32>
          %max3A_619 = arith.maximumf %min3A_570, %min3A_608 : vector<16xf32>
          %min3A_620 = arith.minimumf %min3A_570, %min3A_608 : vector<16xf32>
          %max3A_621 = arith.maximumf %min3A_574, %min3A_612 : vector<16xf32>
          %min3A_622 = arith.minimumf %min3A_574, %min3A_612 : vector<16xf32>
          %max3A_623 = arith.maximumf %max3A_621, %min3A_620 : vector<16xf32>
          %min3A_624 = arith.minimumf %max3A_621, %min3A_620 : vector<16xf32>
          %max3A_625 = arith.maximumf %max3A_619, %max3A_617 : vector<16xf32>
          %min3A_626 = arith.minimumf %max3A_619, %max3A_617 : vector<16xf32>
          %max3A_627 = arith.maximumf %max3A_623, %min3A_618 : vector<16xf32>
          %min3A_628 = arith.minimumf %max3A_623, %min3A_618 : vector<16xf32>
          %max3A_629 = arith.maximumf %min3A_624, %min3A_616 : vector<16xf32>
          %min3A_630 = arith.minimumf %min3A_624, %min3A_616 : vector<16xf32>
          %max3A_631 = arith.maximumf %max3A_569, %max3A_607 : vector<16xf32>
          %min3A_632 = arith.minimumf %max3A_569, %max3A_607 : vector<16xf32>
          %max3A_633 = arith.maximumf %max3A_573, %max3A_611 : vector<16xf32>
          %min3A_634 = arith.minimumf %max3A_573, %max3A_611 : vector<16xf32>
          %max3A_635 = arith.maximumf %max3A_633, %min3A_632 : vector<16xf32>
          %min3A_636 = arith.minimumf %max3A_633, %min3A_632 : vector<16xf32>
          %max3A_637 = arith.maximumf %max3A_571, %max3A_609 : vector<16xf32>
          %min3A_638 = arith.minimumf %max3A_571, %max3A_609 : vector<16xf32>
          %max3A_639 = arith.maximumf %min3A_566, %min3A_604 : vector<16xf32>
          %min3A_640 = arith.minimumf %min3A_566, %min3A_604 : vector<16xf32>
          %max3A_641 = arith.maximumf %max3A_639, %min3A_638 : vector<16xf32>
          %min3A_642 = arith.minimumf %max3A_639, %min3A_638 : vector<16xf32>
          %max3A_643 = arith.maximumf %max3A_637, %max3A_635 : vector<16xf32>
          %min3A_644 = arith.minimumf %max3A_637, %max3A_635 : vector<16xf32>
          %max3A_645 = arith.maximumf %max3A_641, %min3A_636 : vector<16xf32>
          %min3A_646 = arith.minimumf %max3A_641, %min3A_636 : vector<16xf32>
          %max3A_647 = arith.maximumf %min3A_642, %min3A_634 : vector<16xf32>
          %min3A_648 = arith.minimumf %min3A_642, %min3A_634 : vector<16xf32>
          %max3A_649 = arith.maximumf %max3A_631, %max3A_625 : vector<16xf32>
          %min3A_650 = arith.minimumf %max3A_631, %max3A_625 : vector<16xf32>
          %max3A_651 = arith.maximumf %max3A_643, %min3A_626 : vector<16xf32>
          %min3A_652 = arith.minimumf %max3A_643, %min3A_626 : vector<16xf32>
          %max3A_653 = arith.maximumf %min3A_644, %max3A_627 : vector<16xf32>
          %min3A_654 = arith.minimumf %min3A_644, %max3A_627 : vector<16xf32>
          %max3A_655 = arith.maximumf %max3A_645, %min3A_628 : vector<16xf32>
          %min3A_656 = arith.minimumf %max3A_645, %min3A_628 : vector<16xf32>
          %max3A_657 = arith.maximumf %min3A_646, %max3A_629 : vector<16xf32>
          %min3A_658 = arith.minimumf %min3A_646, %max3A_629 : vector<16xf32>
          %max3A_659 = arith.maximumf %max3A_647, %min3A_630 : vector<16xf32>
          %min3A_660 = arith.minimumf %max3A_647, %min3A_630 : vector<16xf32>
          %max3A_661 = arith.maximumf %min3A_648, %min3A_622 : vector<16xf32>
          %min3A_662 = arith.minimumf %min3A_648, %min3A_622 : vector<16xf32>
          %max3A_663 = arith.maximumf %scan3A_361, %min3A_640 : vector<16xf32>
          %max3A_664 = arith.maximumf %scan3A_362, %min3A_662 : vector<16xf32>
          %max3A_665 = arith.maximumf %scan3A_363, %max3A_661 : vector<16xf32>
          %max3A_666 = arith.maximumf %scan3A_364, %min3A_660 : vector<16xf32>
          %max3A_667 = arith.maximumf %scan3A_365, %max3A_659 : vector<16xf32>
          %max3A_668 = arith.maximumf %scan3A_366, %min3A_658 : vector<16xf32>
          %max3A_669 = arith.maximumf %scan3A_367, %max3A_657 : vector<16xf32>
          %max3A_670 = arith.maximumf %scan3A_368, %min3A_656 : vector<16xf32>
          %max3A_671 = arith.maximumf %scan3A_369, %max3A_655 : vector<16xf32>
          %max3A_672 = arith.maximumf %scan3A_370, %min3A_654 : vector<16xf32>
          %max3A_673 = arith.maximumf %scan3A_371, %max3A_653 : vector<16xf32>
          %max3A_674 = arith.maximumf %scan3A_372, %min3A_652 : vector<16xf32>
          %max3A_675 = arith.maximumf %scan3A_373, %max3A_651 : vector<16xf32>
          %max3A_676 = arith.maximumf %scan3A_374, %min3A_650 : vector<16xf32>
          %max3A_677 = arith.maximumf %scan3A_375, %max3A_649 : vector<16xf32>
          %max3A_678 = arith.maximumf %scan3A_376, %max3A_613 : vector<16xf32>
          %max3A_679 = arith.maximumf %max3A_663, %max3A_671 : vector<16xf32>
          %min3A_680 = arith.minimumf %max3A_663, %max3A_671 : vector<16xf32>
          %max3A_681 = arith.maximumf %max3A_664, %max3A_672 : vector<16xf32>
          %min3A_682 = arith.minimumf %max3A_664, %max3A_672 : vector<16xf32>
          %max3A_683 = arith.maximumf %max3A_665, %max3A_673 : vector<16xf32>
          %min3A_684 = arith.minimumf %max3A_665, %max3A_673 : vector<16xf32>
          %max3A_685 = arith.maximumf %max3A_666, %max3A_674 : vector<16xf32>
          %min3A_686 = arith.minimumf %max3A_666, %max3A_674 : vector<16xf32>
          %max3A_687 = arith.maximumf %max3A_667, %max3A_675 : vector<16xf32>
          %min3A_688 = arith.minimumf %max3A_667, %max3A_675 : vector<16xf32>
          %max3A_689 = arith.maximumf %max3A_668, %max3A_676 : vector<16xf32>
          %min3A_690 = arith.minimumf %max3A_668, %max3A_676 : vector<16xf32>
          %max3A_691 = arith.maximumf %max3A_669, %max3A_677 : vector<16xf32>
          %min3A_692 = arith.minimumf %max3A_669, %max3A_677 : vector<16xf32>
          %max3A_693 = arith.maximumf %max3A_670, %max3A_678 : vector<16xf32>
          %min3A_694 = arith.minimumf %max3A_670, %max3A_678 : vector<16xf32>
          %max3A_695 = arith.maximumf %max3A_679, %max3A_687 : vector<16xf32>
          %min3A_696 = arith.minimumf %max3A_679, %max3A_687 : vector<16xf32>
          %max3A_697 = arith.maximumf %max3A_681, %max3A_689 : vector<16xf32>
          %min3A_698 = arith.minimumf %max3A_681, %max3A_689 : vector<16xf32>
          %max3A_699 = arith.maximumf %max3A_683, %max3A_691 : vector<16xf32>
          %min3A_700 = arith.minimumf %max3A_683, %max3A_691 : vector<16xf32>
          %max3A_701 = arith.maximumf %max3A_685, %max3A_693 : vector<16xf32>
          %min3A_702 = arith.minimumf %max3A_685, %max3A_693 : vector<16xf32>
          %max3A_703 = arith.maximumf %max3A_695, %max3A_699 : vector<16xf32>
          %min3A_704 = arith.minimumf %max3A_695, %max3A_699 : vector<16xf32>
          %max3A_705 = arith.maximumf %max3A_697, %max3A_701 : vector<16xf32>
          %min3A_706 = arith.minimumf %max3A_697, %max3A_701 : vector<16xf32>
          %max3A_707 = arith.maximumf %max3A_703, %max3A_705 : vector<16xf32>
          %min3A_708 = arith.minimumf %max3A_703, %max3A_705 : vector<16xf32>
          %max3A_709 = arith.maximumf %min3A_704, %min3A_706 : vector<16xf32>
          %min3A_710 = arith.minimumf %min3A_704, %min3A_706 : vector<16xf32>
          %max3A_711 = arith.maximumf %min3A_696, %min3A_700 : vector<16xf32>
          %min3A_712 = arith.minimumf %min3A_696, %min3A_700 : vector<16xf32>
          %max3A_713 = arith.maximumf %min3A_698, %min3A_702 : vector<16xf32>
          %min3A_714 = arith.minimumf %min3A_698, %min3A_702 : vector<16xf32>
          %max3A_715 = arith.maximumf %max3A_711, %max3A_713 : vector<16xf32>
          %min3A_716 = arith.minimumf %max3A_711, %max3A_713 : vector<16xf32>
          %max3A_717 = arith.maximumf %min3A_712, %min3A_714 : vector<16xf32>
          %min3A_718 = arith.minimumf %min3A_712, %min3A_714 : vector<16xf32>
          %max3A_719 = arith.maximumf %min3A_680, %min3A_688 : vector<16xf32>
          %min3A_720 = arith.minimumf %min3A_680, %min3A_688 : vector<16xf32>
          %max3A_721 = arith.maximumf %min3A_682, %min3A_690 : vector<16xf32>
          %min3A_722 = arith.minimumf %min3A_682, %min3A_690 : vector<16xf32>
          %max3A_723 = arith.maximumf %min3A_684, %min3A_692 : vector<16xf32>
          %min3A_724 = arith.minimumf %min3A_684, %min3A_692 : vector<16xf32>
          %max3A_725 = arith.maximumf %min3A_686, %min3A_694 : vector<16xf32>
          %min3A_726 = arith.minimumf %min3A_686, %min3A_694 : vector<16xf32>
          %max3A_727 = arith.maximumf %max3A_719, %max3A_723 : vector<16xf32>
          %min3A_728 = arith.minimumf %max3A_719, %max3A_723 : vector<16xf32>
          %max3A_729 = arith.maximumf %max3A_721, %max3A_725 : vector<16xf32>
          %min3A_730 = arith.minimumf %max3A_721, %max3A_725 : vector<16xf32>
          %max3A_731 = arith.maximumf %max3A_727, %max3A_729 : vector<16xf32>
          %min3A_732 = arith.minimumf %max3A_727, %max3A_729 : vector<16xf32>
          %max3A_733 = arith.maximumf %min3A_728, %min3A_730 : vector<16xf32>
          %min3A_734 = arith.minimumf %min3A_728, %min3A_730 : vector<16xf32>
          %max3A_735 = arith.maximumf %min3A_720, %min3A_724 : vector<16xf32>
          %min3A_736 = arith.minimumf %min3A_720, %min3A_724 : vector<16xf32>
          %max3A_737 = arith.maximumf %min3A_722, %min3A_726 : vector<16xf32>
          %min3A_738 = arith.minimumf %min3A_722, %min3A_726 : vector<16xf32>
          %max3A_739 = arith.maximumf %max3A_735, %max3A_737 : vector<16xf32>
          %min3A_740 = arith.minimumf %max3A_735, %max3A_737 : vector<16xf32>
          %max3A_741 = arith.maximumf %min3A_736, %min3A_738 : vector<16xf32>
          %min3A_742 = arith.minimumf %min3A_736, %min3A_738 : vector<16xf32>
          scf.yield %max3A_707, %min3A_708, %max3A_709, %min3A_710, %max3A_715, %min3A_716, %max3A_717, %min3A_718, %max3A_731, %min3A_732, %max3A_733, %min3A_734, %max3A_739, %min3A_740, %max3A_741, %min3A_742 : vector<16xf32>, vector<16xf32>, vector<16xf32>, vector<16xf32>, vector<16xf32>, vector<16xf32>, vector<16xf32>, vector<16xf32>, vector<16xf32>, vector<16xf32>, vector<16xf32>, vector<16xf32>, vector<16xf32>, vector<16xf32>, vector<16xf32>, vector<16xf32>
        }
        %scan3A_263 = arith.constant 8 : i32
        %swap3A = arith.constant 0 : i32
        %swap3A_264 = arith.index_cast %swap3A : i32 to index
        %swap3A_265 = arith.index_cast %mul3A_178 : i32 to index
        %swap3A_266 = tpu.vector_load %arg5[%swap3A_264, %swap3A_265] {strides = array<i32>} : memref<16x128xf32, #tpu.memory_space<vmem>>, vector<1x16xf32>,
        %swap3A_267 = vector.shape_cast %swap3A_266 : vector<1x16xf32> to vector<16xf32>
        %swap3A_268 = vector.shape_cast %scan3A_262#0 : vector<16xf32> to vector<1x16xf32>
        tpu.vector_store %arg5[%swap3A_264, %swap3A_265], %swap3A_268 {strides = array<i32>} : memref<16x128xf32, #tpu.memory_space<vmem>>, vector<1x16xf32>,
        %swap3A_269 = arith.constant 1 : i32
        %swap3A_270 = arith.index_cast %swap3A_269 : i32 to index
        %swap3A_271 = arith.index_cast %mul3A_178 : i32 to index
        %swap3A_272 = tpu.vector_load %arg5[%swap3A_270, %swap3A_271] {strides = array<i32>} : memref<16x128xf32, #tpu.memory_space<vmem>>, vector<1x16xf32>,
        %swap3A_273 = vector.shape_cast %swap3A_272 : vector<1x16xf32> to vector<16xf32>
        %swap3A_274 = vector.shape_cast %scan3A_262#1 : vector<16xf32> to vector<1x16xf32>
        tpu.vector_store %arg5[%swap3A_270, %swap3A_271], %swap3A_274 {strides = array<i32>} : memref<16x128xf32, #tpu.memory_space<vmem>>, vector<1x16xf32>,
        %swap3A_275 = arith.constant 2 : i32
        %swap3A_276 = arith.index_cast %swap3A_275 : i32 to index
        %swap3A_277 = arith.index_cast %mul3A_178 : i32 to index
        %swap3A_278 = tpu.vector_load %arg5[%swap3A_276, %swap3A_277] {strides = array<i32>} : memref<16x128xf32, #tpu.memory_space<vmem>>, vector<1x16xf32>,
        %swap3A_279 = vector.shape_cast %swap3A_278 : vector<1x16xf32> to vector<16xf32>
        %swap3A_280 = vector.shape_cast %scan3A_262#2 : vector<16xf32> to vector<1x16xf32>
        tpu.vector_store %arg5[%swap3A_276, %swap3A_277], %swap3A_280 {strides = array<i32>} : memref<16x128xf32, #tpu.memory_space<vmem>>, vector<1x16xf32>,
        %swap3A_281 = arith.constant 3 : i32
        %swap3A_282 = arith.index_cast %swap3A_281 : i32 to index
        %swap3A_283 = arith.index_cast %mul3A_178 : i32 to index
        %swap3A_284 = tpu.vector_load %arg5[%swap3A_282, %swap3A_283] {strides = array<i32>} : memref<16x128xf32, #tpu.memory_space<vmem>>, vector<1x16xf32>,
        %swap3A_285 = vector.shape_cast %swap3A_284 : vector<1x16xf32> to vector<16xf32>
        %swap3A_286 = vector.shape_cast %scan3A_262#3 : vector<16xf32> to vector<1x16xf32>
        tpu.vector_store %arg5[%swap3A_282, %swap3A_283], %swap3A_286 {strides = array<i32>} : memref<16x128xf32, #tpu.memory_space<vmem>>, vector<1x16xf32>,
        %swap3A_287 = arith.constant 4 : i32
        %swap3A_288 = arith.index_cast %swap3A_287 : i32 to index
        %swap3A_289 = arith.index_cast %mul3A_178 : i32 to index
        %swap3A_290 = tpu.vector_load %arg5[%swap3A_288, %swap3A_289] {strides = array<i32>} : memref<16x128xf32, #tpu.memory_space<vmem>>, vector<1x16xf32>,
        %swap3A_291 = vector.shape_cast %swap3A_290 : vector<1x16xf32> to vector<16xf32>
        %swap3A_292 = vector.shape_cast %scan3A_262#4 : vector<16xf32> to vector<1x16xf32>
        tpu.vector_store %arg5[%swap3A_288, %swap3A_289], %swap3A_292 {strides = array<i32>} : memref<16x128xf32, #tpu.memory_space<vmem>>, vector<1x16xf32>,
        %swap3A_293 = arith.constant 5 : i32
        %swap3A_294 = arith.index_cast %swap3A_293 : i32 to index
        %swap3A_295 = arith.index_cast %mul3A_178 : i32 to index
        %swap3A_296 = tpu.vector_load %arg5[%swap3A_294, %swap3A_295] {strides = array<i32>} : memref<16x128xf32, #tpu.memory_space<vmem>>, vector<1x16xf32>,
        %swap3A_297 = vector.shape_cast %swap3A_296 : vector<1x16xf32> to vector<16xf32>
        %swap3A_298 = vector.shape_cast %scan3A_262#5 : vector<16xf32> to vector<1x16xf32>
        tpu.vector_store %arg5[%swap3A_294, %swap3A_295], %swap3A_298 {strides = array<i32>} : memref<16x128xf32, #tpu.memory_space<vmem>>, vector<1x16xf32>,
        %swap3A_299 = arith.constant 6 : i32
        %swap3A_300 = arith.index_cast %swap3A_299 : i32 to index
        %swap3A_301 = arith.index_cast %mul3A_178 : i32 to index
        %swap3A_302 = tpu.vector_load %arg5[%swap3A_300, %swap3A_301] {strides = array<i32>} : memref<16x128xf32, #tpu.memory_space<vmem>>, vector<1x16xf32>,
        %swap3A_303 = vector.shape_cast %swap3A_302 : vector<1x16xf32> to vector<16xf32>
        %swap3A_304 = vector.shape_cast %scan3A_262#6 : vector<16xf32> to vector<1x16xf32>
        tpu.vector_store %arg5[%swap3A_300, %swap3A_301], %swap3A_304 {strides = array<i32>} : memref<16x128xf32, #tpu.memory_space<vmem>>, vector<1x16xf32>,
        %swap3A_305 = arith.constant 7 : i32
        %swap3A_306 = arith.index_cast %swap3A_305 : i32 to index
        %swap3A_307 = arith.index_cast %mul3A_178 : i32 to index
        %swap3A_308 = tpu.vector_load %arg5[%swap3A_306, %swap3A_307] {strides = array<i32>} : memref<16x128xf32, #tpu.memory_space<vmem>>, vector<1x16xf32>,
        %swap3A_309 = vector.shape_cast %swap3A_308 : vector<1x16xf32> to vector<16xf32>
        %swap3A_310 = vector.shape_cast %scan3A_262#7 : vector<16xf32> to vector<1x16xf32>
        tpu.vector_store %arg5[%swap3A_306, %swap3A_307], %swap3A_310 {strides = array<i32>} : memref<16x128xf32, #tpu.memory_space<vmem>>, vector<1x16xf32>,
        %swap3A_311 = arith.constant 8 : i32
        %swap3A_312 = arith.index_cast %swap3A_311 : i32 to index
        %swap3A_313 = arith.index_cast %mul3A_178 : i32 to index
        %swap3A_314 = tpu.vector_load %arg5[%swap3A_312, %swap3A_313] {strides = array<i32>} : memref<16x128xf32, #tpu.memory_space<vmem>>, vector<1x16xf32>,
        %swap3A_315 = vector.shape_cast %swap3A_314 : vector<1x16xf32> to vector<16xf32>
        %swap3A_316 = vector.shape_cast %scan3A_262#8 : vector<16xf32> to vector<1x16xf32>
        tpu.vector_store %arg5[%swap3A_312, %swap3A_313], %swap3A_316 {strides = array<i32>} : memref<16x128xf32, #tpu.memory_space<vmem>>, vector<1x16xf32>,
        %swap3A_317 = arith.constant 9 : i32
        %swap3A_318 = arith.index_cast %swap3A_317 : i32 to index
        %swap3A_319 = arith.index_cast %mul3A_178 : i32 to index
        %swap3A_320 = tpu.vector_load %arg5[%swap3A_318, %swap3A_319] {strides = array<i32>} : memref<16x128xf32, #tpu.memory_space<vmem>>, vector<1x16xf32>,
        %swap3A_321 = vector.shape_cast %swap3A_320 : vector<1x16xf32> to vector<16xf32>
        %swap3A_322 = vector.shape_cast %scan3A_262#9 : vector<16xf32> to vector<1x16xf32>
        tpu.vector_store %arg5[%swap3A_318, %swap3A_319], %swap3A_322 {strides = array<i32>} : memref<16x128xf32, #tpu.memory_space<vmem>>, vector<1x16xf32>,
        %swap3A_323 = arith.constant 10 : i32
        %swap3A_324 = arith.index_cast %swap3A_323 : i32 to index
        %swap3A_325 = arith.index_cast %mul3A_178 : i32 to index
        %swap3A_326 = tpu.vector_load %arg5[%swap3A_324, %swap3A_325] {strides = array<i32>} : memref<16x128xf32, #tpu.memory_space<vmem>>, vector<1x16xf32>,
        %swap3A_327 = vector.shape_cast %swap3A_326 : vector<1x16xf32> to vector<16xf32>
        %swap3A_328 = vector.shape_cast %scan3A_262#10 : vector<16xf32> to vector<1x16xf32>
        tpu.vector_store %arg5[%swap3A_324, %swap3A_325], %swap3A_328 {strides = array<i32>} : memref<16x128xf32, #tpu.memory_space<vmem>>, vector<1x16xf32>,
        %swap3A_329 = arith.constant 11 : i32
        %swap3A_330 = arith.index_cast %swap3A_329 : i32 to index
        %swap3A_331 = arith.index_cast %mul3A_178 : i32 to index
        %swap3A_332 = tpu.vector_load %arg5[%swap3A_330, %swap3A_331] {strides = array<i32>} : memref<16x128xf32, #tpu.memory_space<vmem>>, vector<1x16xf32>,
        %swap3A_333 = vector.shape_cast %swap3A_332 : vector<1x16xf32> to vector<16xf32>
        %swap3A_334 = vector.shape_cast %scan3A_262#11 : vector<16xf32> to vector<1x16xf32>
        tpu.vector_store %arg5[%swap3A_330, %swap3A_331], %swap3A_334 {strides = array<i32>} : memref<16x128xf32, #tpu.memory_space<vmem>>, vector<1x16xf32>,
        %swap3A_335 = arith.constant 12 : i32
        %swap3A_336 = arith.index_cast %swap3A_335 : i32 to index
        %swap3A_337 = arith.index_cast %mul3A_178 : i32 to index
        %swap3A_338 = tpu.vector_load %arg5[%swap3A_336, %swap3A_337] {strides = array<i32>} : memref<16x128xf32, #tpu.memory_space<vmem>>, vector<1x16xf32>,
        %swap3A_339 = vector.shape_cast %swap3A_338 : vector<1x16xf32> to vector<16xf32>
        %swap3A_340 = vector.shape_cast %scan3A_262#12 : vector<16xf32> to vector<1x16xf32>
        tpu.vector_store %arg5[%swap3A_336, %swap3A_337], %swap3A_340 {strides = array<i32>} : memref<16x128xf32, #tpu.memory_space<vmem>>, vector<1x16xf32>,
        %swap3A_341 = arith.constant 13 : i32
        %swap3A_342 = arith.index_cast %swap3A_341 : i32 to index
        %swap3A_343 = arith.index_cast %mul3A_178 : i32 to index
        %swap3A_344 = tpu.vector_load %arg5[%swap3A_342, %swap3A_343] {strides = array<i32>} : memref<16x128xf32, #tpu.memory_space<vmem>>, vector<1x16xf32>,
        %swap3A_345 = vector.shape_cast %swap3A_344 : vector<1x16xf32> to vector<16xf32>
        %swap3A_346 = vector.shape_cast %scan3A_262#13 : vector<16xf32> to vector<1x16xf32>
        tpu.vector_store %arg5[%swap3A_342, %swap3A_343], %swap3A_346 {strides = array<i32>} : memref<16x128xf32, #tpu.memory_space<vmem>>, vector<1x16xf32>,
        %swap3A_347 = arith.constant 14 : i32
        %swap3A_348 = arith.index_cast %swap3A_347 : i32 to index
        %swap3A_349 = arith.index_cast %mul3A_178 : i32 to index
        %swap3A_350 = tpu.vector_load %arg5[%swap3A_348, %swap3A_349] {strides = array<i32>} : memref<16x128xf32, #tpu.memory_space<vmem>>, vector<1x16xf32>,
        %swap3A_351 = vector.shape_cast %swap3A_350 : vector<1x16xf32> to vector<16xf32>
        %swap3A_352 = vector.shape_cast %scan3A_262#14 : vector<16xf32> to vector<1x16xf32>
        tpu.vector_store %arg5[%swap3A_348, %swap3A_349], %swap3A_352 {strides = array<i32>} : memref<16x128xf32, #tpu.memory_space<vmem>>, vector<1x16xf32>,
        %swap3A_353 = arith.constant 15 : i32
        %swap3A_354 = arith.index_cast %swap3A_353 : i32 to index
        %swap3A_355 = arith.index_cast %mul3A_178 : i32 to index
        %swap3A_356 = tpu.vector_load %arg5[%swap3A_354, %swap3A_355] {strides = array<i32>} : memref<16x128xf32, #tpu.memory_space<vmem>>, vector<1x16xf32>,
        %swap3A_357 = vector.shape_cast %swap3A_356 : vector<1x16xf32> to vector<16xf32>
        %swap3A_358 = vector.shape_cast %scan3A_262#15 : vector<16xf32> to vector<1x16xf32>
        tpu.vector_store %arg5[%swap3A_354, %swap3A_355], %swap3A_358 {strides = array<i32>} : memref<16x128xf32, #tpu.memory_space<vmem>>, vector<1x16xf32>,
        %scan3A_359 = arith.constant 0 : i32
        scf.yield %scan3A_359 : i32
      }
      %scan3A_173 = arith.constant 8 : i32
      %scan3A_174 = arith.constant 0 : i32
      scf.yield %scan3A_174 : i32
    }
    %scan3A_104 = arith.constant 16 : i32
    "tpu.region"() ({
      %run_scoped3A = tpu.sem_alloc : memref<!tpu.dma_semaphore, #tpu.memory_space<semaphore_mem>>
      %dma_start3A_105 = arith.constant 0 : i32
      %dma_start3A_106 = arith.constant 0 : i32
      %dma_start3A_107 = tpu.memref_slice %arg3[%select_n3A_54, %select_n3A_70, %select_n3A_30, %dma_start3A_105, %dma_start3A_106] : memref<4x4x2x16x128xf32, #tpu.memory_space<hbm>> -> memref<1x1x1x16x128xf32, #tpu.memory_space<hbm>>
      %dma_start3A_108 = tpu.memref_squeeze %dma_start3A_107 : memref<1x1x1x16x128xf32, #tpu.memory_space<hbm>> -> memref<16x128xf32, #tpu.memory_space<hbm>>
      %dma_start3A_109 = arith.constant 0 : i32
      %dma_start3A_110 = arith.constant 0 : i32
      %dma_start3A_111 = tpu.memref_slice %arg3[%select_n3A_54, %select_n3A_70, %select_n3A_30, %dma_start3A_109, %dma_start3A_110] : memref<4x4x2x16x128xf32, #tpu.memory_space<hbm>> -> memref<1x1x1x16x128xf32, #tpu.memory_space<hbm>>
      %dma_start3A_112 = tpu.memref_squeeze %dma_start3A_111 : memref<1x1x1x16x128xf32, #tpu.memory_space<hbm>> -> memref<16x128xf32, #tpu.memory_space<hbm>>
      tpu.enqueue_dma source(%arg5 : memref<16x128xf32, #tpu.memory_space<vmem>>) target(%dma_start3A_112 : memref<16x128xf32, #tpu.memory_space<hbm>>) target_semaphore(%run_scoped3A : memref<!tpu.dma_semaphore, #tpu.memory_space<semaphore_mem>>)
      %dma_wait3A = arith.constant 0 : i32
      %dma_wait3A_113 = arith.constant 0 : i32
      %dma_wait3A_114 = tpu.memref_slice %arg3[%select_n3A_54, %select_n3A_70, %select_n3A_30, %dma_wait3A, %dma_wait3A_113] : memref<4x4x2x16x128xf32, #tpu.memory_space<hbm>> -> memref<1x1x1x16x128xf32, #tpu.memory_space<hbm>>
      %dma_wait3A_115 = tpu.memref_squeeze %dma_wait3A_114 : memref<1x1x1x16x128xf32, #tpu.memory_space<hbm>> -> memref<16x128xf32, #tpu.memory_space<hbm>>
      %dma_wait3A_116 = arith.constant 0 : i32
      %dma_wait3A_117 = arith.constant 0 : i32
      %dma_wait3A_118 = tpu.memref_slice %arg3[%select_n3A_54, %select_n3A_70, %select_n3A_30, %dma_wait3A_116, %dma_wait3A_117] : memref<4x4x2x16x128xf32, #tpu.memory_space<hbm>> -> memref<1x1x1x16x128xf32, #tpu.memory_space<hbm>>
      %dma_wait3A_119 = tpu.memref_squeeze %dma_wait3A_118 : memref<1x1x1x16x128xf32, #tpu.memory_space<hbm>> -> memref<16x128xf32, #tpu.memory_space<hbm>>
      tpu.wait_dma2 semaphore(%run_scoped3A : memref<!tpu.dma_semaphore, #tpu.memory_space<semaphore_mem>>) src(%arg5 : memref<16x128xf32, #tpu.memory_space<vmem>>) dst(%dma_wait3A_119 : memref<16x128xf32, #tpu.memory_space<hbm>>)
      tpu.yield
    }) : () -> ()
    return
  }
}

module attributes {stable_mosaic.version = 14 : i64} {
  func.func @_sc_merge_body(%arg0: i32, %arg1: memref<1x4x2x16x128xf32, #tpu.memory_space<vmem>>, %arg2: memref<1x16x512xf32, #tpu.memory_space<vmem>>) attributes {dimension_semantics = [#tpu.dimension_semantics<arbitrary>], iteration_bounds = array<i64: 4>, scalar_prefetch = 0 : i64, scratch_operands = 0 : i64, tpu.core_type = #tpu.core_type<tc>, window_params = [{transform_indices = @transform_0, window_bounds = array<i64: 1, 4, 2, 16, 128>}, {transform_indices = @transform_1, window_bounds = array<i64: 1, 16, 512>}]} {
    %get3A = arith.constant 0 : index
    %get3A_0 = arith.constant 0 : index
    %get3A_1 = arith.constant 0 : index
    %get3A_2 = arith.constant 0 : index
    %get3A_3 = arith.constant 0 : index
    %get3A_4 = vector.load %arg1[%get3A, %get3A_0, %get3A_1, %get3A_2, %get3A_3] : memref<1x4x2x16x128xf32, #tpu.memory_space<vmem>>, vector<1x1x1x1x128xf32>
    %get3A_5 = vector.shape_cast %get3A_4 : vector<1x1x1x1x128xf32> to vector<128xf32>
    %get3A_6 = arith.constant 0 : index
    %get3A_7 = arith.constant 0 : index
    %get3A_8 = arith.constant 0 : index
    %get3A_9 = arith.constant 1 : index
    %get3A_10 = arith.constant 0 : index
    %get3A_11 = vector.load %arg1[%get3A_6, %get3A_7, %get3A_8, %get3A_9, %get3A_10] : memref<1x4x2x16x128xf32, #tpu.memory_space<vmem>>, vector<1x1x1x1x128xf32>
    %get3A_12 = vector.shape_cast %get3A_11 : vector<1x1x1x1x128xf32> to vector<128xf32>
    %get3A_13 = arith.constant 0 : index
    %get3A_14 = arith.constant 0 : index
    %get3A_15 = arith.constant 0 : index
    %get3A_16 = arith.constant 2 : index
    %get3A_17 = arith.constant 0 : index
    %get3A_18 = vector.load %arg1[%get3A_13, %get3A_14, %get3A_15, %get3A_16, %get3A_17] : memref<1x4x2x16x128xf32, #tpu.memory_space<vmem>>, vector<1x1x1x1x128xf32>
    %get3A_19 = vector.shape_cast %get3A_18 : vector<1x1x1x1x128xf32> to vector<128xf32>
    %get3A_20 = arith.constant 0 : index
    %get3A_21 = arith.constant 0 : index
    %get3A_22 = arith.constant 0 : index
    %get3A_23 = arith.constant 3 : index
    %get3A_24 = arith.constant 0 : index
    %get3A_25 = vector.load %arg1[%get3A_20, %get3A_21, %get3A_22, %get3A_23, %get3A_24] : memref<1x4x2x16x128xf32, #tpu.memory_space<vmem>>, vector<1x1x1x1x128xf32>
    %get3A_26 = vector.shape_cast %get3A_25 : vector<1x1x1x1x128xf32> to vector<128xf32>
    %get3A_27 = arith.constant 0 : index
    %get3A_28 = arith.constant 0 : index
    %get3A_29 = arith.constant 0 : index
    %get3A_30 = arith.constant 4 : index
    %get3A_31 = arith.constant 0 : index
    %get3A_32 = vector.load %arg1[%get3A_27, %get3A_28, %get3A_29, %get3A_30, %get3A_31] : memref<1x4x2x16x128xf32, #tpu.memory_space<vmem>>, vector<1x1x1x1x128xf32>
    %get3A_33 = vector.shape_cast %get3A_32 : vector<1x1x1x1x128xf32> to vector<128xf32>
    %get3A_34 = arith.constant 0 : index
    %get3A_35 = arith.constant 0 : index
    %get3A_36 = arith.constant 0 : index
    %get3A_37 = arith.constant 5 : index
    %get3A_38 = arith.constant 0 : index
    %get3A_39 = vector.load %arg1[%get3A_34, %get3A_35, %get3A_36, %get3A_37, %get3A_38] : memref<1x4x2x16x128xf32, #tpu.memory_space<vmem>>, vector<1x1x1x1x128xf32>
    %get3A_40 = vector.shape_cast %get3A_39 : vector<1x1x1x1x128xf32> to vector<128xf32>
    %get3A_41 = arith.constant 0 : index
    %get3A_42 = arith.constant 0 : index
    %get3A_43 = arith.constant 0 : index
    %get3A_44 = arith.constant 6 : index
    %get3A_45 = arith.constant 0 : index
    %get3A_46 = vector.load %arg1[%get3A_41, %get3A_42, %get3A_43, %get3A_44, %get3A_45] : memref<1x4x2x16x128xf32, #tpu.memory_space<vmem>>, vector<1x1x1x1x128xf32>
    %get3A_47 = vector.shape_cast %get3A_46 : vector<1x1x1x1x128xf32> to vector<128xf32>
    %get3A_48 = arith.constant 0 : index
    %get3A_49 = arith.constant 0 : index
    %get3A_50 = arith.constant 0 : index
    %get3A_51 = arith.constant 7 : index
    %get3A_52 = arith.constant 0 : index
    %get3A_53 = vector.load %arg1[%get3A_48, %get3A_49, %get3A_50, %get3A_51, %get3A_52] : memref<1x4x2x16x128xf32, #tpu.memory_space<vmem>>, vector<1x1x1x1x128xf32>
    %get3A_54 = vector.shape_cast %get3A_53 : vector<1x1x1x1x128xf32> to vector<128xf32>
    %get3A_55 = arith.constant 0 : index
    %get3A_56 = arith.constant 0 : index
    %get3A_57 = arith.constant 0 : index
    %get3A_58 = arith.constant 8 : index
    %get3A_59 = arith.constant 0 : index
    %get3A_60 = vector.load %arg1[%get3A_55, %get3A_56, %get3A_57, %get3A_58, %get3A_59] : memref<1x4x2x16x128xf32, #tpu.memory_space<vmem>>, vector<1x1x1x1x128xf32>
    %get3A_61 = vector.shape_cast %get3A_60 : vector<1x1x1x1x128xf32> to vector<128xf32>
    %get3A_62 = arith.constant 0 : index
    %get3A_63 = arith.constant 0 : index
    %get3A_64 = arith.constant 0 : index
    %get3A_65 = arith.constant 9 : index
    %get3A_66 = arith.constant 0 : index
    %get3A_67 = vector.load %arg1[%get3A_62, %get3A_63, %get3A_64, %get3A_65, %get3A_66] : memref<1x4x2x16x128xf32, #tpu.memory_space<vmem>>, vector<1x1x1x1x128xf32>
    %get3A_68 = vector.shape_cast %get3A_67 : vector<1x1x1x1x128xf32> to vector<128xf32>
    %get3A_69 = arith.constant 0 : index
    %get3A_70 = arith.constant 0 : index
    %get3A_71 = arith.constant 0 : index
    %get3A_72 = arith.constant 10 : index
    %get3A_73 = arith.constant 0 : index
    %get3A_74 = vector.load %arg1[%get3A_69, %get3A_70, %get3A_71, %get3A_72, %get3A_73] : memref<1x4x2x16x128xf32, #tpu.memory_space<vmem>>, vector<1x1x1x1x128xf32>
    %get3A_75 = vector.shape_cast %get3A_74 : vector<1x1x1x1x128xf32> to vector<128xf32>
    %get3A_76 = arith.constant 0 : index
    %get3A_77 = arith.constant 0 : index
    %get3A_78 = arith.constant 0 : index
    %get3A_79 = arith.constant 11 : index
    %get3A_80 = arith.constant 0 : index
    %get3A_81 = vector.load %arg1[%get3A_76, %get3A_77, %get3A_78, %get3A_79, %get3A_80] : memref<1x4x2x16x128xf32, #tpu.memory_space<vmem>>, vector<1x1x1x1x128xf32>
    %get3A_82 = vector.shape_cast %get3A_81 : vector<1x1x1x1x128xf32> to vector<128xf32>
    %get3A_83 = arith.constant 0 : index
    %get3A_84 = arith.constant 0 : index
    %get3A_85 = arith.constant 0 : index
    %get3A_86 = arith.constant 12 : index
    %get3A_87 = arith.constant 0 : index
    %get3A_88 = vector.load %arg1[%get3A_83, %get3A_84, %get3A_85, %get3A_86, %get3A_87] : memref<1x4x2x16x128xf32, #tpu.memory_space<vmem>>, vector<1x1x1x1x128xf32>
    %get3A_89 = vector.shape_cast %get3A_88 : vector<1x1x1x1x128xf32> to vector<128xf32>
    %get3A_90 = arith.constant 0 : index
    %get3A_91 = arith.constant 0 : index
    %get3A_92 = arith.constant 0 : index
    %get3A_93 = arith.constant 13 : index
    %get3A_94 = arith.constant 0 : index
    %get3A_95 = vector.load %arg1[%get3A_90, %get3A_91, %get3A_92, %get3A_93, %get3A_94] : memref<1x4x2x16x128xf32, #tpu.memory_space<vmem>>, vector<1x1x1x1x128xf32>
    %get3A_96 = vector.shape_cast %get3A_95 : vector<1x1x1x1x128xf32> to vector<128xf32>
    %get3A_97 = arith.constant 0 : index
    %get3A_98 = arith.constant 0 : index
    %get3A_99 = arith.constant 0 : index
    %get3A_100 = arith.constant 14 : index
    %get3A_101 = arith.constant 0 : index
    %get3A_102 = vector.load %arg1[%get3A_97, %get3A_98, %get3A_99, %get3A_100, %get3A_101] : memref<1x4x2x16x128xf32, #tpu.memory_space<vmem>>, vector<1x1x1x1x128xf32>
    %get3A_103 = vector.shape_cast %get3A_102 : vector<1x1x1x1x128xf32> to vector<128xf32>
    %get3A_104 = arith.constant 0 : index
    %get3A_105 = arith.constant 0 : index
    %get3A_106 = arith.constant 0 : index
    %get3A_107 = arith.constant 15 : index
    %get3A_108 = arith.constant 0 : index
    %get3A_109 = vector.load %arg1[%get3A_104, %get3A_105, %get3A_106, %get3A_107, %get3A_108] : memref<1x4x2x16x128xf32, #tpu.memory_space<vmem>>, vector<1x1x1x1x128xf32>
    %get3A_110 = vector.shape_cast %get3A_109 : vector<1x1x1x1x128xf32> to vector<128xf32>
    %get3A_111 = arith.constant 0 : index
    %get3A_112 = arith.constant 0 : index
    %get3A_113 = arith.constant 1 : index
    %get3A_114 = arith.constant 0 : index
    %get3A_115 = arith.constant 0 : index
    %get3A_116 = vector.load %arg1[%get3A_111, %get3A_112, %get3A_113, %get3A_114, %get3A_115] : memref<1x4x2x16x128xf32, #tpu.memory_space<vmem>>, vector<1x1x1x1x128xf32>
    %get3A_117 = vector.shape_cast %get3A_116 : vector<1x1x1x1x128xf32> to vector<128xf32>
    %get3A_118 = arith.constant 0 : index
    %get3A_119 = arith.constant 0 : index
    %get3A_120 = arith.constant 1 : index
    %get3A_121 = arith.constant 1 : index
    %get3A_122 = arith.constant 0 : index
    %get3A_123 = vector.load %arg1[%get3A_118, %get3A_119, %get3A_120, %get3A_121, %get3A_122] : memref<1x4x2x16x128xf32, #tpu.memory_space<vmem>>, vector<1x1x1x1x128xf32>
    %get3A_124 = vector.shape_cast %get3A_123 : vector<1x1x1x1x128xf32> to vector<128xf32>
    %get3A_125 = arith.constant 0 : index
    %get3A_126 = arith.constant 0 : index
    %get3A_127 = arith.constant 1 : index
    %get3A_128 = arith.constant 2 : index
    %get3A_129 = arith.constant 0 : index
    %get3A_130 = vector.load %arg1[%get3A_125, %get3A_126, %get3A_127, %get3A_128, %get3A_129] : memref<1x4x2x16x128xf32, #tpu.memory_space<vmem>>, vector<1x1x1x1x128xf32>
    %get3A_131 = vector.shape_cast %get3A_130 : vector<1x1x1x1x128xf32> to vector<128xf32>
    %get3A_132 = arith.constant 0 : index
    %get3A_133 = arith.constant 0 : index
    %get3A_134 = arith.constant 1 : index
    %get3A_135 = arith.constant 3 : index
    %get3A_136 = arith.constant 0 : index
    %get3A_137 = vector.load %arg1[%get3A_132, %get3A_133, %get3A_134, %get3A_135, %get3A_136] : memref<1x4x2x16x128xf32, #tpu.memory_space<vmem>>, vector<1x1x1x1x128xf32>
    %get3A_138 = vector.shape_cast %get3A_137 : vector<1x1x1x1x128xf32> to vector<128xf32>
    %get3A_139 = arith.constant 0 : index
    %get3A_140 = arith.constant 0 : index
    %get3A_141 = arith.constant 1 : index
    %get3A_142 = arith.constant 4 : index
    %get3A_143 = arith.constant 0 : index
    %get3A_144 = vector.load %arg1[%get3A_139, %get3A_140, %get3A_141, %get3A_142, %get3A_143] : memref<1x4x2x16x128xf32, #tpu.memory_space<vmem>>, vector<1x1x1x1x128xf32>
    %get3A_145 = vector.shape_cast %get3A_144 : vector<1x1x1x1x128xf32> to vector<128xf32>
    %get3A_146 = arith.constant 0 : index
    %get3A_147 = arith.constant 0 : index
    %get3A_148 = arith.constant 1 : index
    %get3A_149 = arith.constant 5 : index
    %get3A_150 = arith.constant 0 : index
    %get3A_151 = vector.load %arg1[%get3A_146, %get3A_147, %get3A_148, %get3A_149, %get3A_150] : memref<1x4x2x16x128xf32, #tpu.memory_space<vmem>>, vector<1x1x1x1x128xf32>
    %get3A_152 = vector.shape_cast %get3A_151 : vector<1x1x1x1x128xf32> to vector<128xf32>
    %get3A_153 = arith.constant 0 : index
    %get3A_154 = arith.constant 0 : index
    %get3A_155 = arith.constant 1 : index
    %get3A_156 = arith.constant 6 : index
    %get3A_157 = arith.constant 0 : index
    %get3A_158 = vector.load %arg1[%get3A_153, %get3A_154, %get3A_155, %get3A_156, %get3A_157] : memref<1x4x2x16x128xf32, #tpu.memory_space<vmem>>, vector<1x1x1x1x128xf32>
    %get3A_159 = vector.shape_cast %get3A_158 : vector<1x1x1x1x128xf32> to vector<128xf32>
    %get3A_160 = arith.constant 0 : index
    %get3A_161 = arith.constant 0 : index
    %get3A_162 = arith.constant 1 : index
    %get3A_163 = arith.constant 7 : index
    %get3A_164 = arith.constant 0 : index
    %get3A_165 = vector.load %arg1[%get3A_160, %get3A_161, %get3A_162, %get3A_163, %get3A_164] : memref<1x4x2x16x128xf32, #tpu.memory_space<vmem>>, vector<1x1x1x1x128xf32>
    %get3A_166 = vector.shape_cast %get3A_165 : vector<1x1x1x1x128xf32> to vector<128xf32>
    %get3A_167 = arith.constant 0 : index
    %get3A_168 = arith.constant 0 : index
    %get3A_169 = arith.constant 1 : index
    %get3A_170 = arith.constant 8 : index
    %get3A_171 = arith.constant 0 : index
    %get3A_172 = vector.load %arg1[%get3A_167, %get3A_168, %get3A_169, %get3A_170, %get3A_171] : memref<1x4x2x16x128xf32, #tpu.memory_space<vmem>>, vector<1x1x1x1x128xf32>
    %get3A_173 = vector.shape_cast %get3A_172 : vector<1x1x1x1x128xf32> to vector<128xf32>
    %get3A_174 = arith.constant 0 : index
    %get3A_175 = arith.constant 0 : index
    %get3A_176 = arith.constant 1 : index
    %get3A_177 = arith.constant 9 : index
    %get3A_178 = arith.constant 0 : index
    %get3A_179 = vector.load %arg1[%get3A_174, %get3A_175, %get3A_176, %get3A_177, %get3A_178] : memref<1x4x2x16x128xf32, #tpu.memory_space<vmem>>, vector<1x1x1x1x128xf32>
    %get3A_180 = vector.shape_cast %get3A_179 : vector<1x1x1x1x128xf32> to vector<128xf32>
    %get3A_181 = arith.constant 0 : index
    %get3A_182 = arith.constant 0 : index
    %get3A_183 = arith.constant 1 : index
    %get3A_184 = arith.constant 10 : index
    %get3A_185 = arith.constant 0 : index
    %get3A_186 = vector.load %arg1[%get3A_181, %get3A_182, %get3A_183, %get3A_184, %get3A_185] : memref<1x4x2x16x128xf32, #tpu.memory_space<vmem>>, vector<1x1x1x1x128xf32>
    %get3A_187 = vector.shape_cast %get3A_186 : vector<1x1x1x1x128xf32> to vector<128xf32>
    %get3A_188 = arith.constant 0 : index
    %get3A_189 = arith.constant 0 : index
    %get3A_190 = arith.constant 1 : index
    %get3A_191 = arith.constant 11 : index
    %get3A_192 = arith.constant 0 : index
    %get3A_193 = vector.load %arg1[%get3A_188, %get3A_189, %get3A_190, %get3A_191, %get3A_192] : memref<1x4x2x16x128xf32, #tpu.memory_space<vmem>>, vector<1x1x1x1x128xf32>
    %get3A_194 = vector.shape_cast %get3A_193 : vector<1x1x1x1x128xf32> to vector<128xf32>
    %get3A_195 = arith.constant 0 : index
    %get3A_196 = arith.constant 0 : index
    %get3A_197 = arith.constant 1 : index
    %get3A_198 = arith.constant 12 : index
    %get3A_199 = arith.constant 0 : index
    %get3A_200 = vector.load %arg1[%get3A_195, %get3A_196, %get3A_197, %get3A_198, %get3A_199] : memref<1x4x2x16x128xf32, #tpu.memory_space<vmem>>, vector<1x1x1x1x128xf32>
    %get3A_201 = vector.shape_cast %get3A_200 : vector<1x1x1x1x128xf32> to vector<128xf32>
    %get3A_202 = arith.constant 0 : index
    %get3A_203 = arith.constant 0 : index
    %get3A_204 = arith.constant 1 : index
    %get3A_205 = arith.constant 13 : index
    %get3A_206 = arith.constant 0 : index
    %get3A_207 = vector.load %arg1[%get3A_202, %get3A_203, %get3A_204, %get3A_205, %get3A_206] : memref<1x4x2x16x128xf32, #tpu.memory_space<vmem>>, vector<1x1x1x1x128xf32>
    %get3A_208 = vector.shape_cast %get3A_207 : vector<1x1x1x1x128xf32> to vector<128xf32>
    %get3A_209 = arith.constant 0 : index
    %get3A_210 = arith.constant 0 : index
    %get3A_211 = arith.constant 1 : index
    %get3A_212 = arith.constant 14 : index
    %get3A_213 = arith.constant 0 : index
    %get3A_214 = vector.load %arg1[%get3A_209, %get3A_210, %get3A_211, %get3A_212, %get3A_213] : memref<1x4x2x16x128xf32, #tpu.memory_space<vmem>>, vector<1x1x1x1x128xf32>
    %get3A_215 = vector.shape_cast %get3A_214 : vector<1x1x1x1x128xf32> to vector<128xf32>
    %get3A_216 = arith.constant 0 : index
    %get3A_217 = arith.constant 0 : index
    %get3A_218 = arith.constant 1 : index
    %get3A_219 = arith.constant 15 : index
    %get3A_220 = arith.constant 0 : index
    %get3A_221 = vector.load %arg1[%get3A_216, %get3A_217, %get3A_218, %get3A_219, %get3A_220] : memref<1x4x2x16x128xf32, #tpu.memory_space<vmem>>, vector<1x1x1x1x128xf32>
    %get3A_222 = vector.shape_cast %get3A_221 : vector<1x1x1x1x128xf32> to vector<128xf32>
    %max3A = arith.maximumf %get3A_5, %get3A_222 : vector<128xf32>
    %max3A_223 = arith.maximumf %get3A_12, %get3A_215 : vector<128xf32>
    %max3A_224 = arith.maximumf %get3A_19, %get3A_208 : vector<128xf32>
    %max3A_225 = arith.maximumf %get3A_26, %get3A_201 : vector<128xf32>
    %max3A_226 = arith.maximumf %get3A_33, %get3A_194 : vector<128xf32>
    %max3A_227 = arith.maximumf %get3A_40, %get3A_187 : vector<128xf32>
    %max3A_228 = arith.maximumf %get3A_47, %get3A_180 : vector<128xf32>
    %max3A_229 = arith.maximumf %get3A_54, %get3A_173 : vector<128xf32>
    %max3A_230 = arith.maximumf %get3A_61, %get3A_166 : vector<128xf32>
    %max3A_231 = arith.maximumf %get3A_68, %get3A_159 : vector<128xf32>
    %max3A_232 = arith.maximumf %get3A_75, %get3A_152 : vector<128xf32>
    %max3A_233 = arith.maximumf %get3A_82, %get3A_145 : vector<128xf32>
    %max3A_234 = arith.maximumf %get3A_89, %get3A_138 : vector<128xf32>
    %max3A_235 = arith.maximumf %get3A_96, %get3A_131 : vector<128xf32>
    %max3A_236 = arith.maximumf %get3A_103, %get3A_124 : vector<128xf32>
    %max3A_237 = arith.maximumf %get3A_110, %get3A_117 : vector<128xf32>
    %max3A_238 = arith.maximumf %max3A, %max3A_230 : vector<128xf32>
    %min3A = arith.minimumf %max3A, %max3A_230 : vector<128xf32>
    %max3A_239 = arith.maximumf %max3A_223, %max3A_231 : vector<128xf32>
    %min3A_240 = arith.minimumf %max3A_223, %max3A_231 : vector<128xf32>
    %max3A_241 = arith.maximumf %max3A_224, %max3A_232 : vector<128xf32>
    %min3A_242 = arith.minimumf %max3A_224, %max3A_232 : vector<128xf32>
    %max3A_243 = arith.maximumf %max3A_225, %max3A_233 : vector<128xf32>
    %min3A_244 = arith.minimumf %max3A_225, %max3A_233 : vector<128xf32>
    %max3A_245 = arith.maximumf %max3A_226, %max3A_234 : vector<128xf32>
    %min3A_246 = arith.minimumf %max3A_226, %max3A_234 : vector<128xf32>
    %max3A_247 = arith.maximumf %max3A_227, %max3A_235 : vector<128xf32>
    %min3A_248 = arith.minimumf %max3A_227, %max3A_235 : vector<128xf32>
    %max3A_249 = arith.maximumf %max3A_228, %max3A_236 : vector<128xf32>
    %min3A_250 = arith.minimumf %max3A_228, %max3A_236 : vector<128xf32>
    %max3A_251 = arith.maximumf %max3A_229, %max3A_237 : vector<128xf32>
    %min3A_252 = arith.minimumf %max3A_229, %max3A_237 : vector<128xf32>
    %max3A_253 = arith.maximumf %max3A_238, %max3A_245 : vector<128xf32>
    %min3A_254 = arith.minimumf %max3A_238, %max3A_245 : vector<128xf32>
    %max3A_255 = arith.maximumf %max3A_239, %max3A_247 : vector<128xf32>
    %min3A_256 = arith.minimumf %max3A_239, %max3A_247 : vector<128xf32>
    %max3A_257 = arith.maximumf %max3A_241, %max3A_249 : vector<128xf32>
    %min3A_258 = arith.minimumf %max3A_241, %max3A_249 : vector<128xf32>
    %max3A_259 = arith.maximumf %max3A_243, %max3A_251 : vector<128xf32>
    %min3A_260 = arith.minimumf %max3A_243, %max3A_251 : vector<128xf32>
    %max3A_261 = arith.maximumf %max3A_253, %max3A_257 : vector<128xf32>
    %min3A_262 = arith.minimumf %max3A_253, %max3A_257 : vector<128xf32>
    %max3A_263 = arith.maximumf %max3A_255, %max3A_259 : vector<128xf32>
    %min3A_264 = arith.minimumf %max3A_255, %max3A_259 : vector<128xf32>
    %max3A_265 = arith.maximumf %max3A_261, %max3A_263 : vector<128xf32>
    %min3A_266 = arith.minimumf %max3A_261, %max3A_263 : vector<128xf32>
    %max3A_267 = arith.maximumf %min3A_262, %min3A_264 : vector<128xf32>
    %min3A_268 = arith.minimumf %min3A_262, %min3A_264 : vector<128xf32>
    %max3A_269 = arith.maximumf %min3A_254, %min3A_258 : vector<128xf32>
    %min3A_270 = arith.minimumf %min3A_254, %min3A_258 : vector<128xf32>
    %max3A_271 = arith.maximumf %min3A_256, %min3A_260 : vector<128xf32>
    %min3A_272 = arith.minimumf %min3A_256, %min3A_260 : vector<128xf32>
    %max3A_273 = arith.maximumf %max3A_269, %max3A_271 : vector<128xf32>
    %min3A_274 = arith.minimumf %max3A_269, %max3A_271 : vector<128xf32>
    %max3A_275 = arith.maximumf %min3A_270, %min3A_272 : vector<128xf32>
    %min3A_276 = arith.minimumf %min3A_270, %min3A_272 : vector<128xf32>
    %max3A_277 = arith.maximumf %min3A, %min3A_246 : vector<128xf32>
    %min3A_278 = arith.minimumf %min3A, %min3A_246 : vector<128xf32>
    %max3A_279 = arith.maximumf %min3A_240, %min3A_248 : vector<128xf32>
    %min3A_280 = arith.minimumf %min3A_240, %min3A_248 : vector<128xf32>
    %max3A_281 = arith.maximumf %min3A_242, %min3A_250 : vector<128xf32>
    %min3A_282 = arith.minimumf %min3A_242, %min3A_250 : vector<128xf32>
    %max3A_283 = arith.maximumf %min3A_244, %min3A_252 : vector<128xf32>
    %min3A_284 = arith.minimumf %min3A_244, %min3A_252 : vector<128xf32>
    %max3A_285 = arith.maximumf %max3A_277, %max3A_281 : vector<128xf32>
    %min3A_286 = arith.minimumf %max3A_277, %max3A_281 : vector<128xf32>
    %max3A_287 = arith.maximumf %max3A_279, %max3A_283 : vector<128xf32>
    %min3A_288 = arith.minimumf %max3A_279, %max3A_283 : vector<128xf32>
    %max3A_289 = arith.maximumf %max3A_285, %max3A_287 : vector<128xf32>
    %min3A_290 = arith.minimumf %max3A_285, %max3A_287 : vector<128xf32>
    %max3A_291 = arith.maximumf %min3A_286, %min3A_288 : vector<128xf32>
    %min3A_292 = arith.minimumf %min3A_286, %min3A_288 : vector<128xf32>
    %max3A_293 = arith.maximumf %min3A_278, %min3A_282 : vector<128xf32>
    %min3A_294 = arith.minimumf %min3A_278, %min3A_282 : vector<128xf32>
    %max3A_295 = arith.maximumf %min3A_280, %min3A_284 : vector<128xf32>
    %min3A_296 = arith.minimumf %min3A_280, %min3A_284 : vector<128xf32>
    %max3A_297 = arith.maximumf %max3A_293, %max3A_295 : vector<128xf32>
    %min3A_298 = arith.minimumf %max3A_293, %max3A_295 : vector<128xf32>
    %max3A_299 = arith.maximumf %min3A_294, %min3A_296 : vector<128xf32>
    %min3A_300 = arith.minimumf %min3A_294, %min3A_296 : vector<128xf32>
    %stack3A = vector.shape_cast %max3A_265 : vector<128xf32> to vector<1x128xf32>
    %stack3A_301 = vector.shape_cast %min3A_266 : vector<128xf32> to vector<1x128xf32>
    %stack3A_302 = vector.shape_cast %max3A_267 : vector<128xf32> to vector<1x128xf32>
    %stack3A_303 = vector.shape_cast %min3A_268 : vector<128xf32> to vector<1x128xf32>
    %stack3A_304 = vector.shape_cast %max3A_273 : vector<128xf32> to vector<1x128xf32>
    %stack3A_305 = vector.shape_cast %min3A_274 : vector<128xf32> to vector<1x128xf32>
    %stack3A_306 = vector.shape_cast %max3A_275 : vector<128xf32> to vector<1x128xf32>
    %stack3A_307 = vector.shape_cast %min3A_276 : vector<128xf32> to vector<1x128xf32>
    %stack3A_308 = vector.shape_cast %max3A_289 : vector<128xf32> to vector<1x128xf32>
    %stack3A_309 = vector.shape_cast %min3A_290 : vector<128xf32> to vector<1x128xf32>
    %stack3A_310 = vector.shape_cast %max3A_291 : vector<128xf32> to vector<1x128xf32>
    %stack3A_311 = vector.shape_cast %min3A_292 : vector<128xf32> to vector<1x128xf32>
    %stack3A_312 = vector.shape_cast %max3A_297 : vector<128xf32> to vector<1x128xf32>
    %stack3A_313 = vector.shape_cast %min3A_298 : vector<128xf32> to vector<1x128xf32>
    %stack3A_314 = vector.shape_cast %max3A_299 : vector<128xf32> to vector<1x128xf32>
    %stack3A_315 = vector.shape_cast %min3A_300 : vector<128xf32> to vector<1x128xf32>
    %stack3A_316 = tpu.concatenate %stack3A, %stack3A_301, %stack3A_302, %stack3A_303, %stack3A_304, %stack3A_305, %stack3A_306, %stack3A_307, %stack3A_308, %stack3A_309, %stack3A_310, %stack3A_311, %stack3A_312, %stack3A_313, %stack3A_314, %stack3A_315 in 0 : vector<1x128xf32>, vector<1x128xf32>, vector<1x128xf32>, vector<1x128xf32>, vector<1x128xf32>, vector<1x128xf32>, vector<1x128xf32>, vector<1x128xf32>, vector<1x128xf32>, vector<1x128xf32>, vector<1x128xf32>, vector<1x128xf32>, vector<1x128xf32>, vector<1x128xf32>, vector<1x128xf32>, vector<1x128xf32> -> vector<16x128xf32>
    %swap3A = arith.constant 0 : index
    %swap3A_317 = arith.constant 0 : index
    %swap3A_318 = arith.constant 0 : index
    %swap3A_319 = vector.load %arg2[%swap3A, %swap3A_317, %swap3A_318] : memref<1x16x512xf32, #tpu.memory_space<vmem>>, vector<1x16x128xf32>
    %swap3A_320 = vector.shape_cast %swap3A_319 : vector<1x16x128xf32> to vector<16x128xf32>
    %swap3A_321 = vector.shape_cast %stack3A_316 : vector<16x128xf32> to vector<1x16x128xf32>
    tpu.vector_store %arg2[%swap3A, %swap3A_317, %swap3A_318], %swap3A_321 {strides = array<i32>} : memref<1x16x512xf32, #tpu.memory_space<vmem>>, vector<1x16x128xf32>,
    %get3A_322 = arith.constant 0 : index
    %get3A_323 = arith.constant 1 : index
    %get3A_324 = arith.constant 0 : index
    %get3A_325 = arith.constant 0 : index
    %get3A_326 = arith.constant 0 : index
    %get3A_327 = vector.load %arg1[%get3A_322, %get3A_323, %get3A_324, %get3A_325, %get3A_326] : memref<1x4x2x16x128xf32, #tpu.memory_space<vmem>>, vector<1x1x1x1x128xf32>
    %get3A_328 = vector.shape_cast %get3A_327 : vector<1x1x1x1x128xf32> to vector<128xf32>
    %get3A_329 = arith.constant 0 : index
    %get3A_330 = arith.constant 1 : index
    %get3A_331 = arith.constant 0 : index
    %get3A_332 = arith.constant 1 : index
    %get3A_333 = arith.constant 0 : index
    %get3A_334 = vector.load %arg1[%get3A_329, %get3A_330, %get3A_331, %get3A_332, %get3A_333] : memref<1x4x2x16x128xf32, #tpu.memory_space<vmem>>, vector<1x1x1x1x128xf32>
    %get3A_335 = vector.shape_cast %get3A_334 : vector<1x1x1x1x128xf32> to vector<128xf32>
    %get3A_336 = arith.constant 0 : index
    %get3A_337 = arith.constant 1 : index
    %get3A_338 = arith.constant 0 : index
    %get3A_339 = arith.constant 2 : index
    %get3A_340 = arith.constant 0 : index
    %get3A_341 = vector.load %arg1[%get3A_336, %get3A_337, %get3A_338, %get3A_339, %get3A_340] : memref<1x4x2x16x128xf32, #tpu.memory_space<vmem>>, vector<1x1x1x1x128xf32>
    %get3A_342 = vector.shape_cast %get3A_341 : vector<1x1x1x1x128xf32> to vector<128xf32>
    %get3A_343 = arith.constant 0 : index
    %get3A_344 = arith.constant 1 : index
    %get3A_345 = arith.constant 0 : index
    %get3A_346 = arith.constant 3 : index
    %get3A_347 = arith.constant 0 : index
    %get3A_348 = vector.load %arg1[%get3A_343, %get3A_344, %get3A_345, %get3A_346, %get3A_347] : memref<1x4x2x16x128xf32, #tpu.memory_space<vmem>>, vector<1x1x1x1x128xf32>
    %get3A_349 = vector.shape_cast %get3A_348 : vector<1x1x1x1x128xf32> to vector<128xf32>
    %get3A_350 = arith.constant 0 : index
    %get3A_351 = arith.constant 1 : index
    %get3A_352 = arith.constant 0 : index
    %get3A_353 = arith.constant 4 : index
    %get3A_354 = arith.constant 0 : index
    %get3A_355 = vector.load %arg1[%get3A_350, %get3A_351, %get3A_352, %get3A_353, %get3A_354] : memref<1x4x2x16x128xf32, #tpu.memory_space<vmem>>, vector<1x1x1x1x128xf32>
    %get3A_356 = vector.shape_cast %get3A_355 : vector<1x1x1x1x128xf32> to vector<128xf32>
    %get3A_357 = arith.constant 0 : index
    %get3A_358 = arith.constant 1 : index
    %get3A_359 = arith.constant 0 : index
    %get3A_360 = arith.constant 5 : index
    %get3A_361 = arith.constant 0 : index
    %get3A_362 = vector.load %arg1[%get3A_357, %get3A_358, %get3A_359, %get3A_360, %get3A_361] : memref<1x4x2x16x128xf32, #tpu.memory_space<vmem>>, vector<1x1x1x1x128xf32>
    %get3A_363 = vector.shape_cast %get3A_362 : vector<1x1x1x1x128xf32> to vector<128xf32>
    %get3A_364 = arith.constant 0 : index
    %get3A_365 = arith.constant 1 : index
    %get3A_366 = arith.constant 0 : index
    %get3A_367 = arith.constant 6 : index
    %get3A_368 = arith.constant 0 : index
    %get3A_369 = vector.load %arg1[%get3A_364, %get3A_365, %get3A_366, %get3A_367, %get3A_368] : memref<1x4x2x16x128xf32, #tpu.memory_space<vmem>>, vector<1x1x1x1x128xf32>
    %get3A_370 = vector.shape_cast %get3A_369 : vector<1x1x1x1x128xf32> to vector<128xf32>
    %get3A_371 = arith.constant 0 : index
    %get3A_372 = arith.constant 1 : index
    %get3A_373 = arith.constant 0 : index
    %get3A_374 = arith.constant 7 : index
    %get3A_375 = arith.constant 0 : index
    %get3A_376 = vector.load %arg1[%get3A_371, %get3A_372, %get3A_373, %get3A_374, %get3A_375] : memref<1x4x2x16x128xf32, #tpu.memory_space<vmem>>, vector<1x1x1x1x128xf32>
    %get3A_377 = vector.shape_cast %get3A_376 : vector<1x1x1x1x128xf32> to vector<128xf32>
    %get3A_378 = arith.constant 0 : index
    %get3A_379 = arith.constant 1 : index
    %get3A_380 = arith.constant 0 : index
    %get3A_381 = arith.constant 8 : index
    %get3A_382 = arith.constant 0 : index
    %get3A_383 = vector.load %arg1[%get3A_378, %get3A_379, %get3A_380, %get3A_381, %get3A_382] : memref<1x4x2x16x128xf32, #tpu.memory_space<vmem>>, vector<1x1x1x1x128xf32>
    %get3A_384 = vector.shape_cast %get3A_383 : vector<1x1x1x1x128xf32> to vector<128xf32>
    %get3A_385 = arith.constant 0 : index
    %get3A_386 = arith.constant 1 : index
    %get3A_387 = arith.constant 0 : index
    %get3A_388 = arith.constant 9 : index
    %get3A_389 = arith.constant 0 : index
    %get3A_390 = vector.load %arg1[%get3A_385, %get3A_386, %get3A_387, %get3A_388, %get3A_389] : memref<1x4x2x16x128xf32, #tpu.memory_space<vmem>>, vector<1x1x1x1x128xf32>
    %get3A_391 = vector.shape_cast %get3A_390 : vector<1x1x1x1x128xf32> to vector<128xf32>
    %get3A_392 = arith.constant 0 : index
    %get3A_393 = arith.constant 1 : index
    %get3A_394 = arith.constant 0 : index
    %get3A_395 = arith.constant 10 : index
    %get3A_396 = arith.constant 0 : index
    %get3A_397 = vector.load %arg1[%get3A_392, %get3A_393, %get3A_394, %get3A_395, %get3A_396] : memref<1x4x2x16x128xf32, #tpu.memory_space<vmem>>, vector<1x1x1x1x128xf32>
    %get3A_398 = vector.shape_cast %get3A_397 : vector<1x1x1x1x128xf32> to vector<128xf32>
    %get3A_399 = arith.constant 0 : index
    %get3A_400 = arith.constant 1 : index
    %get3A_401 = arith.constant 0 : index
    %get3A_402 = arith.constant 11 : index
    %get3A_403 = arith.constant 0 : index
    %get3A_404 = vector.load %arg1[%get3A_399, %get3A_400, %get3A_401, %get3A_402, %get3A_403] : memref<1x4x2x16x128xf32, #tpu.memory_space<vmem>>, vector<1x1x1x1x128xf32>
    %get3A_405 = vector.shape_cast %get3A_404 : vector<1x1x1x1x128xf32> to vector<128xf32>
    %get3A_406 = arith.constant 0 : index
    %get3A_407 = arith.constant 1 : index
    %get3A_408 = arith.constant 0 : index
    %get3A_409 = arith.constant 12 : index
    %get3A_410 = arith.constant 0 : index
    %get3A_411 = vector.load %arg1[%get3A_406, %get3A_407, %get3A_408, %get3A_409, %get3A_410] : memref<1x4x2x16x128xf32, #tpu.memory_space<vmem>>, vector<1x1x1x1x128xf32>
    %get3A_412 = vector.shape_cast %get3A_411 : vector<1x1x1x1x128xf32> to vector<128xf32>
    %get3A_413 = arith.constant 0 : index
    %get3A_414 = arith.constant 1 : index
    %get3A_415 = arith.constant 0 : index
    %get3A_416 = arith.constant 13 : index
    %get3A_417 = arith.constant 0 : index
    %get3A_418 = vector.load %arg1[%get3A_413, %get3A_414, %get3A_415, %get3A_416, %get3A_417] : memref<1x4x2x16x128xf32, #tpu.memory_space<vmem>>, vector<1x1x1x1x128xf32>
    %get3A_419 = vector.shape_cast %get3A_418 : vector<1x1x1x1x128xf32> to vector<128xf32>
    %get3A_420 = arith.constant 0 : index
    %get3A_421 = arith.constant 1 : index
    %get3A_422 = arith.constant 0 : index
    %get3A_423 = arith.constant 14 : index
    %get3A_424 = arith.constant 0 : index
    %get3A_425 = vector.load %arg1[%get3A_420, %get3A_421, %get3A_422, %get3A_423, %get3A_424] : memref<1x4x2x16x128xf32, #tpu.memory_space<vmem>>, vector<1x1x1x1x128xf32>
    %get3A_426 = vector.shape_cast %get3A_425 : vector<1x1x1x1x128xf32> to vector<128xf32>
    %get3A_427 = arith.constant 0 : index
    %get3A_428 = arith.constant 1 : index
    %get3A_429 = arith.constant 0 : index
    %get3A_430 = arith.constant 15 : index
    %get3A_431 = arith.constant 0 : index
    %get3A_432 = vector.load %arg1[%get3A_427, %get3A_428, %get3A_429, %get3A_430, %get3A_431] : memref<1x4x2x16x128xf32, #tpu.memory_space<vmem>>, vector<1x1x1x1x128xf32>
    %get3A_433 = vector.shape_cast %get3A_432 : vector<1x1x1x1x128xf32> to vector<128xf32>
    %get3A_434 = arith.constant 0 : index
    %get3A_435 = arith.constant 1 : index
    %get3A_436 = arith.constant 1 : index
    %get3A_437 = arith.constant 0 : index
    %get3A_438 = arith.constant 0 : index
    %get3A_439 = vector.load %arg1[%get3A_434, %get3A_435, %get3A_436, %get3A_437, %get3A_438] : memref<1x4x2x16x128xf32, #tpu.memory_space<vmem>>, vector<1x1x1x1x128xf32>
    %get3A_440 = vector.shape_cast %get3A_439 : vector<1x1x1x1x128xf32> to vector<128xf32>
    %get3A_441 = arith.constant 0 : index
    %get3A_442 = arith.constant 1 : index
    %get3A_443 = arith.constant 1 : index
    %get3A_444 = arith.constant 1 : index
    %get3A_445 = arith.constant 0 : index
    %get3A_446 = vector.load %arg1[%get3A_441, %get3A_442, %get3A_443, %get3A_444, %get3A_445] : memref<1x4x2x16x128xf32, #tpu.memory_space<vmem>>, vector<1x1x1x1x128xf32>
    %get3A_447 = vector.shape_cast %get3A_446 : vector<1x1x1x1x128xf32> to vector<128xf32>
    %get3A_448 = arith.constant 0 : index
    %get3A_449 = arith.constant 1 : index
    %get3A_450 = arith.constant 1 : index
    %get3A_451 = arith.constant 2 : index
    %get3A_452 = arith.constant 0 : index
    %get3A_453 = vector.load %arg1[%get3A_448, %get3A_449, %get3A_450, %get3A_451, %get3A_452] : memref<1x4x2x16x128xf32, #tpu.memory_space<vmem>>, vector<1x1x1x1x128xf32>
    %get3A_454 = vector.shape_cast %get3A_453 : vector<1x1x1x1x128xf32> to vector<128xf32>
    %get3A_455 = arith.constant 0 : index
    %get3A_456 = arith.constant 1 : index
    %get3A_457 = arith.constant 1 : index
    %get3A_458 = arith.constant 3 : index
    %get3A_459 = arith.constant 0 : index
    %get3A_460 = vector.load %arg1[%get3A_455, %get3A_456, %get3A_457, %get3A_458, %get3A_459] : memref<1x4x2x16x128xf32, #tpu.memory_space<vmem>>, vector<1x1x1x1x128xf32>
    %get3A_461 = vector.shape_cast %get3A_460 : vector<1x1x1x1x128xf32> to vector<128xf32>
    %get3A_462 = arith.constant 0 : index
    %get3A_463 = arith.constant 1 : index
    %get3A_464 = arith.constant 1 : index
    %get3A_465 = arith.constant 4 : index
    %get3A_466 = arith.constant 0 : index
    %get3A_467 = vector.load %arg1[%get3A_462, %get3A_463, %get3A_464, %get3A_465, %get3A_466] : memref<1x4x2x16x128xf32, #tpu.memory_space<vmem>>, vector<1x1x1x1x128xf32>
    %get3A_468 = vector.shape_cast %get3A_467 : vector<1x1x1x1x128xf32> to vector<128xf32>
    %get3A_469 = arith.constant 0 : index
    %get3A_470 = arith.constant 1 : index
    %get3A_471 = arith.constant 1 : index
    %get3A_472 = arith.constant 5 : index
    %get3A_473 = arith.constant 0 : index
    %get3A_474 = vector.load %arg1[%get3A_469, %get3A_470, %get3A_471, %get3A_472, %get3A_473] : memref<1x4x2x16x128xf32, #tpu.memory_space<vmem>>, vector<1x1x1x1x128xf32>
    %get3A_475 = vector.shape_cast %get3A_474 : vector<1x1x1x1x128xf32> to vector<128xf32>
    %get3A_476 = arith.constant 0 : index
    %get3A_477 = arith.constant 1 : index
    %get3A_478 = arith.constant 1 : index
    %get3A_479 = arith.constant 6 : index
    %get3A_480 = arith.constant 0 : index
    %get3A_481 = vector.load %arg1[%get3A_476, %get3A_477, %get3A_478, %get3A_479, %get3A_480] : memref<1x4x2x16x128xf32, #tpu.memory_space<vmem>>, vector<1x1x1x1x128xf32>
    %get3A_482 = vector.shape_cast %get3A_481 : vector<1x1x1x1x128xf32> to vector<128xf32>
    %get3A_483 = arith.constant 0 : index
    %get3A_484 = arith.constant 1 : index
    %get3A_485 = arith.constant 1 : index
    %get3A_486 = arith.constant 7 : index
    %get3A_487 = arith.constant 0 : index
    %get3A_488 = vector.load %arg1[%get3A_483, %get3A_484, %get3A_485, %get3A_486, %get3A_487] : memref<1x4x2x16x128xf32, #tpu.memory_space<vmem>>, vector<1x1x1x1x128xf32>
    %get3A_489 = vector.shape_cast %get3A_488 : vector<1x1x1x1x128xf32> to vector<128xf32>
    %get3A_490 = arith.constant 0 : index
    %get3A_491 = arith.constant 1 : index
    %get3A_492 = arith.constant 1 : index
    %get3A_493 = arith.constant 8 : index
    %get3A_494 = arith.constant 0 : index
    %get3A_495 = vector.load %arg1[%get3A_490, %get3A_491, %get3A_492, %get3A_493, %get3A_494] : memref<1x4x2x16x128xf32, #tpu.memory_space<vmem>>, vector<1x1x1x1x128xf32>
    %get3A_496 = vector.shape_cast %get3A_495 : vector<1x1x1x1x128xf32> to vector<128xf32>
    %get3A_497 = arith.constant 0 : index
    %get3A_498 = arith.constant 1 : index
    %get3A_499 = arith.constant 1 : index
    %get3A_500 = arith.constant 9 : index
    %get3A_501 = arith.constant 0 : index
    %get3A_502 = vector.load %arg1[%get3A_497, %get3A_498, %get3A_499, %get3A_500, %get3A_501] : memref<1x4x2x16x128xf32, #tpu.memory_space<vmem>>, vector<1x1x1x1x128xf32>
    %get3A_503 = vector.shape_cast %get3A_502 : vector<1x1x1x1x128xf32> to vector<128xf32>
    %get3A_504 = arith.constant 0 : index
    %get3A_505 = arith.constant 1 : index
    %get3A_506 = arith.constant 1 : index
    %get3A_507 = arith.constant 10 : index
    %get3A_508 = arith.constant 0 : index
    %get3A_509 = vector.load %arg1[%get3A_504, %get3A_505, %get3A_506, %get3A_507, %get3A_508] : memref<1x4x2x16x128xf32, #tpu.memory_space<vmem>>, vector<1x1x1x1x128xf32>
    %get3A_510 = vector.shape_cast %get3A_509 : vector<1x1x1x1x128xf32> to vector<128xf32>
    %get3A_511 = arith.constant 0 : index
    %get3A_512 = arith.constant 1 : index
    %get3A_513 = arith.constant 1 : index
    %get3A_514 = arith.constant 11 : index
    %get3A_515 = arith.constant 0 : index
    %get3A_516 = vector.load %arg1[%get3A_511, %get3A_512, %get3A_513, %get3A_514, %get3A_515] : memref<1x4x2x16x128xf32, #tpu.memory_space<vmem>>, vector<1x1x1x1x128xf32>
    %get3A_517 = vector.shape_cast %get3A_516 : vector<1x1x1x1x128xf32> to vector<128xf32>
    %get3A_518 = arith.constant 0 : index
    %get3A_519 = arith.constant 1 : index
    %get3A_520 = arith.constant 1 : index
    %get3A_521 = arith.constant 12 : index
    %get3A_522 = arith.constant 0 : index
    %get3A_523 = vector.load %arg1[%get3A_518, %get3A_519, %get3A_520, %get3A_521, %get3A_522] : memref<1x4x2x16x128xf32, #tpu.memory_space<vmem>>, vector<1x1x1x1x128xf32>
    %get3A_524 = vector.shape_cast %get3A_523 : vector<1x1x1x1x128xf32> to vector<128xf32>
    %get3A_525 = arith.constant 0 : index
    %get3A_526 = arith.constant 1 : index
    %get3A_527 = arith.constant 1 : index
    %get3A_528 = arith.constant 13 : index
    %get3A_529 = arith.constant 0 : index
    %get3A_530 = vector.load %arg1[%get3A_525, %get3A_526, %get3A_527, %get3A_528, %get3A_529] : memref<1x4x2x16x128xf32, #tpu.memory_space<vmem>>, vector<1x1x1x1x128xf32>
    %get3A_531 = vector.shape_cast %get3A_530 : vector<1x1x1x1x128xf32> to vector<128xf32>
    %get3A_532 = arith.constant 0 : index
    %get3A_533 = arith.constant 1 : index
    %get3A_534 = arith.constant 1 : index
    %get3A_535 = arith.constant 14 : index
    %get3A_536 = arith.constant 0 : index
    %get3A_537 = vector.load %arg1[%get3A_532, %get3A_533, %get3A_534, %get3A_535, %get3A_536] : memref<1x4x2x16x128xf32, #tpu.memory_space<vmem>>, vector<1x1x1x1x128xf32>
    %get3A_538 = vector.shape_cast %get3A_537 : vector<1x1x1x1x128xf32> to vector<128xf32>
    %get3A_539 = arith.constant 0 : index
    %get3A_540 = arith.constant 1 : index
    %get3A_541 = arith.constant 1 : index
    %get3A_542 = arith.constant 15 : index
    %get3A_543 = arith.constant 0 : index
    %get3A_544 = vector.load %arg1[%get3A_539, %get3A_540, %get3A_541, %get3A_542, %get3A_543] : memref<1x4x2x16x128xf32, #tpu.memory_space<vmem>>, vector<1x1x1x1x128xf32>
    %get3A_545 = vector.shape_cast %get3A_544 : vector<1x1x1x1x128xf32> to vector<128xf32>
    %max3A_546 = arith.maximumf %get3A_328, %get3A_545 : vector<128xf32>
    %max3A_547 = arith.maximumf %get3A_335, %get3A_538 : vector<128xf32>
    %max3A_548 = arith.maximumf %get3A_342, %get3A_531 : vector<128xf32>
    %max3A_549 = arith.maximumf %get3A_349, %get3A_524 : vector<128xf32>
    %max3A_550 = arith.maximumf %get3A_356, %get3A_517 : vector<128xf32>
    %max3A_551 = arith.maximumf %get3A_363, %get3A_510 : vector<128xf32>
    %max3A_552 = arith.maximumf %get3A_370, %get3A_503 : vector<128xf32>
    %max3A_553 = arith.maximumf %get3A_377, %get3A_496 : vector<128xf32>
    %max3A_554 = arith.maximumf %get3A_384, %get3A_489 : vector<128xf32>
    %max3A_555 = arith.maximumf %get3A_391, %get3A_482 : vector<128xf32>
    %max3A_556 = arith.maximumf %get3A_398, %get3A_475 : vector<128xf32>
    %max3A_557 = arith.maximumf %get3A_405, %get3A_468 : vector<128xf32>
    %max3A_558 = arith.maximumf %get3A_412, %get3A_461 : vector<128xf32>
    %max3A_559 = arith.maximumf %get3A_419, %get3A_454 : vector<128xf32>
    %max3A_560 = arith.maximumf %get3A_426, %get3A_447 : vector<128xf32>
    %max3A_561 = arith.maximumf %get3A_433, %get3A_440 : vector<128xf32>
    %max3A_562 = arith.maximumf %max3A_546, %max3A_554 : vector<128xf32>
    %min3A_563 = arith.minimumf %max3A_546, %max3A_554 : vector<128xf32>
    %max3A_564 = arith.maximumf %max3A_547, %max3A_555 : vector<128xf32>
    %min3A_565 = arith.minimumf %max3A_547, %max3A_555 : vector<128xf32>
    %max3A_566 = arith.maximumf %max3A_548, %max3A_556 : vector<128xf32>
    %min3A_567 = arith.minimumf %max3A_548, %max3A_556 : vector<128xf32>
    %max3A_568 = arith.maximumf %max3A_549, %max3A_557 : vector<128xf32>
    %min3A_569 = arith.minimumf %max3A_549, %max3A_557 : vector<128xf32>
    %max3A_570 = arith.maximumf %max3A_550, %max3A_558 : vector<128xf32>
    %min3A_571 = arith.minimumf %max3A_550, %max3A_558 : vector<128xf32>
    %max3A_572 = arith.maximumf %max3A_551, %max3A_559 : vector<128xf32>
    %min3A_573 = arith.minimumf %max3A_551, %max3A_559 : vector<128xf32>
    %max3A_574 = arith.maximumf %max3A_552, %max3A_560 : vector<128xf32>
    %min3A_575 = arith.minimumf %max3A_552, %max3A_560 : vector<128xf32>
    %max3A_576 = arith.maximumf %max3A_553, %max3A_561 : vector<128xf32>
    %min3A_577 = arith.minimumf %max3A_553, %max3A_561 : vector<128xf32>
    %max3A_578 = arith.maximumf %max3A_562, %max3A_570 : vector<128xf32>
    %min3A_579 = arith.minimumf %max3A_562, %max3A_570 : vector<128xf32>
    %max3A_580 = arith.maximumf %max3A_564, %max3A_572 : vector<128xf32>
    %min3A_581 = arith.minimumf %max3A_564, %max3A_572 : vector<128xf32>
    %max3A_582 = arith.maximumf %max3A_566, %max3A_574 : vector<128xf32>
    %min3A_583 = arith.minimumf %max3A_566, %max3A_574 : vector<128xf32>
    %max3A_584 = arith.maximumf %max3A_568, %max3A_576 : vector<128xf32>
    %min3A_585 = arith.minimumf %max3A_568, %max3A_576 : vector<128xf32>
    %max3A_586 = arith.maximumf %max3A_578, %max3A_582 : vector<128xf32>
    %min3A_587 = arith.minimumf %max3A_578, %max3A_582 : vector<128xf32>
    %max3A_588 = arith.maximumf %max3A_580, %max3A_584 : vector<128xf32>
    %min3A_589 = arith.minimumf %max3A_580, %max3A_584 : vector<128xf32>
    %max3A_590 = arith.maximumf %max3A_586, %max3A_588 : vector<128xf32>
    %min3A_591 = arith.minimumf %max3A_586, %max3A_588 : vector<128xf32>
    %max3A_592 = arith.maximumf %min3A_587, %min3A_589 : vector<128xf32>
    %min3A_593 = arith.minimumf %min3A_587, %min3A_589 : vector<128xf32>
    %max3A_594 = arith.maximumf %min3A_579, %min3A_583 : vector<128xf32>
    %min3A_595 = arith.minimumf %min3A_579, %min3A_583 : vector<128xf32>
    %max3A_596 = arith.maximumf %min3A_581, %min3A_585 : vector<128xf32>
    %min3A_597 = arith.minimumf %min3A_581, %min3A_585 : vector<128xf32>
    %max3A_598 = arith.maximumf %max3A_594, %max3A_596 : vector<128xf32>
    %min3A_599 = arith.minimumf %max3A_594, %max3A_596 : vector<128xf32>
    %max3A_600 = arith.maximumf %min3A_595, %min3A_597 : vector<128xf32>
    %min3A_601 = arith.minimumf %min3A_595, %min3A_597 : vector<128xf32>
    %max3A_602 = arith.maximumf %min3A_563, %min3A_571 : vector<128xf32>
    %min3A_603 = arith.minimumf %min3A_563, %min3A_571 : vector<128xf32>
    %max3A_604 = arith.maximumf %min3A_565, %min3A_573 : vector<128xf32>
    %min3A_605 = arith.minimumf %min3A_565, %min3A_573 : vector<128xf32>
    %max3A_606 = arith.maximumf %min3A_567, %min3A_575 : vector<128xf32>
    %min3A_607 = arith.minimumf %min3A_567, %min3A_575 : vector<128xf32>
    %max3A_608 = arith.maximumf %min3A_569, %min3A_577 : vector<128xf32>
    %min3A_609 = arith.minimumf %min3A_569, %min3A_577 : vector<128xf32>
    %max3A_610 = arith.maximumf %max3A_602, %max3A_606 : vector<128xf32>
    %min3A_611 = arith.minimumf %max3A_602, %max3A_606 : vector<128xf32>
    %max3A_612 = arith.maximumf %max3A_604, %max3A_608 : vector<128xf32>
    %min3A_613 = arith.minimumf %max3A_604, %max3A_608 : vector<128xf32>
    %max3A_614 = arith.maximumf %max3A_610, %max3A_612 : vector<128xf32>
    %min3A_615 = arith.minimumf %max3A_610, %max3A_612 : vector<128xf32>
    %max3A_616 = arith.maximumf %min3A_611, %min3A_613 : vector<128xf32>
    %min3A_617 = arith.minimumf %min3A_611, %min3A_613 : vector<128xf32>
    %max3A_618 = arith.maximumf %min3A_603, %min3A_607 : vector<128xf32>
    %min3A_619 = arith.minimumf %min3A_603, %min3A_607 : vector<128xf32>
    %max3A_620 = arith.maximumf %min3A_605, %min3A_609 : vector<128xf32>
    %min3A_621 = arith.minimumf %min3A_605, %min3A_609 : vector<128xf32>
    %max3A_622 = arith.maximumf %max3A_618, %max3A_620 : vector<128xf32>
    %min3A_623 = arith.minimumf %max3A_618, %max3A_620 : vector<128xf32>
    %max3A_624 = arith.maximumf %min3A_619, %min3A_621 : vector<128xf32>
    %min3A_625 = arith.minimumf %min3A_619, %min3A_621 : vector<128xf32>
    %stack3A_626 = vector.shape_cast %max3A_590 : vector<128xf32> to vector<1x128xf32>
    %stack3A_627 = vector.shape_cast %min3A_591 : vector<128xf32> to vector<1x128xf32>
    %stack3A_628 = vector.shape_cast %max3A_592 : vector<128xf32> to vector<1x128xf32>
    %stack3A_629 = vector.shape_cast %min3A_593 : vector<128xf32> to vector<1x128xf32>
    %stack3A_630 = vector.shape_cast %max3A_598 : vector<128xf32> to vector<1x128xf32>
    %stack3A_631 = vector.shape_cast %min3A_599 : vector<128xf32> to vector<1x128xf32>
    %stack3A_632 = vector.shape_cast %max3A_600 : vector<128xf32> to vector<1x128xf32>
    %stack3A_633 = vector.shape_cast %min3A_601 : vector<128xf32> to vector<1x128xf32>
    %stack3A_634 = vector.shape_cast %max3A_614 : vector<128xf32> to vector<1x128xf32>
    %stack3A_635 = vector.shape_cast %min3A_615 : vector<128xf32> to vector<1x128xf32>
    %stack3A_636 = vector.shape_cast %max3A_616 : vector<128xf32> to vector<1x128xf32>
    %stack3A_637 = vector.shape_cast %min3A_617 : vector<128xf32> to vector<1x128xf32>
    %stack3A_638 = vector.shape_cast %max3A_622 : vector<128xf32> to vector<1x128xf32>
    %stack3A_639 = vector.shape_cast %min3A_623 : vector<128xf32> to vector<1x128xf32>
    %stack3A_640 = vector.shape_cast %max3A_624 : vector<128xf32> to vector<1x128xf32>
    %stack3A_641 = vector.shape_cast %min3A_625 : vector<128xf32> to vector<1x128xf32>
    %stack3A_642 = tpu.concatenate %stack3A_626, %stack3A_627, %stack3A_628, %stack3A_629, %stack3A_630, %stack3A_631, %stack3A_632, %stack3A_633, %stack3A_634, %stack3A_635, %stack3A_636, %stack3A_637, %stack3A_638, %stack3A_639, %stack3A_640, %stack3A_641 in 0 : vector<1x128xf32>, vector<1x128xf32>, vector<1x128xf32>, vector<1x128xf32>, vector<1x128xf32>, vector<1x128xf32>, vector<1x128xf32>, vector<1x128xf32>, vector<1x128xf32>, vector<1x128xf32>, vector<1x128xf32>, vector<1x128xf32>, vector<1x128xf32>, vector<1x128xf32>, vector<1x128xf32>, vector<1x128xf32> -> vector<16x128xf32>
    %swap3A_643 = arith.constant 0 : index
    %swap3A_644 = arith.constant 0 : index
    %swap3A_645 = arith.constant 128 : index
    %swap3A_646 = vector.load %arg2[%swap3A_643, %swap3A_644, %swap3A_645] : memref<1x16x512xf32, #tpu.memory_space<vmem>>, vector<1x16x128xf32>
    %swap3A_647 = vector.shape_cast %swap3A_646 : vector<1x16x128xf32> to vector<16x128xf32>
    %swap3A_648 = vector.shape_cast %stack3A_642 : vector<16x128xf32> to vector<1x16x128xf32>
    tpu.vector_store %arg2[%swap3A_643, %swap3A_644, %swap3A_645], %swap3A_648 {strides = array<i32>} : memref<1x16x512xf32, #tpu.memory_space<vmem>>, vector<1x16x128xf32>,
    %get3A_649 = arith.constant 0 : index
    %get3A_650 = arith.constant 2 : index
    %get3A_651 = arith.constant 0 : index
    %get3A_652 = arith.constant 0 : index
    %get3A_653 = arith.constant 0 : index
    %get3A_654 = vector.load %arg1[%get3A_649, %get3A_650, %get3A_651, %get3A_652, %get3A_653] : memref<1x4x2x16x128xf32, #tpu.memory_space<vmem>>, vector<1x1x1x1x128xf32>
    %get3A_655 = vector.shape_cast %get3A_654 : vector<1x1x1x1x128xf32> to vector<128xf32>
    %get3A_656 = arith.constant 0 : index
    %get3A_657 = arith.constant 2 : index
    %get3A_658 = arith.constant 0 : index
    %get3A_659 = arith.constant 1 : index
    %get3A_660 = arith.constant 0 : index
    %get3A_661 = vector.load %arg1[%get3A_656, %get3A_657, %get3A_658, %get3A_659, %get3A_660] : memref<1x4x2x16x128xf32, #tpu.memory_space<vmem>>, vector<1x1x1x1x128xf32>
    %get3A_662 = vector.shape_cast %get3A_661 : vector<1x1x1x1x128xf32> to vector<128xf32>
    %get3A_663 = arith.constant 0 : index
    %get3A_664 = arith.constant 2 : index
    %get3A_665 = arith.constant 0 : index
    %get3A_666 = arith.constant 2 : index
    %get3A_667 = arith.constant 0 : index
    %get3A_668 = vector.load %arg1[%get3A_663, %get3A_664, %get3A_665, %get3A_666, %get3A_667] : memref<1x4x2x16x128xf32, #tpu.memory_space<vmem>>, vector<1x1x1x1x128xf32>
    %get3A_669 = vector.shape_cast %get3A_668 : vector<1x1x1x1x128xf32> to vector<128xf32>
    %get3A_670 = arith.constant 0 : index
    %get3A_671 = arith.constant 2 : index
    %get3A_672 = arith.constant 0 : index
    %get3A_673 = arith.constant 3 : index
    %get3A_674 = arith.constant 0 : index
    %get3A_675 = vector.load %arg1[%get3A_670, %get3A_671, %get3A_672, %get3A_673, %get3A_674] : memref<1x4x2x16x128xf32, #tpu.memory_space<vmem>>, vector<1x1x1x1x128xf32>
    %get3A_676 = vector.shape_cast %get3A_675 : vector<1x1x1x1x128xf32> to vector<128xf32>
    %get3A_677 = arith.constant 0 : index
    %get3A_678 = arith.constant 2 : index
    %get3A_679 = arith.constant 0 : index
    %get3A_680 = arith.constant 4 : index
    %get3A_681 = arith.constant 0 : index
    %get3A_682 = vector.load %arg1[%get3A_677, %get3A_678, %get3A_679, %get3A_680, %get3A_681] : memref<1x4x2x16x128xf32, #tpu.memory_space<vmem>>, vector<1x1x1x1x128xf32>
    %get3A_683 = vector.shape_cast %get3A_682 : vector<1x1x1x1x128xf32> to vector<128xf32>
    %get3A_684 = arith.constant 0 : index
    %get3A_685 = arith.constant 2 : index
    %get3A_686 = arith.constant 0 : index
    %get3A_687 = arith.constant 5 : index
    %get3A_688 = arith.constant 0 : index
    %get3A_689 = vector.load %arg1[%get3A_684, %get3A_685, %get3A_686, %get3A_687, %get3A_688] : memref<1x4x2x16x128xf32, #tpu.memory_space<vmem>>, vector<1x1x1x1x128xf32>
    %get3A_690 = vector.shape_cast %get3A_689 : vector<1x1x1x1x128xf32> to vector<128xf32>
    %get3A_691 = arith.constant 0 : index
    %get3A_692 = arith.constant 2 : index
    %get3A_693 = arith.constant 0 : index
    %get3A_694 = arith.constant 6 : index
    %get3A_695 = arith.constant 0 : index
    %get3A_696 = vector.load %arg1[%get3A_691, %get3A_692, %get3A_693, %get3A_694, %get3A_695] : memref<1x4x2x16x128xf32, #tpu.memory_space<vmem>>, vector<1x1x1x1x128xf32>
    %get3A_697 = vector.shape_cast %get3A_696 : vector<1x1x1x1x128xf32> to vector<128xf32>
    %get3A_698 = arith.constant 0 : index
    %get3A_699 = arith.constant 2 : index
    %get3A_700 = arith.constant 0 : index
    %get3A_701 = arith.constant 7 : index
    %get3A_702 = arith.constant 0 : index
    %get3A_703 = vector.load %arg1[%get3A_698, %get3A_699, %get3A_700, %get3A_701, %get3A_702] : memref<1x4x2x16x128xf32, #tpu.memory_space<vmem>>, vector<1x1x1x1x128xf32>
    %get3A_704 = vector.shape_cast %get3A_703 : vector<1x1x1x1x128xf32> to vector<128xf32>
    %get3A_705 = arith.constant 0 : index
    %get3A_706 = arith.constant 2 : index
    %get3A_707 = arith.constant 0 : index
    %get3A_708 = arith.constant 8 : index
    %get3A_709 = arith.constant 0 : index
    %get3A_710 = vector.load %arg1[%get3A_705, %get3A_706, %get3A_707, %get3A_708, %get3A_709] : memref<1x4x2x16x128xf32, #tpu.memory_space<vmem>>, vector<1x1x1x1x128xf32>
    %get3A_711 = vector.shape_cast %get3A_710 : vector<1x1x1x1x128xf32> to vector<128xf32>
    %get3A_712 = arith.constant 0 : index
    %get3A_713 = arith.constant 2 : index
    %get3A_714 = arith.constant 0 : index
    %get3A_715 = arith.constant 9 : index
    %get3A_716 = arith.constant 0 : index
    %get3A_717 = vector.load %arg1[%get3A_712, %get3A_713, %get3A_714, %get3A_715, %get3A_716] : memref<1x4x2x16x128xf32, #tpu.memory_space<vmem>>, vector<1x1x1x1x128xf32>
    %get3A_718 = vector.shape_cast %get3A_717 : vector<1x1x1x1x128xf32> to vector<128xf32>
    %get3A_719 = arith.constant 0 : index
    %get3A_720 = arith.constant 2 : index
    %get3A_721 = arith.constant 0 : index
    %get3A_722 = arith.constant 10 : index
    %get3A_723 = arith.constant 0 : index
    %get3A_724 = vector.load %arg1[%get3A_719, %get3A_720, %get3A_721, %get3A_722, %get3A_723] : memref<1x4x2x16x128xf32, #tpu.memory_space<vmem>>, vector<1x1x1x1x128xf32>
    %get3A_725 = vector.shape_cast %get3A_724 : vector<1x1x1x1x128xf32> to vector<128xf32>
    %get3A_726 = arith.constant 0 : index
    %get3A_727 = arith.constant 2 : index
    %get3A_728 = arith.constant 0 : index
    %get3A_729 = arith.constant 11 : index
    %get3A_730 = arith.constant 0 : index
    %get3A_731 = vector.load %arg1[%get3A_726, %get3A_727, %get3A_728, %get3A_729, %get3A_730] : memref<1x4x2x16x128xf32, #tpu.memory_space<vmem>>, vector<1x1x1x1x128xf32>
    %get3A_732 = vector.shape_cast %get3A_731 : vector<1x1x1x1x128xf32> to vector<128xf32>
    %get3A_733 = arith.constant 0 : index
    %get3A_734 = arith.constant 2 : index
    %get3A_735 = arith.constant 0 : index
    %get3A_736 = arith.constant 12 : index
    %get3A_737 = arith.constant 0 : index
    %get3A_738 = vector.load %arg1[%get3A_733, %get3A_734, %get3A_735, %get3A_736, %get3A_737] : memref<1x4x2x16x128xf32, #tpu.memory_space<vmem>>, vector<1x1x1x1x128xf32>
    %get3A_739 = vector.shape_cast %get3A_738 : vector<1x1x1x1x128xf32> to vector<128xf32>
    %get3A_740 = arith.constant 0 : index
    %get3A_741 = arith.constant 2 : index
    %get3A_742 = arith.constant 0 : index
    %get3A_743 = arith.constant 13 : index
    %get3A_744 = arith.constant 0 : index
    %get3A_745 = vector.load %arg1[%get3A_740, %get3A_741, %get3A_742, %get3A_743, %get3A_744] : memref<1x4x2x16x128xf32, #tpu.memory_space<vmem>>, vector<1x1x1x1x128xf32>
    %get3A_746 = vector.shape_cast %get3A_745 : vector<1x1x1x1x128xf32> to vector<128xf32>
    %get3A_747 = arith.constant 0 : index
    %get3A_748 = arith.constant 2 : index
    %get3A_749 = arith.constant 0 : index
    %get3A_750 = arith.constant 14 : index
    %get3A_751 = arith.constant 0 : index
    %get3A_752 = vector.load %arg1[%get3A_747, %get3A_748, %get3A_749, %get3A_750, %get3A_751] : memref<1x4x2x16x128xf32, #tpu.memory_space<vmem>>, vector<1x1x1x1x128xf32>
    %get3A_753 = vector.shape_cast %get3A_752 : vector<1x1x1x1x128xf32> to vector<128xf32>
    %get3A_754 = arith.constant 0 : index
    %get3A_755 = arith.constant 2 : index
    %get3A_756 = arith.constant 0 : index
    %get3A_757 = arith.constant 15 : index
    %get3A_758 = arith.constant 0 : index
    %get3A_759 = vector.load %arg1[%get3A_754, %get3A_755, %get3A_756, %get3A_757, %get3A_758] : memref<1x4x2x16x128xf32, #tpu.memory_space<vmem>>, vector<1x1x1x1x128xf32>
    %get3A_760 = vector.shape_cast %get3A_759 : vector<1x1x1x1x128xf32> to vector<128xf32>
    %get3A_761 = arith.constant 0 : index
    %get3A_762 = arith.constant 2 : index
    %get3A_763 = arith.constant 1 : index
    %get3A_764 = arith.constant 0 : index
    %get3A_765 = arith.constant 0 : index
    %get3A_766 = vector.load %arg1[%get3A_761, %get3A_762, %get3A_763, %get3A_764, %get3A_765] : memref<1x4x2x16x128xf32, #tpu.memory_space<vmem>>, vector<1x1x1x1x128xf32>
    %get3A_767 = vector.shape_cast %get3A_766 : vector<1x1x1x1x128xf32> to vector<128xf32>
    %get3A_768 = arith.constant 0 : index
    %get3A_769 = arith.constant 2 : index
    %get3A_770 = arith.constant 1 : index
    %get3A_771 = arith.constant 1 : index
    %get3A_772 = arith.constant 0 : index
    %get3A_773 = vector.load %arg1[%get3A_768, %get3A_769, %get3A_770, %get3A_771, %get3A_772] : memref<1x4x2x16x128xf32, #tpu.memory_space<vmem>>, vector<1x1x1x1x128xf32>
    %get3A_774 = vector.shape_cast %get3A_773 : vector<1x1x1x1x128xf32> to vector<128xf32>
    %get3A_775 = arith.constant 0 : index
    %get3A_776 = arith.constant 2 : index
    %get3A_777 = arith.constant 1 : index
    %get3A_778 = arith.constant 2 : index
    %get3A_779 = arith.constant 0 : index
    %get3A_780 = vector.load %arg1[%get3A_775, %get3A_776, %get3A_777, %get3A_778, %get3A_779] : memref<1x4x2x16x128xf32, #tpu.memory_space<vmem>>, vector<1x1x1x1x128xf32>
    %get3A_781 = vector.shape_cast %get3A_780 : vector<1x1x1x1x128xf32> to vector<128xf32>
    %get3A_782 = arith.constant 0 : index
    %get3A_783 = arith.constant 2 : index
    %get3A_784 = arith.constant 1 : index
    %get3A_785 = arith.constant 3 : index
    %get3A_786 = arith.constant 0 : index
    %get3A_787 = vector.load %arg1[%get3A_782, %get3A_783, %get3A_784, %get3A_785, %get3A_786] : memref<1x4x2x16x128xf32, #tpu.memory_space<vmem>>, vector<1x1x1x1x128xf32>
    %get3A_788 = vector.shape_cast %get3A_787 : vector<1x1x1x1x128xf32> to vector<128xf32>
    %get3A_789 = arith.constant 0 : index
    %get3A_790 = arith.constant 2 : index
    %get3A_791 = arith.constant 1 : index
    %get3A_792 = arith.constant 4 : index
    %get3A_793 = arith.constant 0 : index
    %get3A_794 = vector.load %arg1[%get3A_789, %get3A_790, %get3A_791, %get3A_792, %get3A_793] : memref<1x4x2x16x128xf32, #tpu.memory_space<vmem>>, vector<1x1x1x1x128xf32>
    %get3A_795 = vector.shape_cast %get3A_794 : vector<1x1x1x1x128xf32> to vector<128xf32>
    %get3A_796 = arith.constant 0 : index
    %get3A_797 = arith.constant 2 : index
    %get3A_798 = arith.constant 1 : index
    %get3A_799 = arith.constant 5 : index
    %get3A_800 = arith.constant 0 : index
    %get3A_801 = vector.load %arg1[%get3A_796, %get3A_797, %get3A_798, %get3A_799, %get3A_800] : memref<1x4x2x16x128xf32, #tpu.memory_space<vmem>>, vector<1x1x1x1x128xf32>
    %get3A_802 = vector.shape_cast %get3A_801 : vector<1x1x1x1x128xf32> to vector<128xf32>
    %get3A_803 = arith.constant 0 : index
    %get3A_804 = arith.constant 2 : index
    %get3A_805 = arith.constant 1 : index
    %get3A_806 = arith.constant 6 : index
    %get3A_807 = arith.constant 0 : index
    %get3A_808 = vector.load %arg1[%get3A_803, %get3A_804, %get3A_805, %get3A_806, %get3A_807] : memref<1x4x2x16x128xf32, #tpu.memory_space<vmem>>, vector<1x1x1x1x128xf32>
    %get3A_809 = vector.shape_cast %get3A_808 : vector<1x1x1x1x128xf32> to vector<128xf32>
    %get3A_810 = arith.constant 0 : index
    %get3A_811 = arith.constant 2 : index
    %get3A_812 = arith.constant 1 : index
    %get3A_813 = arith.constant 7 : index
    %get3A_814 = arith.constant 0 : index
    %get3A_815 = vector.load %arg1[%get3A_810, %get3A_811, %get3A_812, %get3A_813, %get3A_814] : memref<1x4x2x16x128xf32, #tpu.memory_space<vmem>>, vector<1x1x1x1x128xf32>
    %get3A_816 = vector.shape_cast %get3A_815 : vector<1x1x1x1x128xf32> to vector<128xf32>
    %get3A_817 = arith.constant 0 : index
    %get3A_818 = arith.constant 2 : index
    %get3A_819 = arith.constant 1 : index
    %get3A_820 = arith.constant 8 : index
    %get3A_821 = arith.constant 0 : index
    %get3A_822 = vector.load %arg1[%get3A_817, %get3A_818, %get3A_819, %get3A_820, %get3A_821] : memref<1x4x2x16x128xf32, #tpu.memory_space<vmem>>, vector<1x1x1x1x128xf32>
    %get3A_823 = vector.shape_cast %get3A_822 : vector<1x1x1x1x128xf32> to vector<128xf32>
    %get3A_824 = arith.constant 0 : index
    %get3A_825 = arith.constant 2 : index
    %get3A_826 = arith.constant 1 : index
    %get3A_827 = arith.constant 9 : index
    %get3A_828 = arith.constant 0 : index
    %get3A_829 = vector.load %arg1[%get3A_824, %get3A_825, %get3A_826, %get3A_827, %get3A_828] : memref<1x4x2x16x128xf32, #tpu.memory_space<vmem>>, vector<1x1x1x1x128xf32>
    %get3A_830 = vector.shape_cast %get3A_829 : vector<1x1x1x1x128xf32> to vector<128xf32>
    %get3A_831 = arith.constant 0 : index
    %get3A_832 = arith.constant 2 : index
    %get3A_833 = arith.constant 1 : index
    %get3A_834 = arith.constant 10 : index
    %get3A_835 = arith.constant 0 : index
    %get3A_836 = vector.load %arg1[%get3A_831, %get3A_832, %get3A_833, %get3A_834, %get3A_835] : memref<1x4x2x16x128xf32, #tpu.memory_space<vmem>>, vector<1x1x1x1x128xf32>
    %get3A_837 = vector.shape_cast %get3A_836 : vector<1x1x1x1x128xf32> to vector<128xf32>
    %get3A_838 = arith.constant 0 : index
    %get3A_839 = arith.constant 2 : index
    %get3A_840 = arith.constant 1 : index
    %get3A_841 = arith.constant 11 : index
    %get3A_842 = arith.constant 0 : index
    %get3A_843 = vector.load %arg1[%get3A_838, %get3A_839, %get3A_840, %get3A_841, %get3A_842] : memref<1x4x2x16x128xf32, #tpu.memory_space<vmem>>, vector<1x1x1x1x128xf32>
    %get3A_844 = vector.shape_cast %get3A_843 : vector<1x1x1x1x128xf32> to vector<128xf32>
    %get3A_845 = arith.constant 0 : index
    %get3A_846 = arith.constant 2 : index
    %get3A_847 = arith.constant 1 : index
    %get3A_848 = arith.constant 12 : index
    %get3A_849 = arith.constant 0 : index
    %get3A_850 = vector.load %arg1[%get3A_845, %get3A_846, %get3A_847, %get3A_848, %get3A_849] : memref<1x4x2x16x128xf32, #tpu.memory_space<vmem>>, vector<1x1x1x1x128xf32>
    %get3A_851 = vector.shape_cast %get3A_850 : vector<1x1x1x1x128xf32> to vector<128xf32>
    %get3A_852 = arith.constant 0 : index
    %get3A_853 = arith.constant 2 : index
    %get3A_854 = arith.constant 1 : index
    %get3A_855 = arith.constant 13 : index
    %get3A_856 = arith.constant 0 : index
    %get3A_857 = vector.load %arg1[%get3A_852, %get3A_853, %get3A_854, %get3A_855, %get3A_856] : memref<1x4x2x16x128xf32, #tpu.memory_space<vmem>>, vector<1x1x1x1x128xf32>
    %get3A_858 = vector.shape_cast %get3A_857 : vector<1x1x1x1x128xf32> to vector<128xf32>
    %get3A_859 = arith.constant 0 : index
    %get3A_860 = arith.constant 2 : index
    %get3A_861 = arith.constant 1 : index
    %get3A_862 = arith.constant 14 : index
    %get3A_863 = arith.constant 0 : index
    %get3A_864 = vector.load %arg1[%get3A_859, %get3A_860, %get3A_861, %get3A_862, %get3A_863] : memref<1x4x2x16x128xf32, #tpu.memory_space<vmem>>, vector<1x1x1x1x128xf32>
    %get3A_865 = vector.shape_cast %get3A_864 : vector<1x1x1x1x128xf32> to vector<128xf32>
    %get3A_866 = arith.constant 0 : index
    %get3A_867 = arith.constant 2 : index
    %get3A_868 = arith.constant 1 : index
    %get3A_869 = arith.constant 15 : index
    %get3A_870 = arith.constant 0 : index
    %get3A_871 = vector.load %arg1[%get3A_866, %get3A_867, %get3A_868, %get3A_869, %get3A_870] : memref<1x4x2x16x128xf32, #tpu.memory_space<vmem>>, vector<1x1x1x1x128xf32>
    %get3A_872 = vector.shape_cast %get3A_871 : vector<1x1x1x1x128xf32> to vector<128xf32>
    %max3A_873 = arith.maximumf %get3A_655, %get3A_872 : vector<128xf32>
    %max3A_874 = arith.maximumf %get3A_662, %get3A_865 : vector<128xf32>
    %max3A_875 = arith.maximumf %get3A_669, %get3A_858 : vector<128xf32>
    %max3A_876 = arith.maximumf %get3A_676, %get3A_851 : vector<128xf32>
    %max3A_877 = arith.maximumf %get3A_683, %get3A_844 : vector<128xf32>
    %max3A_878 = arith.maximumf %get3A_690, %get3A_837 : vector<128xf32>
    %max3A_879 = arith.maximumf %get3A_697, %get3A_830 : vector<128xf32>
    %max3A_880 = arith.maximumf %get3A_704, %get3A_823 : vector<128xf32>
    %max3A_881 = arith.maximumf %get3A_711, %get3A_816 : vector<128xf32>
    %max3A_882 = arith.maximumf %get3A_718, %get3A_809 : vector<128xf32>
    %max3A_883 = arith.maximumf %get3A_725, %get3A_802 : vector<128xf32>
    %max3A_884 = arith.maximumf %get3A_732, %get3A_795 : vector<128xf32>
    %max3A_885 = arith.maximumf %get3A_739, %get3A_788 : vector<128xf32>
    %max3A_886 = arith.maximumf %get3A_746, %get3A_781 : vector<128xf32>
    %max3A_887 = arith.maximumf %get3A_753, %get3A_774 : vector<128xf32>
    %max3A_888 = arith.maximumf %get3A_760, %get3A_767 : vector<128xf32>
    %max3A_889 = arith.maximumf %max3A_873, %max3A_881 : vector<128xf32>
    %min3A_890 = arith.minimumf %max3A_873, %max3A_881 : vector<128xf32>
    %max3A_891 = arith.maximumf %max3A_874, %max3A_882 : vector<128xf32>
    %min3A_892 = arith.minimumf %max3A_874, %max3A_882 : vector<128xf32>
    %max3A_893 = arith.maximumf %max3A_875, %max3A_883 : vector<128xf32>
    %min3A_894 = arith.minimumf %max3A_875, %max3A_883 : vector<128xf32>
    %max3A_895 = arith.maximumf %max3A_876, %max3A_884 : vector<128xf32>
    %min3A_896 = arith.minimumf %max3A_876, %max3A_884 : vector<128xf32>
    %max3A_897 = arith.maximumf %max3A_877, %max3A_885 : vector<128xf32>
    %min3A_898 = arith.minimumf %max3A_877, %max3A_885 : vector<128xf32>
    %max3A_899 = arith.maximumf %max3A_878, %max3A_886 : vector<128xf32>
    %min3A_900 = arith.minimumf %max3A_878, %max3A_886 : vector<128xf32>
    %max3A_901 = arith.maximumf %max3A_879, %max3A_887 : vector<128xf32>
    %min3A_902 = arith.minimumf %max3A_879, %max3A_887 : vector<128xf32>
    %max3A_903 = arith.maximumf %max3A_880, %max3A_888 : vector<128xf32>
    %min3A_904 = arith.minimumf %max3A_880, %max3A_888 : vector<128xf32>
    %max3A_905 = arith.maximumf %max3A_889, %max3A_897 : vector<128xf32>
    %min3A_906 = arith.minimumf %max3A_889, %max3A_897 : vector<128xf32>
    %max3A_907 = arith.maximumf %max3A_891, %max3A_899 : vector<128xf32>
    %min3A_908 = arith.minimumf %max3A_891, %max3A_899 : vector<128xf32>
    %max3A_909 = arith.maximumf %max3A_893, %max3A_901 : vector<128xf32>
    %min3A_910 = arith.minimumf %max3A_893, %max3A_901 : vector<128xf32>
    %max3A_911 = arith.maximumf %max3A_895, %max3A_903 : vector<128xf32>
    %min3A_912 = arith.minimumf %max3A_895, %max3A_903 : vector<128xf32>
    %max3A_913 = arith.maximumf %max3A_905, %max3A_909 : vector<128xf32>
    %min3A_914 = arith.minimumf %max3A_905, %max3A_909 : vector<128xf32>
    %max3A_915 = arith.maximumf %max3A_907, %max3A_911 : vector<128xf32>
    %min3A_916 = arith.minimumf %max3A_907, %max3A_911 : vector<128xf32>
    %max3A_917 = arith.maximumf %max3A_913, %max3A_915 : vector<128xf32>
    %min3A_918 = arith.minimumf %max3A_913, %max3A_915 : vector<128xf32>
    %max3A_919 = arith.maximumf %min3A_914, %min3A_916 : vector<128xf32>
    %min3A_920 = arith.minimumf %min3A_914, %min3A_916 : vector<128xf32>
    %max3A_921 = arith.maximumf %min3A_906, %min3A_910 : vector<128xf32>
    %min3A_922 = arith.minimumf %min3A_906, %min3A_910 : vector<128xf32>
    %max3A_923 = arith.maximumf %min3A_908, %min3A_912 : vector<128xf32>
    %min3A_924 = arith.minimumf %min3A_908, %min3A_912 : vector<128xf32>
    %max3A_925 = arith.maximumf %max3A_921, %max3A_923 : vector<128xf32>
    %min3A_926 = arith.minimumf %max3A_921, %max3A_923 : vector<128xf32>
    %max3A_927 = arith.maximumf %min3A_922, %min3A_924 : vector<128xf32>
    %min3A_928 = arith.minimumf %min3A_922, %min3A_924 : vector<128xf32>
    %max3A_929 = arith.maximumf %min3A_890, %min3A_898 : vector<128xf32>
    %min3A_930 = arith.minimumf %min3A_890, %min3A_898 : vector<128xf32>
    %max3A_931 = arith.maximumf %min3A_892, %min3A_900 : vector<128xf32>
    %min3A_932 = arith.minimumf %min3A_892, %min3A_900 : vector<128xf32>
    %max3A_933 = arith.maximumf %min3A_894, %min3A_902 : vector<128xf32>
    %min3A_934 = arith.minimumf %min3A_894, %min3A_902 : vector<128xf32>
    %max3A_935 = arith.maximumf %min3A_896, %min3A_904 : vector<128xf32>
    %min3A_936 = arith.minimumf %min3A_896, %min3A_904 : vector<128xf32>
    %max3A_937 = arith.maximumf %max3A_929, %max3A_933 : vector<128xf32>
    %min3A_938 = arith.minimumf %max3A_929, %max3A_933 : vector<128xf32>
    %max3A_939 = arith.maximumf %max3A_931, %max3A_935 : vector<128xf32>
    %min3A_940 = arith.minimumf %max3A_931, %max3A_935 : vector<128xf32>
    %max3A_941 = arith.maximumf %max3A_937, %max3A_939 : vector<128xf32>
    %min3A_942 = arith.minimumf %max3A_937, %max3A_939 : vector<128xf32>
    %max3A_943 = arith.maximumf %min3A_938, %min3A_940 : vector<128xf32>
    %min3A_944 = arith.minimumf %min3A_938, %min3A_940 : vector<128xf32>
    %max3A_945 = arith.maximumf %min3A_930, %min3A_934 : vector<128xf32>
    %min3A_946 = arith.minimumf %min3A_930, %min3A_934 : vector<128xf32>
    %max3A_947 = arith.maximumf %min3A_932, %min3A_936 : vector<128xf32>
    %min3A_948 = arith.minimumf %min3A_932, %min3A_936 : vector<128xf32>
    %max3A_949 = arith.maximumf %max3A_945, %max3A_947 : vector<128xf32>
    %min3A_950 = arith.minimumf %max3A_945, %max3A_947 : vector<128xf32>
    %max3A_951 = arith.maximumf %min3A_946, %min3A_948 : vector<128xf32>
    %min3A_952 = arith.minimumf %min3A_946, %min3A_948 : vector<128xf32>
    %stack3A_953 = vector.shape_cast %max3A_917 : vector<128xf32> to vector<1x128xf32>
    %stack3A_954 = vector.shape_cast %min3A_918 : vector<128xf32> to vector<1x128xf32>
    %stack3A_955 = vector.shape_cast %max3A_919 : vector<128xf32> to vector<1x128xf32>
    %stack3A_956 = vector.shape_cast %min3A_920 : vector<128xf32> to vector<1x128xf32>
    %stack3A_957 = vector.shape_cast %max3A_925 : vector<128xf32> to vector<1x128xf32>
    %stack3A_958 = vector.shape_cast %min3A_926 : vector<128xf32> to vector<1x128xf32>
    %stack3A_959 = vector.shape_cast %max3A_927 : vector<128xf32> to vector<1x128xf32>
    %stack3A_960 = vector.shape_cast %min3A_928 : vector<128xf32> to vector<1x128xf32>
    %stack3A_961 = vector.shape_cast %max3A_941 : vector<128xf32> to vector<1x128xf32>
    %stack3A_962 = vector.shape_cast %min3A_942 : vector<128xf32> to vector<1x128xf32>
    %stack3A_963 = vector.shape_cast %max3A_943 : vector<128xf32> to vector<1x128xf32>
    %stack3A_964 = vector.shape_cast %min3A_944 : vector<128xf32> to vector<1x128xf32>
    %stack3A_965 = vector.shape_cast %max3A_949 : vector<128xf32> to vector<1x128xf32>
    %stack3A_966 = vector.shape_cast %min3A_950 : vector<128xf32> to vector<1x128xf32>
    %stack3A_967 = vector.shape_cast %max3A_951 : vector<128xf32> to vector<1x128xf32>
    %stack3A_968 = vector.shape_cast %min3A_952 : vector<128xf32> to vector<1x128xf32>
    %stack3A_969 = tpu.concatenate %stack3A_953, %stack3A_954, %stack3A_955, %stack3A_956, %stack3A_957, %stack3A_958, %stack3A_959, %stack3A_960, %stack3A_961, %stack3A_962, %stack3A_963, %stack3A_964, %stack3A_965, %stack3A_966, %stack3A_967, %stack3A_968 in 0 : vector<1x128xf32>, vector<1x128xf32>, vector<1x128xf32>, vector<1x128xf32>, vector<1x128xf32>, vector<1x128xf32>, vector<1x128xf32>, vector<1x128xf32>, vector<1x128xf32>, vector<1x128xf32>, vector<1x128xf32>, vector<1x128xf32>, vector<1x128xf32>, vector<1x128xf32>, vector<1x128xf32>, vector<1x128xf32> -> vector<16x128xf32>
    %swap3A_970 = arith.constant 0 : index
    %swap3A_971 = arith.constant 0 : index
    %swap3A_972 = arith.constant 256 : index
    %swap3A_973 = vector.load %arg2[%swap3A_970, %swap3A_971, %swap3A_972] : memref<1x16x512xf32, #tpu.memory_space<vmem>>, vector<1x16x128xf32>
    %swap3A_974 = vector.shape_cast %swap3A_973 : vector<1x16x128xf32> to vector<16x128xf32>
    %swap3A_975 = vector.shape_cast %stack3A_969 : vector<16x128xf32> to vector<1x16x128xf32>
    tpu.vector_store %arg2[%swap3A_970, %swap3A_971, %swap3A_972], %swap3A_975 {strides = array<i32>} : memref<1x16x512xf32, #tpu.memory_space<vmem>>, vector<1x16x128xf32>,
    %get3A_976 = arith.constant 0 : index
    %get3A_977 = arith.constant 3 : index
    %get3A_978 = arith.constant 0 : index
    %get3A_979 = arith.constant 0 : index
    %get3A_980 = arith.constant 0 : index
    %get3A_981 = vector.load %arg1[%get3A_976, %get3A_977, %get3A_978, %get3A_979, %get3A_980] : memref<1x4x2x16x128xf32, #tpu.memory_space<vmem>>, vector<1x1x1x1x128xf32>
    %get3A_982 = vector.shape_cast %get3A_981 : vector<1x1x1x1x128xf32> to vector<128xf32>
    %get3A_983 = arith.constant 0 : index
    %get3A_984 = arith.constant 3 : index
    %get3A_985 = arith.constant 0 : index
    %get3A_986 = arith.constant 1 : index
    %get3A_987 = arith.constant 0 : index
    %get3A_988 = vector.load %arg1[%get3A_983, %get3A_984, %get3A_985, %get3A_986, %get3A_987] : memref<1x4x2x16x128xf32, #tpu.memory_space<vmem>>, vector<1x1x1x1x128xf32>
    %get3A_989 = vector.shape_cast %get3A_988 : vector<1x1x1x1x128xf32> to vector<128xf32>
    %get3A_990 = arith.constant 0 : index
    %get3A_991 = arith.constant 3 : index
    %get3A_992 = arith.constant 0 : index
    %get3A_993 = arith.constant 2 : index
    %get3A_994 = arith.constant 0 : index
    %get3A_995 = vector.load %arg1[%get3A_990, %get3A_991, %get3A_992, %get3A_993, %get3A_994] : memref<1x4x2x16x128xf32, #tpu.memory_space<vmem>>, vector<1x1x1x1x128xf32>
    %get3A_996 = vector.shape_cast %get3A_995 : vector<1x1x1x1x128xf32> to vector<128xf32>
    %get3A_997 = arith.constant 0 : index
    %get3A_998 = arith.constant 3 : index
    %get3A_999 = arith.constant 0 : index
    %get3A_1000 = arith.constant 3 : index
    %get3A_1001 = arith.constant 0 : index
    %get3A_1002 = vector.load %arg1[%get3A_997, %get3A_998, %get3A_999, %get3A_1000, %get3A_1001] : memref<1x4x2x16x128xf32, #tpu.memory_space<vmem>>, vector<1x1x1x1x128xf32>
    %get3A_1003 = vector.shape_cast %get3A_1002 : vector<1x1x1x1x128xf32> to vector<128xf32>
    %get3A_1004 = arith.constant 0 : index
    %get3A_1005 = arith.constant 3 : index
    %get3A_1006 = arith.constant 0 : index
    %get3A_1007 = arith.constant 4 : index
    %get3A_1008 = arith.constant 0 : index
    %get3A_1009 = vector.load %arg1[%get3A_1004, %get3A_1005, %get3A_1006, %get3A_1007, %get3A_1008] : memref<1x4x2x16x128xf32, #tpu.memory_space<vmem>>, vector<1x1x1x1x128xf32>
    %get3A_1010 = vector.shape_cast %get3A_1009 : vector<1x1x1x1x128xf32> to vector<128xf32>
    %get3A_1011 = arith.constant 0 : index
    %get3A_1012 = arith.constant 3 : index
    %get3A_1013 = arith.constant 0 : index
    %get3A_1014 = arith.constant 5 : index
    %get3A_1015 = arith.constant 0 : index
    %get3A_1016 = vector.load %arg1[%get3A_1011, %get3A_1012, %get3A_1013, %get3A_1014, %get3A_1015] : memref<1x4x2x16x128xf32, #tpu.memory_space<vmem>>, vector<1x1x1x1x128xf32>
    %get3A_1017 = vector.shape_cast %get3A_1016 : vector<1x1x1x1x128xf32> to vector<128xf32>
    %get3A_1018 = arith.constant 0 : index
    %get3A_1019 = arith.constant 3 : index
    %get3A_1020 = arith.constant 0 : index
    %get3A_1021 = arith.constant 6 : index
    %get3A_1022 = arith.constant 0 : index
    %get3A_1023 = vector.load %arg1[%get3A_1018, %get3A_1019, %get3A_1020, %get3A_1021, %get3A_1022] : memref<1x4x2x16x128xf32, #tpu.memory_space<vmem>>, vector<1x1x1x1x128xf32>
    %get3A_1024 = vector.shape_cast %get3A_1023 : vector<1x1x1x1x128xf32> to vector<128xf32>
    %get3A_1025 = arith.constant 0 : index
    %get3A_1026 = arith.constant 3 : index
    %get3A_1027 = arith.constant 0 : index
    %get3A_1028 = arith.constant 7 : index
    %get3A_1029 = arith.constant 0 : index
    %get3A_1030 = vector.load %arg1[%get3A_1025, %get3A_1026, %get3A_1027, %get3A_1028, %get3A_1029] : memref<1x4x2x16x128xf32, #tpu.memory_space<vmem>>, vector<1x1x1x1x128xf32>
    %get3A_1031 = vector.shape_cast %get3A_1030 : vector<1x1x1x1x128xf32> to vector<128xf32>
    %get3A_1032 = arith.constant 0 : index
    %get3A_1033 = arith.constant 3 : index
    %get3A_1034 = arith.constant 0 : index
    %get3A_1035 = arith.constant 8 : index
    %get3A_1036 = arith.constant 0 : index
    %get3A_1037 = vector.load %arg1[%get3A_1032, %get3A_1033, %get3A_1034, %get3A_1035, %get3A_1036] : memref<1x4x2x16x128xf32, #tpu.memory_space<vmem>>, vector<1x1x1x1x128xf32>
    %get3A_1038 = vector.shape_cast %get3A_1037 : vector<1x1x1x1x128xf32> to vector<128xf32>
    %get3A_1039 = arith.constant 0 : index
    %get3A_1040 = arith.constant 3 : index
    %get3A_1041 = arith.constant 0 : index
    %get3A_1042 = arith.constant 9 : index
    %get3A_1043 = arith.constant 0 : index
    %get3A_1044 = vector.load %arg1[%get3A_1039, %get3A_1040, %get3A_1041, %get3A_1042, %get3A_1043] : memref<1x4x2x16x128xf32, #tpu.memory_space<vmem>>, vector<1x1x1x1x128xf32>
    %get3A_1045 = vector.shape_cast %get3A_1044 : vector<1x1x1x1x128xf32> to vector<128xf32>
    %get3A_1046 = arith.constant 0 : index
    %get3A_1047 = arith.constant 3 : index
    %get3A_1048 = arith.constant 0 : index
    %get3A_1049 = arith.constant 10 : index
    %get3A_1050 = arith.constant 0 : index
    %get3A_1051 = vector.load %arg1[%get3A_1046, %get3A_1047, %get3A_1048, %get3A_1049, %get3A_1050] : memref<1x4x2x16x128xf32, #tpu.memory_space<vmem>>, vector<1x1x1x1x128xf32>
    %get3A_1052 = vector.shape_cast %get3A_1051 : vector<1x1x1x1x128xf32> to vector<128xf32>
    %get3A_1053 = arith.constant 0 : index
    %get3A_1054 = arith.constant 3 : index
    %get3A_1055 = arith.constant 0 : index
    %get3A_1056 = arith.constant 11 : index
    %get3A_1057 = arith.constant 0 : index
    %get3A_1058 = vector.load %arg1[%get3A_1053, %get3A_1054, %get3A_1055, %get3A_1056, %get3A_1057] : memref<1x4x2x16x128xf32, #tpu.memory_space<vmem>>, vector<1x1x1x1x128xf32>
    %get3A_1059 = vector.shape_cast %get3A_1058 : vector<1x1x1x1x128xf32> to vector<128xf32>
    %get3A_1060 = arith.constant 0 : index
    %get3A_1061 = arith.constant 3 : index
    %get3A_1062 = arith.constant 0 : index
    %get3A_1063 = arith.constant 12 : index
    %get3A_1064 = arith.constant 0 : index
    %get3A_1065 = vector.load %arg1[%get3A_1060, %get3A_1061, %get3A_1062, %get3A_1063, %get3A_1064] : memref<1x4x2x16x128xf32, #tpu.memory_space<vmem>>, vector<1x1x1x1x128xf32>
    %get3A_1066 = vector.shape_cast %get3A_1065 : vector<1x1x1x1x128xf32> to vector<128xf32>
    %get3A_1067 = arith.constant 0 : index
    %get3A_1068 = arith.constant 3 : index
    %get3A_1069 = arith.constant 0 : index
    %get3A_1070 = arith.constant 13 : index
    %get3A_1071 = arith.constant 0 : index
    %get3A_1072 = vector.load %arg1[%get3A_1067, %get3A_1068, %get3A_1069, %get3A_1070, %get3A_1071] : memref<1x4x2x16x128xf32, #tpu.memory_space<vmem>>, vector<1x1x1x1x128xf32>
    %get3A_1073 = vector.shape_cast %get3A_1072 : vector<1x1x1x1x128xf32> to vector<128xf32>
    %get3A_1074 = arith.constant 0 : index
    %get3A_1075 = arith.constant 3 : index
    %get3A_1076 = arith.constant 0 : index
    %get3A_1077 = arith.constant 14 : index
    %get3A_1078 = arith.constant 0 : index
    %get3A_1079 = vector.load %arg1[%get3A_1074, %get3A_1075, %get3A_1076, %get3A_1077, %get3A_1078] : memref<1x4x2x16x128xf32, #tpu.memory_space<vmem>>, vector<1x1x1x1x128xf32>
    %get3A_1080 = vector.shape_cast %get3A_1079 : vector<1x1x1x1x128xf32> to vector<128xf32>
    %get3A_1081 = arith.constant 0 : index
    %get3A_1082 = arith.constant 3 : index
    %get3A_1083 = arith.constant 0 : index
    %get3A_1084 = arith.constant 15 : index
    %get3A_1085 = arith.constant 0 : index
    %get3A_1086 = vector.load %arg1[%get3A_1081, %get3A_1082, %get3A_1083, %get3A_1084, %get3A_1085] : memref<1x4x2x16x128xf32, #tpu.memory_space<vmem>>, vector<1x1x1x1x128xf32>
    %get3A_1087 = vector.shape_cast %get3A_1086 : vector<1x1x1x1x128xf32> to vector<128xf32>
    %get3A_1088 = arith.constant 0 : index
    %get3A_1089 = arith.constant 3 : index
    %get3A_1090 = arith.constant 1 : index
    %get3A_1091 = arith.constant 0 : index
    %get3A_1092 = arith.constant 0 : index
    %get3A_1093 = vector.load %arg1[%get3A_1088, %get3A_1089, %get3A_1090, %get3A_1091, %get3A_1092] : memref<1x4x2x16x128xf32, #tpu.memory_space<vmem>>, vector<1x1x1x1x128xf32>
    %get3A_1094 = vector.shape_cast %get3A_1093 : vector<1x1x1x1x128xf32> to vector<128xf32>
    %get3A_1095 = arith.constant 0 : index
    %get3A_1096 = arith.constant 3 : index
    %get3A_1097 = arith.constant 1 : index
    %get3A_1098 = arith.constant 1 : index
    %get3A_1099 = arith.constant 0 : index
    %get3A_1100 = vector.load %arg1[%get3A_1095, %get3A_1096, %get3A_1097, %get3A_1098, %get3A_1099] : memref<1x4x2x16x128xf32, #tpu.memory_space<vmem>>, vector<1x1x1x1x128xf32>
    %get3A_1101 = vector.shape_cast %get3A_1100 : vector<1x1x1x1x128xf32> to vector<128xf32>
    %get3A_1102 = arith.constant 0 : index
    %get3A_1103 = arith.constant 3 : index
    %get3A_1104 = arith.constant 1 : index
    %get3A_1105 = arith.constant 2 : index
    %get3A_1106 = arith.constant 0 : index
    %get3A_1107 = vector.load %arg1[%get3A_1102, %get3A_1103, %get3A_1104, %get3A_1105, %get3A_1106] : memref<1x4x2x16x128xf32, #tpu.memory_space<vmem>>, vector<1x1x1x1x128xf32>
    %get3A_1108 = vector.shape_cast %get3A_1107 : vector<1x1x1x1x128xf32> to vector<128xf32>
    %get3A_1109 = arith.constant 0 : index
    %get3A_1110 = arith.constant 3 : index
    %get3A_1111 = arith.constant 1 : index
    %get3A_1112 = arith.constant 3 : index
    %get3A_1113 = arith.constant 0 : index
    %get3A_1114 = vector.load %arg1[%get3A_1109, %get3A_1110, %get3A_1111, %get3A_1112, %get3A_1113] : memref<1x4x2x16x128xf32, #tpu.memory_space<vmem>>, vector<1x1x1x1x128xf32>
    %get3A_1115 = vector.shape_cast %get3A_1114 : vector<1x1x1x1x128xf32> to vector<128xf32>
    %get3A_1116 = arith.constant 0 : index
    %get3A_1117 = arith.constant 3 : index
    %get3A_1118 = arith.constant 1 : index
    %get3A_1119 = arith.constant 4 : index
    %get3A_1120 = arith.constant 0 : index
    %get3A_1121 = vector.load %arg1[%get3A_1116, %get3A_1117, %get3A_1118, %get3A_1119, %get3A_1120] : memref<1x4x2x16x128xf32, #tpu.memory_space<vmem>>, vector<1x1x1x1x128xf32>
    %get3A_1122 = vector.shape_cast %get3A_1121 : vector<1x1x1x1x128xf32> to vector<128xf32>
    %get3A_1123 = arith.constant 0 : index
    %get3A_1124 = arith.constant 3 : index
    %get3A_1125 = arith.constant 1 : index
    %get3A_1126 = arith.constant 5 : index
    %get3A_1127 = arith.constant 0 : index
    %get3A_1128 = vector.load %arg1[%get3A_1123, %get3A_1124, %get3A_1125, %get3A_1126, %get3A_1127] : memref<1x4x2x16x128xf32, #tpu.memory_space<vmem>>, vector<1x1x1x1x128xf32>
    %get3A_1129 = vector.shape_cast %get3A_1128 : vector<1x1x1x1x128xf32> to vector<128xf32>
    %get3A_1130 = arith.constant 0 : index
    %get3A_1131 = arith.constant 3 : index
    %get3A_1132 = arith.constant 1 : index
    %get3A_1133 = arith.constant 6 : index
    %get3A_1134 = arith.constant 0 : index
    %get3A_1135 = vector.load %arg1[%get3A_1130, %get3A_1131, %get3A_1132, %get3A_1133, %get3A_1134] : memref<1x4x2x16x128xf32, #tpu.memory_space<vmem>>, vector<1x1x1x1x128xf32>
    %get3A_1136 = vector.shape_cast %get3A_1135 : vector<1x1x1x1x128xf32> to vector<128xf32>
    %get3A_1137 = arith.constant 0 : index
    %get3A_1138 = arith.constant 3 : index
    %get3A_1139 = arith.constant 1 : index
    %get3A_1140 = arith.constant 7 : index
    %get3A_1141 = arith.constant 0 : index
    %get3A_1142 = vector.load %arg1[%get3A_1137, %get3A_1138, %get3A_1139, %get3A_1140, %get3A_1141] : memref<1x4x2x16x128xf32, #tpu.memory_space<vmem>>, vector<1x1x1x1x128xf32>
    %get3A_1143 = vector.shape_cast %get3A_1142 : vector<1x1x1x1x128xf32> to vector<128xf32>
    %get3A_1144 = arith.constant 0 : index
    %get3A_1145 = arith.constant 3 : index
    %get3A_1146 = arith.constant 1 : index
    %get3A_1147 = arith.constant 8 : index
    %get3A_1148 = arith.constant 0 : index
    %get3A_1149 = vector.load %arg1[%get3A_1144, %get3A_1145, %get3A_1146, %get3A_1147, %get3A_1148] : memref<1x4x2x16x128xf32, #tpu.memory_space<vmem>>, vector<1x1x1x1x128xf32>
    %get3A_1150 = vector.shape_cast %get3A_1149 : vector<1x1x1x1x128xf32> to vector<128xf32>
    %get3A_1151 = arith.constant 0 : index
    %get3A_1152 = arith.constant 3 : index
    %get3A_1153 = arith.constant 1 : index
    %get3A_1154 = arith.constant 9 : index
    %get3A_1155 = arith.constant 0 : index
    %get3A_1156 = vector.load %arg1[%get3A_1151, %get3A_1152, %get3A_1153, %get3A_1154, %get3A_1155] : memref<1x4x2x16x128xf32, #tpu.memory_space<vmem>>, vector<1x1x1x1x128xf32>
    %get3A_1157 = vector.shape_cast %get3A_1156 : vector<1x1x1x1x128xf32> to vector<128xf32>
    %get3A_1158 = arith.constant 0 : index
    %get3A_1159 = arith.constant 3 : index
    %get3A_1160 = arith.constant 1 : index
    %get3A_1161 = arith.constant 10 : index
    %get3A_1162 = arith.constant 0 : index
    %get3A_1163 = vector.load %arg1[%get3A_1158, %get3A_1159, %get3A_1160, %get3A_1161, %get3A_1162] : memref<1x4x2x16x128xf32, #tpu.memory_space<vmem>>, vector<1x1x1x1x128xf32>
    %get3A_1164 = vector.shape_cast %get3A_1163 : vector<1x1x1x1x128xf32> to vector<128xf32>
    %get3A_1165 = arith.constant 0 : index
    %get3A_1166 = arith.constant 3 : index
    %get3A_1167 = arith.constant 1 : index
    %get3A_1168 = arith.constant 11 : index
    %get3A_1169 = arith.constant 0 : index
    %get3A_1170 = vector.load %arg1[%get3A_1165, %get3A_1166, %get3A_1167, %get3A_1168, %get3A_1169] : memref<1x4x2x16x128xf32, #tpu.memory_space<vmem>>, vector<1x1x1x1x128xf32>
    %get3A_1171 = vector.shape_cast %get3A_1170 : vector<1x1x1x1x128xf32> to vector<128xf32>
    %get3A_1172 = arith.constant 0 : index
    %get3A_1173 = arith.constant 3 : index
    %get3A_1174 = arith.constant 1 : index
    %get3A_1175 = arith.constant 12 : index
    %get3A_1176 = arith.constant 0 : index
    %get3A_1177 = vector.load %arg1[%get3A_1172, %get3A_1173, %get3A_1174, %get3A_1175, %get3A_1176] : memref<1x4x2x16x128xf32, #tpu.memory_space<vmem>>, vector<1x1x1x1x128xf32>
    %get3A_1178 = vector.shape_cast %get3A_1177 : vector<1x1x1x1x128xf32> to vector<128xf32>
    %get3A_1179 = arith.constant 0 : index
    %get3A_1180 = arith.constant 3 : index
    %get3A_1181 = arith.constant 1 : index
    %get3A_1182 = arith.constant 13 : index
    %get3A_1183 = arith.constant 0 : index
    %get3A_1184 = vector.load %arg1[%get3A_1179, %get3A_1180, %get3A_1181, %get3A_1182, %get3A_1183] : memref<1x4x2x16x128xf32, #tpu.memory_space<vmem>>, vector<1x1x1x1x128xf32>
    %get3A_1185 = vector.shape_cast %get3A_1184 : vector<1x1x1x1x128xf32> to vector<128xf32>
    %get3A_1186 = arith.constant 0 : index
    %get3A_1187 = arith.constant 3 : index
    %get3A_1188 = arith.constant 1 : index
    %get3A_1189 = arith.constant 14 : index
    %get3A_1190 = arith.constant 0 : index
    %get3A_1191 = vector.load %arg1[%get3A_1186, %get3A_1187, %get3A_1188, %get3A_1189, %get3A_1190] : memref<1x4x2x16x128xf32, #tpu.memory_space<vmem>>, vector<1x1x1x1x128xf32>
    %get3A_1192 = vector.shape_cast %get3A_1191 : vector<1x1x1x1x128xf32> to vector<128xf32>
    %get3A_1193 = arith.constant 0 : index
    %get3A_1194 = arith.constant 3 : index
    %get3A_1195 = arith.constant 1 : index
    %get3A_1196 = arith.constant 15 : index
    %get3A_1197 = arith.constant 0 : index
    %get3A_1198 = vector.load %arg1[%get3A_1193, %get3A_1194, %get3A_1195, %get3A_1196, %get3A_1197] : memref<1x4x2x16x128xf32, #tpu.memory_space<vmem>>, vector<1x1x1x1x128xf32>
    %get3A_1199 = vector.shape_cast %get3A_1198 : vector<1x1x1x1x128xf32> to vector<128xf32>
    %max3A_1200 = arith.maximumf %get3A_982, %get3A_1199 : vector<128xf32>
    %max3A_1201 = arith.maximumf %get3A_989, %get3A_1192 : vector<128xf32>
    %max3A_1202 = arith.maximumf %get3A_996, %get3A_1185 : vector<128xf32>
    %max3A_1203 = arith.maximumf %get3A_1003, %get3A_1178 : vector<128xf32>
    %max3A_1204 = arith.maximumf %get3A_1010, %get3A_1171 : vector<128xf32>
    %max3A_1205 = arith.maximumf %get3A_1017, %get3A_1164 : vector<128xf32>
    %max3A_1206 = arith.maximumf %get3A_1024, %get3A_1157 : vector<128xf32>
    %max3A_1207 = arith.maximumf %get3A_1031, %get3A_1150 : vector<128xf32>
    %max3A_1208 = arith.maximumf %get3A_1038, %get3A_1143 : vector<128xf32>
    %max3A_1209 = arith.maximumf %get3A_1045, %get3A_1136 : vector<128xf32>
    %max3A_1210 = arith.maximumf %get3A_1052, %get3A_1129 : vector<128xf32>
    %max3A_1211 = arith.maximumf %get3A_1059, %get3A_1122 : vector<128xf32>
    %max3A_1212 = arith.maximumf %get3A_1066, %get3A_1115 : vector<128xf32>
    %max3A_1213 = arith.maximumf %get3A_1073, %get3A_1108 : vector<128xf32>
    %max3A_1214 = arith.maximumf %get3A_1080, %get3A_1101 : vector<128xf32>
    %max3A_1215 = arith.maximumf %get3A_1087, %get3A_1094 : vector<128xf32>
    %max3A_1216 = arith.maximumf %max3A_1200, %max3A_1208 : vector<128xf32>
    %min3A_1217 = arith.minimumf %max3A_1200, %max3A_1208 : vector<128xf32>
    %max3A_1218 = arith.maximumf %max3A_1201, %max3A_1209 : vector<128xf32>
    %min3A_1219 = arith.minimumf %max3A_1201, %max3A_1209 : vector<128xf32>
    %max3A_1220 = arith.maximumf %max3A_1202, %max3A_1210 : vector<128xf32>
    %min3A_1221 = arith.minimumf %max3A_1202, %max3A_1210 : vector<128xf32>
    %max3A_1222 = arith.maximumf %max3A_1203, %max3A_1211 : vector<128xf32>
    %min3A_1223 = arith.minimumf %max3A_1203, %max3A_1211 : vector<128xf32>
    %max3A_1224 = arith.maximumf %max3A_1204, %max3A_1212 : vector<128xf32>
    %min3A_1225 = arith.minimumf %max3A_1204, %max3A_1212 : vector<128xf32>
    %max3A_1226 = arith.maximumf %max3A_1205, %max3A_1213 : vector<128xf32>
    %min3A_1227 = arith.minimumf %max3A_1205, %max3A_1213 : vector<128xf32>
    %max3A_1228 = arith.maximumf %max3A_1206, %max3A_1214 : vector<128xf32>
    %min3A_1229 = arith.minimumf %max3A_1206, %max3A_1214 : vector<128xf32>
    %max3A_1230 = arith.maximumf %max3A_1207, %max3A_1215 : vector<128xf32>
    %min3A_1231 = arith.minimumf %max3A_1207, %max3A_1215 : vector<128xf32>
    %max3A_1232 = arith.maximumf %max3A_1216, %max3A_1224 : vector<128xf32>
    %min3A_1233 = arith.minimumf %max3A_1216, %max3A_1224 : vector<128xf32>
    %max3A_1234 = arith.maximumf %max3A_1218, %max3A_1226 : vector<128xf32>
    %min3A_1235 = arith.minimumf %max3A_1218, %max3A_1226 : vector<128xf32>
    %max3A_1236 = arith.maximumf %max3A_1220, %max3A_1228 : vector<128xf32>
    %min3A_1237 = arith.minimumf %max3A_1220, %max3A_1228 : vector<128xf32>
    %max3A_1238 = arith.maximumf %max3A_1222, %max3A_1230 : vector<128xf32>
    %min3A_1239 = arith.minimumf %max3A_1222, %max3A_1230 : vector<128xf32>
    %max3A_1240 = arith.maximumf %max3A_1232, %max3A_1236 : vector<128xf32>
    %min3A_1241 = arith.minimumf %max3A_1232, %max3A_1236 : vector<128xf32>
    %max3A_1242 = arith.maximumf %max3A_1234, %max3A_1238 : vector<128xf32>
    %min3A_1243 = arith.minimumf %max3A_1234, %max3A_1238 : vector<128xf32>
    %max3A_1244 = arith.maximumf %max3A_1240, %max3A_1242 : vector<128xf32>
    %min3A_1245 = arith.minimumf %max3A_1240, %max3A_1242 : vector<128xf32>
    %max3A_1246 = arith.maximumf %min3A_1241, %min3A_1243 : vector<128xf32>
    %min3A_1247 = arith.minimumf %min3A_1241, %min3A_1243 : vector<128xf32>
    %max3A_1248 = arith.maximumf %min3A_1233, %min3A_1237 : vector<128xf32>
    %min3A_1249 = arith.minimumf %min3A_1233, %min3A_1237 : vector<128xf32>
    %max3A_1250 = arith.maximumf %min3A_1235, %min3A_1239 : vector<128xf32>
    %min3A_1251 = arith.minimumf %min3A_1235, %min3A_1239 : vector<128xf32>
    %max3A_1252 = arith.maximumf %max3A_1248, %max3A_1250 : vector<128xf32>
    %min3A_1253 = arith.minimumf %max3A_1248, %max3A_1250 : vector<128xf32>
    %max3A_1254 = arith.maximumf %min3A_1249, %min3A_1251 : vector<128xf32>
    %min3A_1255 = arith.minimumf %min3A_1249, %min3A_1251 : vector<128xf32>
    %max3A_1256 = arith.maximumf %min3A_1217, %min3A_1225 : vector<128xf32>
    %min3A_1257 = arith.minimumf %min3A_1217, %min3A_1225 : vector<128xf32>
    %max3A_1258 = arith.maximumf %min3A_1219, %min3A_1227 : vector<128xf32>
    %min3A_1259 = arith.minimumf %min3A_1219, %min3A_1227 : vector<128xf32>
    %max3A_1260 = arith.maximumf %min3A_1221, %min3A_1229 : vector<128xf32>
    %min3A_1261 = arith.minimumf %min3A_1221, %min3A_1229 : vector<128xf32>
    %max3A_1262 = arith.maximumf %min3A_1223, %min3A_1231 : vector<128xf32>
    %min3A_1263 = arith.minimumf %min3A_1223, %min3A_1231 : vector<128xf32>
    %max3A_1264 = arith.maximumf %max3A_1256, %max3A_1260 : vector<128xf32>
    %min3A_1265 = arith.minimumf %max3A_1256, %max3A_1260 : vector<128xf32>
    %max3A_1266 = arith.maximumf %max3A_1258, %max3A_1262 : vector<128xf32>
    %min3A_1267 = arith.minimumf %max3A_1258, %max3A_1262 : vector<128xf32>
    %max3A_1268 = arith.maximumf %max3A_1264, %max3A_1266 : vector<128xf32>
    %min3A_1269 = arith.minimumf %max3A_1264, %max3A_1266 : vector<128xf32>
    %max3A_1270 = arith.maximumf %min3A_1265, %min3A_1267 : vector<128xf32>
    %min3A_1271 = arith.minimumf %min3A_1265, %min3A_1267 : vector<128xf32>
    %max3A_1272 = arith.maximumf %min3A_1257, %min3A_1261 : vector<128xf32>
    %min3A_1273 = arith.minimumf %min3A_1257, %min3A_1261 : vector<128xf32>
    %max3A_1274 = arith.maximumf %min3A_1259, %min3A_1263 : vector<128xf32>
    %min3A_1275 = arith.minimumf %min3A_1259, %min3A_1263 : vector<128xf32>
    %max3A_1276 = arith.maximumf %max3A_1272, %max3A_1274 : vector<128xf32>
    %min3A_1277 = arith.minimumf %max3A_1272, %max3A_1274 : vector<128xf32>
    %max3A_1278 = arith.maximumf %min3A_1273, %min3A_1275 : vector<128xf32>
    %min3A_1279 = arith.minimumf %min3A_1273, %min3A_1275 : vector<128xf32>
    %stack3A_1280 = vector.shape_cast %max3A_1244 : vector<128xf32> to vector<1x128xf32>
    %stack3A_1281 = vector.shape_cast %min3A_1245 : vector<128xf32> to vector<1x128xf32>
    %stack3A_1282 = vector.shape_cast %max3A_1246 : vector<128xf32> to vector<1x128xf32>
    %stack3A_1283 = vector.shape_cast %min3A_1247 : vector<128xf32> to vector<1x128xf32>
    %stack3A_1284 = vector.shape_cast %max3A_1252 : vector<128xf32> to vector<1x128xf32>
    %stack3A_1285 = vector.shape_cast %min3A_1253 : vector<128xf32> to vector<1x128xf32>
    %stack3A_1286 = vector.shape_cast %max3A_1254 : vector<128xf32> to vector<1x128xf32>
    %stack3A_1287 = vector.shape_cast %min3A_1255 : vector<128xf32> to vector<1x128xf32>
    %stack3A_1288 = vector.shape_cast %max3A_1268 : vector<128xf32> to vector<1x128xf32>
    %stack3A_1289 = vector.shape_cast %min3A_1269 : vector<128xf32> to vector<1x128xf32>
    %stack3A_1290 = vector.shape_cast %max3A_1270 : vector<128xf32> to vector<1x128xf32>
    %stack3A_1291 = vector.shape_cast %min3A_1271 : vector<128xf32> to vector<1x128xf32>
    %stack3A_1292 = vector.shape_cast %max3A_1276 : vector<128xf32> to vector<1x128xf32>
    %stack3A_1293 = vector.shape_cast %min3A_1277 : vector<128xf32> to vector<1x128xf32>
    %stack3A_1294 = vector.shape_cast %max3A_1278 : vector<128xf32> to vector<1x128xf32>
    %stack3A_1295 = vector.shape_cast %min3A_1279 : vector<128xf32> to vector<1x128xf32>
    %stack3A_1296 = tpu.concatenate %stack3A_1280, %stack3A_1281, %stack3A_1282, %stack3A_1283, %stack3A_1284, %stack3A_1285, %stack3A_1286, %stack3A_1287, %stack3A_1288, %stack3A_1289, %stack3A_1290, %stack3A_1291, %stack3A_1292, %stack3A_1293, %stack3A_1294, %stack3A_1295 in 0 : vector<1x128xf32>, vector<1x128xf32>, vector<1x128xf32>, vector<1x128xf32>, vector<1x128xf32>, vector<1x128xf32>, vector<1x128xf32>, vector<1x128xf32>, vector<1x128xf32>, vector<1x128xf32>, vector<1x128xf32>, vector<1x128xf32>, vector<1x128xf32>, vector<1x128xf32>, vector<1x128xf32>, vector<1x128xf32> -> vector<16x128xf32>
    %swap3A_1297 = arith.constant 0 : index
    %swap3A_1298 = arith.constant 0 : index
    %swap3A_1299 = arith.constant 384 : index
    %swap3A_1300 = vector.load %arg2[%swap3A_1297, %swap3A_1298, %swap3A_1299] : memref<1x16x512xf32, #tpu.memory_space<vmem>>, vector<1x16x128xf32>
    %swap3A_1301 = vector.shape_cast %swap3A_1300 : vector<1x16x128xf32> to vector<16x128xf32>
    %swap3A_1302 = vector.shape_cast %stack3A_1296 : vector<16x128xf32> to vector<1x16x128xf32>
    tpu.vector_store %arg2[%swap3A_1297, %swap3A_1298, %swap3A_1299], %swap3A_1302 {strides = array<i32>} : memref<1x16x512xf32, #tpu.memory_space<vmem>>, vector<1x16x128xf32>,
    return
  }
  func.func @transform_0(%arg0: i32) -> (i32, i32, i32, i32, i32) {
    %c0_i32 = arith.constant 0 : i32
    %c0_i32_0 = arith.constant 0 : i32
    %c0_i32_1 = arith.constant 0 : i32
    %c0_i32_2 = arith.constant 0 : i32
    %c0_i32_3 = arith.constant 0 : i32
    return %arg0, %c0_i32, %c0_i32_0, %c0_i32_1, %c0_i32_2 : i32, i32, i32, i32, i32
  }
  func.func @transform_1(%arg0: i32) -> (i32, i32, i32) {
    %c0_i32 = arith.constant 0 : i32
    %c0_i32_0 = arith.constant 0 : i32
    %c0_i32_1 = arith.constant 0 : i32
    return %arg0, %c0_i32, %c0_i32_0 : i32, i32, i32
  }
}

module attributes {stable_mosaic.version = 14 : i64} {
  func.func @_tc_body(%arg0: i32, %arg1: i32, %arg2: memref<1x8192x256xf32, #tpu.memory_space<vmem>>, %arg3: memref<1x16x256xf32, #tpu.memory_space<vmem>>) attributes {dimension_semantics = [#tpu.dimension_semantics<arbitrary>, #tpu.dimension_semantics<arbitrary>], iteration_bounds = array<i64: 4, 6>, scalar_prefetch = 0 : i64, scratch_operands = 0 : i64, tpu.core_type = #tpu.core_type<tc>, window_params = [{transform_indices = @transform_0, window_bounds = array<i64: 1, 8192, 256>}, {transform_indices = @transform_1, window_bounds = array<i64: 1, 16, 256>}]} {
    %broadcast_in_dim3A = arith.constant 0xFF800000 : f32
    %broadcast_in_dim3A_0 = vector.broadcast %broadcast_in_dim3A : f32 to vector<8x256xf32>
    %broadcast_in_dim3A_1 = arith.constant 0xFF800000 : f32
    %broadcast_in_dim3A_2 = vector.broadcast %broadcast_in_dim3A_1 : f32 to vector<8x256xf32>
    %broadcast_in_dim3A_3 = arith.constant 0xFF800000 : f32
    %broadcast_in_dim3A_4 = vector.broadcast %broadcast_in_dim3A_3 : f32 to vector<8x256xf32>
    %broadcast_in_dim3A_5 = arith.constant 0xFF800000 : f32
    %broadcast_in_dim3A_6 = vector.broadcast %broadcast_in_dim3A_5 : f32 to vector<8x256xf32>
    %broadcast_in_dim3A_7 = arith.constant 0xFF800000 : f32
    %broadcast_in_dim3A_8 = vector.broadcast %broadcast_in_dim3A_7 : f32 to vector<8x256xf32>
    %broadcast_in_dim3A_9 = arith.constant 0xFF800000 : f32
    %broadcast_in_dim3A_10 = vector.broadcast %broadcast_in_dim3A_9 : f32 to vector<8x256xf32>
    %broadcast_in_dim3A_11 = arith.constant 0xFF800000 : f32
    %broadcast_in_dim3A_12 = vector.broadcast %broadcast_in_dim3A_11 : f32 to vector<8x256xf32>
    %broadcast_in_dim3A_13 = arith.constant 0xFF800000 : f32
    %broadcast_in_dim3A_14 = vector.broadcast %broadcast_in_dim3A_13 : f32 to vector<8x256xf32>
    %broadcast_in_dim3A_15 = arith.constant 0xFF800000 : f32
    %broadcast_in_dim3A_16 = vector.broadcast %broadcast_in_dim3A_15 : f32 to vector<8x256xf32>
    %broadcast_in_dim3A_17 = arith.constant 0xFF800000 : f32
    %broadcast_in_dim3A_18 = vector.broadcast %broadcast_in_dim3A_17 : f32 to vector<8x256xf32>
    %broadcast_in_dim3A_19 = arith.constant 0xFF800000 : f32
    %broadcast_in_dim3A_20 = vector.broadcast %broadcast_in_dim3A_19 : f32 to vector<8x256xf32>
    %broadcast_in_dim3A_21 = arith.constant 0xFF800000 : f32
    %broadcast_in_dim3A_22 = vector.broadcast %broadcast_in_dim3A_21 : f32 to vector<8x256xf32>
    %broadcast_in_dim3A_23 = arith.constant 0xFF800000 : f32
    %broadcast_in_dim3A_24 = vector.broadcast %broadcast_in_dim3A_23 : f32 to vector<8x256xf32>
    %broadcast_in_dim3A_25 = arith.constant 0xFF800000 : f32
    %broadcast_in_dim3A_26 = vector.broadcast %broadcast_in_dim3A_25 : f32 to vector<8x256xf32>
    %broadcast_in_dim3A_27 = arith.constant 0xFF800000 : f32
    %broadcast_in_dim3A_28 = vector.broadcast %broadcast_in_dim3A_27 : f32 to vector<8x256xf32>
    %broadcast_in_dim3A_29 = arith.constant 0xFF800000 : f32
    %broadcast_in_dim3A_30 = vector.broadcast %broadcast_in_dim3A_29 : f32 to vector<8x256xf32>
    %scan3A = arith.constant 0 : i32
    %scan3A_31 = arith.constant 64 : i32
    %scan3A_32 = arith.addi %scan3A, %scan3A_31 : i32
    %scan3A_33 = arith.constant 4 : i32
    %scan3A_34:16 = scf.for %scan3A_374 = %scan3A to %scan3A_32 step %scan3A_33 iter_args(%scan3A_375 = %broadcast_in_dim3A_0, %scan3A_376 = %broadcast_in_dim3A_2, %scan3A_377 = %broadcast_in_dim3A_4, %scan3A_378 = %broadcast_in_dim3A_6, %scan3A_379 = %broadcast_in_dim3A_8, %scan3A_380 = %broadcast_in_dim3A_10, %scan3A_381 = %broadcast_in_dim3A_12, %scan3A_382 = %broadcast_in_dim3A_14, %scan3A_383 = %broadcast_in_dim3A_16, %scan3A_384 = %broadcast_in_dim3A_18, %scan3A_385 = %broadcast_in_dim3A_20, %scan3A_386 = %broadcast_in_dim3A_22, %scan3A_387 = %broadcast_in_dim3A_24, %scan3A_388 = %broadcast_in_dim3A_26, %scan3A_389 = %broadcast_in_dim3A_28, %scan3A_390 = %broadcast_in_dim3A_30) -> (vector<8x256xf32>, vector<8x256xf32>, vector<8x256xf32>, vector<8x256xf32>, vector<8x256xf32>, vector<8x256xf32>, vector<8x256xf32>, vector<8x256xf32>, vector<8x256xf32>, vector<8x256xf32>, vector<8x256xf32>, vector<8x256xf32>, vector<8x256xf32>, vector<8x256xf32>, vector<8x256xf32>, vector<8x256xf32>)  : i32 {
      %mul3A = arith.constant 128 : i32
      %mul3A_391 = arith.muli %scan3A_374, %mul3A : i32
      %get3A = arith.constant 0 : index
      %get3A_392 = arith.index_cast %mul3A_391 : i32 to index
      %get3A_393 = arith.constant 0 : index
      %get3A_394 = vector.load %arg2[%get3A, %get3A_392, %get3A_393] : memref<1x8192x256xf32, #tpu.memory_space<vmem>>, vector<1x128x256xf32>
      %get3A_395 = vector.shape_cast %get3A_394 : vector<1x128x256xf32> to vector<128x256xf32>
      %reshape3A = vector.shape_cast %get3A_395 : vector<128x256xf32> to vector<16x8x256xf32>
      %slice3A_396 = vector.extract_strided_slice %reshape3A {offsets = [0, 0, 0], sizes = [1, 8, 256], strides = [1, 1, 1]} : vector<16x8x256xf32> to vector<1x8x256xf32>
      %squeeze3A = vector.shape_cast %slice3A_396 : vector<1x8x256xf32> to vector<8x256xf32>
      %slice3A_397 = vector.extract_strided_slice %reshape3A {offsets = [1, 0, 0], sizes = [1, 8, 256], strides = [1, 1, 1]} : vector<16x8x256xf32> to vector<1x8x256xf32>
      %squeeze3A_398 = vector.shape_cast %slice3A_397 : vector<1x8x256xf32> to vector<8x256xf32>
      %slice3A_399 = vector.extract_strided_slice %reshape3A {offsets = [2, 0, 0], sizes = [1, 8, 256], strides = [1, 1, 1]} : vector<16x8x256xf32> to vector<1x8x256xf32>
      %squeeze3A_400 = vector.shape_cast %slice3A_399 : vector<1x8x256xf32> to vector<8x256xf32>
      %slice3A_401 = vector.extract_strided_slice %reshape3A {offsets = [3, 0, 0], sizes = [1, 8, 256], strides = [1, 1, 1]} : vector<16x8x256xf32> to vector<1x8x256xf32>
      %squeeze3A_402 = vector.shape_cast %slice3A_401 : vector<1x8x256xf32> to vector<8x256xf32>
      %slice3A_403 = vector.extract_strided_slice %reshape3A {offsets = [4, 0, 0], sizes = [1, 8, 256], strides = [1, 1, 1]} : vector<16x8x256xf32> to vector<1x8x256xf32>
      %squeeze3A_404 = vector.shape_cast %slice3A_403 : vector<1x8x256xf32> to vector<8x256xf32>
      %slice3A_405 = vector.extract_strided_slice %reshape3A {offsets = [5, 0, 0], sizes = [1, 8, 256], strides = [1, 1, 1]} : vector<16x8x256xf32> to vector<1x8x256xf32>
      %squeeze3A_406 = vector.shape_cast %slice3A_405 : vector<1x8x256xf32> to vector<8x256xf32>
      %slice3A_407 = vector.extract_strided_slice %reshape3A {offsets = [6, 0, 0], sizes = [1, 8, 256], strides = [1, 1, 1]} : vector<16x8x256xf32> to vector<1x8x256xf32>
      %squeeze3A_408 = vector.shape_cast %slice3A_407 : vector<1x8x256xf32> to vector<8x256xf32>
      %slice3A_409 = vector.extract_strided_slice %reshape3A {offsets = [7, 0, 0], sizes = [1, 8, 256], strides = [1, 1, 1]} : vector<16x8x256xf32> to vector<1x8x256xf32>
      %squeeze3A_410 = vector.shape_cast %slice3A_409 : vector<1x8x256xf32> to vector<8x256xf32>
      %slice3A_411 = vector.extract_strided_slice %reshape3A {offsets = [8, 0, 0], sizes = [1, 8, 256], strides = [1, 1, 1]} : vector<16x8x256xf32> to vector<1x8x256xf32>
      %squeeze3A_412 = vector.shape_cast %slice3A_411 : vector<1x8x256xf32> to vector<8x256xf32>
      %slice3A_413 = vector.extract_strided_slice %reshape3A {offsets = [9, 0, 0], sizes = [1, 8, 256], strides = [1, 1, 1]} : vector<16x8x256xf32> to vector<1x8x256xf32>
      %squeeze3A_414 = vector.shape_cast %slice3A_413 : vector<1x8x256xf32> to vector<8x256xf32>
      %slice3A_415 = vector.extract_strided_slice %reshape3A {offsets = [10, 0, 0], sizes = [1, 8, 256], strides = [1, 1, 1]} : vector<16x8x256xf32> to vector<1x8x256xf32>
      %squeeze3A_416 = vector.shape_cast %slice3A_415 : vector<1x8x256xf32> to vector<8x256xf32>
      %slice3A_417 = vector.extract_strided_slice %reshape3A {offsets = [11, 0, 0], sizes = [1, 8, 256], strides = [1, 1, 1]} : vector<16x8x256xf32> to vector<1x8x256xf32>
      %squeeze3A_418 = vector.shape_cast %slice3A_417 : vector<1x8x256xf32> to vector<8x256xf32>
      %slice3A_419 = vector.extract_strided_slice %reshape3A {offsets = [12, 0, 0], sizes = [1, 8, 256], strides = [1, 1, 1]} : vector<16x8x256xf32> to vector<1x8x256xf32>
      %squeeze3A_420 = vector.shape_cast %slice3A_419 : vector<1x8x256xf32> to vector<8x256xf32>
      %slice3A_421 = vector.extract_strided_slice %reshape3A {offsets = [13, 0, 0], sizes = [1, 8, 256], strides = [1, 1, 1]} : vector<16x8x256xf32> to vector<1x8x256xf32>
      %squeeze3A_422 = vector.shape_cast %slice3A_421 : vector<1x8x256xf32> to vector<8x256xf32>
      %slice3A_423 = vector.extract_strided_slice %reshape3A {offsets = [14, 0, 0], sizes = [1, 8, 256], strides = [1, 1, 1]} : vector<16x8x256xf32> to vector<1x8x256xf32>
      %squeeze3A_424 = vector.shape_cast %slice3A_423 : vector<1x8x256xf32> to vector<8x256xf32>
      %slice3A_425 = vector.extract_strided_slice %reshape3A {offsets = [15, 0, 0], sizes = [1, 8, 256], strides = [1, 1, 1]} : vector<16x8x256xf32> to vector<1x8x256xf32>
      %squeeze3A_426 = vector.shape_cast %slice3A_425 : vector<1x8x256xf32> to vector<8x256xf32>
      %max3A_427 = arith.maximumf %squeeze3A, %squeeze3A_398 : vector<8x256xf32>
      %min3A_428 = arith.minimumf %squeeze3A, %squeeze3A_398 : vector<8x256xf32>
      %max3A_429 = arith.maximumf %squeeze3A_400, %squeeze3A_402 : vector<8x256xf32>
      %min3A_430 = arith.minimumf %squeeze3A_400, %squeeze3A_402 : vector<8x256xf32>
      %max3A_431 = arith.maximumf %max3A_427, %max3A_429 : vector<8x256xf32>
      %min3A_432 = arith.minimumf %max3A_427, %max3A_429 : vector<8x256xf32>
      %max3A_433 = arith.maximumf %min3A_428, %min3A_430 : vector<8x256xf32>
      %min3A_434 = arith.minimumf %min3A_428, %min3A_430 : vector<8x256xf32>
      %max3A_435 = arith.maximumf %max3A_433, %min3A_432 : vector<8x256xf32>
      %min3A_436 = arith.minimumf %max3A_433, %min3A_432 : vector<8x256xf32>
      %max3A_437 = arith.maximumf %squeeze3A_404, %squeeze3A_406 : vector<8x256xf32>
      %min3A_438 = arith.minimumf %squeeze3A_404, %squeeze3A_406 : vector<8x256xf32>
      %max3A_439 = arith.maximumf %squeeze3A_408, %squeeze3A_410 : vector<8x256xf32>
      %min3A_440 = arith.minimumf %squeeze3A_408, %squeeze3A_410 : vector<8x256xf32>
      %max3A_441 = arith.maximumf %max3A_437, %max3A_439 : vector<8x256xf32>
      %min3A_442 = arith.minimumf %max3A_437, %max3A_439 : vector<8x256xf32>
      %max3A_443 = arith.maximumf %min3A_438, %min3A_440 : vector<8x256xf32>
      %min3A_444 = arith.minimumf %min3A_438, %min3A_440 : vector<8x256xf32>
      %max3A_445 = arith.maximumf %max3A_443, %min3A_442 : vector<8x256xf32>
      %min3A_446 = arith.minimumf %max3A_443, %min3A_442 : vector<8x256xf32>
      %max3A_447 = arith.maximumf %max3A_431, %max3A_441 : vector<8x256xf32>
      %min3A_448 = arith.minimumf %max3A_431, %max3A_441 : vector<8x256xf32>
      %max3A_449 = arith.maximumf %min3A_436, %min3A_446 : vector<8x256xf32>
      %min3A_450 = arith.minimumf %min3A_436, %min3A_446 : vector<8x256xf32>
      %max3A_451 = arith.maximumf %max3A_449, %min3A_448 : vector<8x256xf32>
      %min3A_452 = arith.minimumf %max3A_449, %min3A_448 : vector<8x256xf32>
      %max3A_453 = arith.maximumf %max3A_435, %max3A_445 : vector<8x256xf32>
      %min3A_454 = arith.minimumf %max3A_435, %max3A_445 : vector<8x256xf32>
      %max3A_455 = arith.maximumf %min3A_434, %min3A_444 : vector<8x256xf32>
      %min3A_456 = arith.minimumf %min3A_434, %min3A_444 : vector<8x256xf32>
      %max3A_457 = arith.maximumf %max3A_455, %min3A_454 : vector<8x256xf32>
      %min3A_458 = arith.minimumf %max3A_455, %min3A_454 : vector<8x256xf32>
      %max3A_459 = arith.maximumf %max3A_453, %max3A_451 : vector<8x256xf32>
      %min3A_460 = arith.minimumf %max3A_453, %max3A_451 : vector<8x256xf32>
      %max3A_461 = arith.maximumf %max3A_457, %min3A_452 : vector<8x256xf32>
      %min3A_462 = arith.minimumf %max3A_457, %min3A_452 : vector<8x256xf32>
      %max3A_463 = arith.maximumf %min3A_458, %min3A_450 : vector<8x256xf32>
      %min3A_464 = arith.minimumf %min3A_458, %min3A_450 : vector<8x256xf32>
      %max3A_465 = arith.maximumf %squeeze3A_412, %squeeze3A_414 : vector<8x256xf32>
      %min3A_466 = arith.minimumf %squeeze3A_412, %squeeze3A_414 : vector<8x256xf32>
      %max3A_467 = arith.maximumf %squeeze3A_416, %squeeze3A_418 : vector<8x256xf32>
      %min3A_468 = arith.minimumf %squeeze3A_416, %squeeze3A_418 : vector<8x256xf32>
      %max3A_469 = arith.maximumf %max3A_465, %max3A_467 : vector<8x256xf32>
      %min3A_470 = arith.minimumf %max3A_465, %max3A_467 : vector<8x256xf32>
      %max3A_471 = arith.maximumf %min3A_466, %min3A_468 : vector<8x256xf32>
      %min3A_472 = arith.minimumf %min3A_466, %min3A_468 : vector<8x256xf32>
      %max3A_473 = arith.maximumf %max3A_471, %min3A_470 : vector<8x256xf32>
      %min3A_474 = arith.minimumf %max3A_471, %min3A_470 : vector<8x256xf32>
      %max3A_475 = arith.maximumf %squeeze3A_420, %squeeze3A_422 : vector<8x256xf32>
      %min3A_476 = arith.minimumf %squeeze3A_420, %squeeze3A_422 : vector<8x256xf32>
      %max3A_477 = arith.maximumf %squeeze3A_424, %squeeze3A_426 : vector<8x256xf32>
      %min3A_478 = arith.minimumf %squeeze3A_424, %squeeze3A_426 : vector<8x256xf32>
      %max3A_479 = arith.maximumf %max3A_475, %max3A_477 : vector<8x256xf32>
      %min3A_480 = arith.minimumf %max3A_475, %max3A_477 : vector<8x256xf32>
      %max3A_481 = arith.maximumf %min3A_476, %min3A_478 : vector<8x256xf32>
      %min3A_482 = arith.minimumf %min3A_476, %min3A_478 : vector<8x256xf32>
      %max3A_483 = arith.maximumf %max3A_481, %min3A_480 : vector<8x256xf32>
      %min3A_484 = arith.minimumf %max3A_481, %min3A_480 : vector<8x256xf32>
      %max3A_485 = arith.maximumf %max3A_469, %max3A_479 : vector<8x256xf32>
      %min3A_486 = arith.minimumf %max3A_469, %max3A_479 : vector<8x256xf32>
      %max3A_487 = arith.maximumf %min3A_474, %min3A_484 : vector<8x256xf32>
      %min3A_488 = arith.minimumf %min3A_474, %min3A_484 : vector<8x256xf32>
      %max3A_489 = arith.maximumf %max3A_487, %min3A_486 : vector<8x256xf32>
      %min3A_490 = arith.minimumf %max3A_487, %min3A_486 : vector<8x256xf32>
      %max3A_491 = arith.maximumf %max3A_473, %max3A_483 : vector<8x256xf32>
      %min3A_492 = arith.minimumf %max3A_473, %max3A_483 : vector<8x256xf32>
      %max3A_493 = arith.maximumf %min3A_472, %min3A_482 : vector<8x256xf32>
      %min3A_494 = arith.minimumf %min3A_472, %min3A_482 : vector<8x256xf32>
      %max3A_495 = arith.maximumf %max3A_493, %min3A_492 : vector<8x256xf32>
      %min3A_496 = arith.minimumf %max3A_493, %min3A_492 : vector<8x256xf32>
      %max3A_497 = arith.maximumf %max3A_491, %max3A_489 : vector<8x256xf32>
      %min3A_498 = arith.minimumf %max3A_491, %max3A_489 : vector<8x256xf32>
      %max3A_499 = arith.maximumf %max3A_495, %min3A_490 : vector<8x256xf32>
      %min3A_500 = arith.minimumf %max3A_495, %min3A_490 : vector<8x256xf32>
      %max3A_501 = arith.maximumf %min3A_496, %min3A_488 : vector<8x256xf32>
      %min3A_502 = arith.minimumf %min3A_496, %min3A_488 : vector<8x256xf32>
      %max3A_503 = arith.maximumf %max3A_447, %max3A_485 : vector<8x256xf32>
      %min3A_504 = arith.minimumf %max3A_447, %max3A_485 : vector<8x256xf32>
      %max3A_505 = arith.maximumf %min3A_462, %min3A_500 : vector<8x256xf32>
      %min3A_506 = arith.minimumf %min3A_462, %min3A_500 : vector<8x256xf32>
      %max3A_507 = arith.maximumf %max3A_505, %min3A_504 : vector<8x256xf32>
      %min3A_508 = arith.minimumf %max3A_505, %min3A_504 : vector<8x256xf32>
      %max3A_509 = arith.maximumf %min3A_460, %min3A_498 : vector<8x256xf32>
      %min3A_510 = arith.minimumf %min3A_460, %min3A_498 : vector<8x256xf32>
      %max3A_511 = arith.maximumf %min3A_464, %min3A_502 : vector<8x256xf32>
      %min3A_512 = arith.minimumf %min3A_464, %min3A_502 : vector<8x256xf32>
      %max3A_513 = arith.maximumf %max3A_511, %min3A_510 : vector<8x256xf32>
      %min3A_514 = arith.minimumf %max3A_511, %min3A_510 : vector<8x256xf32>
      %max3A_515 = arith.maximumf %max3A_509, %max3A_507 : vector<8x256xf32>
      %min3A_516 = arith.minimumf %max3A_509, %max3A_507 : vector<8x256xf32>
      %max3A_517 = arith.maximumf %max3A_513, %min3A_508 : vector<8x256xf32>
      %min3A_518 = arith.minimumf %max3A_513, %min3A_508 : vector<8x256xf32>
      %max3A_519 = arith.maximumf %min3A_514, %min3A_506 : vector<8x256xf32>
      %min3A_520 = arith.minimumf %min3A_514, %min3A_506 : vector<8x256xf32>
      %max3A_521 = arith.maximumf %max3A_459, %max3A_497 : vector<8x256xf32>
      %min3A_522 = arith.minimumf %max3A_459, %max3A_497 : vector<8x256xf32>
      %max3A_523 = arith.maximumf %max3A_463, %max3A_501 : vector<8x256xf32>
      %min3A_524 = arith.minimumf %max3A_463, %max3A_501 : vector<8x256xf32>
      %max3A_525 = arith.maximumf %max3A_523, %min3A_522 : vector<8x256xf32>
      %min3A_526 = arith.minimumf %max3A_523, %min3A_522 : vector<8x256xf32>
      %max3A_527 = arith.maximumf %max3A_461, %max3A_499 : vector<8x256xf32>
      %min3A_528 = arith.minimumf %max3A_461, %max3A_499 : vector<8x256xf32>
      %max3A_529 = arith.maximumf %min3A_456, %min3A_494 : vector<8x256xf32>
      %min3A_530 = arith.minimumf %min3A_456, %min3A_494 : vector<8x256xf32>
      %max3A_531 = arith.maximumf %max3A_529, %min3A_528 : vector<8x256xf32>
      %min3A_532 = arith.minimumf %max3A_529, %min3A_528 : vector<8x256xf32>
      %max3A_533 = arith.maximumf %max3A_527, %max3A_525 : vector<8x256xf32>
      %min3A_534 = arith.minimumf %max3A_527, %max3A_525 : vector<8x256xf32>
      %max3A_535 = arith.maximumf %max3A_531, %min3A_526 : vector<8x256xf32>
      %min3A_536 = arith.minimumf %max3A_531, %min3A_526 : vector<8x256xf32>
      %max3A_537 = arith.maximumf %min3A_532, %min3A_524 : vector<8x256xf32>
      %min3A_538 = arith.minimumf %min3A_532, %min3A_524 : vector<8x256xf32>
      %max3A_539 = arith.maximumf %max3A_521, %max3A_515 : vector<8x256xf32>
      %min3A_540 = arith.minimumf %max3A_521, %max3A_515 : vector<8x256xf32>
      %max3A_541 = arith.maximumf %max3A_533, %min3A_516 : vector<8x256xf32>
      %min3A_542 = arith.minimumf %max3A_533, %min3A_516 : vector<8x256xf32>
      %max3A_543 = arith.maximumf %min3A_534, %max3A_517 : vector<8x256xf32>
      %min3A_544 = arith.minimumf %min3A_534, %max3A_517 : vector<8x256xf32>
      %max3A_545 = arith.maximumf %max3A_535, %min3A_518 : vector<8x256xf32>
      %min3A_546 = arith.minimumf %max3A_535, %min3A_518 : vector<8x256xf32>
      %max3A_547 = arith.maximumf %min3A_536, %max3A_519 : vector<8x256xf32>
      %min3A_548 = arith.minimumf %min3A_536, %max3A_519 : vector<8x256xf32>
      %max3A_549 = arith.maximumf %max3A_537, %min3A_520 : vector<8x256xf32>
      %min3A_550 = arith.minimumf %max3A_537, %min3A_520 : vector<8x256xf32>
      %max3A_551 = arith.maximumf %min3A_538, %min3A_512 : vector<8x256xf32>
      %min3A_552 = arith.minimumf %min3A_538, %min3A_512 : vector<8x256xf32>
      %max3A_553 = arith.maximumf %scan3A_375, %min3A_530 : vector<8x256xf32>
      %max3A_554 = arith.maximumf %scan3A_376, %min3A_552 : vector<8x256xf32>
      %max3A_555 = arith.maximumf %scan3A_377, %max3A_551 : vector<8x256xf32>
      %max3A_556 = arith.maximumf %scan3A_378, %min3A_550 : vector<8x256xf32>
      %max3A_557 = arith.maximumf %scan3A_379, %max3A_549 : vector<8x256xf32>
      %max3A_558 = arith.maximumf %scan3A_380, %min3A_548 : vector<8x256xf32>
      %max3A_559 = arith.maximumf %scan3A_381, %max3A_547 : vector<8x256xf32>
      %max3A_560 = arith.maximumf %scan3A_382, %min3A_546 : vector<8x256xf32>
      %max3A_561 = arith.maximumf %scan3A_383, %max3A_545 : vector<8x256xf32>
      %max3A_562 = arith.maximumf %scan3A_384, %min3A_544 : vector<8x256xf32>
      %max3A_563 = arith.maximumf %scan3A_385, %max3A_543 : vector<8x256xf32>
      %max3A_564 = arith.maximumf %scan3A_386, %min3A_542 : vector<8x256xf32>
      %max3A_565 = arith.maximumf %scan3A_387, %max3A_541 : vector<8x256xf32>
      %max3A_566 = arith.maximumf %scan3A_388, %min3A_540 : vector<8x256xf32>
      %max3A_567 = arith.maximumf %scan3A_389, %max3A_539 : vector<8x256xf32>
      %max3A_568 = arith.maximumf %scan3A_390, %max3A_503 : vector<8x256xf32>
      %max3A_569 = arith.maximumf %max3A_553, %max3A_561 : vector<8x256xf32>
      %min3A_570 = arith.minimumf %max3A_553, %max3A_561 : vector<8x256xf32>
      %max3A_571 = arith.maximumf %max3A_554, %max3A_562 : vector<8x256xf32>
      %min3A_572 = arith.minimumf %max3A_554, %max3A_562 : vector<8x256xf32>
      %max3A_573 = arith.maximumf %max3A_555, %max3A_563 : vector<8x256xf32>
      %min3A_574 = arith.minimumf %max3A_555, %max3A_563 : vector<8x256xf32>
      %max3A_575 = arith.maximumf %max3A_556, %max3A_564 : vector<8x256xf32>
      %min3A_576 = arith.minimumf %max3A_556, %max3A_564 : vector<8x256xf32>
      %max3A_577 = arith.maximumf %max3A_557, %max3A_565 : vector<8x256xf32>
      %min3A_578 = arith.minimumf %max3A_557, %max3A_565 : vector<8x256xf32>
      %max3A_579 = arith.maximumf %max3A_558, %max3A_566 : vector<8x256xf32>
      %min3A_580 = arith.minimumf %max3A_558, %max3A_566 : vector<8x256xf32>
      %max3A_581 = arith.maximumf %max3A_559, %max3A_567 : vector<8x256xf32>
      %min3A_582 = arith.minimumf %max3A_559, %max3A_567 : vector<8x256xf32>
      %max3A_583 = arith.maximumf %max3A_560, %max3A_568 : vector<8x256xf32>
      %min3A_584 = arith.minimumf %max3A_560, %max3A_568 : vector<8x256xf32>
      %max3A_585 = arith.maximumf %max3A_569, %max3A_577 : vector<8x256xf32>
      %min3A_586 = arith.minimumf %max3A_569, %max3A_577 : vector<8x256xf32>
      %max3A_587 = arith.maximumf %max3A_571, %max3A_579 : vector<8x256xf32>
      %min3A_588 = arith.minimumf %max3A_571, %max3A_579 : vector<8x256xf32>
      %max3A_589 = arith.maximumf %max3A_573, %max3A_581 : vector<8x256xf32>
      %min3A_590 = arith.minimumf %max3A_573, %max3A_581 : vector<8x256xf32>
      %max3A_591 = arith.maximumf %max3A_575, %max3A_583 : vector<8x256xf32>
      %min3A_592 = arith.minimumf %max3A_575, %max3A_583 : vector<8x256xf32>
      %max3A_593 = arith.maximumf %max3A_585, %max3A_589 : vector<8x256xf32>
      %min3A_594 = arith.minimumf %max3A_585, %max3A_589 : vector<8x256xf32>
      %max3A_595 = arith.maximumf %max3A_587, %max3A_591 : vector<8x256xf32>
      %min3A_596 = arith.minimumf %max3A_587, %max3A_591 : vector<8x256xf32>
      %max3A_597 = arith.maximumf %max3A_593, %max3A_595 : vector<8x256xf32>
      %min3A_598 = arith.minimumf %max3A_593, %max3A_595 : vector<8x256xf32>
      %max3A_599 = arith.maximumf %min3A_594, %min3A_596 : vector<8x256xf32>
      %min3A_600 = arith.minimumf %min3A_594, %min3A_596 : vector<8x256xf32>
      %max3A_601 = arith.maximumf %min3A_586, %min3A_590 : vector<8x256xf32>
      %min3A_602 = arith.minimumf %min3A_586, %min3A_590 : vector<8x256xf32>
      %max3A_603 = arith.maximumf %min3A_588, %min3A_592 : vector<8x256xf32>
      %min3A_604 = arith.minimumf %min3A_588, %min3A_592 : vector<8x256xf32>
      %max3A_605 = arith.maximumf %max3A_601, %max3A_603 : vector<8x256xf32>
      %min3A_606 = arith.minimumf %max3A_601, %max3A_603 : vector<8x256xf32>
      %max3A_607 = arith.maximumf %min3A_602, %min3A_604 : vector<8x256xf32>
      %min3A_608 = arith.minimumf %min3A_602, %min3A_604 : vector<8x256xf32>
      %max3A_609 = arith.maximumf %min3A_570, %min3A_578 : vector<8x256xf32>
      %min3A_610 = arith.minimumf %min3A_570, %min3A_578 : vector<8x256xf32>
      %max3A_611 = arith.maximumf %min3A_572, %min3A_580 : vector<8x256xf32>
      %min3A_612 = arith.minimumf %min3A_572, %min3A_580 : vector<8x256xf32>
      %max3A_613 = arith.maximumf %min3A_574, %min3A_582 : vector<8x256xf32>
      %min3A_614 = arith.minimumf %min3A_574, %min3A_582 : vector<8x256xf32>
      %max3A_615 = arith.maximumf %min3A_576, %min3A_584 : vector<8x256xf32>
      %min3A_616 = arith.minimumf %min3A_576, %min3A_584 : vector<8x256xf32>
      %max3A_617 = arith.maximumf %max3A_609, %max3A_613 : vector<8x256xf32>
      %min3A_618 = arith.minimumf %max3A_609, %max3A_613 : vector<8x256xf32>
      %max3A_619 = arith.maximumf %max3A_611, %max3A_615 : vector<8x256xf32>
      %min3A_620 = arith.minimumf %max3A_611, %max3A_615 : vector<8x256xf32>
      %max3A_621 = arith.maximumf %max3A_617, %max3A_619 : vector<8x256xf32>
      %min3A_622 = arith.minimumf %max3A_617, %max3A_619 : vector<8x256xf32>
      %max3A_623 = arith.maximumf %min3A_618, %min3A_620 : vector<8x256xf32>
      %min3A_624 = arith.minimumf %min3A_618, %min3A_620 : vector<8x256xf32>
      %max3A_625 = arith.maximumf %min3A_610, %min3A_614 : vector<8x256xf32>
      %min3A_626 = arith.minimumf %min3A_610, %min3A_614 : vector<8x256xf32>
      %max3A_627 = arith.maximumf %min3A_612, %min3A_616 : vector<8x256xf32>
      %min3A_628 = arith.minimumf %min3A_612, %min3A_616 : vector<8x256xf32>
      %max3A_629 = arith.maximumf %max3A_625, %max3A_627 : vector<8x256xf32>
      %min3A_630 = arith.minimumf %max3A_625, %max3A_627 : vector<8x256xf32>
      %max3A_631 = arith.maximumf %min3A_626, %min3A_628 : vector<8x256xf32>
      %min3A_632 = arith.minimumf %min3A_626, %min3A_628 : vector<8x256xf32>
      %scan3A_633 = arith.constant 1 : i32
      %scan3A_634 = arith.addi %scan3A_374, %scan3A_633 : i32
      %mul3A_635 = arith.constant 128 : i32
      %mul3A_636 = arith.muli %scan3A_634, %mul3A_635 : i32
      %get3A_637 = arith.constant 0 : index
      %get3A_638 = arith.index_cast %mul3A_636 : i32 to index
      %get3A_639 = arith.constant 0 : index
      %get3A_640 = vector.load %arg2[%get3A_637, %get3A_638, %get3A_639] : memref<1x8192x256xf32, #tpu.memory_space<vmem>>, vector<1x128x256xf32>
      %get3A_641 = vector.shape_cast %get3A_640 : vector<1x128x256xf32> to vector<128x256xf32>
      %reshape3A_642 = vector.shape_cast %get3A_641 : vector<128x256xf32> to vector<16x8x256xf32>
      %slice3A_643 = vector.extract_strided_slice %reshape3A_642 {offsets = [0, 0, 0], sizes = [1, 8, 256], strides = [1, 1, 1]} : vector<16x8x256xf32> to vector<1x8x256xf32>
      %squeeze3A_644 = vector.shape_cast %slice3A_643 : vector<1x8x256xf32> to vector<8x256xf32>
      %slice3A_645 = vector.extract_strided_slice %reshape3A_642 {offsets = [1, 0, 0], sizes = [1, 8, 256], strides = [1, 1, 1]} : vector<16x8x256xf32> to vector<1x8x256xf32>
      %squeeze3A_646 = vector.shape_cast %slice3A_645 : vector<1x8x256xf32> to vector<8x256xf32>
      %slice3A_647 = vector.extract_strided_slice %reshape3A_642 {offsets = [2, 0, 0], sizes = [1, 8, 256], strides = [1, 1, 1]} : vector<16x8x256xf32> to vector<1x8x256xf32>
      %squeeze3A_648 = vector.shape_cast %slice3A_647 : vector<1x8x256xf32> to vector<8x256xf32>
      %slice3A_649 = vector.extract_strided_slice %reshape3A_642 {offsets = [3, 0, 0], sizes = [1, 8, 256], strides = [1, 1, 1]} : vector<16x8x256xf32> to vector<1x8x256xf32>
      %squeeze3A_650 = vector.shape_cast %slice3A_649 : vector<1x8x256xf32> to vector<8x256xf32>
      %slice3A_651 = vector.extract_strided_slice %reshape3A_642 {offsets = [4, 0, 0], sizes = [1, 8, 256], strides = [1, 1, 1]} : vector<16x8x256xf32> to vector<1x8x256xf32>
      %squeeze3A_652 = vector.shape_cast %slice3A_651 : vector<1x8x256xf32> to vector<8x256xf32>
      %slice3A_653 = vector.extract_strided_slice %reshape3A_642 {offsets = [5, 0, 0], sizes = [1, 8, 256], strides = [1, 1, 1]} : vector<16x8x256xf32> to vector<1x8x256xf32>
      %squeeze3A_654 = vector.shape_cast %slice3A_653 : vector<1x8x256xf32> to vector<8x256xf32>
      %slice3A_655 = vector.extract_strided_slice %reshape3A_642 {offsets = [6, 0, 0], sizes = [1, 8, 256], strides = [1, 1, 1]} : vector<16x8x256xf32> to vector<1x8x256xf32>
      %squeeze3A_656 = vector.shape_cast %slice3A_655 : vector<1x8x256xf32> to vector<8x256xf32>
      %slice3A_657 = vector.extract_strided_slice %reshape3A_642 {offsets = [7, 0, 0], sizes = [1, 8, 256], strides = [1, 1, 1]} : vector<16x8x256xf32> to vector<1x8x256xf32>
      %squeeze3A_658 = vector.shape_cast %slice3A_657 : vector<1x8x256xf32> to vector<8x256xf32>
      %slice3A_659 = vector.extract_strided_slice %reshape3A_642 {offsets = [8, 0, 0], sizes = [1, 8, 256], strides = [1, 1, 1]} : vector<16x8x256xf32> to vector<1x8x256xf32>
      %squeeze3A_660 = vector.shape_cast %slice3A_659 : vector<1x8x256xf32> to vector<8x256xf32>
      %slice3A_661 = vector.extract_strided_slice %reshape3A_642 {offsets = [9, 0, 0], sizes = [1, 8, 256], strides = [1, 1, 1]} : vector<16x8x256xf32> to vector<1x8x256xf32>
      %squeeze3A_662 = vector.shape_cast %slice3A_661 : vector<1x8x256xf32> to vector<8x256xf32>
      %slice3A_663 = vector.extract_strided_slice %reshape3A_642 {offsets = [10, 0, 0], sizes = [1, 8, 256], strides = [1, 1, 1]} : vector<16x8x256xf32> to vector<1x8x256xf32>
      %squeeze3A_664 = vector.shape_cast %slice3A_663 : vector<1x8x256xf32> to vector<8x256xf32>
      %slice3A_665 = vector.extract_strided_slice %reshape3A_642 {offsets = [11, 0, 0], sizes = [1, 8, 256], strides = [1, 1, 1]} : vector<16x8x256xf32> to vector<1x8x256xf32>
      %squeeze3A_666 = vector.shape_cast %slice3A_665 : vector<1x8x256xf32> to vector<8x256xf32>
      %slice3A_667 = vector.extract_strided_slice %reshape3A_642 {offsets = [12, 0, 0], sizes = [1, 8, 256], strides = [1, 1, 1]} : vector<16x8x256xf32> to vector<1x8x256xf32>
      %squeeze3A_668 = vector.shape_cast %slice3A_667 : vector<1x8x256xf32> to vector<8x256xf32>
      %slice3A_669 = vector.extract_strided_slice %reshape3A_642 {offsets = [13, 0, 0], sizes = [1, 8, 256], strides = [1, 1, 1]} : vector<16x8x256xf32> to vector<1x8x256xf32>
      %squeeze3A_670 = vector.shape_cast %slice3A_669 : vector<1x8x256xf32> to vector<8x256xf32>
      %slice3A_671 = vector.extract_strided_slice %reshape3A_642 {offsets = [14, 0, 0], sizes = [1, 8, 256], strides = [1, 1, 1]} : vector<16x8x256xf32> to vector<1x8x256xf32>
      %squeeze3A_672 = vector.shape_cast %slice3A_671 : vector<1x8x256xf32> to vector<8x256xf32>
      %slice3A_673 = vector.extract_strided_slice %reshape3A_642 {offsets = [15, 0, 0], sizes = [1, 8, 256], strides = [1, 1, 1]} : vector<16x8x256xf32> to vector<1x8x256xf32>
      %squeeze3A_674 = vector.shape_cast %slice3A_673 : vector<1x8x256xf32> to vector<8x256xf32>
      %max3A_675 = arith.maximumf %squeeze3A_644, %squeeze3A_646 : vector<8x256xf32>
      %min3A_676 = arith.minimumf %squeeze3A_644, %squeeze3A_646 : vector<8x256xf32>
      %max3A_677 = arith.maximumf %squeeze3A_648, %squeeze3A_650 : vector<8x256xf32>
      %min3A_678 = arith.minimumf %squeeze3A_648, %squeeze3A_650 : vector<8x256xf32>
      %max3A_679 = arith.maximumf %max3A_675, %max3A_677 : vector<8x256xf32>
      %min3A_680 = arith.minimumf %max3A_675, %max3A_677 : vector<8x256xf32>
      %max3A_681 = arith.maximumf %min3A_676, %min3A_678 : vector<8x256xf32>
      %min3A_682 = arith.minimumf %min3A_676, %min3A_678 : vector<8x256xf32>
      %max3A_683 = arith.maximumf %max3A_681, %min3A_680 : vector<8x256xf32>
      %min3A_684 = arith.minimumf %max3A_681, %min3A_680 : vector<8x256xf32>
      %max3A_685 = arith.maximumf %squeeze3A_652, %squeeze3A_654 : vector<8x256xf32>
      %min3A_686 = arith.minimumf %squeeze3A_652, %squeeze3A_654 : vector<8x256xf32>
      %max3A_687 = arith.maximumf %squeeze3A_656, %squeeze3A_658 : vector<8x256xf32>
      %min3A_688 = arith.minimumf %squeeze3A_656, %squeeze3A_658 : vector<8x256xf32>
      %max3A_689 = arith.maximumf %max3A_685, %max3A_687 : vector<8x256xf32>
      %min3A_690 = arith.minimumf %max3A_685, %max3A_687 : vector<8x256xf32>
      %max3A_691 = arith.maximumf %min3A_686, %min3A_688 : vector<8x256xf32>
      %min3A_692 = arith.minimumf %min3A_686, %min3A_688 : vector<8x256xf32>
      %max3A_693 = arith.maximumf %max3A_691, %min3A_690 : vector<8x256xf32>
      %min3A_694 = arith.minimumf %max3A_691, %min3A_690 : vector<8x256xf32>
      %max3A_695 = arith.maximumf %max3A_679, %max3A_689 : vector<8x256xf32>
      %min3A_696 = arith.minimumf %max3A_679, %max3A_689 : vector<8x256xf32>
      %max3A_697 = arith.maximumf %min3A_684, %min3A_694 : vector<8x256xf32>
      %min3A_698 = arith.minimumf %min3A_684, %min3A_694 : vector<8x256xf32>
      %max3A_699 = arith.maximumf %max3A_697, %min3A_696 : vector<8x256xf32>
      %min3A_700 = arith.minimumf %max3A_697, %min3A_696 : vector<8x256xf32>
      %max3A_701 = arith.maximumf %max3A_683, %max3A_693 : vector<8x256xf32>
      %min3A_702 = arith.minimumf %max3A_683, %max3A_693 : vector<8x256xf32>
      %max3A_703 = arith.maximumf %min3A_682, %min3A_692 : vector<8x256xf32>
      %min3A_704 = arith.minimumf %min3A_682, %min3A_692 : vector<8x256xf32>
      %max3A_705 = arith.maximumf %max3A_703, %min3A_702 : vector<8x256xf32>
      %min3A_706 = arith.minimumf %max3A_703, %min3A_702 : vector<8x256xf32>
      %max3A_707 = arith.maximumf %max3A_701, %max3A_699 : vector<8x256xf32>
      %min3A_708 = arith.minimumf %max3A_701, %max3A_699 : vector<8x256xf32>
      %max3A_709 = arith.maximumf %max3A_705, %min3A_700 : vector<8x256xf32>
      %min3A_710 = arith.minimumf %max3A_705, %min3A_700 : vector<8x256xf32>
      %max3A_711 = arith.maximumf %min3A_706, %min3A_698 : vector<8x256xf32>
      %min3A_712 = arith.minimumf %min3A_706, %min3A_698 : vector<8x256xf32>
      %max3A_713 = arith.maximumf %squeeze3A_660, %squeeze3A_662 : vector<8x256xf32>
      %min3A_714 = arith.minimumf %squeeze3A_660, %squeeze3A_662 : vector<8x256xf32>
      %max3A_715 = arith.maximumf %squeeze3A_664, %squeeze3A_666 : vector<8x256xf32>
      %min3A_716 = arith.minimumf %squeeze3A_664, %squeeze3A_666 : vector<8x256xf32>
      %max3A_717 = arith.maximumf %max3A_713, %max3A_715 : vector<8x256xf32>
      %min3A_718 = arith.minimumf %max3A_713, %max3A_715 : vector<8x256xf32>
      %max3A_719 = arith.maximumf %min3A_714, %min3A_716 : vector<8x256xf32>
      %min3A_720 = arith.minimumf %min3A_714, %min3A_716 : vector<8x256xf32>
      %max3A_721 = arith.maximumf %max3A_719, %min3A_718 : vector<8x256xf32>
      %min3A_722 = arith.minimumf %max3A_719, %min3A_718 : vector<8x256xf32>
      %max3A_723 = arith.maximumf %squeeze3A_668, %squeeze3A_670 : vector<8x256xf32>
      %min3A_724 = arith.minimumf %squeeze3A_668, %squeeze3A_670 : vector<8x256xf32>
      %max3A_725 = arith.maximumf %squeeze3A_672, %squeeze3A_674 : vector<8x256xf32>
      %min3A_726 = arith.minimumf %squeeze3A_672, %squeeze3A_674 : vector<8x256xf32>
      %max3A_727 = arith.maximumf %max3A_723, %max3A_725 : vector<8x256xf32>
      %min3A_728 = arith.minimumf %max3A_723, %max3A_725 : vector<8x256xf32>
      %max3A_729 = arith.maximumf %min3A_724, %min3A_726 : vector<8x256xf32>
      %min3A_730 = arith.minimumf %min3A_724, %min3A_726 : vector<8x256xf32>
      %max3A_731 = arith.maximumf %max3A_729, %min3A_728 : vector<8x256xf32>
      %min3A_732 = arith.minimumf %max3A_729, %min3A_728 : vector<8x256xf32>
      %max3A_733 = arith.maximumf %max3A_717, %max3A_727 : vector<8x256xf32>
      %min3A_734 = arith.minimumf %max3A_717, %max3A_727 : vector<8x256xf32>
      %max3A_735 = arith.maximumf %min3A_722, %min3A_732 : vector<8x256xf32>
      %min3A_736 = arith.minimumf %min3A_722, %min3A_732 : vector<8x256xf32>
      %max3A_737 = arith.maximumf %max3A_735, %min3A_734 : vector<8x256xf32>
      %min3A_738 = arith.minimumf %max3A_735, %min3A_734 : vector<8x256xf32>
      %max3A_739 = arith.maximumf %max3A_721, %max3A_731 : vector<8x256xf32>
      %min3A_740 = arith.minimumf %max3A_721, %max3A_731 : vector<8x256xf32>
      %max3A_741 = arith.maximumf %min3A_720, %min3A_730 : vector<8x256xf32>
      %min3A_742 = arith.minimumf %min3A_720, %min3A_730 : vector<8x256xf32>
      %max3A_743 = arith.maximumf %max3A_741, %min3A_740 : vector<8x256xf32>
      %min3A_744 = arith.minimumf %max3A_741, %min3A_740 : vector<8x256xf32>
      %max3A_745 = arith.maximumf %max3A_739, %max3A_737 : vector<8x256xf32>
      %min3A_746 = arith.minimumf %max3A_739, %max3A_737 : vector<8x256xf32>
      %max3A_747 = arith.maximumf %max3A_743, %min3A_738 : vector<8x256xf32>
      %min3A_748 = arith.minimumf %max3A_743, %min3A_738 : vector<8x256xf32>
      %max3A_749 = arith.maximumf %min3A_744, %min3A_736 : vector<8x256xf32>
      %min3A_750 = arith.minimumf %min3A_744, %min3A_736 : vector<8x256xf32>
      %max3A_751 = arith.maximumf %max3A_695, %max3A_733 : vector<8x256xf32>
      %min3A_752 = arith.minimumf %max3A_695, %max3A_733 : vector<8x256xf32>
      %max3A_753 = arith.maximumf %min3A_710, %min3A_748 : vector<8x256xf32>
      %min3A_754 = arith.minimumf %min3A_710, %min3A_748 : vector<8x256xf32>
      %max3A_755 = arith.maximumf %max3A_753, %min3A_752 : vector<8x256xf32>
      %min3A_756 = arith.minimumf %max3A_753, %min3A_752 : vector<8x256xf32>
      %max3A_757 = arith.maximumf %min3A_708, %min3A_746 : vector<8x256xf32>
      %min3A_758 = arith.minimumf %min3A_708, %min3A_746 : vector<8x256xf32>
      %max3A_759 = arith.maximumf %min3A_712, %min3A_750 : vector<8x256xf32>
      %min3A_760 = arith.minimumf %min3A_712, %min3A_750 : vector<8x256xf32>
      %max3A_761 = arith.maximumf %max3A_759, %min3A_758 : vector<8x256xf32>
      %min3A_762 = arith.minimumf %max3A_759, %min3A_758 : vector<8x256xf32>
      %max3A_763 = arith.maximumf %max3A_757, %max3A_755 : vector<8x256xf32>
      %min3A_764 = arith.minimumf %max3A_757, %max3A_755 : vector<8x256xf32>
      %max3A_765 = arith.maximumf %max3A_761, %min3A_756 : vector<8x256xf32>
      %min3A_766 = arith.minimumf %max3A_761, %min3A_756 : vector<8x256xf32>
      %max3A_767 = arith.maximumf %min3A_762, %min3A_754 : vector<8x256xf32>
      %min3A_768 = arith.minimumf %min3A_762, %min3A_754 : vector<8x256xf32>
      %max3A_769 = arith.maximumf %max3A_707, %max3A_745 : vector<8x256xf32>
      %min3A_770 = arith.minimumf %max3A_707, %max3A_745 : vector<8x256xf32>
      %max3A_771 = arith.maximumf %max3A_711, %max3A_749 : vector<8x256xf32>
      %min3A_772 = arith.minimumf %max3A_711, %max3A_749 : vector<8x256xf32>
      %max3A_773 = arith.maximumf %max3A_771, %min3A_770 : vector<8x256xf32>
      %min3A_774 = arith.minimumf %max3A_771, %min3A_770 : vector<8x256xf32>
      %max3A_775 = arith.maximumf %max3A_709, %max3A_747 : vector<8x256xf32>
      %min3A_776 = arith.minimumf %max3A_709, %max3A_747 : vector<8x256xf32>
      %max3A_777 = arith.maximumf %min3A_704, %min3A_742 : vector<8x256xf32>
      %min3A_778 = arith.minimumf %min3A_704, %min3A_742 : vector<8x256xf32>
      %max3A_779 = arith.maximumf %max3A_777, %min3A_776 : vector<8x256xf32>
      %min3A_780 = arith.minimumf %max3A_777, %min3A_776 : vector<8x256xf32>
      %max3A_781 = arith.maximumf %max3A_775, %max3A_773 : vector<8x256xf32>
      %min3A_782 = arith.minimumf %max3A_775, %max3A_773 : vector<8x256xf32>
      %max3A_783 = arith.maximumf %max3A_779, %min3A_774 : vector<8x256xf32>
      %min3A_784 = arith.minimumf %max3A_779, %min3A_774 : vector<8x256xf32>
      %max3A_785 = arith.maximumf %min3A_780, %min3A_772 : vector<8x256xf32>
      %min3A_786 = arith.minimumf %min3A_780, %min3A_772 : vector<8x256xf32>
      %max3A_787 = arith.maximumf %max3A_769, %max3A_763 : vector<8x256xf32>
      %min3A_788 = arith.minimumf %max3A_769, %max3A_763 : vector<8x256xf32>
      %max3A_789 = arith.maximumf %max3A_781, %min3A_764 : vector<8x256xf32>
      %min3A_790 = arith.minimumf %max3A_781, %min3A_764 : vector<8x256xf32>
      %max3A_791 = arith.maximumf %min3A_782, %max3A_765 : vector<8x256xf32>
      %min3A_792 = arith.minimumf %min3A_782, %max3A_765 : vector<8x256xf32>
      %max3A_793 = arith.maximumf %max3A_783, %min3A_766 : vector<8x256xf32>
      %min3A_794 = arith.minimumf %max3A_783, %min3A_766 : vector<8x256xf32>
      %max3A_795 = arith.maximumf %min3A_784, %max3A_767 : vector<8x256xf32>
      %min3A_796 = arith.minimumf %min3A_784, %max3A_767 : vector<8x256xf32>
      %max3A_797 = arith.maximumf %max3A_785, %min3A_768 : vector<8x256xf32>
      %min3A_798 = arith.minimumf %max3A_785, %min3A_768 : vector<8x256xf32>
      %max3A_799 = arith.maximumf %min3A_786, %min3A_760 : vector<8x256xf32>
      %min3A_800 = arith.minimumf %min3A_786, %min3A_760 : vector<8x256xf32>
      %max3A_801 = arith.maximumf %max3A_597, %min3A_778 : vector<8x256xf32>
      %max3A_802 = arith.maximumf %min3A_598, %min3A_800 : vector<8x256xf32>
      %max3A_803 = arith.maximumf %max3A_599, %max3A_799 : vector<8x256xf32>
      %max3A_804 = arith.maximumf %min3A_600, %min3A_798 : vector<8x256xf32>
      %max3A_805 = arith.maximumf %max3A_605, %max3A_797 : vector<8x256xf32>
      %max3A_806 = arith.maximumf %min3A_606, %min3A_796 : vector<8x256xf32>
      %max3A_807 = arith.maximumf %max3A_607, %max3A_795 : vector<8x256xf32>
      %max3A_808 = arith.maximumf %min3A_608, %min3A_794 : vector<8x256xf32>
      %max3A_809 = arith.maximumf %max3A_621, %max3A_793 : vector<8x256xf32>
      %max3A_810 = arith.maximumf %min3A_622, %min3A_792 : vector<8x256xf32>
      %max3A_811 = arith.maximumf %max3A_623, %max3A_791 : vector<8x256xf32>
      %max3A_812 = arith.maximumf %min3A_624, %min3A_790 : vector<8x256xf32>
      %max3A_813 = arith.maximumf %max3A_629, %max3A_789 : vector<8x256xf32>
      %max3A_814 = arith.maximumf %min3A_630, %min3A_788 : vector<8x256xf32>
      %max3A_815 = arith.maximumf %max3A_631, %max3A_787 : vector<8x256xf32>
      %max3A_816 = arith.maximumf %min3A_632, %max3A_751 : vector<8x256xf32>
      %max3A_817 = arith.maximumf %max3A_801, %max3A_809 : vector<8x256xf32>
      %min3A_818 = arith.minimumf %max3A_801, %max3A_809 : vector<8x256xf32>
      %max3A_819 = arith.maximumf %max3A_802, %max3A_810 : vector<8x256xf32>
      %min3A_820 = arith.minimumf %max3A_802, %max3A_810 : vector<8x256xf32>
      %max3A_821 = arith.maximumf %max3A_803, %max3A_811 : vector<8x256xf32>
      %min3A_822 = arith.minimumf %max3A_803, %max3A_811 : vector<8x256xf32>
      %max3A_823 = arith.maximumf %max3A_804, %max3A_812 : vector<8x256xf32>
      %min3A_824 = arith.minimumf %max3A_804, %max3A_812 : vector<8x256xf32>
      %max3A_825 = arith.maximumf %max3A_805, %max3A_813 : vector<8x256xf32>
      %min3A_826 = arith.minimumf %max3A_805, %max3A_813 : vector<8x256xf32>
      %max3A_827 = arith.maximumf %max3A_806, %max3A_814 : vector<8x256xf32>
      %min3A_828 = arith.minimumf %max3A_806, %max3A_814 : vector<8x256xf32>
      %max3A_829 = arith.maximumf %max3A_807, %max3A_815 : vector<8x256xf32>
      %min3A_830 = arith.minimumf %max3A_807, %max3A_815 : vector<8x256xf32>
      %max3A_831 = arith.maximumf %max3A_808, %max3A_816 : vector<8x256xf32>
      %min3A_832 = arith.minimumf %max3A_808, %max3A_816 : vector<8x256xf32>
      %max3A_833 = arith.maximumf %max3A_817, %max3A_825 : vector<8x256xf32>
      %min3A_834 = arith.minimumf %max3A_817, %max3A_825 : vector<8x256xf32>
      %max3A_835 = arith.maximumf %max3A_819, %max3A_827 : vector<8x256xf32>
      %min3A_836 = arith.minimumf %max3A_819, %max3A_827 : vector<8x256xf32>
      %max3A_837 = arith.maximumf %max3A_821, %max3A_829 : vector<8x256xf32>
      %min3A_838 = arith.minimumf %max3A_821, %max3A_829 : vector<8x256xf32>
      %max3A_839 = arith.maximumf %max3A_823, %max3A_831 : vector<8x256xf32>
      %min3A_840 = arith.minimumf %max3A_823, %max3A_831 : vector<8x256xf32>
      %max3A_841 = arith.maximumf %max3A_833, %max3A_837 : vector<8x256xf32>
      %min3A_842 = arith.minimumf %max3A_833, %max3A_837 : vector<8x256xf32>
      %max3A_843 = arith.maximumf %max3A_835, %max3A_839 : vector<8x256xf32>
      %min3A_844 = arith.minimumf %max3A_835, %max3A_839 : vector<8x256xf32>
      %max3A_845 = arith.maximumf %max3A_841, %max3A_843 : vector<8x256xf32>
      %min3A_846 = arith.minimumf %max3A_841, %max3A_843 : vector<8x256xf32>
      %max3A_847 = arith.maximumf %min3A_842, %min3A_844 : vector<8x256xf32>
      %min3A_848 = arith.minimumf %min3A_842, %min3A_844 : vector<8x256xf32>
      %max3A_849 = arith.maximumf %min3A_834, %min3A_838 : vector<8x256xf32>
      %min3A_850 = arith.minimumf %min3A_834, %min3A_838 : vector<8x256xf32>
      %max3A_851 = arith.maximumf %min3A_836, %min3A_840 : vector<8x256xf32>
      %min3A_852 = arith.minimumf %min3A_836, %min3A_840 : vector<8x256xf32>
      %max3A_853 = arith.maximumf %max3A_849, %max3A_851 : vector<8x256xf32>
      %min3A_854 = arith.minimumf %max3A_849, %max3A_851 : vector<8x256xf32>
      %max3A_855 = arith.maximumf %min3A_850, %min3A_852 : vector<8x256xf32>
      %min3A_856 = arith.minimumf %min3A_850, %min3A_852 : vector<8x256xf32>
      %max3A_857 = arith.maximumf %min3A_818, %min3A_826 : vector<8x256xf32>
      %min3A_858 = arith.minimumf %min3A_818, %min3A_826 : vector<8x256xf32>
      %max3A_859 = arith.maximumf %min3A_820, %min3A_828 : vector<8x256xf32>
      %min3A_860 = arith.minimumf %min3A_820, %min3A_828 : vector<8x256xf32>
      %max3A_861 = arith.maximumf %min3A_822, %min3A_830 : vector<8x256xf32>
      %min3A_862 = arith.minimumf %min3A_822, %min3A_830 : vector<8x256xf32>
      %max3A_863 = arith.maximumf %min3A_824, %min3A_832 : vector<8x256xf32>
      %min3A_864 = arith.minimumf %min3A_824, %min3A_832 : vector<8x256xf32>
      %max3A_865 = arith.maximumf %max3A_857, %max3A_861 : vector<8x256xf32>
      %min3A_866 = arith.minimumf %max3A_857, %max3A_861 : vector<8x256xf32>
      %max3A_867 = arith.maximumf %max3A_859, %max3A_863 : vector<8x256xf32>
      %min3A_868 = arith.minimumf %max3A_859, %max3A_863 : vector<8x256xf32>
      %max3A_869 = arith.maximumf %max3A_865, %max3A_867 : vector<8x256xf32>
      %min3A_870 = arith.minimumf %max3A_865, %max3A_867 : vector<8x256xf32>
      %max3A_871 = arith.maximumf %min3A_866, %min3A_868 : vector<8x256xf32>
      %min3A_872 = arith.minimumf %min3A_866, %min3A_868 : vector<8x256xf32>
      %max3A_873 = arith.maximumf %min3A_858, %min3A_862 : vector<8x256xf32>
      %min3A_874 = arith.minimumf %min3A_858, %min3A_862 : vector<8x256xf32>
      %max3A_875 = arith.maximumf %min3A_860, %min3A_864 : vector<8x256xf32>
      %min3A_876 = arith.minimumf %min3A_860, %min3A_864 : vector<8x256xf32>
      %max3A_877 = arith.maximumf %max3A_873, %max3A_875 : vector<8x256xf32>
      %min3A_878 = arith.minimumf %max3A_873, %max3A_875 : vector<8x256xf32>
      %max3A_879 = arith.maximumf %min3A_874, %min3A_876 : vector<8x256xf32>
      %min3A_880 = arith.minimumf %min3A_874, %min3A_876 : vector<8x256xf32>
      %scan3A_881 = arith.constant 2 : i32
      %scan3A_882 = arith.addi %scan3A_374, %scan3A_881 : i32
      %mul3A_883 = arith.constant 128 : i32
      %mul3A_884 = arith.muli %scan3A_882, %mul3A_883 : i32
      %get3A_885 = arith.constant 0 : index
      %get3A_886 = arith.index_cast %mul3A_884 : i32 to index
      %get3A_887 = arith.constant 0 : index
      %get3A_888 = vector.load %arg2[%get3A_885, %get3A_886, %get3A_887] : memref<1x8192x256xf32, #tpu.memory_space<vmem>>, vector<1x128x256xf32>
      %get3A_889 = vector.shape_cast %get3A_888 : vector<1x128x256xf32> to vector<128x256xf32>
      %reshape3A_890 = vector.shape_cast %get3A_889 : vector<128x256xf32> to vector<16x8x256xf32>
      %slice3A_891 = vector.extract_strided_slice %reshape3A_890 {offsets = [0, 0, 0], sizes = [1, 8, 256], strides = [1, 1, 1]} : vector<16x8x256xf32> to vector<1x8x256xf32>
      %squeeze3A_892 = vector.shape_cast %slice3A_891 : vector<1x8x256xf32> to vector<8x256xf32>
      %slice3A_893 = vector.extract_strided_slice %reshape3A_890 {offsets = [1, 0, 0], sizes = [1, 8, 256], strides = [1, 1, 1]} : vector<16x8x256xf32> to vector<1x8x256xf32>
      %squeeze3A_894 = vector.shape_cast %slice3A_893 : vector<1x8x256xf32> to vector<8x256xf32>
      %slice3A_895 = vector.extract_strided_slice %reshape3A_890 {offsets = [2, 0, 0], sizes = [1, 8, 256], strides = [1, 1, 1]} : vector<16x8x256xf32> to vector<1x8x256xf32>
      %squeeze3A_896 = vector.shape_cast %slice3A_895 : vector<1x8x256xf32> to vector<8x256xf32>
      %slice3A_897 = vector.extract_strided_slice %reshape3A_890 {offsets = [3, 0, 0], sizes = [1, 8, 256], strides = [1, 1, 1]} : vector<16x8x256xf32> to vector<1x8x256xf32>
      %squeeze3A_898 = vector.shape_cast %slice3A_897 : vector<1x8x256xf32> to vector<8x256xf32>
      %slice3A_899 = vector.extract_strided_slice %reshape3A_890 {offsets = [4, 0, 0], sizes = [1, 8, 256], strides = [1, 1, 1]} : vector<16x8x256xf32> to vector<1x8x256xf32>
      %squeeze3A_900 = vector.shape_cast %slice3A_899 : vector<1x8x256xf32> to vector<8x256xf32>
      %slice3A_901 = vector.extract_strided_slice %reshape3A_890 {offsets = [5, 0, 0], sizes = [1, 8, 256], strides = [1, 1, 1]} : vector<16x8x256xf32> to vector<1x8x256xf32>
      %squeeze3A_902 = vector.shape_cast %slice3A_901 : vector<1x8x256xf32> to vector<8x256xf32>
      %slice3A_903 = vector.extract_strided_slice %reshape3A_890 {offsets = [6, 0, 0], sizes = [1, 8, 256], strides = [1, 1, 1]} : vector<16x8x256xf32> to vector<1x8x256xf32>
      %squeeze3A_904 = vector.shape_cast %slice3A_903 : vector<1x8x256xf32> to vector<8x256xf32>
      %slice3A_905 = vector.extract_strided_slice %reshape3A_890 {offsets = [7, 0, 0], sizes = [1, 8, 256], strides = [1, 1, 1]} : vector<16x8x256xf32> to vector<1x8x256xf32>
      %squeeze3A_906 = vector.shape_cast %slice3A_905 : vector<1x8x256xf32> to vector<8x256xf32>
      %slice3A_907 = vector.extract_strided_slice %reshape3A_890 {offsets = [8, 0, 0], sizes = [1, 8, 256], strides = [1, 1, 1]} : vector<16x8x256xf32> to vector<1x8x256xf32>
      %squeeze3A_908 = vector.shape_cast %slice3A_907 : vector<1x8x256xf32> to vector<8x256xf32>
      %slice3A_909 = vector.extract_strided_slice %reshape3A_890 {offsets = [9, 0, 0], sizes = [1, 8, 256], strides = [1, 1, 1]} : vector<16x8x256xf32> to vector<1x8x256xf32>
      %squeeze3A_910 = vector.shape_cast %slice3A_909 : vector<1x8x256xf32> to vector<8x256xf32>
      %slice3A_911 = vector.extract_strided_slice %reshape3A_890 {offsets = [10, 0, 0], sizes = [1, 8, 256], strides = [1, 1, 1]} : vector<16x8x256xf32> to vector<1x8x256xf32>
      %squeeze3A_912 = vector.shape_cast %slice3A_911 : vector<1x8x256xf32> to vector<8x256xf32>
      %slice3A_913 = vector.extract_strided_slice %reshape3A_890 {offsets = [11, 0, 0], sizes = [1, 8, 256], strides = [1, 1, 1]} : vector<16x8x256xf32> to vector<1x8x256xf32>
      %squeeze3A_914 = vector.shape_cast %slice3A_913 : vector<1x8x256xf32> to vector<8x256xf32>
      %slice3A_915 = vector.extract_strided_slice %reshape3A_890 {offsets = [12, 0, 0], sizes = [1, 8, 256], strides = [1, 1, 1]} : vector<16x8x256xf32> to vector<1x8x256xf32>
      %squeeze3A_916 = vector.shape_cast %slice3A_915 : vector<1x8x256xf32> to vector<8x256xf32>
      %slice3A_917 = vector.extract_strided_slice %reshape3A_890 {offsets = [13, 0, 0], sizes = [1, 8, 256], strides = [1, 1, 1]} : vector<16x8x256xf32> to vector<1x8x256xf32>
      %squeeze3A_918 = vector.shape_cast %slice3A_917 : vector<1x8x256xf32> to vector<8x256xf32>
      %slice3A_919 = vector.extract_strided_slice %reshape3A_890 {offsets = [14, 0, 0], sizes = [1, 8, 256], strides = [1, 1, 1]} : vector<16x8x256xf32> to vector<1x8x256xf32>
      %squeeze3A_920 = vector.shape_cast %slice3A_919 : vector<1x8x256xf32> to vector<8x256xf32>
      %slice3A_921 = vector.extract_strided_slice %reshape3A_890 {offsets = [15, 0, 0], sizes = [1, 8, 256], strides = [1, 1, 1]} : vector<16x8x256xf32> to vector<1x8x256xf32>
      %squeeze3A_922 = vector.shape_cast %slice3A_921 : vector<1x8x256xf32> to vector<8x256xf32>
      %max3A_923 = arith.maximumf %squeeze3A_892, %squeeze3A_894 : vector<8x256xf32>
      %min3A_924 = arith.minimumf %squeeze3A_892, %squeeze3A_894 : vector<8x256xf32>
      %max3A_925 = arith.maximumf %squeeze3A_896, %squeeze3A_898 : vector<8x256xf32>
      %min3A_926 = arith.minimumf %squeeze3A_896, %squeeze3A_898 : vector<8x256xf32>
      %max3A_927 = arith.maximumf %max3A_923, %max3A_925 : vector<8x256xf32>
      %min3A_928 = arith.minimumf %max3A_923, %max3A_925 : vector<8x256xf32>
      %max3A_929 = arith.maximumf %min3A_924, %min3A_926 : vector<8x256xf32>
      %min3A_930 = arith.minimumf %min3A_924, %min3A_926 : vector<8x256xf32>
      %max3A_931 = arith.maximumf %max3A_929, %min3A_928 : vector<8x256xf32>
      %min3A_932 = arith.minimumf %max3A_929, %min3A_928 : vector<8x256xf32>
      %max3A_933 = arith.maximumf %squeeze3A_900, %squeeze3A_902 : vector<8x256xf32>
      %min3A_934 = arith.minimumf %squeeze3A_900, %squeeze3A_902 : vector<8x256xf32>
      %max3A_935 = arith.maximumf %squeeze3A_904, %squeeze3A_906 : vector<8x256xf32>
      %min3A_936 = arith.minimumf %squeeze3A_904, %squeeze3A_906 : vector<8x256xf32>
      %max3A_937 = arith.maximumf %max3A_933, %max3A_935 : vector<8x256xf32>
      %min3A_938 = arith.minimumf %max3A_933, %max3A_935 : vector<8x256xf32>
      %max3A_939 = arith.maximumf %min3A_934, %min3A_936 : vector<8x256xf32>
      %min3A_940 = arith.minimumf %min3A_934, %min3A_936 : vector<8x256xf32>
      %max3A_941 = arith.maximumf %max3A_939, %min3A_938 : vector<8x256xf32>
      %min3A_942 = arith.minimumf %max3A_939, %min3A_938 : vector<8x256xf32>
      %max3A_943 = arith.maximumf %max3A_927, %max3A_937 : vector<8x256xf32>
      %min3A_944 = arith.minimumf %max3A_927, %max3A_937 : vector<8x256xf32>
      %max3A_945 = arith.maximumf %min3A_932, %min3A_942 : vector<8x256xf32>
      %min3A_946 = arith.minimumf %min3A_932, %min3A_942 : vector<8x256xf32>
      %max3A_947 = arith.maximumf %max3A_945, %min3A_944 : vector<8x256xf32>
      %min3A_948 = arith.minimumf %max3A_945, %min3A_944 : vector<8x256xf32>
      %max3A_949 = arith.maximumf %max3A_931, %max3A_941 : vector<8x256xf32>
      %min3A_950 = arith.minimumf %max3A_931, %max3A_941 : vector<8x256xf32>
      %max3A_951 = arith.maximumf %min3A_930, %min3A_940 : vector<8x256xf32>
      %min3A_952 = arith.minimumf %min3A_930, %min3A_940 : vector<8x256xf32>
      %max3A_953 = arith.maximumf %max3A_951, %min3A_950 : vector<8x256xf32>
      %min3A_954 = arith.minimumf %max3A_951, %min3A_950 : vector<8x256xf32>
      %max3A_955 = arith.maximumf %max3A_949, %max3A_947 : vector<8x256xf32>
      %min3A_956 = arith.minimumf %max3A_949, %max3A_947 : vector<8x256xf32>
      %max3A_957 = arith.maximumf %max3A_953, %min3A_948 : vector<8x256xf32>
      %min3A_958 = arith.minimumf %max3A_953, %min3A_948 : vector<8x256xf32>
      %max3A_959 = arith.maximumf %min3A_954, %min3A_946 : vector<8x256xf32>
      %min3A_960 = arith.minimumf %min3A_954, %min3A_946 : vector<8x256xf32>
      %max3A_961 = arith.maximumf %squeeze3A_908, %squeeze3A_910 : vector<8x256xf32>
      %min3A_962 = arith.minimumf %squeeze3A_908, %squeeze3A_910 : vector<8x256xf32>
      %max3A_963 = arith.maximumf %squeeze3A_912, %squeeze3A_914 : vector<8x256xf32>
      %min3A_964 = arith.minimumf %squeeze3A_912, %squeeze3A_914 : vector<8x256xf32>
      %max3A_965 = arith.maximumf %max3A_961, %max3A_963 : vector<8x256xf32>
      %min3A_966 = arith.minimumf %max3A_961, %max3A_963 : vector<8x256xf32>
      %max3A_967 = arith.maximumf %min3A_962, %min3A_964 : vector<8x256xf32>
      %min3A_968 = arith.minimumf %min3A_962, %min3A_964 : vector<8x256xf32>
      %max3A_969 = arith.maximumf %max3A_967, %min3A_966 : vector<8x256xf32>
      %min3A_970 = arith.minimumf %max3A_967, %min3A_966 : vector<8x256xf32>
      %max3A_971 = arith.maximumf %squeeze3A_916, %squeeze3A_918 : vector<8x256xf32>
      %min3A_972 = arith.minimumf %squeeze3A_916, %squeeze3A_918 : vector<8x256xf32>
      %max3A_973 = arith.maximumf %squeeze3A_920, %squeeze3A_922 : vector<8x256xf32>
      %min3A_974 = arith.minimumf %squeeze3A_920, %squeeze3A_922 : vector<8x256xf32>
      %max3A_975 = arith.maximumf %max3A_971, %max3A_973 : vector<8x256xf32>
      %min3A_976 = arith.minimumf %max3A_971, %max3A_973 : vector<8x256xf32>
      %max3A_977 = arith.maximumf %min3A_972, %min3A_974 : vector<8x256xf32>
      %min3A_978 = arith.minimumf %min3A_972, %min3A_974 : vector<8x256xf32>
      %max3A_979 = arith.maximumf %max3A_977, %min3A_976 : vector<8x256xf32>
      %min3A_980 = arith.minimumf %max3A_977, %min3A_976 : vector<8x256xf32>
      %max3A_981 = arith.maximumf %max3A_965, %max3A_975 : vector<8x256xf32>
      %min3A_982 = arith.minimumf %max3A_965, %max3A_975 : vector<8x256xf32>
      %max3A_983 = arith.maximumf %min3A_970, %min3A_980 : vector<8x256xf32>
      %min3A_984 = arith.minimumf %min3A_970, %min3A_980 : vector<8x256xf32>
      %max3A_985 = arith.maximumf %max3A_983, %min3A_982 : vector<8x256xf32>
      %min3A_986 = arith.minimumf %max3A_983, %min3A_982 : vector<8x256xf32>
      %max3A_987 = arith.maximumf %max3A_969, %max3A_979 : vector<8x256xf32>
      %min3A_988 = arith.minimumf %max3A_969, %max3A_979 : vector<8x256xf32>
      %max3A_989 = arith.maximumf %min3A_968, %min3A_978 : vector<8x256xf32>
      %min3A_990 = arith.minimumf %min3A_968, %min3A_978 : vector<8x256xf32>
      %max3A_991 = arith.maximumf %max3A_989, %min3A_988 : vector<8x256xf32>
      %min3A_992 = arith.minimumf %max3A_989, %min3A_988 : vector<8x256xf32>
      %max3A_993 = arith.maximumf %max3A_987, %max3A_985 : vector<8x256xf32>
      %min3A_994 = arith.minimumf %max3A_987, %max3A_985 : vector<8x256xf32>
      %max3A_995 = arith.maximumf %max3A_991, %min3A_986 : vector<8x256xf32>
      %min3A_996 = arith.minimumf %max3A_991, %min3A_986 : vector<8x256xf32>
      %max3A_997 = arith.maximumf %min3A_992, %min3A_984 : vector<8x256xf32>
      %min3A_998 = arith.minimumf %min3A_992, %min3A_984 : vector<8x256xf32>
      %max3A_999 = arith.maximumf %max3A_943, %max3A_981 : vector<8x256xf32>
      %min3A_1000 = arith.minimumf %max3A_943, %max3A_981 : vector<8x256xf32>
      %max3A_1001 = arith.maximumf %min3A_958, %min3A_996 : vector<8x256xf32>
      %min3A_1002 = arith.minimumf %min3A_958, %min3A_996 : vector<8x256xf32>
      %max3A_1003 = arith.maximumf %max3A_1001, %min3A_1000 : vector<8x256xf32>
      %min3A_1004 = arith.minimumf %max3A_1001, %min3A_1000 : vector<8x256xf32>
      %max3A_1005 = arith.maximumf %min3A_956, %min3A_994 : vector<8x256xf32>
      %min3A_1006 = arith.minimumf %min3A_956, %min3A_994 : vector<8x256xf32>
      %max3A_1007 = arith.maximumf %min3A_960, %min3A_998 : vector<8x256xf32>
      %min3A_1008 = arith.minimumf %min3A_960, %min3A_998 : vector<8x256xf32>
      %max3A_1009 = arith.maximumf %max3A_1007, %min3A_1006 : vector<8x256xf32>
      %min3A_1010 = arith.minimumf %max3A_1007, %min3A_1006 : vector<8x256xf32>
      %max3A_1011 = arith.maximumf %max3A_1005, %max3A_1003 : vector<8x256xf32>
      %min3A_1012 = arith.minimumf %max3A_1005, %max3A_1003 : vector<8x256xf32>
      %max3A_1013 = arith.maximumf %max3A_1009, %min3A_1004 : vector<8x256xf32>
      %min3A_1014 = arith.minimumf %max3A_1009, %min3A_1004 : vector<8x256xf32>
      %max3A_1015 = arith.maximumf %min3A_1010, %min3A_1002 : vector<8x256xf32>
      %min3A_1016 = arith.minimumf %min3A_1010, %min3A_1002 : vector<8x256xf32>
      %max3A_1017 = arith.maximumf %max3A_955, %max3A_993 : vector<8x256xf32>
      %min3A_1018 = arith.minimumf %max3A_955, %max3A_993 : vector<8x256xf32>
      %max3A_1019 = arith.maximumf %max3A_959, %max3A_997 : vector<8x256xf32>
      %min3A_1020 = arith.minimumf %max3A_959, %max3A_997 : vector<8x256xf32>
      %max3A_1021 = arith.maximumf %max3A_1019, %min3A_1018 : vector<8x256xf32>
      %min3A_1022 = arith.minimumf %max3A_1019, %min3A_1018 : vector<8x256xf32>
      %max3A_1023 = arith.maximumf %max3A_957, %max3A_995 : vector<8x256xf32>
      %min3A_1024 = arith.minimumf %max3A_957, %max3A_995 : vector<8x256xf32>
      %max3A_1025 = arith.maximumf %min3A_952, %min3A_990 : vector<8x256xf32>
      %min3A_1026 = arith.minimumf %min3A_952, %min3A_990 : vector<8x256xf32>
      %max3A_1027 = arith.maximumf %max3A_1025, %min3A_1024 : vector<8x256xf32>
      %min3A_1028 = arith.minimumf %max3A_1025, %min3A_1024 : vector<8x256xf32>
      %max3A_1029 = arith.maximumf %max3A_1023, %max3A_1021 : vector<8x256xf32>
      %min3A_1030 = arith.minimumf %max3A_1023, %max3A_1021 : vector<8x256xf32>
      %max3A_1031 = arith.maximumf %max3A_1027, %min3A_1022 : vector<8x256xf32>
      %min3A_1032 = arith.minimumf %max3A_1027, %min3A_1022 : vector<8x256xf32>
      %max3A_1033 = arith.maximumf %min3A_1028, %min3A_1020 : vector<8x256xf32>
      %min3A_1034 = arith.minimumf %min3A_1028, %min3A_1020 : vector<8x256xf32>
      %max3A_1035 = arith.maximumf %max3A_1017, %max3A_1011 : vector<8x256xf32>
      %min3A_1036 = arith.minimumf %max3A_1017, %max3A_1011 : vector<8x256xf32>
      %max3A_1037 = arith.maximumf %max3A_1029, %min3A_1012 : vector<8x256xf32>
      %min3A_1038 = arith.minimumf %max3A_1029, %min3A_1012 : vector<8x256xf32>
      %max3A_1039 = arith.maximumf %min3A_1030, %max3A_1013 : vector<8x256xf32>
      %min3A_1040 = arith.minimumf %min3A_1030, %max3A_1013 : vector<8x256xf32>
      %max3A_1041 = arith.maximumf %max3A_1031, %min3A_1014 : vector<8x256xf32>
      %min3A_1042 = arith.minimumf %max3A_1031, %min3A_1014 : vector<8x256xf32>
      %max3A_1043 = arith.maximumf %min3A_1032, %max3A_1015 : vector<8x256xf32>
      %min3A_1044 = arith.minimumf %min3A_1032, %max3A_1015 : vector<8x256xf32>
      %max3A_1045 = arith.maximumf %max3A_1033, %min3A_1016 : vector<8x256xf32>
      %min3A_1046 = arith.minimumf %max3A_1033, %min3A_1016 : vector<8x256xf32>
      %max3A_1047 = arith.maximumf %min3A_1034, %min3A_1008 : vector<8x256xf32>
      %min3A_1048 = arith.minimumf %min3A_1034, %min3A_1008 : vector<8x256xf32>
      %max3A_1049 = arith.maximumf %max3A_845, %min3A_1026 : vector<8x256xf32>
      %max3A_1050 = arith.maximumf %min3A_846, %min3A_1048 : vector<8x256xf32>
      %max3A_1051 = arith.maximumf %max3A_847, %max3A_1047 : vector<8x256xf32>
      %max3A_1052 = arith.maximumf %min3A_848, %min3A_1046 : vector<8x256xf32>
      %max3A_1053 = arith.maximumf %max3A_853, %max3A_1045 : vector<8x256xf32>
      %max3A_1054 = arith.maximumf %min3A_854, %min3A_1044 : vector<8x256xf32>
      %max3A_1055 = arith.maximumf %max3A_855, %max3A_1043 : vector<8x256xf32>
      %max3A_1056 = arith.maximumf %min3A_856, %min3A_1042 : vector<8x256xf32>
      %max3A_1057 = arith.maximumf %max3A_869, %max3A_1041 : vector<8x256xf32>
      %max3A_1058 = arith.maximumf %min3A_870, %min3A_1040 : vector<8x256xf32>
      %max3A_1059 = arith.maximumf %max3A_871, %max3A_1039 : vector<8x256xf32>
      %max3A_1060 = arith.maximumf %min3A_872, %min3A_1038 : vector<8x256xf32>
      %max3A_1061 = arith.maximumf %max3A_877, %max3A_1037 : vector<8x256xf32>
      %max3A_1062 = arith.maximumf %min3A_878, %min3A_1036 : vector<8x256xf32>
      %max3A_1063 = arith.maximumf %max3A_879, %max3A_1035 : vector<8x256xf32>
      %max3A_1064 = arith.maximumf %min3A_880, %max3A_999 : vector<8x256xf32>
      %max3A_1065 = arith.maximumf %max3A_1049, %max3A_1057 : vector<8x256xf32>
      %min3A_1066 = arith.minimumf %max3A_1049, %max3A_1057 : vector<8x256xf32>
      %max3A_1067 = arith.maximumf %max3A_1050, %max3A_1058 : vector<8x256xf32>
      %min3A_1068 = arith.minimumf %max3A_1050, %max3A_1058 : vector<8x256xf32>
      %max3A_1069 = arith.maximumf %max3A_1051, %max3A_1059 : vector<8x256xf32>
      %min3A_1070 = arith.minimumf %max3A_1051, %max3A_1059 : vector<8x256xf32>
      %max3A_1071 = arith.maximumf %max3A_1052, %max3A_1060 : vector<8x256xf32>
      %min3A_1072 = arith.minimumf %max3A_1052, %max3A_1060 : vector<8x256xf32>
      %max3A_1073 = arith.maximumf %max3A_1053, %max3A_1061 : vector<8x256xf32>
      %min3A_1074 = arith.minimumf %max3A_1053, %max3A_1061 : vector<8x256xf32>
      %max3A_1075 = arith.maximumf %max3A_1054, %max3A_1062 : vector<8x256xf32>
      %min3A_1076 = arith.minimumf %max3A_1054, %max3A_1062 : vector<8x256xf32>
      %max3A_1077 = arith.maximumf %max3A_1055, %max3A_1063 : vector<8x256xf32>
      %min3A_1078 = arith.minimumf %max3A_1055, %max3A_1063 : vector<8x256xf32>
      %max3A_1079 = arith.maximumf %max3A_1056, %max3A_1064 : vector<8x256xf32>
      %min3A_1080 = arith.minimumf %max3A_1056, %max3A_1064 : vector<8x256xf32>
      %max3A_1081 = arith.maximumf %max3A_1065, %max3A_1073 : vector<8x256xf32>
      %min3A_1082 = arith.minimumf %max3A_1065, %max3A_1073 : vector<8x256xf32>
      %max3A_1083 = arith.maximumf %max3A_1067, %max3A_1075 : vector<8x256xf32>
      %min3A_1084 = arith.minimumf %max3A_1067, %max3A_1075 : vector<8x256xf32>
      %max3A_1085 = arith.maximumf %max3A_1069, %max3A_1077 : vector<8x256xf32>
      %min3A_1086 = arith.minimumf %max3A_1069, %max3A_1077 : vector<8x256xf32>
      %max3A_1087 = arith.maximumf %max3A_1071, %max3A_1079 : vector<8x256xf32>
      %min3A_1088 = arith.minimumf %max3A_1071, %max3A_1079 : vector<8x256xf32>
      %max3A_1089 = arith.maximumf %max3A_1081, %max3A_1085 : vector<8x256xf32>
      %min3A_1090 = arith.minimumf %max3A_1081, %max3A_1085 : vector<8x256xf32>
      %max3A_1091 = arith.maximumf %max3A_1083, %max3A_1087 : vector<8x256xf32>
      %min3A_1092 = arith.minimumf %max3A_1083, %max3A_1087 : vector<8x256xf32>
      %max3A_1093 = arith.maximumf %max3A_1089, %max3A_1091 : vector<8x256xf32>
      %min3A_1094 = arith.minimumf %max3A_1089, %max3A_1091 : vector<8x256xf32>
      %max3A_1095 = arith.maximumf %min3A_1090, %min3A_1092 : vector<8x256xf32>
      %min3A_1096 = arith.minimumf %min3A_1090, %min3A_1092 : vector<8x256xf32>
      %max3A_1097 = arith.maximumf %min3A_1082, %min3A_1086 : vector<8x256xf32>
      %min3A_1098 = arith.minimumf %min3A_1082, %min3A_1086 : vector<8x256xf32>
      %max3A_1099 = arith.maximumf %min3A_1084, %min3A_1088 : vector<8x256xf32>
      %min3A_1100 = arith.minimumf %min3A_1084, %min3A_1088 : vector<8x256xf32>
      %max3A_1101 = arith.maximumf %max3A_1097, %max3A_1099 : vector<8x256xf32>
      %min3A_1102 = arith.minimumf %max3A_1097, %max3A_1099 : vector<8x256xf32>
      %max3A_1103 = arith.maximumf %min3A_1098, %min3A_1100 : vector<8x256xf32>
      %min3A_1104 = arith.minimumf %min3A_1098, %min3A_1100 : vector<8x256xf32>
      %max3A_1105 = arith.maximumf %min3A_1066, %min3A_1074 : vector<8x256xf32>
      %min3A_1106 = arith.minimumf %min3A_1066, %min3A_1074 : vector<8x256xf32>
      %max3A_1107 = arith.maximumf %min3A_1068, %min3A_1076 : vector<8x256xf32>
      %min3A_1108 = arith.minimumf %min3A_1068, %min3A_1076 : vector<8x256xf32>
      %max3A_1109 = arith.maximumf %min3A_1070, %min3A_1078 : vector<8x256xf32>
      %min3A_1110 = arith.minimumf %min3A_1070, %min3A_1078 : vector<8x256xf32>
      %max3A_1111 = arith.maximumf %min3A_1072, %min3A_1080 : vector<8x256xf32>
      %min3A_1112 = arith.minimumf %min3A_1072, %min3A_1080 : vector<8x256xf32>
      %max3A_1113 = arith.maximumf %max3A_1105, %max3A_1109 : vector<8x256xf32>
      %min3A_1114 = arith.minimumf %max3A_1105, %max3A_1109 : vector<8x256xf32>
      %max3A_1115 = arith.maximumf %max3A_1107, %max3A_1111 : vector<8x256xf32>
      %min3A_1116 = arith.minimumf %max3A_1107, %max3A_1111 : vector<8x256xf32>
      %max3A_1117 = arith.maximumf %max3A_1113, %max3A_1115 : vector<8x256xf32>
      %min3A_1118 = arith.minimumf %max3A_1113, %max3A_1115 : vector<8x256xf32>
      %max3A_1119 = arith.maximumf %min3A_1114, %min3A_1116 : vector<8x256xf32>
      %min3A_1120 = arith.minimumf %min3A_1114, %min3A_1116 : vector<8x256xf32>
      %max3A_1121 = arith.maximumf %min3A_1106, %min3A_1110 : vector<8x256xf32>
      %min3A_1122 = arith.minimumf %min3A_1106, %min3A_1110 : vector<8x256xf32>
      %max3A_1123 = arith.maximumf %min3A_1108, %min3A_1112 : vector<8x256xf32>
      %min3A_1124 = arith.minimumf %min3A_1108, %min3A_1112 : vector<8x256xf32>
      %max3A_1125 = arith.maximumf %max3A_1121, %max3A_1123 : vector<8x256xf32>
      %min3A_1126 = arith.minimumf %max3A_1121, %max3A_1123 : vector<8x256xf32>
      %max3A_1127 = arith.maximumf %min3A_1122, %min3A_1124 : vector<8x256xf32>
      %min3A_1128 = arith.minimumf %min3A_1122, %min3A_1124 : vector<8x256xf32>
      %scan3A_1129 = arith.constant 3 : i32
      %scan3A_1130 = arith.addi %scan3A_374, %scan3A_1129 : i32
      %mul3A_1131 = arith.constant 128 : i32
      %mul3A_1132 = arith.muli %scan3A_1130, %mul3A_1131 : i32
      %get3A_1133 = arith.constant 0 : index
      %get3A_1134 = arith.index_cast %mul3A_1132 : i32 to index
      %get3A_1135 = arith.constant 0 : index
      %get3A_1136 = vector.load %arg2[%get3A_1133, %get3A_1134, %get3A_1135] : memref<1x8192x256xf32, #tpu.memory_space<vmem>>, vector<1x128x256xf32>
      %get3A_1137 = vector.shape_cast %get3A_1136 : vector<1x128x256xf32> to vector<128x256xf32>
      %reshape3A_1138 = vector.shape_cast %get3A_1137 : vector<128x256xf32> to vector<16x8x256xf32>
      %slice3A_1139 = vector.extract_strided_slice %reshape3A_1138 {offsets = [0, 0, 0], sizes = [1, 8, 256], strides = [1, 1, 1]} : vector<16x8x256xf32> to vector<1x8x256xf32>
      %squeeze3A_1140 = vector.shape_cast %slice3A_1139 : vector<1x8x256xf32> to vector<8x256xf32>
      %slice3A_1141 = vector.extract_strided_slice %reshape3A_1138 {offsets = [1, 0, 0], sizes = [1, 8, 256], strides = [1, 1, 1]} : vector<16x8x256xf32> to vector<1x8x256xf32>
      %squeeze3A_1142 = vector.shape_cast %slice3A_1141 : vector<1x8x256xf32> to vector<8x256xf32>
      %slice3A_1143 = vector.extract_strided_slice %reshape3A_1138 {offsets = [2, 0, 0], sizes = [1, 8, 256], strides = [1, 1, 1]} : vector<16x8x256xf32> to vector<1x8x256xf32>
      %squeeze3A_1144 = vector.shape_cast %slice3A_1143 : vector<1x8x256xf32> to vector<8x256xf32>
      %slice3A_1145 = vector.extract_strided_slice %reshape3A_1138 {offsets = [3, 0, 0], sizes = [1, 8, 256], strides = [1, 1, 1]} : vector<16x8x256xf32> to vector<1x8x256xf32>
      %squeeze3A_1146 = vector.shape_cast %slice3A_1145 : vector<1x8x256xf32> to vector<8x256xf32>
      %slice3A_1147 = vector.extract_strided_slice %reshape3A_1138 {offsets = [4, 0, 0], sizes = [1, 8, 256], strides = [1, 1, 1]} : vector<16x8x256xf32> to vector<1x8x256xf32>
      %squeeze3A_1148 = vector.shape_cast %slice3A_1147 : vector<1x8x256xf32> to vector<8x256xf32>
      %slice3A_1149 = vector.extract_strided_slice %reshape3A_1138 {offsets = [5, 0, 0], sizes = [1, 8, 256], strides = [1, 1, 1]} : vector<16x8x256xf32> to vector<1x8x256xf32>
      %squeeze3A_1150 = vector.shape_cast %slice3A_1149 : vector<1x8x256xf32> to vector<8x256xf32>
      %slice3A_1151 = vector.extract_strided_slice %reshape3A_1138 {offsets = [6, 0, 0], sizes = [1, 8, 256], strides = [1, 1, 1]} : vector<16x8x256xf32> to vector<1x8x256xf32>
      %squeeze3A_1152 = vector.shape_cast %slice3A_1151 : vector<1x8x256xf32> to vector<8x256xf32>
      %slice3A_1153 = vector.extract_strided_slice %reshape3A_1138 {offsets = [7, 0, 0], sizes = [1, 8, 256], strides = [1, 1, 1]} : vector<16x8x256xf32> to vector<1x8x256xf32>
      %squeeze3A_1154 = vector.shape_cast %slice3A_1153 : vector<1x8x256xf32> to vector<8x256xf32>
      %slice3A_1155 = vector.extract_strided_slice %reshape3A_1138 {offsets = [8, 0, 0], sizes = [1, 8, 256], strides = [1, 1, 1]} : vector<16x8x256xf32> to vector<1x8x256xf32>
      %squeeze3A_1156 = vector.shape_cast %slice3A_1155 : vector<1x8x256xf32> to vector<8x256xf32>
      %slice3A_1157 = vector.extract_strided_slice %reshape3A_1138 {offsets = [9, 0, 0], sizes = [1, 8, 256], strides = [1, 1, 1]} : vector<16x8x256xf32> to vector<1x8x256xf32>
      %squeeze3A_1158 = vector.shape_cast %slice3A_1157 : vector<1x8x256xf32> to vector<8x256xf32>
      %slice3A_1159 = vector.extract_strided_slice %reshape3A_1138 {offsets = [10, 0, 0], sizes = [1, 8, 256], strides = [1, 1, 1]} : vector<16x8x256xf32> to vector<1x8x256xf32>
      %squeeze3A_1160 = vector.shape_cast %slice3A_1159 : vector<1x8x256xf32> to vector<8x256xf32>
      %slice3A_1161 = vector.extract_strided_slice %reshape3A_1138 {offsets = [11, 0, 0], sizes = [1, 8, 256], strides = [1, 1, 1]} : vector<16x8x256xf32> to vector<1x8x256xf32>
      %squeeze3A_1162 = vector.shape_cast %slice3A_1161 : vector<1x8x256xf32> to vector<8x256xf32>
      %slice3A_1163 = vector.extract_strided_slice %reshape3A_1138 {offsets = [12, 0, 0], sizes = [1, 8, 256], strides = [1, 1, 1]} : vector<16x8x256xf32> to vector<1x8x256xf32>
      %squeeze3A_1164 = vector.shape_cast %slice3A_1163 : vector<1x8x256xf32> to vector<8x256xf32>
      %slice3A_1165 = vector.extract_strided_slice %reshape3A_1138 {offsets = [13, 0, 0], sizes = [1, 8, 256], strides = [1, 1, 1]} : vector<16x8x256xf32> to vector<1x8x256xf32>
      %squeeze3A_1166 = vector.shape_cast %slice3A_1165 : vector<1x8x256xf32> to vector<8x256xf32>
      %slice3A_1167 = vector.extract_strided_slice %reshape3A_1138 {offsets = [14, 0, 0], sizes = [1, 8, 256], strides = [1, 1, 1]} : vector<16x8x256xf32> to vector<1x8x256xf32>
      %squeeze3A_1168 = vector.shape_cast %slice3A_1167 : vector<1x8x256xf32> to vector<8x256xf32>
      %slice3A_1169 = vector.extract_strided_slice %reshape3A_1138 {offsets = [15, 0, 0], sizes = [1, 8, 256], strides = [1, 1, 1]} : vector<16x8x256xf32> to vector<1x8x256xf32>
      %squeeze3A_1170 = vector.shape_cast %slice3A_1169 : vector<1x8x256xf32> to vector<8x256xf32>
      %max3A_1171 = arith.maximumf %squeeze3A_1140, %squeeze3A_1142 : vector<8x256xf32>
      %min3A_1172 = arith.minimumf %squeeze3A_1140, %squeeze3A_1142 : vector<8x256xf32>
      %max3A_1173 = arith.maximumf %squeeze3A_1144, %squeeze3A_1146 : vector<8x256xf32>
      %min3A_1174 = arith.minimumf %squeeze3A_1144, %squeeze3A_1146 : vector<8x256xf32>
      %max3A_1175 = arith.maximumf %max3A_1171, %max3A_1173 : vector<8x256xf32>
      %min3A_1176 = arith.minimumf %max3A_1171, %max3A_1173 : vector<8x256xf32>
      %max3A_1177 = arith.maximumf %min3A_1172, %min3A_1174 : vector<8x256xf32>
      %min3A_1178 = arith.minimumf %min3A_1172, %min3A_1174 : vector<8x256xf32>
      %max3A_1179 = arith.maximumf %max3A_1177, %min3A_1176 : vector<8x256xf32>
      %min3A_1180 = arith.minimumf %max3A_1177, %min3A_1176 : vector<8x256xf32>
      %max3A_1181 = arith.maximumf %squeeze3A_1148, %squeeze3A_1150 : vector<8x256xf32>
      %min3A_1182 = arith.minimumf %squeeze3A_1148, %squeeze3A_1150 : vector<8x256xf32>
      %max3A_1183 = arith.maximumf %squeeze3A_1152, %squeeze3A_1154 : vector<8x256xf32>
      %min3A_1184 = arith.minimumf %squeeze3A_1152, %squeeze3A_1154 : vector<8x256xf32>
      %max3A_1185 = arith.maximumf %max3A_1181, %max3A_1183 : vector<8x256xf32>
      %min3A_1186 = arith.minimumf %max3A_1181, %max3A_1183 : vector<8x256xf32>
      %max3A_1187 = arith.maximumf %min3A_1182, %min3A_1184 : vector<8x256xf32>
      %min3A_1188 = arith.minimumf %min3A_1182, %min3A_1184 : vector<8x256xf32>
      %max3A_1189 = arith.maximumf %max3A_1187, %min3A_1186 : vector<8x256xf32>
      %min3A_1190 = arith.minimumf %max3A_1187, %min3A_1186 : vector<8x256xf32>
      %max3A_1191 = arith.maximumf %max3A_1175, %max3A_1185 : vector<8x256xf32>
      %min3A_1192 = arith.minimumf %max3A_1175, %max3A_1185 : vector<8x256xf32>
      %max3A_1193 = arith.maximumf %min3A_1180, %min3A_1190 : vector<8x256xf32>
      %min3A_1194 = arith.minimumf %min3A_1180, %min3A_1190 : vector<8x256xf32>
      %max3A_1195 = arith.maximumf %max3A_1193, %min3A_1192 : vector<8x256xf32>
      %min3A_1196 = arith.minimumf %max3A_1193, %min3A_1192 : vector<8x256xf32>
      %max3A_1197 = arith.maximumf %max3A_1179, %max3A_1189 : vector<8x256xf32>
      %min3A_1198 = arith.minimumf %max3A_1179, %max3A_1189 : vector<8x256xf32>
      %max3A_1199 = arith.maximumf %min3A_1178, %min3A_1188 : vector<8x256xf32>
      %min3A_1200 = arith.minimumf %min3A_1178, %min3A_1188 : vector<8x256xf32>
      %max3A_1201 = arith.maximumf %max3A_1199, %min3A_1198 : vector<8x256xf32>
      %min3A_1202 = arith.minimumf %max3A_1199, %min3A_1198 : vector<8x256xf32>
      %max3A_1203 = arith.maximumf %max3A_1197, %max3A_1195 : vector<8x256xf32>
      %min3A_1204 = arith.minimumf %max3A_1197, %max3A_1195 : vector<8x256xf32>
      %max3A_1205 = arith.maximumf %max3A_1201, %min3A_1196 : vector<8x256xf32>
      %min3A_1206 = arith.minimumf %max3A_1201, %min3A_1196 : vector<8x256xf32>
      %max3A_1207 = arith.maximumf %min3A_1202, %min3A_1194 : vector<8x256xf32>
      %min3A_1208 = arith.minimumf %min3A_1202, %min3A_1194 : vector<8x256xf32>
      %max3A_1209 = arith.maximumf %squeeze3A_1156, %squeeze3A_1158 : vector<8x256xf32>
      %min3A_1210 = arith.minimumf %squeeze3A_1156, %squeeze3A_1158 : vector<8x256xf32>
      %max3A_1211 = arith.maximumf %squeeze3A_1160, %squeeze3A_1162 : vector<8x256xf32>
      %min3A_1212 = arith.minimumf %squeeze3A_1160, %squeeze3A_1162 : vector<8x256xf32>
      %max3A_1213 = arith.maximumf %max3A_1209, %max3A_1211 : vector<8x256xf32>
      %min3A_1214 = arith.minimumf %max3A_1209, %max3A_1211 : vector<8x256xf32>
      %max3A_1215 = arith.maximumf %min3A_1210, %min3A_1212 : vector<8x256xf32>
      %min3A_1216 = arith.minimumf %min3A_1210, %min3A_1212 : vector<8x256xf32>
      %max3A_1217 = arith.maximumf %max3A_1215, %min3A_1214 : vector<8x256xf32>
      %min3A_1218 = arith.minimumf %max3A_1215, %min3A_1214 : vector<8x256xf32>
      %max3A_1219 = arith.maximumf %squeeze3A_1164, %squeeze3A_1166 : vector<8x256xf32>
      %min3A_1220 = arith.minimumf %squeeze3A_1164, %squeeze3A_1166 : vector<8x256xf32>
      %max3A_1221 = arith.maximumf %squeeze3A_1168, %squeeze3A_1170 : vector<8x256xf32>
      %min3A_1222 = arith.minimumf %squeeze3A_1168, %squeeze3A_1170 : vector<8x256xf32>
      %max3A_1223 = arith.maximumf %max3A_1219, %max3A_1221 : vector<8x256xf32>
      %min3A_1224 = arith.minimumf %max3A_1219, %max3A_1221 : vector<8x256xf32>
      %max3A_1225 = arith.maximumf %min3A_1220, %min3A_1222 : vector<8x256xf32>
      %min3A_1226 = arith.minimumf %min3A_1220, %min3A_1222 : vector<8x256xf32>
      %max3A_1227 = arith.maximumf %max3A_1225, %min3A_1224 : vector<8x256xf32>
      %min3A_1228 = arith.minimumf %max3A_1225, %min3A_1224 : vector<8x256xf32>
      %max3A_1229 = arith.maximumf %max3A_1213, %max3A_1223 : vector<8x256xf32>
      %min3A_1230 = arith.minimumf %max3A_1213, %max3A_1223 : vector<8x256xf32>
      %max3A_1231 = arith.maximumf %min3A_1218, %min3A_1228 : vector<8x256xf32>
      %min3A_1232 = arith.minimumf %min3A_1218, %min3A_1228 : vector<8x256xf32>
      %max3A_1233 = arith.maximumf %max3A_1231, %min3A_1230 : vector<8x256xf32>
      %min3A_1234 = arith.minimumf %max3A_1231, %min3A_1230 : vector<8x256xf32>
      %max3A_1235 = arith.maximumf %max3A_1217, %max3A_1227 : vector<8x256xf32>
      %min3A_1236 = arith.minimumf %max3A_1217, %max3A_1227 : vector<8x256xf32>
      %max3A_1237 = arith.maximumf %min3A_1216, %min3A_1226 : vector<8x256xf32>
      %min3A_1238 = arith.minimumf %min3A_1216, %min3A_1226 : vector<8x256xf32>
      %max3A_1239 = arith.maximumf %max3A_1237, %min3A_1236 : vector<8x256xf32>
      %min3A_1240 = arith.minimumf %max3A_1237, %min3A_1236 : vector<8x256xf32>
      %max3A_1241 = arith.maximumf %max3A_1235, %max3A_1233 : vector<8x256xf32>
      %min3A_1242 = arith.minimumf %max3A_1235, %max3A_1233 : vector<8x256xf32>
      %max3A_1243 = arith.maximumf %max3A_1239, %min3A_1234 : vector<8x256xf32>
      %min3A_1244 = arith.minimumf %max3A_1239, %min3A_1234 : vector<8x256xf32>
      %max3A_1245 = arith.maximumf %min3A_1240, %min3A_1232 : vector<8x256xf32>
      %min3A_1246 = arith.minimumf %min3A_1240, %min3A_1232 : vector<8x256xf32>
      %max3A_1247 = arith.maximumf %max3A_1191, %max3A_1229 : vector<8x256xf32>
      %min3A_1248 = arith.minimumf %max3A_1191, %max3A_1229 : vector<8x256xf32>
      %max3A_1249 = arith.maximumf %min3A_1206, %min3A_1244 : vector<8x256xf32>
      %min3A_1250 = arith.minimumf %min3A_1206, %min3A_1244 : vector<8x256xf32>
      %max3A_1251 = arith.maximumf %max3A_1249, %min3A_1248 : vector<8x256xf32>
      %min3A_1252 = arith.minimumf %max3A_1249, %min3A_1248 : vector<8x256xf32>
      %max3A_1253 = arith.maximumf %min3A_1204, %min3A_1242 : vector<8x256xf32>
      %min3A_1254 = arith.minimumf %min3A_1204, %min3A_1242 : vector<8x256xf32>
      %max3A_1255 = arith.maximumf %min3A_1208, %min3A_1246 : vector<8x256xf32>
      %min3A_1256 = arith.minimumf %min3A_1208, %min3A_1246 : vector<8x256xf32>
      %max3A_1257 = arith.maximumf %max3A_1255, %min3A_1254 : vector<8x256xf32>
      %min3A_1258 = arith.minimumf %max3A_1255, %min3A_1254 : vector<8x256xf32>
      %max3A_1259 = arith.maximumf %max3A_1253, %max3A_1251 : vector<8x256xf32>
      %min3A_1260 = arith.minimumf %max3A_1253, %max3A_1251 : vector<8x256xf32>
      %max3A_1261 = arith.maximumf %max3A_1257, %min3A_1252 : vector<8x256xf32>
      %min3A_1262 = arith.minimumf %max3A_1257, %min3A_1252 : vector<8x256xf32>
      %max3A_1263 = arith.maximumf %min3A_1258, %min3A_1250 : vector<8x256xf32>
      %min3A_1264 = arith.minimumf %min3A_1258, %min3A_1250 : vector<8x256xf32>
      %max3A_1265 = arith.maximumf %max3A_1203, %max3A_1241 : vector<8x256xf32>
      %min3A_1266 = arith.minimumf %max3A_1203, %max3A_1241 : vector<8x256xf32>
      %max3A_1267 = arith.maximumf %max3A_1207, %max3A_1245 : vector<8x256xf32>
      %min3A_1268 = arith.minimumf %max3A_1207, %max3A_1245 : vector<8x256xf32>
      %max3A_1269 = arith.maximumf %max3A_1267, %min3A_1266 : vector<8x256xf32>
      %min3A_1270 = arith.minimumf %max3A_1267, %min3A_1266 : vector<8x256xf32>
      %max3A_1271 = arith.maximumf %max3A_1205, %max3A_1243 : vector<8x256xf32>
      %min3A_1272 = arith.minimumf %max3A_1205, %max3A_1243 : vector<8x256xf32>
      %max3A_1273 = arith.maximumf %min3A_1200, %min3A_1238 : vector<8x256xf32>
      %min3A_1274 = arith.minimumf %min3A_1200, %min3A_1238 : vector<8x256xf32>
      %max3A_1275 = arith.maximumf %max3A_1273, %min3A_1272 : vector<8x256xf32>
      %min3A_1276 = arith.minimumf %max3A_1273, %min3A_1272 : vector<8x256xf32>
      %max3A_1277 = arith.maximumf %max3A_1271, %max3A_1269 : vector<8x256xf32>
      %min3A_1278 = arith.minimumf %max3A_1271, %max3A_1269 : vector<8x256xf32>
      %max3A_1279 = arith.maximumf %max3A_1275, %min3A_1270 : vector<8x256xf32>
      %min3A_1280 = arith.minimumf %max3A_1275, %min3A_1270 : vector<8x256xf32>
      %max3A_1281 = arith.maximumf %min3A_1276, %min3A_1268 : vector<8x256xf32>
      %min3A_1282 = arith.minimumf %min3A_1276, %min3A_1268 : vector<8x256xf32>
      %max3A_1283 = arith.maximumf %max3A_1265, %max3A_1259 : vector<8x256xf32>
      %min3A_1284 = arith.minimumf %max3A_1265, %max3A_1259 : vector<8x256xf32>
      %max3A_1285 = arith.maximumf %max3A_1277, %min3A_1260 : vector<8x256xf32>
      %min3A_1286 = arith.minimumf %max3A_1277, %min3A_1260 : vector<8x256xf32>
      %max3A_1287 = arith.maximumf %min3A_1278, %max3A_1261 : vector<8x256xf32>
      %min3A_1288 = arith.minimumf %min3A_1278, %max3A_1261 : vector<8x256xf32>
      %max3A_1289 = arith.maximumf %max3A_1279, %min3A_1262 : vector<8x256xf32>
      %min3A_1290 = arith.minimumf %max3A_1279, %min3A_1262 : vector<8x256xf32>
      %max3A_1291 = arith.maximumf %min3A_1280, %max3A_1263 : vector<8x256xf32>
      %min3A_1292 = arith.minimumf %min3A_1280, %max3A_1263 : vector<8x256xf32>
      %max3A_1293 = arith.maximumf %max3A_1281, %min3A_1264 : vector<8x256xf32>
      %min3A_1294 = arith.minimumf %max3A_1281, %min3A_1264 : vector<8x256xf32>
      %max3A_1295 = arith.maximumf %min3A_1282, %min3A_1256 : vector<8x256xf32>
      %min3A_1296 = arith.minimumf %min3A_1282, %min3A_1256 : vector<8x256xf32>
      %max3A_1297 = arith.maximumf %max3A_1093, %min3A_1274 : vector<8x256xf32>
      %max3A_1298 = arith.maximumf %min3A_1094, %min3A_1296 : vector<8x256xf32>
      %max3A_1299 = arith.maximumf %max3A_1095, %max3A_1295 : vector<8x256xf32>
      %max3A_1300 = arith.maximumf %min3A_1096, %min3A_1294 : vector<8x256xf32>
      %max3A_1301 = arith.maximumf %max3A_1101, %max3A_1293 : vector<8x256xf32>
      %max3A_1302 = arith.maximumf %min3A_1102, %min3A_1292 : vector<8x256xf32>
      %max3A_1303 = arith.maximumf %max3A_1103, %max3A_1291 : vector<8x256xf32>
      %max3A_1304 = arith.maximumf %min3A_1104, %min3A_1290 : vector<8x256xf32>
      %max3A_1305 = arith.maximumf %max3A_1117, %max3A_1289 : vector<8x256xf32>
      %max3A_1306 = arith.maximumf %min3A_1118, %min3A_1288 : vector<8x256xf32>
      %max3A_1307 = arith.maximumf %max3A_1119, %max3A_1287 : vector<8x256xf32>
      %max3A_1308 = arith.maximumf %min3A_1120, %min3A_1286 : vector<8x256xf32>
      %max3A_1309 = arith.maximumf %max3A_1125, %max3A_1285 : vector<8x256xf32>
      %max3A_1310 = arith.maximumf %min3A_1126, %min3A_1284 : vector<8x256xf32>
      %max3A_1311 = arith.maximumf %max3A_1127, %max3A_1283 : vector<8x256xf32>
      %max3A_1312 = arith.maximumf %min3A_1128, %max3A_1247 : vector<8x256xf32>
      %max3A_1313 = arith.maximumf %max3A_1297, %max3A_1305 : vector<8x256xf32>
      %min3A_1314 = arith.minimumf %max3A_1297, %max3A_1305 : vector<8x256xf32>
      %max3A_1315 = arith.maximumf %max3A_1298, %max3A_1306 : vector<8x256xf32>
      %min3A_1316 = arith.minimumf %max3A_1298, %max3A_1306 : vector<8x256xf32>
      %max3A_1317 = arith.maximumf %max3A_1299, %max3A_1307 : vector<8x256xf32>
      %min3A_1318 = arith.minimumf %max3A_1299, %max3A_1307 : vector<8x256xf32>
      %max3A_1319 = arith.maximumf %max3A_1300, %max3A_1308 : vector<8x256xf32>
      %min3A_1320 = arith.minimumf %max3A_1300, %max3A_1308 : vector<8x256xf32>
      %max3A_1321 = arith.maximumf %max3A_1301, %max3A_1309 : vector<8x256xf32>
      %min3A_1322 = arith.minimumf %max3A_1301, %max3A_1309 : vector<8x256xf32>
      %max3A_1323 = arith.maximumf %max3A_1302, %max3A_1310 : vector<8x256xf32>
      %min3A_1324 = arith.minimumf %max3A_1302, %max3A_1310 : vector<8x256xf32>
      %max3A_1325 = arith.maximumf %max3A_1303, %max3A_1311 : vector<8x256xf32>
      %min3A_1326 = arith.minimumf %max3A_1303, %max3A_1311 : vector<8x256xf32>
      %max3A_1327 = arith.maximumf %max3A_1304, %max3A_1312 : vector<8x256xf32>
      %min3A_1328 = arith.minimumf %max3A_1304, %max3A_1312 : vector<8x256xf32>
      %max3A_1329 = arith.maximumf %max3A_1313, %max3A_1321 : vector<8x256xf32>
      %min3A_1330 = arith.minimumf %max3A_1313, %max3A_1321 : vector<8x256xf32>
      %max3A_1331 = arith.maximumf %max3A_1315, %max3A_1323 : vector<8x256xf32>
      %min3A_1332 = arith.minimumf %max3A_1315, %max3A_1323 : vector<8x256xf32>
      %max3A_1333 = arith.maximumf %max3A_1317, %max3A_1325 : vector<8x256xf32>
      %min3A_1334 = arith.minimumf %max3A_1317, %max3A_1325 : vector<8x256xf32>
      %max3A_1335 = arith.maximumf %max3A_1319, %max3A_1327 : vector<8x256xf32>
      %min3A_1336 = arith.minimumf %max3A_1319, %max3A_1327 : vector<8x256xf32>
      %max3A_1337 = arith.maximumf %max3A_1329, %max3A_1333 : vector<8x256xf32>
      %min3A_1338 = arith.minimumf %max3A_1329, %max3A_1333 : vector<8x256xf32>
      %max3A_1339 = arith.maximumf %max3A_1331, %max3A_1335 : vector<8x256xf32>
      %min3A_1340 = arith.minimumf %max3A_1331, %max3A_1335 : vector<8x256xf32>
      %max3A_1341 = arith.maximumf %max3A_1337, %max3A_1339 : vector<8x256xf32>
      %min3A_1342 = arith.minimumf %max3A_1337, %max3A_1339 : vector<8x256xf32>
      %max3A_1343 = arith.maximumf %min3A_1338, %min3A_1340 : vector<8x256xf32>
      %min3A_1344 = arith.minimumf %min3A_1338, %min3A_1340 : vector<8x256xf32>
      %max3A_1345 = arith.maximumf %min3A_1330, %min3A_1334 : vector<8x256xf32>
      %min3A_1346 = arith.minimumf %min3A_1330, %min3A_1334 : vector<8x256xf32>
      %max3A_1347 = arith.maximumf %min3A_1332, %min3A_1336 : vector<8x256xf32>
      %min3A_1348 = arith.minimumf %min3A_1332, %min3A_1336 : vector<8x256xf32>
      %max3A_1349 = arith.maximumf %max3A_1345, %max3A_1347 : vector<8x256xf32>
      %min3A_1350 = arith.minimumf %max3A_1345, %max3A_1347 : vector<8x256xf32>
      %max3A_1351 = arith.maximumf %min3A_1346, %min3A_1348 : vector<8x256xf32>
      %min3A_1352 = arith.minimumf %min3A_1346, %min3A_1348 : vector<8x256xf32>
      %max3A_1353 = arith.maximumf %min3A_1314, %min3A_1322 : vector<8x256xf32>
      %min3A_1354 = arith.minimumf %min3A_1314, %min3A_1322 : vector<8x256xf32>
      %max3A_1355 = arith.maximumf %min3A_1316, %min3A_1324 : vector<8x256xf32>
      %min3A_1356 = arith.minimumf %min3A_1316, %min3A_1324 : vector<8x256xf32>
      %max3A_1357 = arith.maximumf %min3A_1318, %min3A_1326 : vector<8x256xf32>
      %min3A_1358 = arith.minimumf %min3A_1318, %min3A_1326 : vector<8x256xf32>
      %max3A_1359 = arith.maximumf %min3A_1320, %min3A_1328 : vector<8x256xf32>
      %min3A_1360 = arith.minimumf %min3A_1320, %min3A_1328 : vector<8x256xf32>
      %max3A_1361 = arith.maximumf %max3A_1353, %max3A_1357 : vector<8x256xf32>
      %min3A_1362 = arith.minimumf %max3A_1353, %max3A_1357 : vector<8x256xf32>
      %max3A_1363 = arith.maximumf %max3A_1355, %max3A_1359 : vector<8x256xf32>
      %min3A_1364 = arith.minimumf %max3A_1355, %max3A_1359 : vector<8x256xf32>
      %max3A_1365 = arith.maximumf %max3A_1361, %max3A_1363 : vector<8x256xf32>
      %min3A_1366 = arith.minimumf %max3A_1361, %max3A_1363 : vector<8x256xf32>
      %max3A_1367 = arith.maximumf %min3A_1362, %min3A_1364 : vector<8x256xf32>
      %min3A_1368 = arith.minimumf %min3A_1362, %min3A_1364 : vector<8x256xf32>
      %max3A_1369 = arith.maximumf %min3A_1354, %min3A_1358 : vector<8x256xf32>
      %min3A_1370 = arith.minimumf %min3A_1354, %min3A_1358 : vector<8x256xf32>
      %max3A_1371 = arith.maximumf %min3A_1356, %min3A_1360 : vector<8x256xf32>
      %min3A_1372 = arith.minimumf %min3A_1356, %min3A_1360 : vector<8x256xf32>
      %max3A_1373 = arith.maximumf %max3A_1369, %max3A_1371 : vector<8x256xf32>
      %min3A_1374 = arith.minimumf %max3A_1369, %max3A_1371 : vector<8x256xf32>
      %max3A_1375 = arith.maximumf %min3A_1370, %min3A_1372 : vector<8x256xf32>
      %min3A_1376 = arith.minimumf %min3A_1370, %min3A_1372 : vector<8x256xf32>
      scf.yield %max3A_1341, %min3A_1342, %max3A_1343, %min3A_1344, %max3A_1349, %min3A_1350, %max3A_1351, %min3A_1352, %max3A_1365, %min3A_1366, %max3A_1367, %min3A_1368, %max3A_1373, %min3A_1374, %max3A_1375, %min3A_1376 : vector<8x256xf32>, vector<8x256xf32>, vector<8x256xf32>, vector<8x256xf32>, vector<8x256xf32>, vector<8x256xf32>, vector<8x256xf32>, vector<8x256xf32>, vector<8x256xf32>, vector<8x256xf32>, vector<8x256xf32>, vector<8x256xf32>, vector<8x256xf32>, vector<8x256xf32>, vector<8x256xf32>, vector<8x256xf32>
    }
    %scan3A_35 = arith.constant 64 : i32
    %slice3A = vector.extract_strided_slice %scan3A_34#0 {offsets = [0, 0], sizes = [4, 256], strides = [1, 1]} : vector<8x256xf32> to vector<4x256xf32>
    %slice3A_36 = vector.extract_strided_slice %scan3A_34#1 {offsets = [0, 0], sizes = [4, 256], strides = [1, 1]} : vector<8x256xf32> to vector<4x256xf32>
    %slice3A_37 = vector.extract_strided_slice %scan3A_34#2 {offsets = [0, 0], sizes = [4, 256], strides = [1, 1]} : vector<8x256xf32> to vector<4x256xf32>
    %slice3A_38 = vector.extract_strided_slice %scan3A_34#3 {offsets = [0, 0], sizes = [4, 256], strides = [1, 1]} : vector<8x256xf32> to vector<4x256xf32>
    %slice3A_39 = vector.extract_strided_slice %scan3A_34#4 {offsets = [0, 0], sizes = [4, 256], strides = [1, 1]} : vector<8x256xf32> to vector<4x256xf32>
    %slice3A_40 = vector.extract_strided_slice %scan3A_34#5 {offsets = [0, 0], sizes = [4, 256], strides = [1, 1]} : vector<8x256xf32> to vector<4x256xf32>
    %slice3A_41 = vector.extract_strided_slice %scan3A_34#6 {offsets = [0, 0], sizes = [4, 256], strides = [1, 1]} : vector<8x256xf32> to vector<4x256xf32>
    %slice3A_42 = vector.extract_strided_slice %scan3A_34#7 {offsets = [0, 0], sizes = [4, 256], strides = [1, 1]} : vector<8x256xf32> to vector<4x256xf32>
    %slice3A_43 = vector.extract_strided_slice %scan3A_34#8 {offsets = [0, 0], sizes = [4, 256], strides = [1, 1]} : vector<8x256xf32> to vector<4x256xf32>
    %slice3A_44 = vector.extract_strided_slice %scan3A_34#9 {offsets = [0, 0], sizes = [4, 256], strides = [1, 1]} : vector<8x256xf32> to vector<4x256xf32>
    %slice3A_45 = vector.extract_strided_slice %scan3A_34#10 {offsets = [0, 0], sizes = [4, 256], strides = [1, 1]} : vector<8x256xf32> to vector<4x256xf32>
    %slice3A_46 = vector.extract_strided_slice %scan3A_34#11 {offsets = [0, 0], sizes = [4, 256], strides = [1, 1]} : vector<8x256xf32> to vector<4x256xf32>
    %slice3A_47 = vector.extract_strided_slice %scan3A_34#12 {offsets = [0, 0], sizes = [4, 256], strides = [1, 1]} : vector<8x256xf32> to vector<4x256xf32>
    %slice3A_48 = vector.extract_strided_slice %scan3A_34#13 {offsets = [0, 0], sizes = [4, 256], strides = [1, 1]} : vector<8x256xf32> to vector<4x256xf32>
    %slice3A_49 = vector.extract_strided_slice %scan3A_34#14 {offsets = [0, 0], sizes = [4, 256], strides = [1, 1]} : vector<8x256xf32> to vector<4x256xf32>
    %slice3A_50 = vector.extract_strided_slice %scan3A_34#15 {offsets = [0, 0], sizes = [4, 256], strides = [1, 1]} : vector<8x256xf32> to vector<4x256xf32>
    %slice3A_51 = vector.extract_strided_slice %scan3A_34#0 {offsets = [4, 0], sizes = [4, 256], strides = [1, 1]} : vector<8x256xf32> to vector<4x256xf32>
    %slice3A_52 = vector.extract_strided_slice %scan3A_34#1 {offsets = [4, 0], sizes = [4, 256], strides = [1, 1]} : vector<8x256xf32> to vector<4x256xf32>
    %slice3A_53 = vector.extract_strided_slice %scan3A_34#2 {offsets = [4, 0], sizes = [4, 256], strides = [1, 1]} : vector<8x256xf32> to vector<4x256xf32>
    %slice3A_54 = vector.extract_strided_slice %scan3A_34#3 {offsets = [4, 0], sizes = [4, 256], strides = [1, 1]} : vector<8x256xf32> to vector<4x256xf32>
    %slice3A_55 = vector.extract_strided_slice %scan3A_34#4 {offsets = [4, 0], sizes = [4, 256], strides = [1, 1]} : vector<8x256xf32> to vector<4x256xf32>
    %slice3A_56 = vector.extract_strided_slice %scan3A_34#5 {offsets = [4, 0], sizes = [4, 256], strides = [1, 1]} : vector<8x256xf32> to vector<4x256xf32>
    %slice3A_57 = vector.extract_strided_slice %scan3A_34#6 {offsets = [4, 0], sizes = [4, 256], strides = [1, 1]} : vector<8x256xf32> to vector<4x256xf32>
    %slice3A_58 = vector.extract_strided_slice %scan3A_34#7 {offsets = [4, 0], sizes = [4, 256], strides = [1, 1]} : vector<8x256xf32> to vector<4x256xf32>
    %slice3A_59 = vector.extract_strided_slice %scan3A_34#8 {offsets = [4, 0], sizes = [4, 256], strides = [1, 1]} : vector<8x256xf32> to vector<4x256xf32>
    %slice3A_60 = vector.extract_strided_slice %scan3A_34#9 {offsets = [4, 0], sizes = [4, 256], strides = [1, 1]} : vector<8x256xf32> to vector<4x256xf32>
    %slice3A_61 = vector.extract_strided_slice %scan3A_34#10 {offsets = [4, 0], sizes = [4, 256], strides = [1, 1]} : vector<8x256xf32> to vector<4x256xf32>
    %slice3A_62 = vector.extract_strided_slice %scan3A_34#11 {offsets = [4, 0], sizes = [4, 256], strides = [1, 1]} : vector<8x256xf32> to vector<4x256xf32>
    %slice3A_63 = vector.extract_strided_slice %scan3A_34#12 {offsets = [4, 0], sizes = [4, 256], strides = [1, 1]} : vector<8x256xf32> to vector<4x256xf32>
    %slice3A_64 = vector.extract_strided_slice %scan3A_34#13 {offsets = [4, 0], sizes = [4, 256], strides = [1, 1]} : vector<8x256xf32> to vector<4x256xf32>
    %slice3A_65 = vector.extract_strided_slice %scan3A_34#14 {offsets = [4, 0], sizes = [4, 256], strides = [1, 1]} : vector<8x256xf32> to vector<4x256xf32>
    %slice3A_66 = vector.extract_strided_slice %scan3A_34#15 {offsets = [4, 0], sizes = [4, 256], strides = [1, 1]} : vector<8x256xf32> to vector<4x256xf32>
    %max3A = arith.maximumf %slice3A, %slice3A_66 : vector<4x256xf32>
    %max3A_67 = arith.maximumf %slice3A_36, %slice3A_65 : vector<4x256xf32>
    %max3A_68 = arith.maximumf %slice3A_37, %slice3A_64 : vector<4x256xf32>
    %max3A_69 = arith.maximumf %slice3A_38, %slice3A_63 : vector<4x256xf32>
    %max3A_70 = arith.maximumf %slice3A_39, %slice3A_62 : vector<4x256xf32>
    %max3A_71 = arith.maximumf %slice3A_40, %slice3A_61 : vector<4x256xf32>
    %max3A_72 = arith.maximumf %slice3A_41, %slice3A_60 : vector<4x256xf32>
    %max3A_73 = arith.maximumf %slice3A_42, %slice3A_59 : vector<4x256xf32>
    %max3A_74 = arith.maximumf %slice3A_43, %slice3A_58 : vector<4x256xf32>
    %max3A_75 = arith.maximumf %slice3A_44, %slice3A_57 : vector<4x256xf32>
    %max3A_76 = arith.maximumf %slice3A_45, %slice3A_56 : vector<4x256xf32>
    %max3A_77 = arith.maximumf %slice3A_46, %slice3A_55 : vector<4x256xf32>
    %max3A_78 = arith.maximumf %slice3A_47, %slice3A_54 : vector<4x256xf32>
    %max3A_79 = arith.maximumf %slice3A_48, %slice3A_53 : vector<4x256xf32>
    %max3A_80 = arith.maximumf %slice3A_49, %slice3A_52 : vector<4x256xf32>
    %max3A_81 = arith.maximumf %slice3A_50, %slice3A_51 : vector<4x256xf32>
    %max3A_82 = arith.maximumf %max3A, %max3A_74 : vector<4x256xf32>
    %min3A = arith.minimumf %max3A, %max3A_74 : vector<4x256xf32>
    %max3A_83 = arith.maximumf %max3A_67, %max3A_75 : vector<4x256xf32>
    %min3A_84 = arith.minimumf %max3A_67, %max3A_75 : vector<4x256xf32>
    %max3A_85 = arith.maximumf %max3A_68, %max3A_76 : vector<4x256xf32>
    %min3A_86 = arith.minimumf %max3A_68, %max3A_76 : vector<4x256xf32>
    %max3A_87 = arith.maximumf %max3A_69, %max3A_77 : vector<4x256xf32>
    %min3A_88 = arith.minimumf %max3A_69, %max3A_77 : vector<4x256xf32>
    %max3A_89 = arith.maximumf %max3A_70, %max3A_78 : vector<4x256xf32>
    %min3A_90 = arith.minimumf %max3A_70, %max3A_78 : vector<4x256xf32>
    %max3A_91 = arith.maximumf %max3A_71, %max3A_79 : vector<4x256xf32>
    %min3A_92 = arith.minimumf %max3A_71, %max3A_79 : vector<4x256xf32>
    %max3A_93 = arith.maximumf %max3A_72, %max3A_80 : vector<4x256xf32>
    %min3A_94 = arith.minimumf %max3A_72, %max3A_80 : vector<4x256xf32>
    %max3A_95 = arith.maximumf %max3A_73, %max3A_81 : vector<4x256xf32>
    %min3A_96 = arith.minimumf %max3A_73, %max3A_81 : vector<4x256xf32>
    %max3A_97 = arith.maximumf %max3A_82, %max3A_89 : vector<4x256xf32>
    %min3A_98 = arith.minimumf %max3A_82, %max3A_89 : vector<4x256xf32>
    %max3A_99 = arith.maximumf %max3A_83, %max3A_91 : vector<4x256xf32>
    %min3A_100 = arith.minimumf %max3A_83, %max3A_91 : vector<4x256xf32>
    %max3A_101 = arith.maximumf %max3A_85, %max3A_93 : vector<4x256xf32>
    %min3A_102 = arith.minimumf %max3A_85, %max3A_93 : vector<4x256xf32>
    %max3A_103 = arith.maximumf %max3A_87, %max3A_95 : vector<4x256xf32>
    %min3A_104 = arith.minimumf %max3A_87, %max3A_95 : vector<4x256xf32>
    %max3A_105 = arith.maximumf %max3A_97, %max3A_101 : vector<4x256xf32>
    %min3A_106 = arith.minimumf %max3A_97, %max3A_101 : vector<4x256xf32>
    %max3A_107 = arith.maximumf %max3A_99, %max3A_103 : vector<4x256xf32>
    %min3A_108 = arith.minimumf %max3A_99, %max3A_103 : vector<4x256xf32>
    %max3A_109 = arith.maximumf %max3A_105, %max3A_107 : vector<4x256xf32>
    %min3A_110 = arith.minimumf %max3A_105, %max3A_107 : vector<4x256xf32>
    %max3A_111 = arith.maximumf %min3A_106, %min3A_108 : vector<4x256xf32>
    %min3A_112 = arith.minimumf %min3A_106, %min3A_108 : vector<4x256xf32>
    %max3A_113 = arith.maximumf %min3A_98, %min3A_102 : vector<4x256xf32>
    %min3A_114 = arith.minimumf %min3A_98, %min3A_102 : vector<4x256xf32>
    %max3A_115 = arith.maximumf %min3A_100, %min3A_104 : vector<4x256xf32>
    %min3A_116 = arith.minimumf %min3A_100, %min3A_104 : vector<4x256xf32>
    %max3A_117 = arith.maximumf %max3A_113, %max3A_115 : vector<4x256xf32>
    %min3A_118 = arith.minimumf %max3A_113, %max3A_115 : vector<4x256xf32>
    %max3A_119 = arith.maximumf %min3A_114, %min3A_116 : vector<4x256xf32>
    %min3A_120 = arith.minimumf %min3A_114, %min3A_116 : vector<4x256xf32>
    %max3A_121 = arith.maximumf %min3A, %min3A_90 : vector<4x256xf32>
    %min3A_122 = arith.minimumf %min3A, %min3A_90 : vector<4x256xf32>
    %max3A_123 = arith.maximumf %min3A_84, %min3A_92 : vector<4x256xf32>
    %min3A_124 = arith.minimumf %min3A_84, %min3A_92 : vector<4x256xf32>
    %max3A_125 = arith.maximumf %min3A_86, %min3A_94 : vector<4x256xf32>
    %min3A_126 = arith.minimumf %min3A_86, %min3A_94 : vector<4x256xf32>
    %max3A_127 = arith.maximumf %min3A_88, %min3A_96 : vector<4x256xf32>
    %min3A_128 = arith.minimumf %min3A_88, %min3A_96 : vector<4x256xf32>
    %max3A_129 = arith.maximumf %max3A_121, %max3A_125 : vector<4x256xf32>
    %min3A_130 = arith.minimumf %max3A_121, %max3A_125 : vector<4x256xf32>
    %max3A_131 = arith.maximumf %max3A_123, %max3A_127 : vector<4x256xf32>
    %min3A_132 = arith.minimumf %max3A_123, %max3A_127 : vector<4x256xf32>
    %max3A_133 = arith.maximumf %max3A_129, %max3A_131 : vector<4x256xf32>
    %min3A_134 = arith.minimumf %max3A_129, %max3A_131 : vector<4x256xf32>
    %max3A_135 = arith.maximumf %min3A_130, %min3A_132 : vector<4x256xf32>
    %min3A_136 = arith.minimumf %min3A_130, %min3A_132 : vector<4x256xf32>
    %max3A_137 = arith.maximumf %min3A_122, %min3A_126 : vector<4x256xf32>
    %min3A_138 = arith.minimumf %min3A_122, %min3A_126 : vector<4x256xf32>
    %max3A_139 = arith.maximumf %min3A_124, %min3A_128 : vector<4x256xf32>
    %min3A_140 = arith.minimumf %min3A_124, %min3A_128 : vector<4x256xf32>
    %max3A_141 = arith.maximumf %max3A_137, %max3A_139 : vector<4x256xf32>
    %min3A_142 = arith.minimumf %max3A_137, %max3A_139 : vector<4x256xf32>
    %max3A_143 = arith.maximumf %min3A_138, %min3A_140 : vector<4x256xf32>
    %min3A_144 = arith.minimumf %min3A_138, %min3A_140 : vector<4x256xf32>
    %slice3A_145 = vector.extract_strided_slice %max3A_109 {offsets = [0, 0], sizes = [2, 256], strides = [1, 1]} : vector<4x256xf32> to vector<2x256xf32>
    %slice3A_146 = vector.extract_strided_slice %min3A_110 {offsets = [0, 0], sizes = [2, 256], strides = [1, 1]} : vector<4x256xf32> to vector<2x256xf32>
    %slice3A_147 = vector.extract_strided_slice %max3A_111 {offsets = [0, 0], sizes = [2, 256], strides = [1, 1]} : vector<4x256xf32> to vector<2x256xf32>
    %slice3A_148 = vector.extract_strided_slice %min3A_112 {offsets = [0, 0], sizes = [2, 256], strides = [1, 1]} : vector<4x256xf32> to vector<2x256xf32>
    %slice3A_149 = vector.extract_strided_slice %max3A_117 {offsets = [0, 0], sizes = [2, 256], strides = [1, 1]} : vector<4x256xf32> to vector<2x256xf32>
    %slice3A_150 = vector.extract_strided_slice %min3A_118 {offsets = [0, 0], sizes = [2, 256], strides = [1, 1]} : vector<4x256xf32> to vector<2x256xf32>
    %slice3A_151 = vector.extract_strided_slice %max3A_119 {offsets = [0, 0], sizes = [2, 256], strides = [1, 1]} : vector<4x256xf32> to vector<2x256xf32>
    %slice3A_152 = vector.extract_strided_slice %min3A_120 {offsets = [0, 0], sizes = [2, 256], strides = [1, 1]} : vector<4x256xf32> to vector<2x256xf32>
    %slice3A_153 = vector.extract_strided_slice %max3A_133 {offsets = [0, 0], sizes = [2, 256], strides = [1, 1]} : vector<4x256xf32> to vector<2x256xf32>
    %slice3A_154 = vector.extract_strided_slice %min3A_134 {offsets = [0, 0], sizes = [2, 256], strides = [1, 1]} : vector<4x256xf32> to vector<2x256xf32>
    %slice3A_155 = vector.extract_strided_slice %max3A_135 {offsets = [0, 0], sizes = [2, 256], strides = [1, 1]} : vector<4x256xf32> to vector<2x256xf32>
    %slice3A_156 = vector.extract_strided_slice %min3A_136 {offsets = [0, 0], sizes = [2, 256], strides = [1, 1]} : vector<4x256xf32> to vector<2x256xf32>
    %slice3A_157 = vector.extract_strided_slice %max3A_141 {offsets = [0, 0], sizes = [2, 256], strides = [1, 1]} : vector<4x256xf32> to vector<2x256xf32>
    %slice3A_158 = vector.extract_strided_slice %min3A_142 {offsets = [0, 0], sizes = [2, 256], strides = [1, 1]} : vector<4x256xf32> to vector<2x256xf32>
    %slice3A_159 = vector.extract_strided_slice %max3A_143 {offsets = [0, 0], sizes = [2, 256], strides = [1, 1]} : vector<4x256xf32> to vector<2x256xf32>
    %slice3A_160 = vector.extract_strided_slice %min3A_144 {offsets = [0, 0], sizes = [2, 256], strides = [1, 1]} : vector<4x256xf32> to vector<2x256xf32>
    %slice3A_161 = vector.extract_strided_slice %max3A_109 {offsets = [2, 0], sizes = [2, 256], strides = [1, 1]} : vector<4x256xf32> to vector<2x256xf32>
    %slice3A_162 = vector.extract_strided_slice %min3A_110 {offsets = [2, 0], sizes = [2, 256], strides = [1, 1]} : vector<4x256xf32> to vector<2x256xf32>
    %slice3A_163 = vector.extract_strided_slice %max3A_111 {offsets = [2, 0], sizes = [2, 256], strides = [1, 1]} : vector<4x256xf32> to vector<2x256xf32>
    %slice3A_164 = vector.extract_strided_slice %min3A_112 {offsets = [2, 0], sizes = [2, 256], strides = [1, 1]} : vector<4x256xf32> to vector<2x256xf32>
    %slice3A_165 = vector.extract_strided_slice %max3A_117 {offsets = [2, 0], sizes = [2, 256], strides = [1, 1]} : vector<4x256xf32> to vector<2x256xf32>
    %slice3A_166 = vector.extract_strided_slice %min3A_118 {offsets = [2, 0], sizes = [2, 256], strides = [1, 1]} : vector<4x256xf32> to vector<2x256xf32>
    %slice3A_167 = vector.extract_strided_slice %max3A_119 {offsets = [2, 0], sizes = [2, 256], strides = [1, 1]} : vector<4x256xf32> to vector<2x256xf32>
    %slice3A_168 = vector.extract_strided_slice %min3A_120 {offsets = [2, 0], sizes = [2, 256], strides = [1, 1]} : vector<4x256xf32> to vector<2x256xf32>
    %slice3A_169 = vector.extract_strided_slice %max3A_133 {offsets = [2, 0], sizes = [2, 256], strides = [1, 1]} : vector<4x256xf32> to vector<2x256xf32>
    %slice3A_170 = vector.extract_strided_slice %min3A_134 {offsets = [2, 0], sizes = [2, 256], strides = [1, 1]} : vector<4x256xf32> to vector<2x256xf32>
    %slice3A_171 = vector.extract_strided_slice %max3A_135 {offsets = [2, 0], sizes = [2, 256], strides = [1, 1]} : vector<4x256xf32> to vector<2x256xf32>
    %slice3A_172 = vector.extract_strided_slice %min3A_136 {offsets = [2, 0], sizes = [2, 256], strides = [1, 1]} : vector<4x256xf32> to vector<2x256xf32>
    %slice3A_173 = vector.extract_strided_slice %max3A_141 {offsets = [2, 0], sizes = [2, 256], strides = [1, 1]} : vector<4x256xf32> to vector<2x256xf32>
    %slice3A_174 = vector.extract_strided_slice %min3A_142 {offsets = [2, 0], sizes = [2, 256], strides = [1, 1]} : vector<4x256xf32> to vector<2x256xf32>
    %slice3A_175 = vector.extract_strided_slice %max3A_143 {offsets = [2, 0], sizes = [2, 256], strides = [1, 1]} : vector<4x256xf32> to vector<2x256xf32>
    %slice3A_176 = vector.extract_strided_slice %min3A_144 {offsets = [2, 0], sizes = [2, 256], strides = [1, 1]} : vector<4x256xf32> to vector<2x256xf32>
    %max3A_177 = arith.maximumf %slice3A_145, %slice3A_176 : vector<2x256xf32>
    %max3A_178 = arith.maximumf %slice3A_146, %slice3A_175 : vector<2x256xf32>
    %max3A_179 = arith.maximumf %slice3A_147, %slice3A_174 : vector<2x256xf32>
    %max3A_180 = arith.maximumf %slice3A_148, %slice3A_173 : vector<2x256xf32>
    %max3A_181 = arith.maximumf %slice3A_149, %slice3A_172 : vector<2x256xf32>
    %max3A_182 = arith.maximumf %slice3A_150, %slice3A_171 : vector<2x256xf32>
    %max3A_183 = arith.maximumf %slice3A_151, %slice3A_170 : vector<2x256xf32>
    %max3A_184 = arith.maximumf %slice3A_152, %slice3A_169 : vector<2x256xf32>
    %max3A_185 = arith.maximumf %slice3A_153, %slice3A_168 : vector<2x256xf32>
    %max3A_186 = arith.maximumf %slice3A_154, %slice3A_167 : vector<2x256xf32>
    %max3A_187 = arith.maximumf %slice3A_155, %slice3A_166 : vector<2x256xf32>
    %max3A_188 = arith.maximumf %slice3A_156, %slice3A_165 : vector<2x256xf32>
    %max3A_189 = arith.maximumf %slice3A_157, %slice3A_164 : vector<2x256xf32>
    %max3A_190 = arith.maximumf %slice3A_158, %slice3A_163 : vector<2x256xf32>
    %max3A_191 = arith.maximumf %slice3A_159, %slice3A_162 : vector<2x256xf32>
    %max3A_192 = arith.maximumf %slice3A_160, %slice3A_161 : vector<2x256xf32>
    %max3A_193 = arith.maximumf %max3A_177, %max3A_185 : vector<2x256xf32>
    %min3A_194 = arith.minimumf %max3A_177, %max3A_185 : vector<2x256xf32>
    %max3A_195 = arith.maximumf %max3A_178, %max3A_186 : vector<2x256xf32>
    %min3A_196 = arith.minimumf %max3A_178, %max3A_186 : vector<2x256xf32>
    %max3A_197 = arith.maximumf %max3A_179, %max3A_187 : vector<2x256xf32>
    %min3A_198 = arith.minimumf %max3A_179, %max3A_187 : vector<2x256xf32>
    %max3A_199 = arith.maximumf %max3A_180, %max3A_188 : vector<2x256xf32>
    %min3A_200 = arith.minimumf %max3A_180, %max3A_188 : vector<2x256xf32>
    %max3A_201 = arith.maximumf %max3A_181, %max3A_189 : vector<2x256xf32>
    %min3A_202 = arith.minimumf %max3A_181, %max3A_189 : vector<2x256xf32>
    %max3A_203 = arith.maximumf %max3A_182, %max3A_190 : vector<2x256xf32>
    %min3A_204 = arith.minimumf %max3A_182, %max3A_190 : vector<2x256xf32>
    %max3A_205 = arith.maximumf %max3A_183, %max3A_191 : vector<2x256xf32>
    %min3A_206 = arith.minimumf %max3A_183, %max3A_191 : vector<2x256xf32>
    %max3A_207 = arith.maximumf %max3A_184, %max3A_192 : vector<2x256xf32>
    %min3A_208 = arith.minimumf %max3A_184, %max3A_192 : vector<2x256xf32>
    %max3A_209 = arith.maximumf %max3A_193, %max3A_201 : vector<2x256xf32>
    %min3A_210 = arith.minimumf %max3A_193, %max3A_201 : vector<2x256xf32>
    %max3A_211 = arith.maximumf %max3A_195, %max3A_203 : vector<2x256xf32>
    %min3A_212 = arith.minimumf %max3A_195, %max3A_203 : vector<2x256xf32>
    %max3A_213 = arith.maximumf %max3A_197, %max3A_205 : vector<2x256xf32>
    %min3A_214 = arith.minimumf %max3A_197, %max3A_205 : vector<2x256xf32>
    %max3A_215 = arith.maximumf %max3A_199, %max3A_207 : vector<2x256xf32>
    %min3A_216 = arith.minimumf %max3A_199, %max3A_207 : vector<2x256xf32>
    %max3A_217 = arith.maximumf %max3A_209, %max3A_213 : vector<2x256xf32>
    %min3A_218 = arith.minimumf %max3A_209, %max3A_213 : vector<2x256xf32>
    %max3A_219 = arith.maximumf %max3A_211, %max3A_215 : vector<2x256xf32>
    %min3A_220 = arith.minimumf %max3A_211, %max3A_215 : vector<2x256xf32>
    %max3A_221 = arith.maximumf %max3A_217, %max3A_219 : vector<2x256xf32>
    %min3A_222 = arith.minimumf %max3A_217, %max3A_219 : vector<2x256xf32>
    %max3A_223 = arith.maximumf %min3A_218, %min3A_220 : vector<2x256xf32>
    %min3A_224 = arith.minimumf %min3A_218, %min3A_220 : vector<2x256xf32>
    %max3A_225 = arith.maximumf %min3A_210, %min3A_214 : vector<2x256xf32>
    %min3A_226 = arith.minimumf %min3A_210, %min3A_214 : vector<2x256xf32>
    %max3A_227 = arith.maximumf %min3A_212, %min3A_216 : vector<2x256xf32>
    %min3A_228 = arith.minimumf %min3A_212, %min3A_216 : vector<2x256xf32>
    %max3A_229 = arith.maximumf %max3A_225, %max3A_227 : vector<2x256xf32>
    %min3A_230 = arith.minimumf %max3A_225, %max3A_227 : vector<2x256xf32>
    %max3A_231 = arith.maximumf %min3A_226, %min3A_228 : vector<2x256xf32>
    %min3A_232 = arith.minimumf %min3A_226, %min3A_228 : vector<2x256xf32>
    %max3A_233 = arith.maximumf %min3A_194, %min3A_202 : vector<2x256xf32>
    %min3A_234 = arith.minimumf %min3A_194, %min3A_202 : vector<2x256xf32>
    %max3A_235 = arith.maximumf %min3A_196, %min3A_204 : vector<2x256xf32>
    %min3A_236 = arith.minimumf %min3A_196, %min3A_204 : vector<2x256xf32>
    %max3A_237 = arith.maximumf %min3A_198, %min3A_206 : vector<2x256xf32>
    %min3A_238 = arith.minimumf %min3A_198, %min3A_206 : vector<2x256xf32>
    %max3A_239 = arith.maximumf %min3A_200, %min3A_208 : vector<2x256xf32>
    %min3A_240 = arith.minimumf %min3A_200, %min3A_208 : vector<2x256xf32>
    %max3A_241 = arith.maximumf %max3A_233, %max3A_237 : vector<2x256xf32>
    %min3A_242 = arith.minimumf %max3A_233, %max3A_237 : vector<2x256xf32>
    %max3A_243 = arith.maximumf %max3A_235, %max3A_239 : vector<2x256xf32>
    %min3A_244 = arith.minimumf %max3A_235, %max3A_239 : vector<2x256xf32>
    %max3A_245 = arith.maximumf %max3A_241, %max3A_243 : vector<2x256xf32>
    %min3A_246 = arith.minimumf %max3A_241, %max3A_243 : vector<2x256xf32>
    %max3A_247 = arith.maximumf %min3A_242, %min3A_244 : vector<2x256xf32>
    %min3A_248 = arith.minimumf %min3A_242, %min3A_244 : vector<2x256xf32>
    %max3A_249 = arith.maximumf %min3A_234, %min3A_238 : vector<2x256xf32>
    %min3A_250 = arith.minimumf %min3A_234, %min3A_238 : vector<2x256xf32>
    %max3A_251 = arith.maximumf %min3A_236, %min3A_240 : vector<2x256xf32>
    %min3A_252 = arith.minimumf %min3A_236, %min3A_240 : vector<2x256xf32>
    %max3A_253 = arith.maximumf %max3A_249, %max3A_251 : vector<2x256xf32>
    %min3A_254 = arith.minimumf %max3A_249, %max3A_251 : vector<2x256xf32>
    %max3A_255 = arith.maximumf %min3A_250, %min3A_252 : vector<2x256xf32>
    %min3A_256 = arith.minimumf %min3A_250, %min3A_252 : vector<2x256xf32>
    %slice3A_257 = vector.extract_strided_slice %max3A_221 {offsets = [0, 0], sizes = [1, 256], strides = [1, 1]} : vector<2x256xf32> to vector<1x256xf32>
    %slice3A_258 = vector.extract_strided_slice %min3A_222 {offsets = [0, 0], sizes = [1, 256], strides = [1, 1]} : vector<2x256xf32> to vector<1x256xf32>
    %slice3A_259 = vector.extract_strided_slice %max3A_223 {offsets = [0, 0], sizes = [1, 256], strides = [1, 1]} : vector<2x256xf32> to vector<1x256xf32>
    %slice3A_260 = vector.extract_strided_slice %min3A_224 {offsets = [0, 0], sizes = [1, 256], strides = [1, 1]} : vector<2x256xf32> to vector<1x256xf32>
    %slice3A_261 = vector.extract_strided_slice %max3A_229 {offsets = [0, 0], sizes = [1, 256], strides = [1, 1]} : vector<2x256xf32> to vector<1x256xf32>
    %slice3A_262 = vector.extract_strided_slice %min3A_230 {offsets = [0, 0], sizes = [1, 256], strides = [1, 1]} : vector<2x256xf32> to vector<1x256xf32>
    %slice3A_263 = vector.extract_strided_slice %max3A_231 {offsets = [0, 0], sizes = [1, 256], strides = [1, 1]} : vector<2x256xf32> to vector<1x256xf32>
    %slice3A_264 = vector.extract_strided_slice %min3A_232 {offsets = [0, 0], sizes = [1, 256], strides = [1, 1]} : vector<2x256xf32> to vector<1x256xf32>
    %slice3A_265 = vector.extract_strided_slice %max3A_245 {offsets = [0, 0], sizes = [1, 256], strides = [1, 1]} : vector<2x256xf32> to vector<1x256xf32>
    %slice3A_266 = vector.extract_strided_slice %min3A_246 {offsets = [0, 0], sizes = [1, 256], strides = [1, 1]} : vector<2x256xf32> to vector<1x256xf32>
    %slice3A_267 = vector.extract_strided_slice %max3A_247 {offsets = [0, 0], sizes = [1, 256], strides = [1, 1]} : vector<2x256xf32> to vector<1x256xf32>
    %slice3A_268 = vector.extract_strided_slice %min3A_248 {offsets = [0, 0], sizes = [1, 256], strides = [1, 1]} : vector<2x256xf32> to vector<1x256xf32>
    %slice3A_269 = vector.extract_strided_slice %max3A_253 {offsets = [0, 0], sizes = [1, 256], strides = [1, 1]} : vector<2x256xf32> to vector<1x256xf32>
    %slice3A_270 = vector.extract_strided_slice %min3A_254 {offsets = [0, 0], sizes = [1, 256], strides = [1, 1]} : vector<2x256xf32> to vector<1x256xf32>
    %slice3A_271 = vector.extract_strided_slice %max3A_255 {offsets = [0, 0], sizes = [1, 256], strides = [1, 1]} : vector<2x256xf32> to vector<1x256xf32>
    %slice3A_272 = vector.extract_strided_slice %min3A_256 {offsets = [0, 0], sizes = [1, 256], strides = [1, 1]} : vector<2x256xf32> to vector<1x256xf32>
    %slice3A_273 = vector.extract_strided_slice %max3A_221 {offsets = [1, 0], sizes = [1, 256], strides = [1, 1]} : vector<2x256xf32> to vector<1x256xf32>
    %slice3A_274 = vector.extract_strided_slice %min3A_222 {offsets = [1, 0], sizes = [1, 256], strides = [1, 1]} : vector<2x256xf32> to vector<1x256xf32>
    %slice3A_275 = vector.extract_strided_slice %max3A_223 {offsets = [1, 0], sizes = [1, 256], strides = [1, 1]} : vector<2x256xf32> to vector<1x256xf32>
    %slice3A_276 = vector.extract_strided_slice %min3A_224 {offsets = [1, 0], sizes = [1, 256], strides = [1, 1]} : vector<2x256xf32> to vector<1x256xf32>
    %slice3A_277 = vector.extract_strided_slice %max3A_229 {offsets = [1, 0], sizes = [1, 256], strides = [1, 1]} : vector<2x256xf32> to vector<1x256xf32>
    %slice3A_278 = vector.extract_strided_slice %min3A_230 {offsets = [1, 0], sizes = [1, 256], strides = [1, 1]} : vector<2x256xf32> to vector<1x256xf32>
    %slice3A_279 = vector.extract_strided_slice %max3A_231 {offsets = [1, 0], sizes = [1, 256], strides = [1, 1]} : vector<2x256xf32> to vector<1x256xf32>
    %slice3A_280 = vector.extract_strided_slice %min3A_232 {offsets = [1, 0], sizes = [1, 256], strides = [1, 1]} : vector<2x256xf32> to vector<1x256xf32>
    %slice3A_281 = vector.extract_strided_slice %max3A_245 {offsets = [1, 0], sizes = [1, 256], strides = [1, 1]} : vector<2x256xf32> to vector<1x256xf32>
    %slice3A_282 = vector.extract_strided_slice %min3A_246 {offsets = [1, 0], sizes = [1, 256], strides = [1, 1]} : vector<2x256xf32> to vector<1x256xf32>
    %slice3A_283 = vector.extract_strided_slice %max3A_247 {offsets = [1, 0], sizes = [1, 256], strides = [1, 1]} : vector<2x256xf32> to vector<1x256xf32>
    %slice3A_284 = vector.extract_strided_slice %min3A_248 {offsets = [1, 0], sizes = [1, 256], strides = [1, 1]} : vector<2x256xf32> to vector<1x256xf32>
    %slice3A_285 = vector.extract_strided_slice %max3A_253 {offsets = [1, 0], sizes = [1, 256], strides = [1, 1]} : vector<2x256xf32> to vector<1x256xf32>
    %slice3A_286 = vector.extract_strided_slice %min3A_254 {offsets = [1, 0], sizes = [1, 256], strides = [1, 1]} : vector<2x256xf32> to vector<1x256xf32>
    %slice3A_287 = vector.extract_strided_slice %max3A_255 {offsets = [1, 0], sizes = [1, 256], strides = [1, 1]} : vector<2x256xf32> to vector<1x256xf32>
    %slice3A_288 = vector.extract_strided_slice %min3A_256 {offsets = [1, 0], sizes = [1, 256], strides = [1, 1]} : vector<2x256xf32> to vector<1x256xf32>
    %max3A_289 = arith.maximumf %slice3A_257, %slice3A_288 : vector<1x256xf32>
    %max3A_290 = arith.maximumf %slice3A_258, %slice3A_287 : vector<1x256xf32>
    %max3A_291 = arith.maximumf %slice3A_259, %slice3A_286 : vector<1x256xf32>
    %max3A_292 = arith.maximumf %slice3A_260, %slice3A_285 : vector<1x256xf32>
    %max3A_293 = arith.maximumf %slice3A_261, %slice3A_284 : vector<1x256xf32>
    %max3A_294 = arith.maximumf %slice3A_262, %slice3A_283 : vector<1x256xf32>
    %max3A_295 = arith.maximumf %slice3A_263, %slice3A_282 : vector<1x256xf32>
    %max3A_296 = arith.maximumf %slice3A_264, %slice3A_281 : vector<1x256xf32>
    %max3A_297 = arith.maximumf %slice3A_265, %slice3A_280 : vector<1x256xf32>
    %max3A_298 = arith.maximumf %slice3A_266, %slice3A_279 : vector<1x256xf32>
    %max3A_299 = arith.maximumf %slice3A_267, %slice3A_278 : vector<1x256xf32>
    %max3A_300 = arith.maximumf %slice3A_268, %slice3A_277 : vector<1x256xf32>
    %max3A_301 = arith.maximumf %slice3A_269, %slice3A_276 : vector<1x256xf32>
    %max3A_302 = arith.maximumf %slice3A_270, %slice3A_275 : vector<1x256xf32>
    %max3A_303 = arith.maximumf %slice3A_271, %slice3A_274 : vector<1x256xf32>
    %max3A_304 = arith.maximumf %slice3A_272, %slice3A_273 : vector<1x256xf32>
    %max3A_305 = arith.maximumf %max3A_289, %max3A_297 : vector<1x256xf32>
    %min3A_306 = arith.minimumf %max3A_289, %max3A_297 : vector<1x256xf32>
    %max3A_307 = arith.maximumf %max3A_290, %max3A_298 : vector<1x256xf32>
    %min3A_308 = arith.minimumf %max3A_290, %max3A_298 : vector<1x256xf32>
    %max3A_309 = arith.maximumf %max3A_291, %max3A_299 : vector<1x256xf32>
    %min3A_310 = arith.minimumf %max3A_291, %max3A_299 : vector<1x256xf32>
    %max3A_311 = arith.maximumf %max3A_292, %max3A_300 : vector<1x256xf32>
    %min3A_312 = arith.minimumf %max3A_292, %max3A_300 : vector<1x256xf32>
    %max3A_313 = arith.maximumf %max3A_293, %max3A_301 : vector<1x256xf32>
    %min3A_314 = arith.minimumf %max3A_293, %max3A_301 : vector<1x256xf32>
    %max3A_315 = arith.maximumf %max3A_294, %max3A_302 : vector<1x256xf32>
    %min3A_316 = arith.minimumf %max3A_294, %max3A_302 : vector<1x256xf32>
    %max3A_317 = arith.maximumf %max3A_295, %max3A_303 : vector<1x256xf32>
    %min3A_318 = arith.minimumf %max3A_295, %max3A_303 : vector<1x256xf32>
    %max3A_319 = arith.maximumf %max3A_296, %max3A_304 : vector<1x256xf32>
    %min3A_320 = arith.minimumf %max3A_296, %max3A_304 : vector<1x256xf32>
    %max3A_321 = arith.maximumf %max3A_305, %max3A_313 : vector<1x256xf32>
    %min3A_322 = arith.minimumf %max3A_305, %max3A_313 : vector<1x256xf32>
    %max3A_323 = arith.maximumf %max3A_307, %max3A_315 : vector<1x256xf32>
    %min3A_324 = arith.minimumf %max3A_307, %max3A_315 : vector<1x256xf32>
    %max3A_325 = arith.maximumf %max3A_309, %max3A_317 : vector<1x256xf32>
    %min3A_326 = arith.minimumf %max3A_309, %max3A_317 : vector<1x256xf32>
    %max3A_327 = arith.maximumf %max3A_311, %max3A_319 : vector<1x256xf32>
    %min3A_328 = arith.minimumf %max3A_311, %max3A_319 : vector<1x256xf32>
    %max3A_329 = arith.maximumf %max3A_321, %max3A_325 : vector<1x256xf32>
    %min3A_330 = arith.minimumf %max3A_321, %max3A_325 : vector<1x256xf32>
    %max3A_331 = arith.maximumf %max3A_323, %max3A_327 : vector<1x256xf32>
    %min3A_332 = arith.minimumf %max3A_323, %max3A_327 : vector<1x256xf32>
    %max3A_333 = arith.maximumf %max3A_329, %max3A_331 : vector<1x256xf32>
    %min3A_334 = arith.minimumf %max3A_329, %max3A_331 : vector<1x256xf32>
    %max3A_335 = arith.maximumf %min3A_330, %min3A_332 : vector<1x256xf32>
    %min3A_336 = arith.minimumf %min3A_330, %min3A_332 : vector<1x256xf32>
    %max3A_337 = arith.maximumf %min3A_322, %min3A_326 : vector<1x256xf32>
    %min3A_338 = arith.minimumf %min3A_322, %min3A_326 : vector<1x256xf32>
    %max3A_339 = arith.maximumf %min3A_324, %min3A_328 : vector<1x256xf32>
    %min3A_340 = arith.minimumf %min3A_324, %min3A_328 : vector<1x256xf32>
    %max3A_341 = arith.maximumf %max3A_337, %max3A_339 : vector<1x256xf32>
    %min3A_342 = arith.minimumf %max3A_337, %max3A_339 : vector<1x256xf32>
    %max3A_343 = arith.maximumf %min3A_338, %min3A_340 : vector<1x256xf32>
    %min3A_344 = arith.minimumf %min3A_338, %min3A_340 : vector<1x256xf32>
    %max3A_345 = arith.maximumf %min3A_306, %min3A_314 : vector<1x256xf32>
    %min3A_346 = arith.minimumf %min3A_306, %min3A_314 : vector<1x256xf32>
    %max3A_347 = arith.maximumf %min3A_308, %min3A_316 : vector<1x256xf32>
    %min3A_348 = arith.minimumf %min3A_308, %min3A_316 : vector<1x256xf32>
    %max3A_349 = arith.maximumf %min3A_310, %min3A_318 : vector<1x256xf32>
    %min3A_350 = arith.minimumf %min3A_310, %min3A_318 : vector<1x256xf32>
    %max3A_351 = arith.maximumf %min3A_312, %min3A_320 : vector<1x256xf32>
    %min3A_352 = arith.minimumf %min3A_312, %min3A_320 : vector<1x256xf32>
    %max3A_353 = arith.maximumf %max3A_345, %max3A_349 : vector<1x256xf32>
    %min3A_354 = arith.minimumf %max3A_345, %max3A_349 : vector<1x256xf32>
    %max3A_355 = arith.maximumf %max3A_347, %max3A_351 : vector<1x256xf32>
    %min3A_356 = arith.minimumf %max3A_347, %max3A_351 : vector<1x256xf32>
    %max3A_357 = arith.maximumf %max3A_353, %max3A_355 : vector<1x256xf32>
    %min3A_358 = arith.minimumf %max3A_353, %max3A_355 : vector<1x256xf32>
    %max3A_359 = arith.maximumf %min3A_354, %min3A_356 : vector<1x256xf32>
    %min3A_360 = arith.minimumf %min3A_354, %min3A_356 : vector<1x256xf32>
    %max3A_361 = arith.maximumf %min3A_346, %min3A_350 : vector<1x256xf32>
    %min3A_362 = arith.minimumf %min3A_346, %min3A_350 : vector<1x256xf32>
    %max3A_363 = arith.maximumf %min3A_348, %min3A_352 : vector<1x256xf32>
    %min3A_364 = arith.minimumf %min3A_348, %min3A_352 : vector<1x256xf32>
    %max3A_365 = arith.maximumf %max3A_361, %max3A_363 : vector<1x256xf32>
    %min3A_366 = arith.minimumf %max3A_361, %max3A_363 : vector<1x256xf32>
    %max3A_367 = arith.maximumf %min3A_362, %min3A_364 : vector<1x256xf32>
    %min3A_368 = arith.minimumf %min3A_362, %min3A_364 : vector<1x256xf32>
    %concatenate3A = tpu.concatenate %max3A_333, %min3A_334, %max3A_335, %min3A_336, %max3A_341, %min3A_342, %max3A_343, %min3A_344, %max3A_357, %min3A_358, %max3A_359, %min3A_360, %max3A_365, %min3A_366, %max3A_367, %min3A_368 in 0 : vector<1x256xf32>, vector<1x256xf32>, vector<1x256xf32>, vector<1x256xf32>, vector<1x256xf32>, vector<1x256xf32>, vector<1x256xf32>, vector<1x256xf32>, vector<1x256xf32>, vector<1x256xf32>, vector<1x256xf32>, vector<1x256xf32>, vector<1x256xf32>, vector<1x256xf32>, vector<1x256xf32>, vector<1x256xf32> -> vector<16x256xf32>
    %swap3A = arith.constant 0 : index
    %swap3A_369 = arith.constant 0 : index
    %swap3A_370 = arith.constant 0 : index
    %swap3A_371 = vector.load %arg3[%swap3A, %swap3A_369, %swap3A_370] : memref<1x16x256xf32, #tpu.memory_space<vmem>>, vector<1x16x256xf32>
    %swap3A_372 = vector.shape_cast %swap3A_371 : vector<1x16x256xf32> to vector<16x256xf32>
    %swap3A_373 = vector.shape_cast %concatenate3A : vector<16x256xf32> to vector<1x16x256xf32>
    tpu.vector_store %arg3[%swap3A, %swap3A_369, %swap3A_370], %swap3A_373 {strides = array<i32>} : memref<1x16x256xf32, #tpu.memory_space<vmem>>, vector<1x16x256xf32>,
    return
  }
  func.func @transform_0(%arg0: i32, %arg1: i32) -> (i32, i32, i32) {
    %add3A = arith.constant 0 : i32
    %add3A_0 = arith.addi %arg1, %add3A : i32
    %c0_i32 = arith.constant 0 : i32
    %c0_i32_1 = arith.constant 0 : i32
    return %arg0, %c0_i32, %add3A_0 : i32, i32, i32
  }
  func.func @transform_1(%arg0: i32, %arg1: i32) -> (i32, i32, i32) {
    %c0_i32 = arith.constant 0 : i32
    %c0_i32_0 = arith.constant 0 : i32
    return %arg0, %c0_i32, %arg1 : i32, i32, i32
  }
}

</mosaic_0001>

<sc_bundles>
// kernel: kernel.5.cloned.1.call-start
scs
__scs_entry_jumppad:
0x0: {  	(pc) =	sbr.rel $0x88, $3  }
0x1: {  	(tag) =	ssettag $0x0;
	lr =	simm.s32 $0x1  }
0x2: {  	[smem:$0x3FA0] =	sst lr;
	_ =	strace $0xD0000000  }
0x3: {  	_ = 	snop  }
0x4: {  	_ = 	snop  }
0x5: {  	_ = 	snop  }
0x6: {  	_ = 	snop  }
0x7: {  	_ = 	snop  }
__scs_overlays_trampoline_lowered:
0x8: {  	[smem:$0x3FAF] =	sst s0  }
0x9: {  	[smem:$0x3FB0] =	sst s1  }
0xa: {  	[smem:$0x3FB1] =	sst s2  }
0xb: {  	[smem:$0x3FB2] =	sst s3  }
0xc: {  	[smem:$0x3FB3] =	sst s4  }
0xd: {  	[smem:$0x3FB4] =	sst s5  }
0xe: {  	[smem:$0x3FB5] =	sst s6  }
0xf: {  	[smem:$0x3FB6] =	sst s7  }
0x10: {  	[smem:$0x3FB7] =	sst s8  }
0x11: {  	[smem:$0x3FB8] =	sst s9;
	s0 =	simm.s32 @!p0 $0x0  }
0x12: {  	s1 =	sld [smem:$0x3F9E];
	s0 =	simm.s32 @p0 $0x1  }
0x13: {  	[smem:$0x3FB9] =	sst s0;
	s0 =	simm.s32 @!p1 $0x0  }
0x14: {  	s2 =	sld [smem:$0x3F9D];
	s0 =	simm.s32 @p1 $0x1  }
0x15: {  	[smem:$0x3FBA] =	sst s0;
	s0 =	simm.s32 @!p2 $0x0  }
0x16: {  	s3 =	sld [smem:$0x3FDB];
	s0 =	simm.s32 @p2 $0x1  }
0x17: {  	s4 =	simm.s32 $0x1BF5;
	[smem:$0x3FBC] =	sst s0  }
0x18: {  	s0 =	sld [smem:$0x3F9F];
	_ =	swait.ge [sflag:s4], $0x0  }
0x19: {  	s7 =	sld [smem:$0x3FA0]  }
0x1a: {  	s8 =	sadd.s32 $0xFFFFE003, lr  }
0x1b: {  	s9 =	sadd.s32 $0xFFFFFEF7, lr;
	s5 =	simm.s32 $0xFFFFFFFF;
	p2 =	slt.u32 s8, $0xFFFFF086  }
0x1c: {  	p1 =	slt.u32 s9, $0xF7A;
	s5 =	simm.s32 @!p2 $0x0  }
0x1d: {  	s5 =	simm.s32 @p1 $0x1;
	p0 =	seq.s32 s7, s2  }
0x1e: {  	s7 =	smul.u32 @!p0 $0xF7A, s2;
	p2 =	seq.s32 @!p0 s5, $0x0  }
0x1f: {  	s9 =	smul.u32 $0xF7A, s1;
	s8 =	simm.s32 @!p0 $0x1BF5;
	p2 =	por !p2, p0  }
0x20: {  	[sflag:s8] =	ssyncset.s32 @!p0 $0xFFFFF086;
	s6 =	sadd.s32 @!p0 s3, s7;
	s7 =	simm.s32 @!p0 $0x108  }
0x21: {  	s3 =	sadd.s32 s3, s9;
	s6 =	sadd.s32 @!p0 $0x88, s6;
	s7 =	simm.s32 @p2 $0x1082  }
0x22: {  	[simem:s7], [sflag:s8] =	dma.local @!p0 [hbm:s6], $0xF7A  }
0x23: {  	s9 =	sor.u32 $0xD0000000, s2;
	s6 =	simm.s32 $0x108;
	_ =	swait.ge @!p0 [sflag:s8], $0x0  }
0x24: {  	s3 =	sadd.s32 $0x88, s3;
	s6 =	simm.s32 @!p1 $0x1082;
	[sflag:s4] =	ssyncset.s32 $0xFFFFF086  }
0x25: {  	[simem:s6], [sflag:s4] =	dma.local [hbm:s3], $0xF7A  }
0x26: {  	[smem:$0x3FA0] =	sst s1;
	(tag) =	ssettag s2;
	_ =	strace s9  }
0x27: {  	s1 =	sld [smem:$0x3FB0]  }
0x28: {  	s2 =	sld [smem:$0x3FB1]  }
0x29: {  	s4 =	sld [smem:$0x3FB3]  }
0x2a: {  	p0 =	seq.s32 s5, $0x0;
	s5 =	sld [smem:$0x3FB4]  }
0x2b: {  	s6 =	sld [smem:$0x3FB5]  }
0x2c: {  	s7 =	sld [smem:$0x3FB6]  }
0x2d: {  	s3 =	simm.s32 $0x108;
	s8 =	sld [smem:$0x3FB7]  }
0x2e: {  	s3 =	simm.s32 @!p0 $0x1082;
	s9 =	sld [smem:$0x3FB8]  }
0x2f: {  	lr =	sadd.s32 s0, s3;
	s0 =	sld [smem:$0x3FAF]  }
0x30: {  	s3 =	sld [smem:$0x3FB2]  }
0x31: {  	[smem:$0x3FBB] =	sst s10  }
0x32: {  	s10 =	sld [smem:$0x3FB9];
	_ =	sdelay $0x3  }
0x33: {  	p0 =	seq.s32 s10, $0x1;
	s10 =	sld [smem:$0x3FBB];
	_ =	sdelay $0x3  }
0x34: {  	[smem:$0x3FBB] =	sst s10  }
0x35: {  	s10 =	sld [smem:$0x3FBA];
	_ =	sdelay $0x3  }
0x36: {  	p1 =	seq.s32 s10, $0x1;
	s10 =	sld [smem:$0x3FBB];
	_ =	sdelay $0x3  }
0x37: {  	[smem:$0x3FBB] =	sst s10  }
0x38: {  	s10 =	sld [smem:$0x3FBC]  }
0x39: {  	_ = 	snop;
	(pc) =	sbr.ind lr, $3  }
0x3a: {  	_ = 	snop  }
0x3b: {  	_ = 	snop  }
0x3c: {  	p2 =	seq.s32 s10, $0x1;
	s10 =	sld [smem:$0x3FBB]  }
0x3d: {  	_ =	shalt  }
0x3e: {  	_ =	shalt  }
0x3f: {  	_ =	shalt  }
0x40: {  	_ =	shalt  }
0x41: {  	_ =	shalt  }
0x42: {  	_ =	shalt  }
0x43: {  	_ =	shalt  }
0x44: {  	_ =	shalt  }
0x45: {  	_ =	shalt  }
0x46: {  	_ =	shalt  }
0x47: {  	_ =	shalt  }
0x48: {  	_ =	shalt  }
0x49: {  	_ =	shalt  }
0x4a: {  	_ =	shalt  }
0x4b: {  	_ =	shalt  }
0x4c: {  	_ =	shalt  }
0x4d: {  	_ =	shalt  }
0x4e: {  	_ =	shalt  }
0x4f: {  	_ =	shalt  }
0x50: {  	_ =	shalt  }
0x51: {  	_ =	shalt  }
0x52: {  	_ =	shalt  }
0x53: {  	_ =	shalt  }
0x54: {  	_ =	shalt  }
0x55: {  	_ =	shalt  }
0x56: {  	_ =	shalt  }
0x57: {  	_ =	shalt  }
0x58: {  	_ =	shalt  }
0x59: {  	_ =	shalt  }
0x5a: {  	_ =	shalt  }
0x5b: {  	_ =	shalt  }
0x5c: {  	_ =	shalt  }
0x5d: {  	_ =	shalt  }
0x5e: {  	_ =	shalt  }
0x5f: {  	_ =	shalt  }
0x60: {  	_ =	shalt  }
0x61: {  	_ =	shalt  }
0x62: {  	_ =	shalt  }
0x63: {  	_ =	shalt  }
0x64: {  	_ =	shalt  }
0x65: {  	_ =	shalt  }
0x66: {  	_ =	shalt  }
0x67: {  	_ =	shalt  }
0x68: {  	_ =	shalt  }
0x69: {  	_ =	shalt  }
0x6a: {  	_ =	shalt  }
0x6b: {  	_ =	shalt  }
0x6c: {  	_ =	shalt  }
0x6d: {  	_ =	shalt  }
0x6e: {  	_ =	shalt  }
0x6f: {  	_ =	shalt  }
0x70: {  	_ =	shalt  }
0x71: {  	_ =	shalt  }
0x72: {  	_ =	shalt  }
0x73: {  	_ =	shalt  }
0x74: {  	_ =	shalt  }
0x75: {  	_ =	shalt  }
0x76: {  	_ =	shalt  }
0x77: {  	_ =	shalt  }
0x78: {  	_ =	shalt  }
0x79: {  	_ =	shalt  }
0x7a: {  	_ =	shalt  }
0x7b: {  	_ =	shalt  }
0x7c: {  	_ =	shalt  }
0x7d: {  	_ =	shalt  }
0x7e: {  	_ =	shalt  }
0x7f: {  	_ =	shalt  }
0x80: {  	_ =	shalt  }
0x81: {  	_ =	shalt  }
0x82: {  	_ =	shalt  }
0x83: {  	_ =	shalt  }
0x84: {  	_ =	shalt  }
0x85: {  	_ =	shalt  }
0x86: {  	_ =	shalt  }
0x87: {  	_ =	shalt  }
.Lfunc_end0:
.L_simem_size_0:
called_computation_lowered:
.L_overlay_start_0:
0x88: {  	s2 =	sld [smem:$0x3FD9]  }
0x89: {  	s3 =	sld [smem:$0x3FFE];
	_ =	sdelay $0x1  }
0x8a: {  	s1 =	srdreg.scid  }
0x8b: {  	s0 =	sand.u32 $0x1, s1  }
0x8c: {  	s18 =	sshll.u32 s0, $0xA;
	s2 =	sadd.s32 s3, s2  }
0x8d: {  	s2 =	sadd.s32 s2, s18  }
0x8e: {  	[smem:$0x3FC7] =	sst s2  }
0x8f: {  	_ = 	snop  }
0x90: {  	s2 =	sld [smem:$0x3FC9]  }
0x91: {  	s19 =	sld [smem:$0x3FD0];
	(tm) =	ssettm $0x1  }
0x92: {  	s4 =	sld [smem:$0x3FFB];
	_ =	sdelay $0x3  }
0x93: {  	_ =	strace s4  }
0x94: {  	s4 =	sld [smem:$0x3FFC];
	_ =	sdelay $0x3  }
0x95: {  	_ =	strace s4  }
0x96: {  	s4 =	sld [smem:$0x3FFD];
	_ =	sdelay $0x3  }
0x97: {  	_ =	strace s4  }
0x98: {  	_ =	strace $0x8FFFFFFF  }
0x99: {  	s20 =	sld [smem:$0x3FDB];
	_ =	sdelay $0x1  }
0x9a: {  	s5 =	simm.s32 $_scs_section_size  }
0x9b: {  	s6 =	simm.s32 $_size__tile_overlayer_lowered;
	s7 =	simm.s32 $_tile_overlayer_lowered  }
0x9c: {  	s23 =	simm.s32 $0x1BFF;
	s22 =	sshll.u32 s7, $0x1;
	s4 =	sadd.s32 s5, s20  }
0x9d: {  	s8 =	simm.s32 $0x0;
	s21 =	sshll.u32 s6, $0x1;
	s6 =	sadd.s32 s22, s4  }
0x9e: {  	[timem:s8], [sflag:s23] =	dma.local [hbm:s6], s21  }
0x9f: {  	_ =	swait.ge [sflag:s23], s21  }
0xa0: {  	s5 =	ssub.s32 $0x0, s21;
	[sflag:s23] =	ssyncset.done $0x0  }
0xa1: {  	[sflag:s23] =	ssyncadd.s32 s5;
	_ =	sdelay $0x1  }
0xa2: {  	s24 =	simm.s32 $0x1B8B  }
0xa3: {  	_ =	swait.ge [sflag:s24], $0x1  }
0xa4: {  	[sflag:s24] =	ssyncset.done $0x0  }
0xa5: {  	s25 =	simm.s32 $0x1B8E;
	[sflag:s24] =	ssyncadd.s32 $0xFFFFFFFF  }
0xa6: {  	s26 =	simm.s32 $execute0_lowered;
	[smem:$0x3FD2] =	sst s25  }
0xa7: {  	s5 =	sshll.u32 s26, $0x1;
	_ =	strace $0x80000046;
	[dreg:$0x1] =	wrdreg $0xFFFFFFFF  }
0xa8: {  	s28 =	simm.s32 $_size_execute0_lowered;
	s4 =	sadd.s32 s4, s5;
	[dreg:$0x0] =	wrdreg $0x0  }
0xa9: {  	s5 =	sshll.u32 s28, $0x1;
	[dreg:$0x2] =	wrdreg s4  }
0xaa: {  	[dreg:$0x3] =	wrdreg s5  }
0xab: {  	[dreg:$0x4] =	wrdreg $0xC0  }
0xac: {  	_ =	task [dreg:s8], $0x5FFFF  }
0xad: {  	[dreg:$0x1] =	wrdreg $0xFFFFFFFF  }
0xae: {  	[dreg:$0x0] =	wrdreg $0x60  }
0xaf: {  	[dreg:$0x2] =	wrdreg s2  }
0xb0: {  	[dreg:$0x3] =	wrdreg s19  }
0xb1: {  	[dreg:$0x4] =	wrdreg $0x9  }
0xb2: {  	_ =	task.clear_ibuf [dreg:s8], $0x5FFFF;
	_ =	strace $0x90000046  }
0xb3: {  	s29 =	simm.s32 $0x9;
	_ =	strace $0x80000048  }
0xb4: {  	_ =	swait.ge [sflag:s29], $0x1  }
0xb5: {  	[sflag:s29] =	ssyncadd.s32 $0xFFFFFFFF  }
0xb6: {  	_ =	strace $0x90000048  }
0xb7: {  	_ =	sfence  }
0xb8: {  	s30 =	sld [smem:$0x0];
	_ =	sdelay $0x2  }
0xb9: {  	s31 =	sshll.u32 s1, $0xD;
	s1 =	sshrl.u32 s1, $0x2  }
0xba: {  	s3 =	sand.u32 $0x4000, s31;
	s1 =	sadd.s32 s1, s30  }
0xbb: {  	s0 =	sor.u32 s3, s0;
	s1 =	sshll.u32 s1, $0x11  }
0xbc: {  	s0 =	sor.u32 s1, s0  }
0xbd: {  	s0 =	sadd.s32 $0x8F2B, s0  }
0xbe: {  	[sflag:s0] =	ssyncadd.remote.s32 $0x1  }
0xbf: {  	_ =	sfence.sel $0xFFFF  }
0xc0: {  	[dreg:$0x0] =	wrdreg $0xFFFFFFFF;
	(pc) =	sbr.abs _section_cstart, $3  }
0xc1: {  	[dreg:$0x1] =	wrdreg $0xFFFFFFFF  }
0xc2: {  	_ =	task.clear_ibuf [dreg:s8], $0x2FFFF;
	_ =	strace $0x9FFFFFFF  }
0xc3: {  	(tm) =	ssettm $0x7FFFFFFF  }
tec
execute0_lowered:
.L_overlay_start_1:
0x0: {  	(tag) =	ssettag $0x1  }
0x1: {  	s1 =	srdreg.scid  }
0x2: {  	s0 =	stileid.u32;
	s6 =	sand.u32 $0x1, s1  }
0x3: {  	s1 =	sor.u32 s6, s0  }
0x4: {  	p1 =	seq.s32 s6, $0x1;
	p0 =	seq.s32 s1, $0x0  }
0x5: {  	p0 =	por !p0, !p1  }
0x6: {  	s1 =	simm.s32 $0x1;
	p0 =	por !p0, !p0  }
0x7: {  	s1 =	simm.s32 @!p0 $0x0  }
0x8: {  	s1 =	ssub.s32 s0, s1  }
0x9: {  	s2 =	sand.u32 $0xC0, s1  }
0xa: {  	s8 =	rddreg [dreg:$0x1];
	s7 =	simm.s32 $0x1;
	s2 =	sshrl.u32 s2, $0x6  }
0xb: {  	s3 =	simm.s32 $0x0;
	s15 =	simm.s32 $0x0;
	s4 =	sadd.s32 s2, s1  }
0xc: {  	[smem:$0x7FF] =	sst s3;
	s10 =	sshll.u32 s6, $0x17;
	s2 =	sand.u32 $0xFFFFFFFC, s4  }
0xd: {  	s28 =	ssub.s32 $0x2, s6;
	s6 =	sshll.u32 s6, $0xB;
	s5 =	ssub.s32 s1, s2  }
0xe: {  	s14 =	sshrl.u32 s28, $0x1;
	p5 =	slt.s32 s1, $0x1;
	p6 =	sne.s32 s5, $0x0  }
0xf: {  	s14 =	ssub.s32 s28, s14;
	s2 =	rddreg [dreg:$0x0];
	p0 =	por !p5, !p6  }
0x10: {  	s4 =	sshra.s32 s4, $0x2;
	s1 =	rddreg [dreg:$0x2];
	p0 =	por !p0, !p0  }
0x11: {  	_ =	strace $0x80000047;
	s9 =	sand.u32 $0x3, s5;
	s7 =	simm.s32 @!p0 $0x0  }
0x12: {  	s12 =	sshll.u32 s9, $0xA;
	s9 =	sshll.u32 s9, $0xC;
	s7 =	ssub.s32 s4, s7  }
0x13: {  	s13 =	sor.u32 $0x3000, s12;
	s12 =	sor.u32 s10, s12;
	s11 =	sshll.u32 s7, $0x18  }
0x14: {  	s4 =	simm.s32 $0x1;
	s7 =	sshll.u32 s7, $0xE;
	s29 =	sor.u32 s10, s11  }
0x15: {  	s7 =	sor.u32 s9, s7;
	s30 =	sor.u32 s11, s13;
	s11 =	sor.u32 s11, s12  }
0x16: {  	s12 =	simm.s32 $0x2;
	s5 =	sor.u32 s13, s29;
	s7 =	sor.u32 s6, s7  }
0x17: {  	s6 =	sor.u32 $0x43000, s11;
	s9 =	sor.u32 s30, s10;
	s10 =	simm.s32 $0x400  }
0x18: {  	s11 =	simm.s32 $0x4000;
	s13 =	simm.s32 $0x8000;
	s5 =	sshrl.u32 s5, $0x3  }
0x19: {  	s31 =	sshrl.u32 s7, $0x3;
	s7 =	sor.u32 $0x80000, s9;
	s9 =	smax.u32 s14, $0x1  }
0x1a: {  	v0 =	vimm.f32 $-Inf;
	s14 =	simm.s32 $0x3;
	s5 =	sadd.s32 s2, s5;
	s8 =	sadd.s32 s8, s31  }
.LBB2_1:
0x1b: {  	[tilespmem:s3], [sflag:$0x1] =	stream.strided.gather [hbm4b:s5+s10], $0x4000, s11, s10, $0x38;
	[tilespmem:$0x8800] =	vst v63  }
0x1c: {  	[tilespmem:$0x8000] =	vst v0  }
0x1d: {  	[tilespmem:$0x8080] =	vst v0  }
0x1e: {  	[tilespmem:$0x8100] =	vst v0  }
0x1f: {  	[tilespmem:$0x8180] =	vst v0  }
0x20: {  	[tilespmem:$0x8200] =	vst v0  }
0x21: {  	[tilespmem:$0x8280] =	vst v0  }
0x22: {  	[tilespmem:$0x8300] =	vst v0  }
0x23: {  	[tilespmem:$0x8380] =	vst v0  }
0x24: {  	[tilespmem:$0x8400] =	vst v0  }
0x25: {  	[tilespmem:$0x8480] =	vst v0  }
0x26: {  	[tilespmem:$0x8500] =	vst v0  }
0x27: {  	[tilespmem:$0x8580] =	vst v0  }
0x28: {  	[tilespmem:$0x8600] =	vst v0  }
0x29: {  	[tilespmem:$0x8680] =	vst v0  }
0x2a: {  	[tilespmem:$0x8700] =	vst v0  }
0x2b: {  	[tilespmem:$0x8780] =	vst v0  }
0x2c: {  	[tilespmem:$0x8010] =	vst v0  }
0x2d: {  	[tilespmem:$0x8090] =	vst v0  }
0x2e: {  	[tilespmem:$0x8110] =	vst v0  }
0x2f: {  	[tilespmem:$0x8190] =	vst v0  }
0x30: {  	[tilespmem:$0x8210] =	vst v0  }
0x31: {  	[tilespmem:$0x8290] =	vst v0  }
0x32: {  	[tilespmem:$0x8310] =	vst v0  }
0x33: {  	[tilespmem:$0x8390] =	vst v0  }
0x34: {  	[tilespmem:$0x8410] =	vst v0  }
0x35: {  	[tilespmem:$0x8490] =	vst v0  }
0x36: {  	[tilespmem:$0x8510] =	vst v0  }
0x37: {  	[tilespmem:$0x8590] =	vst v0  }
0x38: {  	[tilespmem:$0x8610] =	vst v0  }
0x39: {  	[tilespmem:$0x8690] =	vst v0  }
0x3a: {  	[tilespmem:$0x8710] =	vst v0  }
0x3b: {  	[tilespmem:$0x8790] =	vst v0  }
0x3c: {  	[tilespmem:$0x8020] =	vst v0  }
0x3d: {  	[tilespmem:$0x80A0] =	vst v0  }
0x3e: {  	[tilespmem:$0x8120] =	vst v0  }
0x3f: {  	[tilespmem:$0x81A0] =	vst v0  }
0x40: {  	[tilespmem:$0x8220] =	vst v0  }
0x41: {  	[tilespmem:$0x82A0] =	vst v0  }
0x42: {  	[tilespmem:$0x8320] =	vst v0  }
0x43: {  	[tilespmem:$0x83A0] =	vst v0  }
0x44: {  	[tilespmem:$0x8420] =	vst v0  }
0x45: {  	[tilespmem:$0x84A0] =	vst v0  }
0x46: {  	[tilespmem:$0x8520] =	vst v0  }
0x47: {  	[tilespmem:$0x85A0] =	vst v0  }
0x48: {  	[tilespmem:$0x8620] =	vst v0  }
0x49: {  	[tilespmem:$0x86A0] =	vst v0  }
0x4a: {  	[tilespmem:$0x8720] =	vst v0  }
0x4b: {  	[tilespmem:$0x87A0] =	vst v0  }
0x4c: {  	[tilespmem:$0x8030] =	vst v0  }
0x4d: {  	[tilespmem:$0x80B0] =	vst v0  }
0x4e: {  	[tilespmem:$0x8130] =	vst v0  }
0x4f: {  	[tilespmem:$0x81B0] =	vst v0  }
0x50: {  	[tilespmem:$0x8230] =	vst v0  }
0x51: {  	[tilespmem:$0x82B0] =	vst v0  }
0x52: {  	[tilespmem:$0x8330] =	vst v0  }
0x53: {  	[tilespmem:$0x83B0] =	vst v0  }
0x54: {  	[tilespmem:$0x8430] =	vst v0  }
0x55: {  	[tilespmem:$0x84B0] =	vst v0  }
0x56: {  	[tilespmem:$0x8530] =	vst v0  }
0x57: {  	[tilespmem:$0x85B0] =	vst v0  }
0x58: {  	[tilespmem:$0x8630] =	vst v0  }
0x59: {  	[tilespmem:$0x86B0] =	vst v0  }
0x5a: {  	[tilespmem:$0x8730] =	vst v0  }
0x5b: {  	[tilespmem:$0x87B0] =	vst v0  }
0x5c: {  	[tilespmem:$0x8040] =	vst v0  }
0x5d: {  	[tilespmem:$0x80C0] =	vst v0  }
0x5e: {  	[tilespmem:$0x8140] =	vst v0  }
0x5f: {  	[tilespmem:$0x81C0] =	vst v0  }
0x60: {  	[tilespmem:$0x8240] =	vst v0  }
0x61: {  	[tilespmem:$0x82C0] =	vst v0  }
0x62: {  	[tilespmem:$0x8340] =	vst v0  }
0x63: {  	[tilespmem:$0x83C0] =	vst v0  }
0x64: {  	[tilespmem:$0x8440] =	vst v0  }
0x65: {  	[tilespmem:$0x84C0] =	vst v0  }
0x66: {  	[tilespmem:$0x8540] =	vst v0  }
0x67: {  	[tilespmem:$0x85C0] =	vst v0  }
0x68: {  	[tilespmem:$0x8640] =	vst v0  }
0x69: {  	[tilespmem:$0x86C0] =	vst v0  }
0x6a: {  	[tilespmem:$0x8740] =	vst v0  }
0x6b: {  	[tilespmem:$0x87C0] =	vst v0  }
0x6c: {  	[tilespmem:$0x8050] =	vst v0  }
0x6d: {  	[tilespmem:$0x80D0] =	vst v0  }
0x6e: {  	[tilespmem:$0x8150] =	vst v0  }
0x6f: {  	[tilespmem:$0x81D0] =	vst v0  }
0x70: {  	[tilespmem:$0x8250] =	vst v0  }
0x71: {  	[tilespmem:$0x82D0] =	vst v0  }
0x72: {  	[tilespmem:$0x8350] =	vst v0  }
0x73: {  	[tilespmem:$0x83D0] =	vst v0  }
0x74: {  	[tilespmem:$0x8450] =	vst v0  }
0x75: {  	[tilespmem:$0x84D0] =	vst v0  }
0x76: {  	[tilespmem:$0x8550] =	vst v0  }
0x77: {  	[tilespmem:$0x85D0] =	vst v0  }
0x78: {  	[tilespmem:$0x8650] =	vst v0  }
0x79: {  	[tilespmem:$0x86D0] =	vst v0  }
0x7a: {  	[tilespmem:$0x8750] =	vst v0  }
0x7b: {  	[tilespmem:$0x87D0] =	vst v0  }
0x7c: {  	[tilespmem:$0x8060] =	vst v0  }
0x7d: {  	[tilespmem:$0x80E0] =	vst v0  }
0x7e: {  	[tilespmem:$0x8160] =	vst v0  }
0x7f: {  	[tilespmem:$0x81E0] =	vst v0  }
0x80: {  	[tilespmem:$0x8260] =	vst v0  }
0x81: {  	[tilespmem:$0x82E0] =	vst v0  }
0x82: {  	[tilespmem:$0x8360] =	vst v0  }
0x83: {  	[tilespmem:$0x83E0] =	vst v0  }
0x84: {  	[tilespmem:$0x8460] =	vst v0  }
0x85: {  	[tilespmem:$0x84E0] =	vst v0  }
0x86: {  	[tilespmem:$0x8560] =	vst v0  }
0x87: {  	[tilespmem:$0x85E0] =	vst v0  }
0x88: {  	[tilespmem:$0x8660] =	vst v0  }
0x89: {  	[tilespmem:$0x86E0] =	vst v0  }
0x8a: {  	[tilespmem:$0x8760] =	vst v0  }
0x8b: {  	[tilespmem:$0x87E0] =	vst v0  }
0x8c: {  	[tilespmem:$0x8070] =	vst v0  }
0x8d: {  	[tilespmem:$0x80F0] =	vst v0  }
0x8e: {  	[tilespmem:$0x8170] =	vst v0  }
0x8f: {  	[tilespmem:$0x81F0] =	vst v0  }
0x90: {  	[tilespmem:$0x8270] =	vst v0  }
0x91: {  	[tilespmem:$0x82F0] =	vst v0  }
0x92: {  	[tilespmem:$0x8370] =	vst v0  }
0x93: {  	[tilespmem:$0x83F0] =	vst v0  }
0x94: {  	[tilespmem:$0x8470] =	vst v0  }
0x95: {  	[tilespmem:$0x84F0] =	vst v0  }
0x96: {  	[tilespmem:$0x8570] =	vst v0  }
0x97: {  	[tilespmem:$0x85F0] =	vst v0  }
0x98: {  	[tilespmem:$0x8670] =	vst v0  }
0x99: {  	[tilespmem:$0x86F0] =	vst v0  }
0x9a: {  	[tilespmem:$0x8770] =	vst v0  }
0x9b: {  	s16 =	simm.s32 $0x0;
	[tilespmem:$0x87F0] =	vst v0  }
.LBB2_2:
0x9c: {  	s17 =	sshll.u32 s16, $0x13  }
0x9d: {  	_ =	swait.ge [sflag:s4], $0x4000;
	s18 =	sor.u32 s17, s6  }
0x9e: {  	[sflag:s4] =	ssyncset.done $0x0;
	s18 =	sshrl.u32 s18, $0x3  }
0x9f: {  	[sflag:s4] =	ssyncadd.s32 $0xFFFFC000;
	s19 =	sadd.s32 s2, s18;
	s18 =	simm.s32 $0x400  }
0xa0: {  	[tilespmem:s11], [sflag:$0x2] =	stream.strided.gather [hbm4b:s19+s18], $0x4000, s11, s18, $0x38;
	[tilespmem:$0x8800] =	vst v63  }
0xa1: {  	s19 =	simm.s32 $0x0  }
.LBB2_3:
0xa2: {  	v1 =	vmov s18;
	_ =	sdelay $0x3  }
0xa3: {  	s20 =	simm.s32 $0x0  }
0xa4: {  	v2 =	vld.idx.msk [tilespmem:v1+s20+$0xFFFFFC00 ss:$0x1], $0xffff  }
0xa5: {  	v3 =	vld.idx.msk [tilespmem:v1+s20+$0xFFFFFC80 ss:$0x1], $0xffff  }
0xa6: {  	v4 =	vld.idx.msk [tilespmem:v1+s20+$0xFFFFFD00 ss:$0x1], $0xffff  }
0xa7: {  	v5 =	vld.idx.msk [tilespmem:v1+s20+$0xFFFFFD80 ss:$0x1], $0xffff  }
0xa8: {  	v6 =	vld.idx.msk [tilespmem:v1+s20+$0xFFFFFE00 ss:$0x1], $0xffff  }
0xa9: {  	v7 =	vld.idx.msk [tilespmem:v1+s20+$0xFFFFFE80 ss:$0x1], $0xffff  }
0xaa: {  	v8 =	vld.idx.msk [tilespmem:v1+s20+$0xFFFFFF00 ss:$0x1], $0xffff  }
0xab: {  	v9 =	vld.idx.msk [tilespmem:v1+s20+$0xFFFFFF80 ss:$0x1], $0xffff  }
0xac: {  	v10 =	vld.idx.msk [tilespmem:v1+s20+$0x0 ss:$0x1], $0xffff  }
0xad: {  	v11 =	vld.idx.msk [tilespmem:v1+s20+$0x80 ss:$0x1], $0xffff  }
0xae: {  	v12 =	vld.idx.msk [tilespmem:v1+s20+$0x100 ss:$0x1], $0xffff  }
0xaf: {  	v13 =	vld.idx.msk [tilespmem:v1+s20+$0x180 ss:$0x1], $0xffff  }
0xb0: {  	v14 =	vld.idx.msk [tilespmem:v1+s20+$0x200 ss:$0x1], $0xffff  }
0xb1: {  	v15 =	vld.idx.msk [tilespmem:v1+s20+$0x280 ss:$0x1], $0xffff  }
0xb2: {  	v16 =	vld.idx.msk [tilespmem:v1+s20+$0x300 ss:$0x1], $0xffff  }
0xb3: {  	v17 =	vld.idx.msk [tilespmem:v1+s20+$0x380 ss:$0x1], $0xffff;
	v18 =	vmax.f32 v2, v3  }
0xb4: {  	v2 =	vmin.f32 v2, v3;
	v3 =	vmax.f32 v4, v5;
	v4 =	vmin.f32 v4, v5  }
0xb5: {  	v5 =	vmax.f32 v6, v7;
	v6 =	vmin.f32 v6, v7;
	v7 =	vmax.f32 v8, v9  }
0xb6: {  	v8 =	vmin.f32 v8, v9;
	v9 =	vmax.f32 v10, v11;
	v10 =	vmin.f32 v10, v11  }
0xb7: {  	v11 =	vmax.f32 v12, v13;
	v12 =	vmin.f32 v12, v13;
	v13 =	vmax.f32 v14, v15  }
0xb8: {  	v14 =	vmin.f32 v14, v15;
	v15 =	vmax.f32 v16, v17;
	v16 =	vmin.f32 v16, v17  }
0xb9: {  	v17 =	vmax.f32 v18, v3;
	v19 =	vmin.f32 v2, v4;
	v20 =	vmax.f32 v5, v7  }
0xba: {  	v21 =	vmin.f32 v6, v8;
	v22 =	vmax.f32 v9, v11;
	v23 =	vmin.f32 v10, v12  }
0xbb: {  	v3 =	vmin.f32 v18, v3;
	v18 =	vmax.f32 v13, v15;
	v24 =	vmin.f32 v14, v16  }
0xbc: {  	v2 =	vmax.f32 v2, v4;
	v4 =	vmin.f32 v5, v7;
	v5 =	vmax.f32 v6, v8  }
0xbd: {  	v6 =	vmin.f32 v9, v11;
	v7 =	vmax.f32 v10, v12;
	v8 =	vmin.f32 v13, v15  }
0xbe: {  	v11 =	vmax.f32 v14, v16;
	v9 =	vmax.f32 v17, v20;
	v10 =	vmin.f32 v19, v21  }
0xbf: {  	v12 =	vmin.f32 v17, v20;
	v13 =	vmax.f32 v22, v18;
	v14 =	vmin.f32 v23, v24  }
0xc0: {  	v15 =	vmax.f32 v19, v21;
	v16 =	vmin.f32 v22, v18;
	v17 =	vmax.f32 v23, v24  }
0xc1: {  	v21 =	vmax.f32 v2, v3;
	v3 =	vmin.f32 v2, v3;
	v22 =	vmax.f32 v5, v4  }
0xc2: {  	v23 =	vmin.f32 v5, v4;
	v24 =	vmax.f32 v7, v6;
	v7 =	vmin.f32 v7, v6  }
0xc3: {  	s20 =	sshll.u32 s19, $0x4;
	v25 =	vmax.f32 v11, v8;
	v8 =	vmin.f32 v11, v8;
	v18 =	vmax.f32 v9, v13  }
0xc4: {  	v2 =	vld [tilespmem:s20+$0x8000];
	v27 =	vmin.f32 v9, v13;
	v20 =	vmax.f32 v10, v14;
	v19 =	vmin.f32 v10, v14  }
0xc5: {  	v4 =	vld [tilespmem:s20+$0x8080];
	v13 =	vmin.f32 v3, v23;
	v10 =	vmax.f32 v21, v22;
	v14 =	vmin.f32 v7, v8  }
0xc6: {  	v5 =	vld [tilespmem:s20+$0x8100];
	v3 =	vmax.f32 v3, v23;
	v9 =	vmin.f32 v21, v22;
	v21 =	vmax.f32 v24, v25  }
0xc7: {  	v6 =	vld [tilespmem:s20+$0x8180];
	v22 =	vmax.f32 v7, v8;
	v23 =	vmin.f32 v24, v25;
	v11 =	vmax.f32 v3, v12  }
0xc8: {  	v7 =	vld [tilespmem:s20+$0x8200];
	v3 =	vmin.f32 v3, v12;
	v12 =	vmax.f32 v15, v9;
	v15 =	vmin.f32 v15, v9  }
0xc9: {  	v8 =	vld [tilespmem:s20+$0x8280];
	v24 =	vmax.f32 v22, v16;
	v16 =	vmin.f32 v22, v16;
	v22 =	vmax.f32 v17, v23  }
0xca: {  	v9 =	vld [tilespmem:s20+$0x8300];
	v17 =	vmin.f32 v17, v23;
	v28 =	vmax.f32 v10, v11;
	v25 =	vmin.f32 v10, v11  }
0xcb: {  	v10 =	vld [tilespmem:s20+$0x8380];
	v30 =	vmax.f32 v12, v3;
	v3 =	vmin.f32 v12, v3;
	v29 =	vmax.f32 v15, v13  }
0xcc: {  	v11 =	vld [tilespmem:s20+$0x8400];
	v31 =	vmin.f32 v15, v13;
	v32 =	vmax.f32 v21, v24;
	v33 =	vmin.f32 v21, v24  }
0xcd: {  	v12 =	vld [tilespmem:s20+$0x8480];
	v34 =	vmax.f32 v22, v16;
	v16 =	vmin.f32 v22, v16;
	v35 =	vmin.f32 v17, v14  }
0xce: {  	v13 =	vld [tilespmem:s20+$0x8500];
	v17 =	vmax.f32 v17, v14;
	v21 =	vmin.f32 v31, v35;
	v22 =	vmax.f32 v28, v32  }
0xcf: {  	v14 =	vld [tilespmem:s20+$0x8580];
	v24 =	vmin.f32 v3, v16;
	v26 =	vmax.f32 v25, v33;
	v23 =	vmin.f32 v29, v17  }
0xd0: {  	v15 =	vld [tilespmem:s20+$0x8600];
	v3 =	vmax.f32 v3, v16;
	v36 =	vmin.f32 v25, v33;
	v25 =	vmax.f32 v30, v34  }
0xd1: {  	v16 =	vld [tilespmem:s20+$0x8680];
	v35 =	vmax.f32 v31, v35;
	v31 =	vmin.f32 v28, v32;
	v33 =	vmax.f32 v29, v17  }
0xd2: {  	v17 =	vld [tilespmem:s20+$0x8700];
	v34 =	vmin.f32 v30, v34;
	v29 =	vmax.f32 v3, v27;
	v27 =	vmin.f32 v3, v27  }
0xd3: {  	s21 =	simm.s32 $0x2000;
	v3 =	vld [tilespmem:s20+$0x8780];
	v32 =	vmax.f32 v35, v36;
	v30 =	vmin.f32 v35, v36;
	v28 =	vmax.f32 v33, v31  }
.LBB2_4:
0xd4: {  	p0 =	sne.s32 s21, $0xE000;
	v31 =	vmin.f32 v33, v31;
	v33 =	vmax.f32 v20, v34;
	v20 =	vmin.f32 v20, v34  }
0xd5: {  	v34 =	vmax.f32 v26, v29;
	v26 =	vmin.f32 v26, v29;
	v29 =	vmax.f32 v32, v27  }
0xd6: {  	v27 =	vmin.f32 v32, v27;
	v32 =	vmax.f32 v30, v24;
	v24 =	vmin.f32 v30, v24  }
0xd7: {  	v30 =	vmax.f32 v25, v28;
	v25 =	vmin.f32 v25, v28;
	v28 =	vmax.f32 v33, v31  }
0xd8: {  	v31 =	vmin.f32 v33, v31;
	v33 =	vmax.f32 v20, v23;
	v20 =	vmin.f32 v20, v23  }
0xd9: {  	v23 =	vmax.f32 v22, v34;
	v22 =	vmin.f32 v22, v34;
	v34 =	vmax.f32 v30, v26  }
0xda: {  	v26 =	vmin.f32 v30, v26;
	v30 =	vmax.f32 v25, v29;
	v25 =	vmin.f32 v25, v29  }
0xdb: {  	v29 =	vmax.f32 v28, v27;
	v27 =	vmin.f32 v28, v27;
	v28 =	vmax.f32 v31, v32  }
0xdc: {  	v31 =	vmin.f32 v31, v32;
	v32 =	vmax.f32 v33, v24;
	v24 =	vmin.f32 v33, v24  }
0xdd: {  	v2 =	vmax.f32 v2, v19;
	v33 =	vmax.f32 v20, v21;
	v20 =	vmin.f32 v20, v21  }
0xde: {  	v18 =	vmax.f32 v3, v18;
	v4 =	vmax.f32 v4, v20;
	v5 =	vmax.f32 v5, v33  }
0xdf: {  	v6 =	vmax.f32 v6, v24;
	v7 =	vmax.f32 v7, v32;
	v8 =	vmax.f32 v8, v31  }
0xe0: {  	v9 =	vmax.f32 v9, v28;
	v10 =	vmax.f32 v10, v27;
	v3 =	vmax.f32 v11, v29  }
0xe1: {  	v11 =	vmax.f32 v12, v25;
	v12 =	vmax.f32 v13, v30;
	v13 =	vmax.f32 v14, v26  }
0xe2: {  	v14 =	vmax.f32 v15, v34;
	v15 =	vmax.f32 v16, v22;
	v16 =	vmax.f32 v17, v23  }
0xe3: {  	v17 =	vmin.f32 v2, v3;
	v19 =	vmin.f32 v4, v11;
	v20 =	vmin.f32 v5, v12  }
0xe4: {  	v21 =	vmin.f32 v6, v13;
	v22 =	vmin.f32 v7, v14;
	v23 =	vmin.f32 v8, v15  }
0xe5: {  	v24 =	vmin.f32 v9, v16;
	v25 =	vmin.f32 v10, v18;
	v26 =	vmin.f32 v17, v22  }
0xe6: {  	v27 =	vmin.f32 v19, v23;
	v28 =	vmin.f32 v20, v24;
	v29 =	vmin.f32 v21, v25  }
0xe7: {  	s22 =	sshra.s32 s21, $0x2;
	v2 =	vmax.f32 v2, v3;
	v30 =	vmin.f32 v26, v28;
	v31 =	vmin.f32 v27, v29  }
0xe8: {  	v4 =	vmax.f32 v4, v11;
	v5 =	vmax.f32 v5, v12;
	v3 =	vmin.f32 v30, v31;
	v32 =	vld.idx.msk [tilespmem:v1+s22+$0xFFFFFC00 ss:$0x1], $0xffff  }
0xe9: {  	v6 =	vmax.f32 v6, v13;
	v7 =	vmax.f32 v7, v14;
	v8 =	vmax.f32 v8, v15;
	v33 =	vld.idx.msk [tilespmem:v1+s22+$0xFFFFFC80 ss:$0x1], $0xffff  }
0xea: {  	v9 =	vmax.f32 v9, v16;
	v10 =	vmax.f32 v10, v18;
	v11 =	vmax.f32 v2, v7;
	v34 =	vld.idx.msk [tilespmem:v1+s22+$0xFFFFFD00 ss:$0x1], $0xffff  }
0xeb: {  	v2 =	vmin.f32 v2, v7;
	v7 =	vmax.f32 v4, v8;
	v4 =	vmin.f32 v4, v8;
	v18 =	vld.idx.msk [tilespmem:v1+s22+$0xFFFFFD80 ss:$0x1], $0xffff  }
0xec: {  	v8 =	vmax.f32 v5, v9;
	v5 =	vmin.f32 v5, v9;
	v9 =	vmax.f32 v6, v10;
	v35 =	vld.idx.msk [tilespmem:v1+s22+$0xFFFFFE00 ss:$0x1], $0xffff  }
0xed: {  	v6 =	vmin.f32 v6, v10;
	v10 =	vmax.f32 v17, v22;
	v12 =	vmax.f32 v19, v23;
	v36 =	vld.idx.msk [tilespmem:v1+s22+$0xFFFFFE80 ss:$0x1], $0xffff  }
0xee: {  	v14 =	vmax.f32 v20, v24;
	v15 =	vmax.f32 v21, v25;
	v13 =	vmax.f32 v11, v8;
	v19 =	vld.idx.msk [tilespmem:v1+s22+$0xFFFFFF00 ss:$0x1], $0xffff  }
0xef: {  	v8 =	vmin.f32 v11, v8;
	v11 =	vmax.f32 v7, v9;
	v7 =	vmin.f32 v7, v9;
	v20 =	vld.idx.msk [tilespmem:v1+s22+$0xFFFFFF80 ss:$0x1], $0xffff  }
0xf0: {  	v9 =	vmax.f32 v2, v5;
	v16 =	vmin.f32 v2, v5;
	v17 =	vmax.f32 v4, v6;
	v21 =	vld.idx.msk [tilespmem:v1+s22+$0x0 ss:$0x1], $0xffff  }
0xf1: {  	v23 =	vmin.f32 v4, v6;
	v24 =	vmax.f32 v10, v14;
	v14 =	vmin.f32 v10, v14;
	v22 =	vld.idx.msk [tilespmem:v1+s22+$0x80 ss:$0x1], $0xffff  }
0xf2: {  	v37 =	vmax.f32 v12, v15;
	v15 =	vmin.f32 v12, v15;
	v26 =	vmax.f32 v26, v28;
	v25 =	vld.idx.msk [tilespmem:v1+s22+$0x100 ss:$0x1], $0xffff  }
0xf3: {  	v27 =	vmax.f32 v27, v29;
	v2 =	vmax.f32 v13, v11;
	v4 =	vmin.f32 v13, v11;
	v28 =	vld.idx.msk [tilespmem:v1+s22+$0x180 ss:$0x1], $0xffff  }
0xf4: {  	v5 =	vmax.f32 v8, v7;
	v6 =	vmin.f32 v8, v7;
	v7 =	vmax.f32 v9, v17;
	v29 =	vld.idx.msk [tilespmem:v1+s22+$0x200 ss:$0x1], $0xffff  }
0xf5: {  	v8 =	vmin.f32 v9, v17;
	v9 =	vmax.f32 v16, v23;
	v10 =	vmin.f32 v16, v23;
	v38 =	vld.idx.msk [tilespmem:v1+s22+$0x280 ss:$0x1], $0xffff  }
0xf6: {  	v11 =	vmax.f32 v24, v37;
	v12 =	vmin.f32 v24, v37;
	v13 =	vmax.f32 v14, v15;
	v23 =	vld.idx.msk [tilespmem:v1+s22+$0x300 ss:$0x1], $0xffff  }
0xf7: {  	v14 =	vmin.f32 v14, v15;
	v15 =	vmax.f32 v26, v27;
	v16 =	vmin.f32 v26, v27;
	v24 =	vld.idx.msk [tilespmem:v1+s22+$0x380 ss:$0x1], $0xffff  }
0xf8: {  	v17 =	vmax.f32 v30, v31;
	v26 =	vmax.f32 v32, v33  }
0xf9: {  	v27 =	vmin.f32 v32, v33;
	v30 =	vmax.f32 v34, v18;
	v18 =	vmin.f32 v34, v18  }
0xfa: {  	v31 =	vmax.f32 v35, v36;
	v32 =	vmin.f32 v35, v36;
	v33 =	vmax.f32 v19, v20  }
0xfb: {  	v19 =	vmin.f32 v19, v20;
	v20 =	vmax.f32 v21, v22;
	v21 =	vmin.f32 v21, v22  }
0xfc: {  	v22 =	vmax.f32 v25, v28;
	v25 =	vmin.f32 v25, v28;
	v28 =	vmax.f32 v29, v38  }
0xfd: {  	v29 =	vmin.f32 v29, v38;
	v34 =	vmax.f32 v23, v24;
	v23 =	vmin.f32 v23, v24  }
0xfe: {  	v35 =	vmin.f32 v27, v18;
	v36 =	vmax.f32 v31, v33;
	v24 =	vmax.f32 v26, v30  }
0xff: {  	v37 =	vmin.f32 v32, v19;
	v39 =	vmin.f32 v21, v25;
	v38 =	vmax.f32 v20, v22  }
0x100: {  	v26 =	vmin.f32 v26, v30;
	v30 =	vmax.f32 v28, v34;
	v40 =	vmin.f32 v29, v23  }
0x101: {  	v18 =	vmax.f32 v27, v18;
	v27 =	vmin.f32 v31, v33;
	v19 =	vmax.f32 v32, v19  }
0x102: {  	v21 =	vmax.f32 v21, v25;
	v20 =	vmin.f32 v20, v22;
	v22 =	vmin.f32 v28, v34  }
0x103: {  	v25 =	vmax.f32 v24, v36;
	v28 =	vmin.f32 v35, v37;
	v23 =	vmax.f32 v29, v23  }
0x104: {  	v24 =	vmin.f32 v24, v36;
	v29 =	vmax.f32 v38, v30;
	v31 =	vmin.f32 v39, v40  }
0x105: {  	v32 =	vmax.f32 v35, v37;
	v30 =	vmin.f32 v38, v30;
	v33 =	vmax.f32 v39, v40  }
0x106: {  	v34 =	vmax.f32 v18, v26;
	v26 =	vmin.f32 v18, v26;
	v35 =	vmax.f32 v19, v27  }
0x107: {  	v27 =	vmin.f32 v19, v27;
	v36 =	vmax.f32 v21, v20;
	v21 =	vmin.f32 v21, v20  }
0x108: {  	v37 =	vmax.f32 v23, v22;
	v22 =	vmin.f32 v23, v22;
	v18 =	vmax.f32 v25, v29  }
0x109: {  	v38 =	vmin.f32 v25, v29;
	v20 =	vmax.f32 v28, v31;
	v19 =	vmin.f32 v28, v31  }
0x10a: {  	v23 =	vmin.f32 v26, v27;
	v25 =	vmax.f32 v34, v35;
	v28 =	vmin.f32 v21, v22  }
0x10b: {  	v26 =	vmax.f32 v26, v27;
	v27 =	vmin.f32 v34, v35;
	v29 =	vmax.f32 v36, v37  }
0x10c: {  	v31 =	vmax.f32 v26, v24;
	v21 =	vmax.f32 v21, v22;
	v22 =	vmin.f32 v36, v37  }
0x10d: {  	v24 =	vmin.f32 v26, v24;
	v26 =	vmax.f32 v32, v27;
	v27 =	vmin.f32 v32, v27  }
0x10e: {  	v32 =	vmax.f32 v21, v30;
	v21 =	vmin.f32 v21, v30;
	v30 =	vmax.f32 v33, v22  }
0x10f: {  	v34 =	vmax.f32 v25, v31;
	v25 =	vmin.f32 v25, v31;
	v22 =	vmin.f32 v33, v22  }
0x110: {  	v35 =	vmax.f32 v26, v24;
	v31 =	vmin.f32 v26, v24;
	v33 =	vmax.f32 v27, v23  }
0x111: {  	v27 =	vmin.f32 v27, v23;
	v36 =	vmax.f32 v29, v32;
	v29 =	vmin.f32 v29, v32  }
0x112: {  	v32 =	vmax.f32 v30, v21;
	v30 =	vmin.f32 v30, v21;
	v37 =	vmin.f32 v22, v28  }
0x113: {  	v28 =	vmax.f32 v22, v28;
	v21 =	vmin.f32 v27, v37;
	v22 =	vmax.f32 v34, v36  }
.Ltmp0:
0x114: {  	v24 =	vmin.f32 v31, v30;
	v26 =	vmax.f32 v25, v29;
	v23 =	vmin.f32 v33, v28;
	(pc) =	sbr.rel @p0 .LBB2_4-.Ltmp0, $4  }
0x115: {  	v30 =	vmax.f32 v31, v30;
	v39 =	vmin.f32 v25, v29;
	v25 =	vmax.f32 v35, v32  }
0x116: {  	v37 =	vmax.f32 v27, v37;
	v31 =	vmin.f32 v34, v36;
	v33 =	vmax.f32 v33, v28  }
0x117: {  	v34 =	vmin.f32 v35, v32;
	v29 =	vmax.f32 v30, v38;
	v27 =	vmin.f32 v30, v38  }
0x118: {  	s21 =	sadd.s32 $0x2000, s21;
	v32 =	vmax.f32 v37, v39;
	v30 =	vmin.f32 v37, v39;
	v28 =	vmax.f32 v33, v31  }
0x119: {  	v1 =	vmin.f32 v33, v31  }
0x11a: {  	v39 =	vmax.f32 v20, v34;
	v40 =	vmin.f32 v20, v34;
	v41 =	vmax.f32 v26, v29  }
0x11b: {  	v42 =	vmin.f32 v26, v29;
	v43 =	vmax.f32 v32, v27;
	v44 =	vmin.f32 v32, v27  }
0x11c: {  	v45 =	vmax.f32 v30, v24;
	v46 =	vmin.f32 v30, v24;
	v47 =	vmax.f32 v25, v28  }
0x11d: {  	v48 =	vmin.f32 v25, v28;
	v2 =	vmax.f32 v2, v19;
	v3 =	vmax.f32 v3, v18  }
0x11e: {  	v49 =	vmax.f32 v39, v1;
	v1 =	vmin.f32 v39, v1;
	v50 =	vmax.f32 v40, v23  }
0x11f: {  	v20 =	vmin.f32 v40, v23;
	v51 =	vmax.f32 v22, v41;
	v52 =	vmin.f32 v22, v41  }
0x120: {  	v53 =	vmax.f32 v47, v42;
	v26 =	vmin.f32 v47, v42;
	v54 =	vmax.f32 v48, v43  }
0x121: {  	v25 =	vmin.f32 v48, v43;
	v55 =	vmax.f32 v49, v44;
	v27 =	vmin.f32 v49, v44  }
0x122: {  	v56 =	vmax.f32 v1, v45;
	v1 =	vmin.f32 v1, v45;
	v57 =	vmax.f32 v50, v46  }
0x123: {  	v24 =	vmin.f32 v50, v46;
	v58 =	vmin.f32 v20, v21;
	v20 =	vmax.f32 v20, v21  }
0x124: {  	v62 =	vmax.f32 v12, v25;
	v63 =	vmax.f32 v13, v54;
	v25 =	vmax.f32 v15, v53  }
0x125: {  	v4 =	vmax.f32 v4, v58;
	v5 =	vmax.f32 v5, v20;
	v6 =	vmax.f32 v6, v24  }
0x126: {  	v7 =	vmax.f32 v7, v57;
	v1 =	vmax.f32 v8, v1;
	v59 =	vmax.f32 v9, v56  }
0x127: {  	v60 =	vmax.f32 v10, v27;
	v61 =	vmax.f32 v11, v55;
	v24 =	vmax.f32 v14, v26  }
0x128: {  	v26 =	vmax.f32 v16, v52;
	v27 =	vmax.f32 v17, v51;
	v28 =	vmin.f32 v2, v61  }
0x129: {  	v29 =	vmin.f32 v4, v62;
	v30 =	vmin.f32 v5, v63;
	v31 =	vmin.f32 v6, v24  }
0x12a: {  	v32 =	vmin.f32 v7, v25;
	v22 =	vmin.f32 v1, v26;
	v23 =	vmin.f32 v59, v27  }
0x12b: {  	v2 =	vmax.f32 v2, v61;
	v4 =	vmax.f32 v4, v62;
	v5 =	vmax.f32 v5, v63  }
0x12c: {  	v6 =	vmax.f32 v6, v24;
	v7 =	vmax.f32 v7, v25;
	v1 =	vmax.f32 v1, v26  }
0x12d: {  	v8 =	vmax.f32 v59, v27;
	v33 =	vmax.f32 v60, v3;
	v34 =	vmax.f32 v2, v7  }
0x12e: {  	v35 =	vmax.f32 v4, v1;
	v36 =	vmax.f32 v5, v8;
	v37 =	vmax.f32 v6, v33  }
0x12f: {  	v3 =	vmin.f32 v60, v3;
	v38 =	vmax.f32 v34, v36;
	v39 =	vmax.f32 v35, v37  }
0x130: {  	v2 =	vmin.f32 v2, v7;
	v1 =	vmin.f32 v4, v1;
	v40 =	vmax.f32 v38, v39  }
0x131: {  	v41 =	vmin.f32 v34, v36;
	v42 =	vmin.f32 v35, v37;
	v9 =	vmin.f32 v38, v39;
	[tilespmem:s20+$0x8000] =	vst v40  }
0x132: {  	v43 =	vmin.f32 v5, v8;
	v44 =	vmin.f32 v6, v33;
	v45 =	vmax.f32 v41, v42;
	[tilespmem:s20+$0x8080] =	vst v9  }
0x133: {  	v8 =	vmax.f32 v2, v43;
	v46 =	vmax.f32 v1, v44;
	v7 =	vmin.f32 v41, v42;
	[tilespmem:s20+$0x8100] =	vst v45  }
0x134: {  	v47 =	vmax.f32 v28, v32;
	v48 =	vmax.f32 v29, v22;
	v49 =	vmax.f32 v8, v46;
	[tilespmem:s20+$0x8180] =	vst v7  }
0x135: {  	v2 =	vmin.f32 v2, v43;
	v1 =	vmin.f32 v1, v44;
	v50 =	vmin.f32 v8, v46;
	[tilespmem:s20+$0x8200] =	vst v49  }
0x136: {  	v51 =	vmax.f32 v30, v23;
	v52 =	vmax.f32 v31, v3;
	v53 =	vmax.f32 v2, v1;
	[tilespmem:s20+$0x8280] =	vst v50  }
0x137: {  	v54 =	vmax.f32 v47, v51;
	v55 =	vmax.f32 v48, v52;
	v1 =	vmin.f32 v2, v1;
	[tilespmem:s20+$0x8300] =	vst v53  }
0x138: {  	v56 =	vmin.f32 v29, v22;
	v59 =	vmin.f32 v30, v23;
	v57 =	vmax.f32 v54, v55;
	[tilespmem:s20+$0x8380] =	vst v1  }
0x139: {  	v58 =	vmin.f32 v48, v52;
	v4 =	vmin.f32 v54, v55;
	v1 =	vmin.f32 v47, v51;
	[tilespmem:s20+$0x8400] =	vst v57  }
0x13a: {  	s19 =	sadd.s32 $0x1, s19;
	v3 =	vmin.f32 v31, v3;
	v2 =	vmin.f32 v28, v32;
	[tilespmem:s20+$0x8480] =	vst v4;
	v7 =	vmax.f32 v1, v58  }
0x13b: {  	p0 =	sne.s32 s19, $0x8;
	v61 =	vmax.f32 v56, v3;
	v60 =	vmax.f32 v2, v59;
	v1 =	vmin.f32 v1, v58;
	[tilespmem:s20+$0x8500] =	vst v7  }
.Ltmp1:
0x13c: {  	v62 =	vmax.f32 v60, v61;
	[tilespmem:s20+$0x8580] =	vst v1;
	(pc) =	sbr.rel @p0 .LBB2_3-.Ltmp1, $4  }
0x13d: {  	v1 =	vmin.f32 v2, v59;
	v2 =	vmin.f32 v56, v3;
	v3 =	vmin.f32 v60, v61;
	[tilespmem:s20+$0x8600] =	vst v62  }
0x13e: {  	v63 =	vmax.f32 v1, v2;
	[tilespmem:s20+$0x8680] =	vst v3  }
0x13f: {  	v1 =	vmin.f32 v1, v2;
	[tilespmem:s20+$0x8700] =	vst v63  }
0x140: {  	s18 =	sadd.s32 $0x10, s18;
	[tilespmem:s20+$0x8780] =	vst v1  }
0x141: {  	p0 =	seq.s32 s16, $0xF;
	_ =	swait.ge [sflag:s12], $0x4000  }
0x142: {  	s17 =	sadd.s32 @!p0 s17, s7;
	[sflag:s12] =	ssyncset.done $0x0  }
0x143: {  	s18 =	simm.s32 @!p0 $0x400;
	s19 =	simm.s32 @!p0 $0x4000;
	s17 =	sshrl.u32 @!p0 s17, $0x3  }
0x144: {  	s20 =	simm.s32 @!p0 $0x0;
	[sflag:s12] =	ssyncadd.s32 $0xFFFFC000;
	s17 =	sadd.s32 @!p0 s2, s17  }
0x145: {  	[tilespmem:s20], [sflag:$0x1] =	stream.strided.gather @!p0 [hbm4b:s17+s18], $0x4000, s19, s18, $0x38;
	[tilespmem:$0x8800] =	vst v63  }
0x146: {  	s17 =	simm.s32 $0x0;
	s18 =	simm.s32 $0x0  }
.LBB2_7:
0x147: {  	v1 =	vmov s17;
	_ =	sdelay $0x3  }
0x148: {  	s19 =	simm.s32 $0x0  }
0x149: {  	v2 =	vld.idx.msk [tilespmem:v1+s19+$0x4000 ss:$0x1], $0xffff  }
0x14a: {  	v3 =	vld.idx.msk [tilespmem:v1+s19+$0x4080 ss:$0x1], $0xffff  }
0x14b: {  	v4 =	vld.idx.msk [tilespmem:v1+s19+$0x4100 ss:$0x1], $0xffff  }
0x14c: {  	v5 =	vld.idx.msk [tilespmem:v1+s19+$0x4180 ss:$0x1], $0xffff  }
0x14d: {  	v6 =	vld.idx.msk [tilespmem:v1+s19+$0x4200 ss:$0x1], $0xffff  }
0x14e: {  	v7 =	vld.idx.msk [tilespmem:v1+s19+$0x4280 ss:$0x1], $0xffff  }
0x14f: {  	v8 =	vld.idx.msk [tilespmem:v1+s19+$0x4300 ss:$0x1], $0xffff  }
0x150: {  	v9 =	vld.idx.msk [tilespmem:v1+s19+$0x4380 ss:$0x1], $0xffff  }
0x151: {  	v10 =	vld.idx.msk [tilespmem:v1+s19+$0x4400 ss:$0x1], $0xffff  }
0x152: {  	v11 =	vld.idx.msk [tilespmem:v1+s19+$0x4480 ss:$0x1], $0xffff  }
0x153: {  	v12 =	vld.idx.msk [tilespmem:v1+s19+$0x4500 ss:$0x1], $0xffff  }
0x154: {  	v13 =	vld.idx.msk [tilespmem:v1+s19+$0x4580 ss:$0x1], $0xffff  }
0x155: {  	v14 =	vld.idx.msk [tilespmem:v1+s19+$0x4600 ss:$0x1], $0xffff  }
0x156: {  	v15 =	vld.idx.msk [tilespmem:v1+s19+$0x4680 ss:$0x1], $0xffff  }
0x157: {  	v16 =	vld.idx.msk [tilespmem:v1+s19+$0x4700 ss:$0x1], $0xffff  }
0x158: {  	v17 =	vld.idx.msk [tilespmem:v1+s19+$0x4780 ss:$0x1], $0xffff;
	v18 =	vmax.f32 v2, v3  }
0x159: {  	v2 =	vmin.f32 v2, v3;
	v3 =	vmax.f32 v4, v5;
	v4 =	vmin.f32 v4, v5  }
0x15a: {  	v5 =	vmax.f32 v6, v7;
	v6 =	vmin.f32 v6, v7;
	v7 =	vmax.f32 v8, v9  }
0x15b: {  	v8 =	vmin.f32 v8, v9;
	v9 =	vmax.f32 v10, v11;
	v10 =	vmin.f32 v10, v11  }
0x15c: {  	v11 =	vmax.f32 v12, v13;
	v12 =	vmin.f32 v12, v13;
	v13 =	vmax.f32 v14, v15  }
0x15d: {  	v14 =	vmin.f32 v14, v15;
	v15 =	vmax.f32 v16, v17;
	v16 =	vmin.f32 v16, v17  }
0x15e: {  	v17 =	vmax.f32 v18, v3;
	v19 =	vmin.f32 v2, v4;
	v20 =	vmax.f32 v5, v7  }
0x15f: {  	v21 =	vmin.f32 v6, v8;
	v22 =	vmax.f32 v9, v11;
	v23 =	vmin.f32 v10, v12  }
0x160: {  	v3 =	vmin.f32 v18, v3;
	v18 =	vmax.f32 v13, v15;
	v24 =	vmin.f32 v14, v16  }
0x161: {  	v2 =	vmax.f32 v2, v4;
	v4 =	vmin.f32 v5, v7;
	v5 =	vmax.f32 v6, v8  }
0x162: {  	v6 =	vmin.f32 v9, v11;
	v7 =	vmax.f32 v10, v12;
	v8 =	vmin.f32 v13, v15  }
0x163: {  	v11 =	vmax.f32 v14, v16;
	v9 =	vmax.f32 v17, v20;
	v10 =	vmin.f32 v19, v21  }
0x164: {  	v12 =	vmin.f32 v17, v20;
	v13 =	vmax.f32 v22, v18;
	v14 =	vmin.f32 v23, v24  }
0x165: {  	v15 =	vmax.f32 v19, v21;
	v16 =	vmin.f32 v22, v18;
	v17 =	vmax.f32 v23, v24  }
0x166: {  	v21 =	vmax.f32 v2, v3;
	v3 =	vmin.f32 v2, v3;
	v22 =	vmax.f32 v5, v4  }
0x167: {  	v23 =	vmin.f32 v5, v4;
	v24 =	vmax.f32 v7, v6;
	v7 =	vmin.f32 v7, v6  }
0x168: {  	s19 =	sshll.u32 s18, $0x4;
	v25 =	vmax.f32 v11, v8;
	v8 =	vmin.f32 v11, v8;
	v18 =	vmax.f32 v9, v13  }
0x169: {  	v2 =	vld [tilespmem:s19+$0x8000];
	v27 =	vmin.f32 v9, v13;
	v20 =	vmax.f32 v10, v14;
	v19 =	vmin.f32 v10, v14  }
0x16a: {  	v4 =	vld [tilespmem:s19+$0x8080];
	v13 =	vmin.f32 v3, v23;
	v10 =	vmax.f32 v21, v22;
	v14 =	vmin.f32 v7, v8  }
0x16b: {  	v5 =	vld [tilespmem:s19+$0x8100];
	v3 =	vmax.f32 v3, v23;
	v9 =	vmin.f32 v21, v22;
	v21 =	vmax.f32 v24, v25  }
0x16c: {  	v6 =	vld [tilespmem:s19+$0x8180];
	v22 =	vmax.f32 v7, v8;
	v23 =	vmin.f32 v24, v25;
	v11 =	vmax.f32 v3, v12  }
0x16d: {  	v7 =	vld [tilespmem:s19+$0x8200];
	v3 =	vmin.f32 v3, v12;
	v12 =	vmax.f32 v15, v9;
	v15 =	vmin.f32 v15, v9  }
0x16e: {  	v8 =	vld [tilespmem:s19+$0x8280];
	v24 =	vmax.f32 v22, v16;
	v16 =	vmin.f32 v22, v16;
	v22 =	vmax.f32 v17, v23  }
0x16f: {  	v9 =	vld [tilespmem:s19+$0x8300];
	v17 =	vmin.f32 v17, v23;
	v28 =	vmax.f32 v10, v11;
	v25 =	vmin.f32 v10, v11  }
0x170: {  	v10 =	vld [tilespmem:s19+$0x8380];
	v30 =	vmax.f32 v12, v3;
	v3 =	vmin.f32 v12, v3;
	v29 =	vmax.f32 v15, v13  }
0x171: {  	v11 =	vld [tilespmem:s19+$0x8400];
	v31 =	vmin.f32 v15, v13;
	v32 =	vmax.f32 v21, v24;
	v33 =	vmin.f32 v21, v24  }
0x172: {  	v12 =	vld [tilespmem:s19+$0x8480];
	v34 =	vmax.f32 v22, v16;
	v16 =	vmin.f32 v22, v16;
	v35 =	vmin.f32 v17, v14  }
0x173: {  	v13 =	vld [tilespmem:s19+$0x8500];
	v17 =	vmax.f32 v17, v14;
	v21 =	vmin.f32 v31, v35;
	v22 =	vmax.f32 v28, v32  }
0x174: {  	v14 =	vld [tilespmem:s19+$0x8580];
	v24 =	vmin.f32 v3, v16;
	v26 =	vmax.f32 v25, v33;
	v23 =	vmin.f32 v29, v17  }
0x175: {  	v15 =	vld [tilespmem:s19+$0x8600];
	v3 =	vmax.f32 v3, v16;
	v36 =	vmin.f32 v25, v33;
	v25 =	vmax.f32 v30, v34  }
0x176: {  	v16 =	vld [tilespmem:s19+$0x8680];
	v35 =	vmax.f32 v31, v35;
	v31 =	vmin.f32 v28, v32;
	v33 =	vmax.f32 v29, v17  }
0x177: {  	v17 =	vld [tilespmem:s19+$0x8700];
	v34 =	vmin.f32 v30, v34;
	v29 =	vmax.f32 v3, v27;
	v27 =	vmin.f32 v3, v27  }
0x178: {  	s20 =	simm.s32 $0x2000;
	v3 =	vld [tilespmem:s19+$0x8780];
	v32 =	vmax.f32 v35, v36;
	v30 =	vmin.f32 v35, v36;
	v28 =	vmax.f32 v33, v31  }
.LBB2_8:
0x179: {  	p0 =	sne.s32 s20, $0xE000;
	v31 =	vmin.f32 v33, v31;
	v33 =	vmax.f32 v20, v34;
	v20 =	vmin.f32 v20, v34  }
0x17a: {  	v34 =	vmax.f32 v26, v29;
	v26 =	vmin.f32 v26, v29;
	v29 =	vmax.f32 v32, v27  }
0x17b: {  	v27 =	vmin.f32 v32, v27;
	v32 =	vmax.f32 v30, v24;
	v24 =	vmin.f32 v30, v24  }
0x17c: {  	v30 =	vmax.f32 v25, v28;
	v25 =	vmin.f32 v25, v28;
	v28 =	vmax.f32 v33, v31  }
0x17d: {  	v31 =	vmin.f32 v33, v31;
	v33 =	vmax.f32 v20, v23;
	v20 =	vmin.f32 v20, v23  }
0x17e: {  	v23 =	vmax.f32 v22, v34;
	v22 =	vmin.f32 v22, v34;
	v34 =	vmax.f32 v30, v26  }
0x17f: {  	v26 =	vmin.f32 v30, v26;
	v30 =	vmax.f32 v25, v29;
	v25 =	vmin.f32 v25, v29  }
0x180: {  	v29 =	vmax.f32 v28, v27;
	v27 =	vmin.f32 v28, v27;
	v28 =	vmax.f32 v31, v32  }
0x181: {  	v31 =	vmin.f32 v31, v32;
	v32 =	vmax.f32 v33, v24;
	v24 =	vmin.f32 v33, v24  }
0x182: {  	v2 =	vmax.f32 v2, v19;
	v33 =	vmax.f32 v20, v21;
	v20 =	vmin.f32 v20, v21  }
0x183: {  	v18 =	vmax.f32 v3, v18;
	v4 =	vmax.f32 v4, v20;
	v5 =	vmax.f32 v5, v33  }
0x184: {  	v6 =	vmax.f32 v6, v24;
	v7 =	vmax.f32 v7, v32;
	v8 =	vmax.f32 v8, v31  }
0x185: {  	v9 =	vmax.f32 v9, v28;
	v10 =	vmax.f32 v10, v27;
	v3 =	vmax.f32 v11, v29  }
0x186: {  	v11 =	vmax.f32 v12, v25;
	v12 =	vmax.f32 v13, v30;
	v13 =	vmax.f32 v14, v26  }
0x187: {  	v14 =	vmax.f32 v15, v34;
	v15 =	vmax.f32 v16, v22;
	v16 =	vmax.f32 v17, v23  }
0x188: {  	v17 =	vmin.f32 v2, v3;
	v19 =	vmin.f32 v4, v11;
	v20 =	vmin.f32 v5, v12  }
0x189: {  	v21 =	vmin.f32 v6, v13;
	v22 =	vmin.f32 v7, v14;
	v23 =	vmin.f32 v8, v15  }
0x18a: {  	v24 =	vmin.f32 v9, v16;
	v25 =	vmin.f32 v10, v18;
	v26 =	vmin.f32 v17, v22  }
0x18b: {  	v27 =	vmin.f32 v19, v23;
	v28 =	vmin.f32 v20, v24;
	v29 =	vmin.f32 v21, v25  }
0x18c: {  	s21 =	sshra.s32 s20, $0x2;
	v2 =	vmax.f32 v2, v3;
	v30 =	vmin.f32 v26, v28;
	v31 =	vmin.f32 v27, v29  }
0x18d: {  	v4 =	vmax.f32 v4, v11;
	v5 =	vmax.f32 v5, v12;
	v3 =	vmin.f32 v30, v31;
	v32 =	vld.idx.msk [tilespmem:v1+s21+$0x4000 ss:$0x1], $0xffff  }
0x18e: {  	v6 =	vmax.f32 v6, v13;
	v7 =	vmax.f32 v7, v14;
	v8 =	vmax.f32 v8, v15;
	v33 =	vld.idx.msk [tilespmem:v1+s21+$0x4080 ss:$0x1], $0xffff  }
0x18f: {  	v9 =	vmax.f32 v9, v16;
	v10 =	vmax.f32 v10, v18;
	v11 =	vmax.f32 v2, v7;
	v34 =	vld.idx.msk [tilespmem:v1+s21+$0x4100 ss:$0x1], $0xffff  }
0x190: {  	v2 =	vmin.f32 v2, v7;
	v7 =	vmax.f32 v4, v8;
	v4 =	vmin.f32 v4, v8;
	v18 =	vld.idx.msk [tilespmem:v1+s21+$0x4180 ss:$0x1], $0xffff  }
0x191: {  	v8 =	vmax.f32 v5, v9;
	v5 =	vmin.f32 v5, v9;
	v9 =	vmax.f32 v6, v10;
	v35 =	vld.idx.msk [tilespmem:v1+s21+$0x4200 ss:$0x1], $0xffff  }
0x192: {  	v6 =	vmin.f32 v6, v10;
	v10 =	vmax.f32 v17, v22;
	v12 =	vmax.f32 v19, v23;
	v36 =	vld.idx.msk [tilespmem:v1+s21+$0x4280 ss:$0x1], $0xffff  }
0x193: {  	v14 =	vmax.f32 v20, v24;
	v15 =	vmax.f32 v21, v25;
	v13 =	vmax.f32 v11, v8;
	v19 =	vld.idx.msk [tilespmem:v1+s21+$0x4300 ss:$0x1], $0xffff  }
0x194: {  	v8 =	vmin.f32 v11, v8;
	v11 =	vmax.f32 v7, v9;
	v7 =	vmin.f32 v7, v9;
	v20 =	vld.idx.msk [tilespmem:v1+s21+$0x4380 ss:$0x1], $0xffff  }
0x195: {  	v9 =	vmax.f32 v2, v5;
	v16 =	vmin.f32 v2, v5;
	v17 =	vmax.f32 v4, v6;
	v21 =	vld.idx.msk [tilespmem:v1+s21+$0x4400 ss:$0x1], $0xffff  }
0x196: {  	v23 =	vmin.f32 v4, v6;
	v24 =	vmax.f32 v10, v14;
	v14 =	vmin.f32 v10, v14;
	v22 =	vld.idx.msk [tilespmem:v1+s21+$0x4480 ss:$0x1], $0xffff  }
0x197: {  	v37 =	vmax.f32 v12, v15;
	v15 =	vmin.f32 v12, v15;
	v26 =	vmax.f32 v26, v28;
	v25 =	vld.idx.msk [tilespmem:v1+s21+$0x4500 ss:$0x1], $0xffff  }
0x198: {  	v27 =	vmax.f32 v27, v29;
	v2 =	vmax.f32 v13, v11;
	v4 =	vmin.f32 v13, v11;
	v28 =	vld.idx.msk [tilespmem:v1+s21+$0x4580 ss:$0x1], $0xffff  }
0x199: {  	v5 =	vmax.f32 v8, v7;
	v6 =	vmin.f32 v8, v7;
	v7 =	vmax.f32 v9, v17;
	v29 =	vld.idx.msk [tilespmem:v1+s21+$0x4600 ss:$0x1], $0xffff  }
0x19a: {  	v8 =	vmin.f32 v9, v17;
	v9 =	vmax.f32 v16, v23;
	v10 =	vmin.f32 v16, v23;
	v38 =	vld.idx.msk [tilespmem:v1+s21+$0x4680 ss:$0x1], $0xffff  }
0x19b: {  	v11 =	vmax.f32 v24, v37;
	v12 =	vmin.f32 v24, v37;
	v13 =	vmax.f32 v14, v15;
	v23 =	vld.idx.msk [tilespmem:v1+s21+$0x4700 ss:$0x1], $0xffff  }
0x19c: {  	v14 =	vmin.f32 v14, v15;
	v15 =	vmax.f32 v26, v27;
	v16 =	vmin.f32 v26, v27;
	v24 =	vld.idx.msk [tilespmem:v1+s21+$0x4780 ss:$0x1], $0xffff  }
0x19d: {  	v17 =	vmax.f32 v30, v31;
	v26 =	vmax.f32 v32, v33  }
0x19e: {  	v27 =	vmin.f32 v32, v33;
	v30 =	vmax.f32 v34, v18;
	v18 =	vmin.f32 v34, v18  }
0x19f: {  	v31 =	vmax.f32 v35, v36;
	v32 =	vmin.f32 v35, v36;
	v33 =	vmax.f32 v19, v20  }
0x1a0: {  	v19 =	vmin.f32 v19, v20;
	v20 =	vmax.f32 v21, v22;
	v21 =	vmin.f32 v21, v22  }
0x1a1: {  	v22 =	vmax.f32 v25, v28;
	v25 =	vmin.f32 v25, v28;
	v28 =	vmax.f32 v29, v38  }
0x1a2: {  	v29 =	vmin.f32 v29, v38;
	v34 =	vmax.f32 v23, v24;
	v23 =	vmin.f32 v23, v24  }
0x1a3: {  	v35 =	vmin.f32 v27, v18;
	v36 =	vmax.f32 v31, v33;
	v24 =	vmax.f32 v26, v30  }
0x1a4: {  	v37 =	vmin.f32 v32, v19;
	v39 =	vmin.f32 v21, v25;
	v38 =	vmax.f32 v20, v22  }
0x1a5: {  	v26 =	vmin.f32 v26, v30;
	v30 =	vmax.f32 v28, v34;
	v40 =	vmin.f32 v29, v23  }
0x1a6: {  	v18 =	vmax.f32 v27, v18;
	v27 =	vmin.f32 v31, v33;
	v19 =	vmax.f32 v32, v19  }
0x1a7: {  	v21 =	vmax.f32 v21, v25;
	v20 =	vmin.f32 v20, v22;
	v22 =	vmin.f32 v28, v34  }
0x1a8: {  	v25 =	vmax.f32 v24, v36;
	v28 =	vmin.f32 v35, v37;
	v23 =	vmax.f32 v29, v23  }
0x1a9: {  	v24 =	vmin.f32 v24, v36;
	v29 =	vmax.f32 v38, v30;
	v31 =	vmin.f32 v39, v40  }
0x1aa: {  	v32 =	vmax.f32 v35, v37;
	v30 =	vmin.f32 v38, v30;
	v33 =	vmax.f32 v39, v40  }
0x1ab: {  	v34 =	vmax.f32 v18, v26;
	v26 =	vmin.f32 v18, v26;
	v35 =	vmax.f32 v19, v27  }
0x1ac: {  	v27 =	vmin.f32 v19, v27;
	v36 =	vmax.f32 v21, v20;
	v21 =	vmin.f32 v21, v20  }
0x1ad: {  	v37 =	vmax.f32 v23, v22;
	v22 =	vmin.f32 v23, v22;
	v18 =	vmax.f32 v25, v29  }
0x1ae: {  	v38 =	vmin.f32 v25, v29;
	v20 =	vmax.f32 v28, v31;
	v19 =	vmin.f32 v28, v31  }
0x1af: {  	v23 =	vmin.f32 v26, v27;
	v25 =	vmax.f32 v34, v35;
	v28 =	vmin.f32 v21, v22  }
0x1b0: {  	v26 =	vmax.f32 v26, v27;
	v27 =	vmin.f32 v34, v35;
	v29 =	vmax.f32 v36, v37  }
0x1b1: {  	v31 =	vmax.f32 v26, v24;
	v21 =	vmax.f32 v21, v22;
	v22 =	vmin.f32 v36, v37  }
0x1b2: {  	v24 =	vmin.f32 v26, v24;
	v26 =	vmax.f32 v32, v27;
	v27 =	vmin.f32 v32, v27  }
0x1b3: {  	v32 =	vmax.f32 v21, v30;
	v21 =	vmin.f32 v21, v30;
	v30 =	vmax.f32 v33, v22  }
0x1b4: {  	v34 =	vmax.f32 v25, v31;
	v25 =	vmin.f32 v25, v31;
	v22 =	vmin.f32 v33, v22  }
0x1b5: {  	v35 =	vmax.f32 v26, v24;
	v31 =	vmin.f32 v26, v24;
	v33 =	vmax.f32 v27, v23  }
0x1b6: {  	v27 =	vmin.f32 v27, v23;
	v36 =	vmax.f32 v29, v32;
	v29 =	vmin.f32 v29, v32  }
0x1b7: {  	v32 =	vmax.f32 v30, v21;
	v30 =	vmin.f32 v30, v21;
	v37 =	vmin.f32 v22, v28  }
0x1b8: {  	v28 =	vmax.f32 v22, v28;
	v21 =	vmin.f32 v27, v37;
	v22 =	vmax.f32 v34, v36  }
.Ltmp2:
0x1b9: {  	v24 =	vmin.f32 v31, v30;
	v26 =	vmax.f32 v25, v29;
	v23 =	vmin.f32 v33, v28;
	(pc) =	sbr.rel @p0 .LBB2_8-.Ltmp2, $4  }
0x1ba: {  	v30 =	vmax.f32 v31, v30;
	v39 =	vmin.f32 v25, v29;
	v25 =	vmax.f32 v35, v32  }
0x1bb: {  	v37 =	vmax.f32 v27, v37;
	v31 =	vmin.f32 v34, v36;
	v33 =	vmax.f32 v33, v28  }
0x1bc: {  	v34 =	vmin.f32 v35, v32;
	v29 =	vmax.f32 v30, v38;
	v27 =	vmin.f32 v30, v38  }
0x1bd: {  	s20 =	sadd.s32 $0x2000, s20;
	v32 =	vmax.f32 v37, v39;
	v30 =	vmin.f32 v37, v39;
	v28 =	vmax.f32 v33, v31  }
0x1be: {  	v1 =	vmin.f32 v33, v31  }
0x1bf: {  	v39 =	vmax.f32 v20, v34;
	v40 =	vmin.f32 v20, v34;
	v41 =	vmax.f32 v26, v29  }
0x1c0: {  	v42 =	vmin.f32 v26, v29;
	v43 =	vmax.f32 v32, v27;
	v44 =	vmin.f32 v32, v27  }
0x1c1: {  	v45 =	vmax.f32 v30, v24;
	v46 =	vmin.f32 v30, v24;
	v47 =	vmax.f32 v25, v28  }
0x1c2: {  	v48 =	vmin.f32 v25, v28;
	v2 =	vmax.f32 v2, v19;
	v3 =	vmax.f32 v3, v18  }
0x1c3: {  	v49 =	vmax.f32 v39, v1;
	v1 =	vmin.f32 v39, v1;
	v50 =	vmax.f32 v40, v23  }
0x1c4: {  	v20 =	vmin.f32 v40, v23;
	v51 =	vmax.f32 v22, v41;
	v52 =	vmin.f32 v22, v41  }
0x1c5: {  	v53 =	vmax.f32 v47, v42;
	v26 =	vmin.f32 v47, v42;
	v54 =	vmax.f32 v48, v43  }
0x1c6: {  	v25 =	vmin.f32 v48, v43;
	v55 =	vmax.f32 v49, v44;
	v27 =	vmin.f32 v49, v44  }
0x1c7: {  	v56 =	vmax.f32 v1, v45;
	v1 =	vmin.f32 v1, v45;
	v57 =	vmax.f32 v50, v46  }
0x1c8: {  	v24 =	vmin.f32 v50, v46;
	v58 =	vmin.f32 v20, v21;
	v20 =	vmax.f32 v20, v21  }
0x1c9: {  	v62 =	vmax.f32 v12, v25;
	v63 =	vmax.f32 v13, v54;
	v25 =	vmax.f32 v15, v53  }
0x1ca: {  	v4 =	vmax.f32 v4, v58;
	v5 =	vmax.f32 v5, v20;
	v6 =	vmax.f32 v6, v24  }
0x1cb: {  	v7 =	vmax.f32 v7, v57;
	v1 =	vmax.f32 v8, v1;
	v59 =	vmax.f32 v9, v56  }
0x1cc: {  	v60 =	vmax.f32 v10, v27;
	v61 =	vmax.f32 v11, v55;
	v24 =	vmax.f32 v14, v26  }
0x1cd: {  	v26 =	vmax.f32 v16, v52;
	v27 =	vmax.f32 v17, v51;
	v28 =	vmin.f32 v2, v61  }
0x1ce: {  	v29 =	vmin.f32 v4, v62;
	v30 =	vmin.f32 v5, v63;
	v31 =	vmin.f32 v6, v24  }
0x1cf: {  	v32 =	vmin.f32 v7, v25;
	v22 =	vmin.f32 v1, v26;
	v23 =	vmin.f32 v59, v27  }
0x1d0: {  	v2 =	vmax.f32 v2, v61;
	v4 =	vmax.f32 v4, v62;
	v5 =	vmax.f32 v5, v63  }
0x1d1: {  	v6 =	vmax.f32 v6, v24;
	v7 =	vmax.f32 v7, v25;
	v1 =	vmax.f32 v1, v26  }
0x1d2: {  	v8 =	vmax.f32 v59, v27;
	v33 =	vmax.f32 v60, v3;
	v34 =	vmax.f32 v2, v7  }
0x1d3: {  	v35 =	vmax.f32 v4, v1;
	v36 =	vmax.f32 v5, v8;
	v37 =	vmax.f32 v6, v33  }
0x1d4: {  	v3 =	vmin.f32 v60, v3;
	v38 =	vmax.f32 v34, v36;
	v39 =	vmax.f32 v35, v37  }
0x1d5: {  	v2 =	vmin.f32 v2, v7;
	v1 =	vmin.f32 v4, v1;
	v40 =	vmax.f32 v38, v39  }
0x1d6: {  	v41 =	vmin.f32 v34, v36;
	v42 =	vmin.f32 v35, v37;
	v9 =	vmin.f32 v38, v39;
	[tilespmem:s19+$0x8000] =	vst v40  }
0x1d7: {  	v43 =	vmin.f32 v5, v8;
	v44 =	vmin.f32 v6, v33;
	v45 =	vmax.f32 v41, v42;
	[tilespmem:s19+$0x8080] =	vst v9  }
0x1d8: {  	v8 =	vmax.f32 v2, v43;
	v46 =	vmax.f32 v1, v44;
	v7 =	vmin.f32 v41, v42;
	[tilespmem:s19+$0x8100] =	vst v45  }
0x1d9: {  	v47 =	vmax.f32 v28, v32;
	v48 =	vmax.f32 v29, v22;
	v49 =	vmax.f32 v8, v46;
	[tilespmem:s19+$0x8180] =	vst v7  }
0x1da: {  	v2 =	vmin.f32 v2, v43;
	v1 =	vmin.f32 v1, v44;
	v50 =	vmin.f32 v8, v46;
	[tilespmem:s19+$0x8200] =	vst v49  }
0x1db: {  	v51 =	vmax.f32 v30, v23;
	v52 =	vmax.f32 v31, v3;
	v53 =	vmax.f32 v2, v1;
	[tilespmem:s19+$0x8280] =	vst v50  }
0x1dc: {  	v54 =	vmax.f32 v47, v51;
	v55 =	vmax.f32 v48, v52;
	v1 =	vmin.f32 v2, v1;
	[tilespmem:s19+$0x8300] =	vst v53  }
0x1dd: {  	v56 =	vmin.f32 v29, v22;
	v59 =	vmin.f32 v30, v23;
	v57 =	vmax.f32 v54, v55;
	[tilespmem:s19+$0x8380] =	vst v1  }
0x1de: {  	v58 =	vmin.f32 v48, v52;
	v4 =	vmin.f32 v54, v55;
	v1 =	vmin.f32 v47, v51;
	[tilespmem:s19+$0x8400] =	vst v57  }
0x1df: {  	s18 =	sadd.s32 $0x1, s18;
	v3 =	vmin.f32 v31, v3;
	v2 =	vmin.f32 v28, v32;
	[tilespmem:s19+$0x8480] =	vst v4;
	v7 =	vmax.f32 v1, v58  }
0x1e0: {  	p0 =	sne.s32 s18, $0x8;
	v61 =	vmax.f32 v56, v3;
	v60 =	vmax.f32 v2, v59;
	v1 =	vmin.f32 v1, v58;
	[tilespmem:s19+$0x8500] =	vst v7  }
.Ltmp3:
0x1e1: {  	v62 =	vmax.f32 v60, v61;
	[tilespmem:s19+$0x8580] =	vst v1;
	(pc) =	sbr.rel @p0 .LBB2_7-.Ltmp3, $4  }
0x1e2: {  	v1 =	vmin.f32 v2, v59;
	v2 =	vmin.f32 v56, v3;
	v3 =	vmin.f32 v60, v61;
	[tilespmem:s19+$0x8600] =	vst v62  }
0x1e3: {  	v63 =	vmax.f32 v1, v2;
	[tilespmem:s19+$0x8680] =	vst v3  }
0x1e4: {  	v1 =	vmin.f32 v1, v2;
	[tilespmem:s19+$0x8700] =	vst v63  }
0x1e5: {  	s17 =	sadd.s32 $0x10, s17;
	[tilespmem:s19+$0x8780] =	vst v1  }
0x1e6: {  	s16 =	sadd.s32 $0x1, s16  }
0x1e7: {  	p0 =	sne.s32 s16, $0x10  }
.Ltmp4:
0x1e8: {  	_ = 	snop;
	(pc) =	sbr.rel @p0 .LBB2_2-.Ltmp4, $1  }
0x1e9: {  	_ =	sdelay $0x3  }
0x1ea: {  	s15 =	sadd.s32 $0x1, s15  }
0x1eb: {  	p0 =	sne.s32 s15, s9  }
.Ltmp5:
0x1ec: {  	_ = 	snop;
	(pc) =	sbr.rel @p0 .LBB2_1-.Ltmp5, $4  }
0x1ed: {  	[hbm4b:s8+s3] =	stream.linear.scatter [tilespmem:s13], [sflag:$0x3], $0x800, $0x38;
	[tilespmem:$0x8800] =	vst v63  }
0x1ee: {  	_ =	swait.ge [sflag:s14], $0x800  }
0x1ef: {  	[sflag:s14] =	ssyncset.done $0x0  }
0x1f0: {  	[sflag:s14] =	ssyncadd.s32 $0xFFFFF800  }
0x1f1: {  	_ =	sfence.sel $0x180000  }
0x1f2: {  	[bflag:$0x0] =	sbarrier.arrive $0xFFFF  }
0x1f3: {  	p0 =	sne.s32 s0, $0x0;
	_ =	strace $0x90000047  }
0x1f4: {  	s0 =	sadd.s32 @!p0 $0x100000, s1;
	[bflag:$0x2] =	sbarrier.arrive $0xFFFF  }
0x1f5: {  	[sflag:s0] =	ssyncadd.tile.s32 @!p0 $0x1;
	_ =	shalt  }
.Lfunc_end2:
_tile_overlayer_lowered:
.L_overlay_start_2:
0x1f6: {  	(tag) =	ssettag $0x2  }
0x1f7: {  	s0 =	rddreg [dreg:$0x0];
	s2 =	stileid.u32  }
0x1f8: {  	s1 =	rddreg [dreg:$0x1];
	p0 =	sne.s32 s2, $0x0  }
0x1f9: {  	s3 =	rddreg [dreg:$0x2];
	[bflag:$0x3] =	sbarrier.arrive $0xFFFF;
	s2 =	simm.s32 @!p0 $0x1C03  }
0x1fa: {  	[timem:s3], [sflag:s2] =	dma.local @!p0 [hbm:s0], s1  }
0x1fb: {  	s0 =	simm.s32 @!p0 $0x3  }
0x1fc: {  	_ =	swait.ge @!p0 [sflag:s0], s1  }
0x1fd: {  	s1 =	ssub.s32 @!p0 $0x0, s1;
	[sflag:s0] =	ssyncset.done @!p0 $0x0  }
0x1fe: {  	[sflag:s0] =	ssyncadd.s32 @!p0 s1  }
0x1ff: {  	[bflag:$0x3] =	sbarrier.arrive $0xFFFF  }
0x200: {  	_ =	shalt  }

</sc_bundles>
